<compile_context>
chip_gen: v7x
topology: tpu7x:2x2x1
jax: 0.10.2.dev20260603
libtpu: 0.0.44.dev20260713+nightly
codegen_flags: <defaults>
</compile_context>

<pallas_src>
import functools

import jax
import jax.numpy as jnp
from jax import lax
from jax.experimental import pallas as pl
from jax.experimental.pallas import tpu as pltpu
from jax.experimental.pallas import tpu_sc as plsc

N = 10000
E = 320000
IN_CH = 128
HID = 96
DIM = HID // 3
BS = 4096

NC = 2
NS = 16
NW = NC * NS
CH = 128
EPW = 10240
NCHUNK = EPW // CH
HIST_ROWS = N + 240
ACC_ROWS = BS + 128
TRASH = N
HP = 128
DUMP = EPW + 768

def _sc_hist_body(dsts_hbm, ones_hbm, zeros_hbm, out_hbm, dst_v, ones_v, obuf, hist_sh):
    cid = lax.axis_index("c")
    sid = lax.axis_index("s")
    wid = sid * NC + cid
    rows = HIST_ROWS // NS
    pltpu.sync_copy(dsts_hbm.at[wid], dst_v)
    pltpu.sync_copy(ones_hbm, ones_v)
    pltpu.sync_copy(zeros_hbm, obuf)
    pltpu.sync_copy(obuf, hist_sh.at[pl.ds(sid * rows, rows)])
    plsc.subcore_barrier()

    def body(j, _):
        pltpu.sync_copy(ones_v, hist_sh.at[dst_v.at[j]], add=True)
        return ()

    lax.fori_loop(0, NCHUNK, body, ())
    plsc.subcore_barrier()
    pltpu.sync_copy(hist_sh.at[pl.ds(sid * rows, rows)], obuf)
    pltpu.sync_copy(obuf, out_hbm.at[cid, pl.ds(sid * rows, rows)])


FLEN = EPW + 512
FSZ = FLEN + 128
CHS = 64
ZB = 2176


def _sc_scatter_body(xs_hbm, srcs_hbm, dsts_hbm, zeros_hbm, zi_hbm, out_hbm,
                     src_v, dst_v, posb, fpkv, fsrc_v, fdst_v,
                     zbuf, buf0, buf1, sbuf, cnt_s, fpk_sh, acc_sh, sem0, sem1):
    cid = lax.axis_index("c")
    sid = lax.axis_index("s")
    wid = sid * NC + cid
    pltpu.sync_copy(srcs_hbm.at[wid], src_v)
    pltpu.sync_copy(dsts_hbm.at[wid], dst_v)
    pltpu.sync_copy(zeros_hbm, buf0)
    zrows = ACC_ROWS // NS
    zbase = sid * zrows
    for zk in range(4):
        pltpu.sync_copy(buf0, acc_sh.at[pl.ds(zbase + zk * CHS, CHS)])
    pltpu.sync_copy(buf0.at[pl.ds(0, zrows - 4 * CHS)],
                    acc_sh.at[pl.ds(zbase + 4 * CHS, zrows - 4 * CHS)])

    L = 16
    iota = lax.iota(jnp.int32, L)

    def p1(i, run):
        j = lax.shift_right_logical(i, 3)
        c = (i & (CH // L - 1)) * L
        d = dst_v[j, pl.ds(c, L)]
        m = lax.shift_right_logical(d - BS, 31)
        posb[pl.ds(i * L, L)] = run
        return run + m

    run = lax.fori_loop(0, EPW // L, p1, jnp.zeros((L,), jnp.int32))

    sbuf[pl.ds(0, L)] = iota * 0
    ps = run
    for sh in (1, 2, 4, 8):
        sbuf[pl.ds(L, L)] = ps
        ps = ps + sbuf[pl.ds(L - sh, L)]
    base_vec = ps - run + sid * FSZ
    sbuf[pl.ds(L, L)] = ps
    off = sbuf[pl.ds(L, L)][L - 1]

    def p2(i, _):
        j = lax.shift_right_logical(i, 3)
        c = (i & (CH // L - 1)) * L
        d = dst_v[j, pl.ds(c, L)]
        sv = src_v[j, pl.ds(c, L)]
        m = lax.shift_right_logical(d - BS, 31)
        pref = posb[pl.ds(i * L, L)]
        dump = sid * FSZ + FLEN + (i & (CH // L - 1)) * L + iota
        posb[pl.ds(i * L, L)] = m * (base_vec + pref) + (1 - m) * dump
        fpkv[pl.ds(i * L, L)] = d * 16384 + sv
        return ()

    lax.fori_loop(0, EPW // L, p2, ())

    pltpu.sync_copy(posb, fpk_sh.at[pl.ds(sid * FSZ, EPW)])
    pltpu.sync_copy(fpk_sh.at[pl.ds(sid * FSZ, EPW)], posb)
    pltpu.sync_copy(fpkv.at[pl.ds(0, EPW)], fpk_sh.at[pl.ds(sid * FSZ, EPW)])
    pltpu.sync_copy(fpk_sh.at[pl.ds(sid * FSZ, EPW)], fpkv.at[pl.ds(0, EPW)])

    pltpu.sync_copy(zi_hbm, zbuf)

    def pz(k, _):
        pltpu.sync_copy(zbuf, fpk_sh.at[pl.ds(sid * FSZ + k * ZB, ZB)])
        return ()

    lax.fori_loop(0, FSZ // ZB, pz, ())

    def p3(j, _):
        q = j * CH
        pltpu.sync_copy(fpkv.at[pl.ds(q, CH)],
                        fpk_sh.at[posb.at[pl.ds(q, CH)]], add=True)
        return ()

    lax.fori_loop(0, NCHUNK, p3, ())
    plsc.subcore_barrier()
    pltpu.sync_copy(fpk_sh.at[pl.ds(sid * FSZ, FLEN)], fpkv)

    def p4(i, _):
        v = fpkv[pl.ds(i * L, L)]
        fsrc_v[pl.ds(i * L, L)] = jnp.minimum(v & 16383, N - 1)
        fdst_v[pl.ds(i * L, L)] = jnp.minimum(
            lax.shift_right_logical(v, 14), ACC_ROWS - 1)
        return ()

    lax.fori_loop(0, FLEN // L, p4, ())

    for k in range(512 // L):
        fsrc_v[pl.ds(off + k * L, L)] = (iota * 613 + k * 131) % N
        fdst_v[pl.ds(off + k * L, L)] = BS + ((iota + k * L) % CH)

    pltpu.sync_copy(fsrc_v, fpk_sh.at[pl.ds(sid * FSZ, FLEN)])
    pltpu.sync_copy(fpk_sh.at[pl.ds(sid * FSZ, FLEN)], fsrc_v)
    pltpu.sync_copy(fdst_v, fpk_sh.at[pl.ds(sid * FSZ, FLEN)])
    pltpu.sync_copy(fpk_sh.at[pl.ds(sid * FSZ, FLEN)], fdst_v)

    npairs = lax.shift_right_logical(off + 127, 7)

    plsc.subcore_barrier()

    pltpu.async_copy(xs_hbm.at[fsrc_v.at[pl.ds(0, CHS)]], buf0, sem0)
    pltpu.async_copy(xs_hbm.at[fsrc_v.at[pl.ds(CHS, CHS)]], buf1, sem1)

    def body(i, _):
        q = i * (2 * CHS)
        pltpu.make_async_copy(xs_hbm.at[fsrc_v.at[pl.ds(q, CHS)]], buf0, sem0).wait()
        pltpu.sync_copy(buf0, acc_sh.at[fdst_v.at[pl.ds(q, CHS)]], add=True)
        pltpu.async_copy(xs_hbm.at[fsrc_v.at[pl.ds(q + 2 * CHS, CHS)]], buf0, sem0)
        pltpu.make_async_copy(xs_hbm.at[fsrc_v.at[pl.ds(q + CHS, CHS)]], buf1, sem1).wait()
        pltpu.sync_copy(buf1, acc_sh.at[fdst_v.at[pl.ds(q + CHS, CHS)]], add=True)
        pltpu.async_copy(xs_hbm.at[fsrc_v.at[pl.ds(q + 3 * CHS, CHS)]], buf1, sem1)
        return ()

    lax.fori_loop(0, npairs, body, ())
    pltpu.make_async_copy(xs_hbm.at[fsrc_v.at[pl.ds(0, CHS)]], buf0, sem0).wait()
    pltpu.make_async_copy(xs_hbm.at[fsrc_v.at[pl.ds(0, CHS)]], buf1, sem1).wait()
    plsc.subcore_barrier()
    orows = BS // NS
    for k in range(orows // CHS):
        pltpu.sync_copy(acc_sh.at[pl.ds(sid * orows + k * CHS, CHS)], buf0)
        pltpu.sync_copy(buf0, out_hbm.at[cid, pl.ds(sid * orows + k * CHS, CHS)])


@functools.cache
def _sc_kernels():
    mesh = plsc.VectorSubcoreMesh(core_axis_name="c", subcore_axis_name="s",
                                  num_cores=NC, num_subcores=NS)
    sc_hist = pl.kernel(
        _sc_hist_body,
        out_type=jax.ShapeDtypeStruct((NC, HIST_ROWS), jnp.float32),
        mesh=mesh,
        scratch_types=[
            pltpu.VMEM((NCHUNK, CH), jnp.int32),
            pltpu.VMEM((CH,), jnp.float32),
            pltpu.VMEM((HIST_ROWS // NS,), jnp.float32),
            pltpu.VMEM_SHARED((HIST_ROWS,), jnp.float32),
        ],
    )
    sc_scatter = pl.kernel(
        _sc_scatter_body,
        out_type=jax.ShapeDtypeStruct((NC, BS, HP), jnp.float32),
        mesh=mesh,
        scratch_types=[
            pltpu.VMEM((NCHUNK, CH), jnp.int32),
            pltpu.VMEM((NCHUNK, CH), jnp.int32),
            pltpu.VMEM((EPW,), jnp.int32),
            pltpu.VMEM((FLEN,), jnp.int32),
            pltpu.VMEM((FLEN,), jnp.int32),
            pltpu.VMEM((FLEN,), jnp.int32),
            pltpu.VMEM((ZB,), jnp.int32),
            pltpu.VMEM((CHS, HP), jnp.float32),
            pltpu.VMEM((CHS, HP), jnp.float32),
            pltpu.VMEM((2 * 16,), jnp.int32),
            pltpu.SMEM((16,), jnp.int32),
            pltpu.VMEM_SHARED((NS * FSZ,), jnp.int32),
            pltpu.VMEM_SHARED((ACC_ROWS, HP), jnp.float32),
            pltpu.SemaphoreType.DMA,
            pltpu.SemaphoreType.DMA,
        ],
    )
    return sc_hist, sc_scatter


def _tc1a_body(x_ref, w1_ref, b1_ref, w2_ref, b2_ref, wg_ref, xw_ref):
    x = x_ref[...]
    z = jnp.dot(x, w1_ref[...], preferred_element_type=jnp.float32) + b1_ref[...]
    h1 = jnp.where(z >= 0, z, 0.01 * z)
    h = jnp.dot(h1, w2_ref[...], preferred_element_type=jnp.float32) + b2_ref[...]
    xw_ref[...] = jnp.dot(h, wg_ref[...], preferred_element_type=jnp.float32)


def _tc1a(x, W1, b1, W2, b2, Wg):
    R = 1000
    return pl.pallas_call(
        _tc1a_body,
        grid=(N // R,),
        in_specs=[
            pl.BlockSpec((R, IN_CH), lambda i: (i, 0)),
            pl.BlockSpec((IN_CH, HID), lambda i: (0, 0)),
            pl.BlockSpec((1, HID), lambda i: (0, 0)),
            pl.BlockSpec((HID, HID), lambda i: (0, 0)),
            pl.BlockSpec((1, HID), lambda i: (0, 0)),
            pl.BlockSpec((HID, HID), lambda i: (0, 0)),
        ],
        out_specs=[pl.BlockSpec((R, HID), lambda i: (i, 0))],
        out_shape=[jax.ShapeDtypeStruct((N, HID), jnp.float32)],
    )(x, W1, b1.reshape(1, HID), W2, b2.reshape(1, HID), Wg)[0]


def _tc1b_body(xw_ref, dp0_ref, dp1_ref, xs_ref, dinv_ref):
    xw = xw_ref[...]
    deg = dp0_ref[...] + dp1_ref[...] + 1.0
    dinv = lax.rsqrt(deg)
    xsp = jnp.concatenate(
        [xw * dinv, jnp.zeros((xw.shape[0], HP - HID), jnp.float32)], axis=1)
    xs_ref[...] = xsp
    dinv_ref[...] = dinv


def _tc1b(xw, dp0, dp1):
    R = 1000
    return pl.pallas_call(
        _tc1b_body,
        grid=(N // R,),
        in_specs=[
            pl.BlockSpec((R, HID), lambda i: (i, 0)),
            pl.BlockSpec((R, 1), lambda i: (i, 0)),
            pl.BlockSpec((R, 1), lambda i: (i, 0)),
        ],
        out_specs=[
            pl.BlockSpec((R, HP), lambda i: (i, 0)),
            pl.BlockSpec((R, 1), lambda i: (i, 0)),
        ],
        out_shape=[
            jax.ShapeDtypeStruct((N, HP), jnp.float32),
            jax.ShapeDtypeStruct((N, 1), jnp.float32),
        ],
    )(xw, dp0, dp1)


def _tc2_body(a0_ref, a1_ref, xs_ref, dinv_ref, bg_ref,
              wrb_ref, brb_ref, wrr_ref, brr_ref, wbb_ref, bbb_ref,
              qw_ref, cw_ref, cb_ref, yhat_ref, hb_ref):
    hb = (dinv_ref[...]
          * (a0_ref[...][:, :HID] + a1_ref[...][:, :HID] + xs_ref[...][:, :HID])
          + bg_ref[...])
    br = hb[:, :DIM]
    rr = hb[:, DIM:2 * DIM]
    bb = hb[:, 2 * DIM:]
    w0 = jnp.dot(jnp.tanh(br) @ wrb_ref[...] + brb_ref[...], qw_ref[...],
                 preferred_element_type=jnp.float32)
    w1 = jnp.dot(jnp.tanh(rr) @ wrr_ref[...] + brr_ref[...], qw_ref[...],
                 preferred_element_type=jnp.float32)
    w2 = jnp.dot(jnp.tanh(bb) @ wbb_ref[...] + bbb_ref[...], qw_ref[...],
                 preferred_element_type=jnp.float32)
    m = jnp.maximum(jnp.maximum(w0, w1), w2)
    e0 = jnp.exp(w0 - m)
    e1 = jnp.exp(w1 - m)
    e2 = jnp.exp(w2 - m)
    s = e0 + e1 + e2
    cx = (e0 * br + e1 * rr + e2 * bb) / s
    yhat_ref[...] = jnp.dot(cx, cw_ref[...], preferred_element_type=jnp.float32) + cb_ref[...]
    hb_ref[...] = hb


def _tc2(a0, a1, xsb, dinvb, bg, Wrb_w, Wrb_b, Wrr_w, Wrr_b, Wbb_w, Wbb_b,
         q_w, cls_w, cls_b):
    R = 1024
    grid = (BS // R,)
    full = lambda i: (0, 0)
    row = lambda i: (i, 0)
    return pl.pallas_call(
        _tc2_body,
        grid=grid,
        in_specs=[
            pl.BlockSpec((R, HP), row),
            pl.BlockSpec((R, HP), row),
            pl.BlockSpec((R, HP), row),
            pl.BlockSpec((R, 1), row),
            pl.BlockSpec((1, HID), full),
            pl.BlockSpec((DIM, DIM), full),
            pl.BlockSpec((1, DIM), full),
            pl.BlockSpec((DIM, DIM), full),
            pl.BlockSpec((1, DIM), full),
            pl.BlockSpec((DIM, DIM), full),
            pl.BlockSpec((1, DIM), full),
            pl.BlockSpec((DIM, 1), full),
            pl.BlockSpec((DIM, 2), full),
            pl.BlockSpec((1, 2), full),
        ],
        out_specs=[
            pl.BlockSpec((R, 2), row),
            pl.BlockSpec((R, HID), row),
        ],
        out_shape=[
            jax.ShapeDtypeStruct((BS, 2), jnp.float32),
            jax.ShapeDtypeStruct((BS, HID), jnp.float32),
        ],
    )(a0, a1, xsb, dinvb, bg.reshape(1, HID),
      Wrb_w, Wrb_b.reshape(1, DIM), Wrr_w, Wrr_b.reshape(1, DIM),
      Wbb_w, Wbb_b.reshape(1, DIM), q_w, cls_w, cls_b.reshape(1, 2))


def kernel(train, batch_size, x, edge_index, y, W1, b1, W2, b2, Wg, bg,
           Wrb_w, Wrb_b, Wrr_w, Wrr_b, Wbb_w, Wbb_b, q_w, cls_w, cls_b):
    pad_n = NW * EPW - E
    pad_src = (jnp.arange(pad_n, dtype=jnp.int32) * 131) % N
    src_p = jnp.concatenate([edge_index[0], pad_src]).reshape(NW, NCHUNK, CH)
    dst_all = jnp.concatenate(
        [edge_index[1], jnp.full((pad_n,), TRASH, jnp.int32)])
    dst_p = dst_all.reshape(NW, NCHUNK, CH)
    spread = BS + (jnp.arange(NW * EPW, dtype=jnp.int32) % 128)
    dst_s = jnp.where(dst_all < BS, dst_all, spread).reshape(NW, NCHUNK, CH)
    ones1 = jnp.ones((CH,), jnp.float32)
    zeros1 = jnp.zeros((HIST_ROWS // NS,), jnp.float32)
    zeros96 = jnp.zeros((CHS, HP), jnp.float32)
    zi32 = jnp.zeros((ZB,), jnp.int32)

    sc_hist, sc_scatter = _sc_kernels()
    xw = _tc1a(x, W1, b1, W2, b2, Wg)
    hist = sc_hist(dst_p, ones1, zeros1)
    dp0 = hist[0, :N, None]
    dp1 = hist[1, :N, None]
    xs, dinv = _tc1b(xw, dp0, dp1)
    acc = sc_scatter(xs, src_p, dst_s, zeros96, zi32)
    yhat, hb = _tc2(acc[0], acc[1], xs[:BS], dinv[:BS], bg,
                    Wrb_w, Wrb_b, Wrr_w, Wrr_b, Wbb_w, Wbb_b,
                    q_w, cls_w, cls_b)
    return (yhat, hb[:, :DIM], hb[:, DIM:])

# --- scband reference (transcript-rebuilt; emitter-appended) ---
"""Pipeline reference for scband-dmodel-39814346834531 (READ-ONLY COPY).

The authoritative reference and input builder live on the scoring server;
editing this copy changes nothing except your own understanding.
"""

import jax, jax.numpy as jnp
import numpy as np

N = 10000
E = 320000
IN_CH = 128
HID = 96
DIM = HID // 3
BS = 4096


def _leaky_relu(x):
    return jnp.where(x >= 0, x, 0.01 * x)


def _lin_init(k, fi, fo):
    bound = 1.0 / np.sqrt(fi)
    kw, kb = jax.random.split(k)
    W = jax.random.uniform(kw, (fi, fo), jnp.float32, -bound, bound)
    b = jax.random.uniform(kb, (fo,), jnp.float32, -bound, bound)
    return W, b


def setup_inputs(seed: int = 0):
    key = jax.random.key(seed)
    ks = jax.random.split(key, 24)
    inp = {}
    inp["train"] = 0
    inp["batch_size"] = BS
    inp["x"] = jax.random.normal(ks[0], (N, IN_CH), dtype=jnp.float32)
    inp["edge_index"] = jax.random.randint(ks[1], (2, E), 0, N, dtype=jnp.int32)
    inp["y"] = jax.random.randint(ks[2], (N,), 0, 2, dtype=jnp.int32)
    inp["W1"], inp["b1"] = _lin_init(ks[3], IN_CH, HID)
    inp["W2"], inp["b2"] = _lin_init(ks[4], HID, HID)
    inp["Wg"], inp["bg"] = _lin_init(ks[5], HID, HID)
    inp["Wrb_w"], inp["Wrb_b"] = _lin_init(ks[6], DIM, DIM)
    inp["Wrr_w"], inp["Wrr_b"] = _lin_init(ks[7], DIM, DIM)
    inp["Wbb_w"], inp["Wbb_b"] = _lin_init(ks[8], DIM, DIM)
    bq = 1.0 / np.sqrt(DIM)
    inp["q_w"] = jax.random.uniform(ks[9], (DIM, 1), jnp.float32, -bq, bq)
    inp["cls_w"], inp["cls_b"] = _lin_init(ks[10], DIM, 2)
    return inp


def _gcn(x, edge_index, Wg, bg):
    # GCNConv with add_self_loops=True, symmetric normalization
    n = x.shape[0]
    loop = jnp.arange(n, dtype=edge_index.dtype)
    src = jnp.concatenate([edge_index[0], loop])
    dst = jnp.concatenate([edge_index[1], loop])
    xw = x @ Wg
    deg = jnp.zeros((n,), jnp.float32).at[dst].add(1.0)
    dinv = 1.0 / jnp.sqrt(deg)
    norm = dinv[src] * dinv[dst]
    out = jnp.zeros_like(xw).at[dst].add(norm[:, None] * xw[src])
    return out + bg


def _attention(br, rr, bb, Wrb_w, Wrb_b, Wrr_w, Wrr_b, Wbb_w, Wbb_b, q_w):
    # W_rb etc. are Sequential(tanh, Linear); q is Linear(dim, 1, bias=False)
    w_br = (jnp.tanh(br) @ Wrb_w + Wrb_b) @ q_w
    w_rr = (jnp.tanh(rr) @ Wrr_w + Wrr_b) @ q_w
    w_bb = (jnp.tanh(bb) @ Wbb_w + Wbb_b) @ q_w
    W = jax.nn.softmax(jnp.concatenate([w_br, w_rr, w_bb], axis=1), axis=1)
    return W[:, 0:1] * br + W[:, 1:2] * rr + W[:, 2:3] * bb


def reference(train, batch_size, x, edge_index, y, W1, b1, W2, b2, Wg, bg, Wrb_w, Wrb_b, Wrr_w, Wrr_b, Wbb_w, Wbb_b, q_w, cls_w, cls_b):
    # linear_transform: Linear -> LeakyReLU -> Linear
    h = _leaky_relu(x @ W1 + b1) @ W2 + b2
    # encoder: GCNConv
    h = _gcn(h, edge_index, Wg, bg)
    h_b = jax.lax.dynamic_slice_in_dim(h, batch_size - BS, BS, axis=0)
    br = h_b[:, :DIM]
    rr = h_b[:, DIM:2 * DIM]
    bb = h_b[:, 2 * DIM:]
    class_x = _attention(br, rr, bb, Wrb_w, Wrb_b, Wrr_w, Wrr_b, Wbb_w, Wbb_b, q_w)
    y_hat = class_x @ cls_w + cls_b
    # train is falsy (eval path)
    return (y_hat, h_b[:, :DIM], h_b[:, DIM:])

if __name__ == "__main__":
    import jax
    _d = setup_inputs()
    print(jax.jit(kernel)(*tuple(_d.values())))

</pallas_src>

<mosaic_0001>
#map = affine_map<(d0, d1) -> (0, 0, 0)>
#map1 = affine_map<(d0, d1) -> (0)>
#map2 = affine_map<(d0, d1) -> (0, 0)>
module attributes {stable_mosaic.version = 14 : i64} {
  func.func @_sc_hist_body(%arg0: i32, %arg1: i32, %arg2: memref<32x80x128xi32, #tpu.memory_space<hbm>>, %arg3: memref<128xf32, #tpu.memory_space<hbm>>, %arg4: memref<640xf32, #tpu.memory_space<hbm>>, %arg5: memref<2x10240xf32, #tpu.memory_space<hbm>>, %arg6: memref<80x128xi32, #tpu.memory_space<vmem>>, %arg7: memref<128xf32, #tpu.memory_space<vmem>>, %arg8: memref<640xf32, #tpu.memory_space<vmem>>, %arg9: memref<10240xf32, #tpu.memory_space<vmem_shared>>) attributes {dimension_semantics = [#tpu.dimension_semantics<core_parallel>, #tpu.dimension_semantics<subcore_parallel>], iteration_bounds = array<i64: 2, 16>, scalar_prefetch = 0 : i64, scratch_operands = 4 : i64, tpu.core_type = #tpu.core_type<sc_vector_subcore>, window_params = [{transform_indices = #map}, {transform_indices = #map1}, {transform_indices = #map1}, {transform_indices = #map2}]} {
    %mul3A = arith.constant 2 : i32
    %mul3A_0 = arith.muli %arg1, %mul3A : i32
    %add3A = arith.addi %mul3A_0, %arg0 : i32
    "tpu.region"() ({
      %run_scoped3A = tpu.sem_alloc : memref<!tpu.dma_semaphore, #tpu.memory_space<semaphore_mem>>
      %dma_start3A = arith.constant 0 : i32
      %dma_start3A_12 = arith.constant 0 : i32
      %dma_start3A_13 = tpu.memref_slice %arg2[%add3A, %dma_start3A, %dma_start3A_12] : memref<32x80x128xi32, #tpu.memory_space<hbm>> -> memref<1x80x128xi32, #tpu.memory_space<hbm>>
      %dma_start3A_14 = tpu.memref_squeeze %dma_start3A_13 : memref<1x80x128xi32, #tpu.memory_space<hbm>> -> memref<80x128xi32, #tpu.memory_space<hbm>>
      %dma_start3A_15 = arith.constant 0 : i32
      %dma_start3A_16 = arith.constant 0 : i32
      %dma_start3A_17 = tpu.memref_slice %arg2[%add3A, %dma_start3A_15, %dma_start3A_16] : memref<32x80x128xi32, #tpu.memory_space<hbm>> -> memref<1x80x128xi32, #tpu.memory_space<hbm>>
      %dma_start3A_18 = tpu.memref_squeeze %dma_start3A_17 : memref<1x80x128xi32, #tpu.memory_space<hbm>> -> memref<80x128xi32, #tpu.memory_space<hbm>>
      tpu.enqueue_dma source(%dma_start3A_18 : memref<80x128xi32, #tpu.memory_space<hbm>>) target(%arg6 : memref<80x128xi32, #tpu.memory_space<vmem>>) target_semaphore(%run_scoped3A : memref<!tpu.dma_semaphore, #tpu.memory_space<semaphore_mem>>)
      %dma_wait3A = arith.constant 0 : i32
      %dma_wait3A_19 = arith.constant 0 : i32
      %dma_wait3A_20 = tpu.memref_slice %arg2[%add3A, %dma_wait3A, %dma_wait3A_19] : memref<32x80x128xi32, #tpu.memory_space<hbm>> -> memref<1x80x128xi32, #tpu.memory_space<hbm>>
      %dma_wait3A_21 = tpu.memref_squeeze %dma_wait3A_20 : memref<1x80x128xi32, #tpu.memory_space<hbm>> -> memref<80x128xi32, #tpu.memory_space<hbm>>
      %dma_wait3A_22 = arith.constant 0 : i32
      %dma_wait3A_23 = arith.constant 0 : i32
      %dma_wait3A_24 = tpu.memref_slice %arg2[%add3A, %dma_wait3A_22, %dma_wait3A_23] : memref<32x80x128xi32, #tpu.memory_space<hbm>> -> memref<1x80x128xi32, #tpu.memory_space<hbm>>
      %dma_wait3A_25 = tpu.memref_squeeze %dma_wait3A_24 : memref<1x80x128xi32, #tpu.memory_space<hbm>> -> memref<80x128xi32, #tpu.memory_space<hbm>>
      tpu.wait_dma2 semaphore(%run_scoped3A : memref<!tpu.dma_semaphore, #tpu.memory_space<semaphore_mem>>) src(%dma_wait3A_25 : memref<80x128xi32, #tpu.memory_space<hbm>>) dst(%arg6 : memref<80x128xi32, #tpu.memory_space<vmem>>)
      tpu.yield
    }) : () -> ()
    "tpu.region"() ({
      %run_scoped3A = tpu.sem_alloc : memref<!tpu.dma_semaphore, #tpu.memory_space<semaphore_mem>>
      tpu.enqueue_dma source(%arg3 : memref<128xf32, #tpu.memory_space<hbm>>) target(%arg7 : memref<128xf32, #tpu.memory_space<vmem>>) target_semaphore(%run_scoped3A : memref<!tpu.dma_semaphore, #tpu.memory_space<semaphore_mem>>)
      tpu.wait_dma2 semaphore(%run_scoped3A : memref<!tpu.dma_semaphore, #tpu.memory_space<semaphore_mem>>) src(%arg3 : memref<128xf32, #tpu.memory_space<hbm>>) dst(%arg7 : memref<128xf32, #tpu.memory_space<vmem>>)
      tpu.yield
    }) : () -> ()
    "tpu.region"() ({
      %run_scoped3A = tpu.sem_alloc : memref<!tpu.dma_semaphore, #tpu.memory_space<semaphore_mem>>
      tpu.enqueue_dma source(%arg4 : memref<640xf32, #tpu.memory_space<hbm>>) target(%arg8 : memref<640xf32, #tpu.memory_space<vmem>>) target_semaphore(%run_scoped3A : memref<!tpu.dma_semaphore, #tpu.memory_space<semaphore_mem>>)
      tpu.wait_dma2 semaphore(%run_scoped3A : memref<!tpu.dma_semaphore, #tpu.memory_space<semaphore_mem>>) src(%arg4 : memref<640xf32, #tpu.memory_space<hbm>>) dst(%arg8 : memref<640xf32, #tpu.memory_space<vmem>>)
      tpu.yield
    }) : () -> ()
    %mul3A_1 = arith.constant 640 : i32
    %mul3A_2 = arith.muli %arg1, %mul3A_1 : i32
    "tpu.region"() ({
      %run_scoped3A = tpu.sem_alloc : memref<!tpu.dma_semaphore, #tpu.memory_space<semaphore_mem>>
      %dma_start3A = tpu.memref_slice %arg9[%mul3A_2] : memref<10240xf32, #tpu.memory_space<vmem_shared>> -> memref<640xf32, #tpu.memory_space<vmem_shared>>
      %dma_start3A_12 = tpu.memref_slice %arg9[%mul3A_2] : memref<10240xf32, #tpu.memory_space<vmem_shared>> -> memref<640xf32, #tpu.memory_space<vmem_shared>>
      tpu.enqueue_dma source(%arg8 : memref<640xf32, #tpu.memory_space<vmem>>) target(%dma_start3A_12 : memref<640xf32, #tpu.memory_space<vmem_shared>>) target_semaphore(%run_scoped3A : memref<!tpu.dma_semaphore, #tpu.memory_space<semaphore_mem>>)
      %dma_wait3A = tpu.memref_slice %arg9[%mul3A_2] : memref<10240xf32, #tpu.memory_space<vmem_shared>> -> memref<640xf32, #tpu.memory_space<vmem_shared>>
      %dma_wait3A_13 = tpu.memref_slice %arg9[%mul3A_2] : memref<10240xf32, #tpu.memory_space<vmem_shared>> -> memref<640xf32, #tpu.memory_space<vmem_shared>>
      tpu.wait_dma2 semaphore(%run_scoped3A : memref<!tpu.dma_semaphore, #tpu.memory_space<semaphore_mem>>) src(%arg8 : memref<640xf32, #tpu.memory_space<vmem>>) dst(%dma_wait3A_13 : memref<640xf32, #tpu.memory_space<vmem_shared>>)
      tpu.yield
    }) : () -> ()
    %barrier3A = arith.constant 0 : index
    tpu.barrier barrier_id(%barrier3A)
    %scan3A = arith.constant 0 : i32
    %scan3A_3 = arith.constant 80 : i32
    %scan3A_4 = arith.addi %scan3A, %scan3A_3 : i32
    %scan3A_5 = arith.constant 1 : i32
    scf.for %scan3A_12 = %scan3A to %scan3A_4 step %scan3A_5  : i32 {
      "tpu.region"() ({
        %run_scoped3A = tpu.sem_alloc : memref<!tpu.dma_semaphore, #tpu.memory_space<semaphore_mem>>
        %dma_start3A = arith.constant 0 : i32
        %dma_start3A_13 = tpu.memref_slice %arg6[%scan3A_12, %dma_start3A] : memref<80x128xi32, #tpu.memory_space<vmem>> -> memref<1x128xi32, #tpu.memory_space<vmem>>
        %dma_start3A_14 = tpu.memref_squeeze %dma_start3A_13 : memref<1x128xi32, #tpu.memory_space<vmem>> -> memref<128xi32, #tpu.memory_space<vmem>>
        %dma_start3A_15 = arith.constant 0 : i32
        %dma_start3A_16 = tpu.memref_slice %arg9[%dma_start3A_15] : memref<10240xf32, #tpu.memory_space<vmem_shared>> -> memref<10240xf32, #tpu.memory_space<vmem_shared>>
        tpu.enqueue_indirect_dma source(%arg7 : memref<128xf32, #tpu.memory_space<vmem>>) target(%dma_start3A_16 : memref<10240xf32, #tpu.memory_space<vmem_shared>>) offsets(%dma_start3A_14 : memref<128xi32, #tpu.memory_space<vmem>>) semaphore(%run_scoped3A : memref<!tpu.dma_semaphore, #tpu.memory_space<semaphore_mem>>) {add = true}
        %dma_wait3A = arith.constant 0 : i32
        %dma_wait3A_17 = tpu.memref_slice %arg6[%scan3A_12, %dma_wait3A] : memref<80x128xi32, #tpu.memory_space<vmem>> -> memref<1x128xi32, #tpu.memory_space<vmem>>
        %dma_wait3A_18 = tpu.memref_squeeze %dma_wait3A_17 : memref<1x128xi32, #tpu.memory_space<vmem>> -> memref<128xi32, #tpu.memory_space<vmem>>
        %dma_wait3A_19 = arith.constant 0 : i32
        %dma_wait3A_20 = tpu.memref_slice %arg9[%dma_wait3A_19] : memref<10240xf32, #tpu.memory_space<vmem_shared>> -> memref<10240xf32, #tpu.memory_space<vmem_shared>>
        tpu.wait_indirect_dma semaphore(%run_scoped3A : memref<!tpu.dma_semaphore, #tpu.memory_space<semaphore_mem>>) src(%arg7 : memref<128xf32, #tpu.memory_space<vmem>>) dst(%dma_wait3A_20 : memref<10240xf32, #tpu.memory_space<vmem_shared>>)
        tpu.yield
      }) : () -> ()
    }
    %scan3A_6 = arith.constant 80 : i32
    %barrier3A_7 = arith.constant 0 : index
    tpu.barrier barrier_id(%barrier3A_7)
    %mul3A_8 = arith.constant 640 : i32
    %mul3A_9 = arith.muli %arg1, %mul3A_8 : i32
    "tpu.region"() ({
      %run_scoped3A = tpu.sem_alloc : memref<!tpu.dma_semaphore, #tpu.memory_space<semaphore_mem>>
      %dma_start3A = tpu.memref_slice %arg9[%mul3A_9] : memref<10240xf32, #tpu.memory_space<vmem_shared>> -> memref<640xf32, #tpu.memory_space<vmem_shared>>
      %dma_start3A_12 = tpu.memref_slice %arg9[%mul3A_9] : memref<10240xf32, #tpu.memory_space<vmem_shared>> -> memref<640xf32, #tpu.memory_space<vmem_shared>>
      tpu.enqueue_dma source(%dma_start3A_12 : memref<640xf32, #tpu.memory_space<vmem_shared>>) target(%arg8 : memref<640xf32, #tpu.memory_space<vmem>>) target_semaphore(%run_scoped3A : memref<!tpu.dma_semaphore, #tpu.memory_space<semaphore_mem>>)
      %dma_wait3A = tpu.memref_slice %arg9[%mul3A_9] : memref<10240xf32, #tpu.memory_space<vmem_shared>> -> memref<640xf32, #tpu.memory_space<vmem_shared>>
      %dma_wait3A_13 = tpu.memref_slice %arg9[%mul3A_9] : memref<10240xf32, #tpu.memory_space<vmem_shared>> -> memref<640xf32, #tpu.memory_space<vmem_shared>>
      tpu.wait_dma2 semaphore(%run_scoped3A : memref<!tpu.dma_semaphore, #tpu.memory_space<semaphore_mem>>) src(%dma_wait3A_13 : memref<640xf32, #tpu.memory_space<vmem_shared>>) dst(%arg8 : memref<640xf32, #tpu.memory_space<vmem>>)
      tpu.yield
    }) : () -> ()
    %mul3A_10 = arith.constant 640 : i32
    %mul3A_11 = arith.muli %arg1, %mul3A_10 : i32
    "tpu.region"() ({
      %run_scoped3A = tpu.sem_alloc : memref<!tpu.dma_semaphore, #tpu.memory_space<semaphore_mem>>
      %dma_start3A = tpu.memref_slice %arg5[%arg0, %mul3A_11] : memref<2x10240xf32, #tpu.memory_space<hbm>> -> memref<1x640xf32, #tpu.memory_space<hbm>>
      %dma_start3A_12 = tpu.memref_squeeze %dma_start3A : memref<1x640xf32, #tpu.memory_space<hbm>> -> memref<640xf32, #tpu.memory_space<hbm>>
      %dma_start3A_13 = tpu.memref_slice %arg5[%arg0, %mul3A_11] : memref<2x10240xf32, #tpu.memory_space<hbm>> -> memref<1x640xf32, #tpu.memory_space<hbm>>
      %dma_start3A_14 = tpu.memref_squeeze %dma_start3A_13 : memref<1x640xf32, #tpu.memory_space<hbm>> -> memref<640xf32, #tpu.memory_space<hbm>>
      tpu.enqueue_dma source(%arg8 : memref<640xf32, #tpu.memory_space<vmem>>) target(%dma_start3A_14 : memref<640xf32, #tpu.memory_space<hbm>>) target_semaphore(%run_scoped3A : memref<!tpu.dma_semaphore, #tpu.memory_space<semaphore_mem>>)
      %dma_wait3A = tpu.memref_slice %arg5[%arg0, %mul3A_11] : memref<2x10240xf32, #tpu.memory_space<hbm>> -> memref<1x640xf32, #tpu.memory_space<hbm>>
      %dma_wait3A_15 = tpu.memref_squeeze %dma_wait3A : memref<1x640xf32, #tpu.memory_space<hbm>> -> memref<640xf32, #tpu.memory_space<hbm>>
      %dma_wait3A_16 = tpu.memref_slice %arg5[%arg0, %mul3A_11] : memref<2x10240xf32, #tpu.memory_space<hbm>> -> memref<1x640xf32, #tpu.memory_space<hbm>>
      %dma_wait3A_17 = tpu.memref_squeeze %dma_wait3A_16 : memref<1x640xf32, #tpu.memory_space<hbm>> -> memref<640xf32, #tpu.memory_space<hbm>>
      tpu.wait_dma2 semaphore(%run_scoped3A : memref<!tpu.dma_semaphore, #tpu.memory_space<semaphore_mem>>) src(%arg8 : memref<640xf32, #tpu.memory_space<vmem>>) dst(%dma_wait3A_17 : memref<640xf32, #tpu.memory_space<hbm>>)
      tpu.yield
    }) : () -> ()
    return
  }
}

#map = affine_map<(d0, d1) -> (0, 0)>
#map1 = affine_map<(d0, d1) -> (0, 0, 0)>
#map2 = affine_map<(d0, d1) -> (0)>
module attributes {stable_mosaic.version = 14 : i64} {
  func.func @_sc_scatter_body(%arg0: i32, %arg1: i32, %arg2: memref<10000x128xf32, #tpu.memory_space<hbm>>, %arg3: memref<32x80x128xi32, #tpu.memory_space<hbm>>, %arg4: memref<32x80x128xi32, #tpu.memory_space<hbm>>, %arg5: memref<64x128xf32, #tpu.memory_space<hbm>>, %arg6: memref<2176xi32, #tpu.memory_space<hbm>>, %arg7: memref<2x4096x128xf32, #tpu.memory_space<hbm>>, %arg8: memref<80x128xi32, #tpu.memory_space<vmem>>, %arg9: memref<80x128xi32, #tpu.memory_space<vmem>>, %arg10: memref<10240xi32, #tpu.memory_space<vmem>>, %arg11: memref<10752xi32, #tpu.memory_space<vmem>>, %arg12: memref<10752xi32, #tpu.memory_space<vmem>>, %arg13: memref<10752xi32, #tpu.memory_space<vmem>>, %arg14: memref<2176xi32, #tpu.memory_space<vmem>>, %arg15: memref<64x128xf32, #tpu.memory_space<vmem>>, %arg16: memref<64x128xf32, #tpu.memory_space<vmem>>, %arg17: memref<32xi32, #tpu.memory_space<vmem>>, %arg18: memref<16xi32, #tpu.memory_space<smem>>, %arg19: memref<174080xi32, #tpu.memory_space<vmem_shared>>, %arg20: memref<4224x128xf32, #tpu.memory_space<vmem_shared>>, %arg21: memref<!tpu.dma_semaphore, #tpu.memory_space<semaphore_mem>>, %arg22: memref<!tpu.dma_semaphore, #tpu.memory_space<semaphore_mem>>) attributes {dimension_semantics = [#tpu.dimension_semantics<core_parallel>, #tpu.dimension_semantics<subcore_parallel>], iteration_bounds = array<i64: 2, 16>, scalar_prefetch = 0 : i64, scratch_operands = 15 : i64, tpu.core_type = #tpu.core_type<sc_vector_subcore>, window_params = [{transform_indices = #map}, {transform_indices = #map1}, {transform_indices = #map1}, {transform_indices = #map}, {transform_indices = #map2}, {transform_indices = #map1}]} {
    %mul3A = arith.constant 2 : i32
    %mul3A_0 = arith.muli %arg1, %mul3A : i32
    %add3A = arith.addi %mul3A_0, %arg0 : i32
    "tpu.region"() ({
      %run_scoped3A = tpu.sem_alloc : memref<!tpu.dma_semaphore, #tpu.memory_space<semaphore_mem>>
      %dma_start3A_2337 = arith.constant 0 : i32
      %dma_start3A_2338 = arith.constant 0 : i32
      %dma_start3A_2339 = tpu.memref_slice %arg3[%add3A, %dma_start3A_2337, %dma_start3A_2338] : memref<32x80x128xi32, #tpu.memory_space<hbm>> -> memref<1x80x128xi32, #tpu.memory_space<hbm>>
      %dma_start3A_2340 = tpu.memref_squeeze %dma_start3A_2339 : memref<1x80x128xi32, #tpu.memory_space<hbm>> -> memref<80x128xi32, #tpu.memory_space<hbm>>
      %dma_start3A_2341 = arith.constant 0 : i32
      %dma_start3A_2342 = arith.constant 0 : i32
      %dma_start3A_2343 = tpu.memref_slice %arg3[%add3A, %dma_start3A_2341, %dma_start3A_2342] : memref<32x80x128xi32, #tpu.memory_space<hbm>> -> memref<1x80x128xi32, #tpu.memory_space<hbm>>
      %dma_start3A_2344 = tpu.memref_squeeze %dma_start3A_2343 : memref<1x80x128xi32, #tpu.memory_space<hbm>> -> memref<80x128xi32, #tpu.memory_space<hbm>>
      tpu.enqueue_dma source(%dma_start3A_2344 : memref<80x128xi32, #tpu.memory_space<hbm>>) target(%arg8 : memref<80x128xi32, #tpu.memory_space<vmem>>) target_semaphore(%run_scoped3A : memref<!tpu.dma_semaphore, #tpu.memory_space<semaphore_mem>>)
      %dma_wait3A_2345 = arith.constant 0 : i32
      %dma_wait3A_2346 = arith.constant 0 : i32
      %dma_wait3A_2347 = tpu.memref_slice %arg3[%add3A, %dma_wait3A_2345, %dma_wait3A_2346] : memref<32x80x128xi32, #tpu.memory_space<hbm>> -> memref<1x80x128xi32, #tpu.memory_space<hbm>>
      %dma_wait3A_2348 = tpu.memref_squeeze %dma_wait3A_2347 : memref<1x80x128xi32, #tpu.memory_space<hbm>> -> memref<80x128xi32, #tpu.memory_space<hbm>>
      %dma_wait3A_2349 = arith.constant 0 : i32
      %dma_wait3A_2350 = arith.constant 0 : i32
      %dma_wait3A_2351 = tpu.memref_slice %arg3[%add3A, %dma_wait3A_2349, %dma_wait3A_2350] : memref<32x80x128xi32, #tpu.memory_space<hbm>> -> memref<1x80x128xi32, #tpu.memory_space<hbm>>
      %dma_wait3A_2352 = tpu.memref_squeeze %dma_wait3A_2351 : memref<1x80x128xi32, #tpu.memory_space<hbm>> -> memref<80x128xi32, #tpu.memory_space<hbm>>
      tpu.wait_dma2 semaphore(%run_scoped3A : memref<!tpu.dma_semaphore, #tpu.memory_space<semaphore_mem>>) src(%dma_wait3A_2352 : memref<80x128xi32, #tpu.memory_space<hbm>>) dst(%arg8 : memref<80x128xi32, #tpu.memory_space<vmem>>)
      tpu.yield
    }) : () -> ()
    "tpu.region"() ({
      %run_scoped3A = tpu.sem_alloc : memref<!tpu.dma_semaphore, #tpu.memory_space<semaphore_mem>>
      %dma_start3A_2337 = arith.constant 0 : i32
      %dma_start3A_2338 = arith.constant 0 : i32
      %dma_start3A_2339 = tpu.memref_slice %arg4[%add3A, %dma_start3A_2337, %dma_start3A_2338] : memref<32x80x128xi32, #tpu.memory_space<hbm>> -> memref<1x80x128xi32, #tpu.memory_space<hbm>>
      %dma_start3A_2340 = tpu.memref_squeeze %dma_start3A_2339 : memref<1x80x128xi32, #tpu.memory_space<hbm>> -> memref<80x128xi32, #tpu.memory_space<hbm>>
      %dma_start3A_2341 = arith.constant 0 : i32
      %dma_start3A_2342 = arith.constant 0 : i32
      %dma_start3A_2343 = tpu.memref_slice %arg4[%add3A, %dma_start3A_2341, %dma_start3A_2342] : memref<32x80x128xi32, #tpu.memory_space<hbm>> -> memref<1x80x128xi32, #tpu.memory_space<hbm>>
      %dma_start3A_2344 = tpu.memref_squeeze %dma_start3A_2343 : memref<1x80x128xi32, #tpu.memory_space<hbm>> -> memref<80x128xi32, #tpu.memory_space<hbm>>
      tpu.enqueue_dma source(%dma_start3A_2344 : memref<80x128xi32, #tpu.memory_space<hbm>>) target(%arg9 : memref<80x128xi32, #tpu.memory_space<vmem>>) target_semaphore(%run_scoped3A : memref<!tpu.dma_semaphore, #tpu.memory_space<semaphore_mem>>)
      %dma_wait3A_2345 = arith.constant 0 : i32
      %dma_wait3A_2346 = arith.constant 0 : i32
      %dma_wait3A_2347 = tpu.memref_slice %arg4[%add3A, %dma_wait3A_2345, %dma_wait3A_2346] : memref<32x80x128xi32, #tpu.memory_space<hbm>> -> memref<1x80x128xi32, #tpu.memory_space<hbm>>
      %dma_wait3A_2348 = tpu.memref_squeeze %dma_wait3A_2347 : memref<1x80x128xi32, #tpu.memory_space<hbm>> -> memref<80x128xi32, #tpu.memory_space<hbm>>
      %dma_wait3A_2349 = arith.constant 0 : i32
      %dma_wait3A_2350 = arith.constant 0 : i32
      %dma_wait3A_2351 = tpu.memref_slice %arg4[%add3A, %dma_wait3A_2349, %dma_wait3A_2350] : memref<32x80x128xi32, #tpu.memory_space<hbm>> -> memref<1x80x128xi32, #tpu.memory_space<hbm>>
      %dma_wait3A_2352 = tpu.memref_squeeze %dma_wait3A_2351 : memref<1x80x128xi32, #tpu.memory_space<hbm>> -> memref<80x128xi32, #tpu.memory_space<hbm>>
      tpu.wait_dma2 semaphore(%run_scoped3A : memref<!tpu.dma_semaphore, #tpu.memory_space<semaphore_mem>>) src(%dma_wait3A_2352 : memref<80x128xi32, #tpu.memory_space<hbm>>) dst(%arg9 : memref<80x128xi32, #tpu.memory_space<vmem>>)
      tpu.yield
    }) : () -> ()
    "tpu.region"() ({
      %run_scoped3A = tpu.sem_alloc : memref<!tpu.dma_semaphore, #tpu.memory_space<semaphore_mem>>
      tpu.enqueue_dma source(%arg5 : memref<64x128xf32, #tpu.memory_space<hbm>>) target(%arg15 : memref<64x128xf32, #tpu.memory_space<vmem>>) target_semaphore(%run_scoped3A : memref<!tpu.dma_semaphore, #tpu.memory_space<semaphore_mem>>)
      tpu.wait_dma2 semaphore(%run_scoped3A : memref<!tpu.dma_semaphore, #tpu.memory_space<semaphore_mem>>) src(%arg5 : memref<64x128xf32, #tpu.memory_space<hbm>>) dst(%arg15 : memref<64x128xf32, #tpu.memory_space<vmem>>)
      tpu.yield
    }) : () -> ()
    %mul3A_1 = arith.constant 264 : i32
    %mul3A_2 = arith.muli %arg1, %mul3A_1 : i32
    %add3A_3 = arith.constant 0 : i32
    %add3A_4 = arith.addi %mul3A_2, %add3A_3 : i32
    "tpu.region"() ({
      %run_scoped3A = tpu.sem_alloc : memref<!tpu.dma_semaphore, #tpu.memory_space<semaphore_mem>>
      %dma_start3A_2337 = arith.constant 0 : i32
      %dma_start3A_2338 = tpu.memref_slice %arg20[%add3A_4, %dma_start3A_2337] : memref<4224x128xf32, #tpu.memory_space<vmem_shared>> -> memref<64x128xf32, #tpu.memory_space<vmem_shared>>
      %dma_start3A_2339 = arith.constant 0 : i32
      %dma_start3A_2340 = tpu.memref_slice %arg20[%add3A_4, %dma_start3A_2339] : memref<4224x128xf32, #tpu.memory_space<vmem_shared>> -> memref<64x128xf32, #tpu.memory_space<vmem_shared>>
      tpu.enqueue_dma source(%arg15 : memref<64x128xf32, #tpu.memory_space<vmem>>) target(%dma_start3A_2340 : memref<64x128xf32, #tpu.memory_space<vmem_shared>>) target_semaphore(%run_scoped3A : memref<!tpu.dma_semaphore, #tpu.memory_space<semaphore_mem>>)
      %dma_wait3A_2341 = arith.constant 0 : i32
      %dma_wait3A_2342 = tpu.memref_slice %arg20[%add3A_4, %dma_wait3A_2341] : memref<4224x128xf32, #tpu.memory_space<vmem_shared>> -> memref<64x128xf32, #tpu.memory_space<vmem_shared>>
      %dma_wait3A_2343 = arith.constant 0 : i32
      %dma_wait3A_2344 = tpu.memref_slice %arg20[%add3A_4, %dma_wait3A_2343] : memref<4224x128xf32, #tpu.memory_space<vmem_shared>> -> memref<64x128xf32, #tpu.memory_space<vmem_shared>>
      tpu.wait_dma2 semaphore(%run_scoped3A : memref<!tpu.dma_semaphore, #tpu.memory_space<semaphore_mem>>) src(%arg15 : memref<64x128xf32, #tpu.memory_space<vmem>>) dst(%dma_wait3A_2344 : memref<64x128xf32, #tpu.memory_space<vmem_shared>>)
      tpu.yield
    }) : () -> ()
    %add3A_5 = arith.constant 64 : i32
    %add3A_6 = arith.addi %mul3A_2, %add3A_5 : i32
    "tpu.region"() ({
      %run_scoped3A = tpu.sem_alloc : memref<!tpu.dma_semaphore, #tpu.memory_space<semaphore_mem>>
      %dma_start3A_2337 = arith.constant 0 : i32
      %dma_start3A_2338 = tpu.memref_slice %arg20[%add3A_6, %dma_start3A_2337] : memref<4224x128xf32, #tpu.memory_space<vmem_shared>> -> memref<64x128xf32, #tpu.memory_space<vmem_shared>>
      %dma_start3A_2339 = arith.constant 0 : i32
      %dma_start3A_2340 = tpu.memref_slice %arg20[%add3A_6, %dma_start3A_2339] : memref<4224x128xf32, #tpu.memory_space<vmem_shared>> -> memref<64x128xf32, #tpu.memory_space<vmem_shared>>
      tpu.enqueue_dma source(%arg15 : memref<64x128xf32, #tpu.memory_space<vmem>>) target(%dma_start3A_2340 : memref<64x128xf32, #tpu.memory_space<vmem_shared>>) target_semaphore(%run_scoped3A : memref<!tpu.dma_semaphore, #tpu.memory_space<semaphore_mem>>)
      %dma_wait3A_2341 = arith.constant 0 : i32
      %dma_wait3A_2342 = tpu.memref_slice %arg20[%add3A_6, %dma_wait3A_2341] : memref<4224x128xf32, #tpu.memory_space<vmem_shared>> -> memref<64x128xf32, #tpu.memory_space<vmem_shared>>
      %dma_wait3A_2343 = arith.constant 0 : i32
      %dma_wait3A_2344 = tpu.memref_slice %arg20[%add3A_6, %dma_wait3A_2343] : memref<4224x128xf32, #tpu.memory_space<vmem_shared>> -> memref<64x128xf32, #tpu.memory_space<vmem_shared>>
      tpu.wait_dma2 semaphore(%run_scoped3A : memref<!tpu.dma_semaphore, #tpu.memory_space<semaphore_mem>>) src(%arg15 : memref<64x128xf32, #tpu.memory_space<vmem>>) dst(%dma_wait3A_2344 : memref<64x128xf32, #tpu.memory_space<vmem_shared>>)
      tpu.yield
    }) : () -> ()
    %add3A_7 = arith.constant 128 : i32
    %add3A_8 = arith.addi %mul3A_2, %add3A_7 : i32
    "tpu.region"() ({
      %run_scoped3A = tpu.sem_alloc : memref<!tpu.dma_semaphore, #tpu.memory_space<semaphore_mem>>
      %dma_start3A_2337 = arith.constant 0 : i32
      %dma_start3A_2338 = tpu.memref_slice %arg20[%add3A_8, %dma_start3A_2337] : memref<4224x128xf32, #tpu.memory_space<vmem_shared>> -> memref<64x128xf32, #tpu.memory_space<vmem_shared>>
      %dma_start3A_2339 = arith.constant 0 : i32
      %dma_start3A_2340 = tpu.memref_slice %arg20[%add3A_8, %dma_start3A_2339] : memref<4224x128xf32, #tpu.memory_space<vmem_shared>> -> memref<64x128xf32, #tpu.memory_space<vmem_shared>>
      tpu.enqueue_dma source(%arg15 : memref<64x128xf32, #tpu.memory_space<vmem>>) target(%dma_start3A_2340 : memref<64x128xf32, #tpu.memory_space<vmem_shared>>) target_semaphore(%run_scoped3A : memref<!tpu.dma_semaphore, #tpu.memory_space<semaphore_mem>>)
      %dma_wait3A_2341 = arith.constant 0 : i32
      %dma_wait3A_2342 = tpu.memref_slice %arg20[%add3A_8, %dma_wait3A_2341] : memref<4224x128xf32, #tpu.memory_space<vmem_shared>> -> memref<64x128xf32, #tpu.memory_space<vmem_shared>>
      %dma_wait3A_2343 = arith.constant 0 : i32
      %dma_wait3A_2344 = tpu.memref_slice %arg20[%add3A_8, %dma_wait3A_2343] : memref<4224x128xf32, #tpu.memory_space<vmem_shared>> -> memref<64x128xf32, #tpu.memory_space<vmem_shared>>
      tpu.wait_dma2 semaphore(%run_scoped3A : memref<!tpu.dma_semaphore, #tpu.memory_space<semaphore_mem>>) src(%arg15 : memref<64x128xf32, #tpu.memory_space<vmem>>) dst(%dma_wait3A_2344 : memref<64x128xf32, #tpu.memory_space<vmem_shared>>)
      tpu.yield
    }) : () -> ()
    %add3A_9 = arith.constant 192 : i32
    %add3A_10 = arith.addi %mul3A_2, %add3A_9 : i32
    "tpu.region"() ({
      %run_scoped3A = tpu.sem_alloc : memref<!tpu.dma_semaphore, #tpu.memory_space<semaphore_mem>>
      %dma_start3A_2337 = arith.constant 0 : i32
      %dma_start3A_2338 = tpu.memref_slice %arg20[%add3A_10, %dma_start3A_2337] : memref<4224x128xf32, #tpu.memory_space<vmem_shared>> -> memref<64x128xf32, #tpu.memory_space<vmem_shared>>
      %dma_start3A_2339 = arith.constant 0 : i32
      %dma_start3A_2340 = tpu.memref_slice %arg20[%add3A_10, %dma_start3A_2339] : memref<4224x128xf32, #tpu.memory_space<vmem_shared>> -> memref<64x128xf32, #tpu.memory_space<vmem_shared>>
      tpu.enqueue_dma source(%arg15 : memref<64x128xf32, #tpu.memory_space<vmem>>) target(%dma_start3A_2340 : memref<64x128xf32, #tpu.memory_space<vmem_shared>>) target_semaphore(%run_scoped3A : memref<!tpu.dma_semaphore, #tpu.memory_space<semaphore_mem>>)
      %dma_wait3A_2341 = arith.constant 0 : i32
      %dma_wait3A_2342 = tpu.memref_slice %arg20[%add3A_10, %dma_wait3A_2341] : memref<4224x128xf32, #tpu.memory_space<vmem_shared>> -> memref<64x128xf32, #tpu.memory_space<vmem_shared>>
      %dma_wait3A_2343 = arith.constant 0 : i32
      %dma_wait3A_2344 = tpu.memref_slice %arg20[%add3A_10, %dma_wait3A_2343] : memref<4224x128xf32, #tpu.memory_space<vmem_shared>> -> memref<64x128xf32, #tpu.memory_space<vmem_shared>>
      tpu.wait_dma2 semaphore(%run_scoped3A : memref<!tpu.dma_semaphore, #tpu.memory_space<semaphore_mem>>) src(%arg15 : memref<64x128xf32, #tpu.memory_space<vmem>>) dst(%dma_wait3A_2344 : memref<64x128xf32, #tpu.memory_space<vmem_shared>>)
      tpu.yield
    }) : () -> ()
    %add3A_11 = arith.constant 256 : i32
    %add3A_12 = arith.addi %mul3A_2, %add3A_11 : i32
    "tpu.region"() ({
      %run_scoped3A = tpu.sem_alloc : memref<!tpu.dma_semaphore, #tpu.memory_space<semaphore_mem>>
      %dma_start3A_2337 = arith.constant 0 : i32
      %dma_start3A_2338 = arith.constant 0 : i32
      %dma_start3A_2339 = tpu.memref_slice %arg15[%dma_start3A_2337, %dma_start3A_2338] : memref<64x128xf32, #tpu.memory_space<vmem>> -> memref<8x128xf32, #tpu.memory_space<vmem>>
      %dma_start3A_2340 = arith.constant 0 : i32
      %dma_start3A_2341 = tpu.memref_slice %arg20[%add3A_12, %dma_start3A_2340] : memref<4224x128xf32, #tpu.memory_space<vmem_shared>> -> memref<8x128xf32, #tpu.memory_space<vmem_shared>>
      %dma_start3A_2342 = arith.constant 0 : i32
      %dma_start3A_2343 = tpu.memref_slice %arg20[%add3A_12, %dma_start3A_2342] : memref<4224x128xf32, #tpu.memory_space<vmem_shared>> -> memref<8x128xf32, #tpu.memory_space<vmem_shared>>
      %dma_start3A_2344 = arith.constant 0 : i32
      %dma_start3A_2345 = arith.constant 0 : i32
      %dma_start3A_2346 = tpu.memref_slice %arg15[%dma_start3A_2344, %dma_start3A_2345] : memref<64x128xf32, #tpu.memory_space<vmem>> -> memref<8x128xf32, #tpu.memory_space<vmem>>
      tpu.enqueue_dma source(%dma_start3A_2346 : memref<8x128xf32, #tpu.memory_space<vmem>>) target(%dma_start3A_2343 : memref<8x128xf32, #tpu.memory_space<vmem_shared>>) target_semaphore(%run_scoped3A : memref<!tpu.dma_semaphore, #tpu.memory_space<semaphore_mem>>)
      %dma_wait3A_2347 = arith.constant 0 : i32
      %dma_wait3A_2348 = arith.constant 0 : i32
      %dma_wait3A_2349 = tpu.memref_slice %arg15[%dma_wait3A_2347, %dma_wait3A_2348] : memref<64x128xf32, #tpu.memory_space<vmem>> -> memref<8x128xf32, #tpu.memory_space<vmem>>
      %dma_wait3A_2350 = arith.constant 0 : i32
      %dma_wait3A_2351 = tpu.memref_slice %arg20[%add3A_12, %dma_wait3A_2350] : memref<4224x128xf32, #tpu.memory_space<vmem_shared>> -> memref<8x128xf32, #tpu.memory_space<vmem_shared>>
      %dma_wait3A_2352 = arith.constant 0 : i32
      %dma_wait3A_2353 = tpu.memref_slice %arg20[%add3A_12, %dma_wait3A_2352] : memref<4224x128xf32, #tpu.memory_space<vmem_shared>> -> memref<8x128xf32, #tpu.memory_space<vmem_shared>>
      %dma_wait3A_2354 = arith.constant 0 : i32
      %dma_wait3A_2355 = arith.constant 0 : i32
      %dma_wait3A_2356 = tpu.memref_slice %arg15[%dma_wait3A_2354, %dma_wait3A_2355] : memref<64x128xf32, #tpu.memory_space<vmem>> -> memref<8x128xf32, #tpu.memory_space<vmem>>
      tpu.wait_dma2 semaphore(%run_scoped3A : memref<!tpu.dma_semaphore, #tpu.memory_space<semaphore_mem>>) src(%dma_wait3A_2356 : memref<8x128xf32, #tpu.memory_space<vmem>>) dst(%dma_wait3A_2353 : memref<8x128xf32, #tpu.memory_space<vmem_shared>>)
      tpu.yield
    }) : () -> ()
    %iota3A = tpu.iota {dimensions = array<i32: 0>} : vector<16xi32>
    %broadcast_in_dim3A = arith.constant 0 : i32
    %broadcast_in_dim3A_13 = vector.broadcast %broadcast_in_dim3A : i32 to vector<16xi32>
    %scan3A = arith.constant 0 : i32
    %scan3A_14 = arith.constant 640 : i32
    %scan3A_15 = arith.addi %scan3A, %scan3A_14 : i32
    %scan3A_16 = arith.constant 1 : i32
    %scan3A_17 = scf.for %scan3A_2337 = %scan3A to %scan3A_15 step %scan3A_16 iter_args(%scan3A_2338 = %broadcast_in_dim3A_13) -> (vector<16xi32>)  : i32 {
      %shift_right_logical3A_2339 = arith.constant 3 : i32
      %shift_right_logical3A_2340 = arith.shrui %scan3A_2337, %shift_right_logical3A_2339 : i32
      %and3A_2341 = arith.constant 7 : i32
      %and3A_2342 = arith.andi %scan3A_2337, %and3A_2341 : i32
      %mul3A_2343 = arith.constant 16 : i32
      %mul3A_2344 = arith.muli %and3A_2342, %mul3A_2343 : i32
      %get3A_2345 = arith.index_cast %shift_right_logical3A_2340 : i32 to index
      %get3A_2346 = arith.index_cast %mul3A_2344 : i32 to index
      %get3A_2347 = tpu.vector_load %arg9[%get3A_2345, %get3A_2346] {strides = array<i32>} : memref<80x128xi32, #tpu.memory_space<vmem>>, vector<1x16xi32>,
      %get3A_2348 = vector.shape_cast %get3A_2347 : vector<1x16xi32> to vector<16xi32>
      %sub3A_2349 = arith.constant 4096 : i32
      %sub3A_2350 = vector.broadcast %sub3A_2349 : i32 to vector<16xi32>
      %sub3A_2351 = arith.subi %get3A_2348, %sub3A_2350 : vector<16xi32>
      %shift_right_logical3A_2352 = arith.constant 31 : i32
      %shift_right_logical3A_2353 = vector.broadcast %shift_right_logical3A_2352 : i32 to vector<16xi32>
      %shift_right_logical3A_2354 = arith.shrui %sub3A_2351, %shift_right_logical3A_2353 : vector<16xi32>
      %mul3A_2355 = arith.constant 16 : i32
      %mul3A_2356 = arith.muli %scan3A_2337, %mul3A_2355 : i32
      %swap3A_2357 = arith.index_cast %mul3A_2356 : i32 to index
      %swap3A_2358 = tpu.vector_load %arg10[%swap3A_2357] {strides = array<i32>} : memref<10240xi32, #tpu.memory_space<vmem>>, vector<16xi32>,
      %swap3A_2359 = vector.shape_cast %swap3A_2358 : vector<16xi32> to vector<16xi32>
      %swap3A_2360 = vector.shape_cast %scan3A_2338 : vector<16xi32> to vector<16xi32>
      tpu.vector_store %arg10[%swap3A_2357], %swap3A_2360 {strides = array<i32>} : memref<10240xi32, #tpu.memory_space<vmem>>, vector<16xi32>,
      %add3A_2361 = arith.addi %scan3A_2338, %shift_right_logical3A_2354 : vector<16xi32>
      scf.yield %add3A_2361 : vector<16xi32>
    }
    %scan3A_18 = arith.constant 640 : i32
    %mul3A_19 = arith.constant 0 : i32
    %mul3A_20 = vector.broadcast %mul3A_19 : i32 to vector<16xi32>
    %mul3A_21 = arith.muli %iota3A, %mul3A_20 : vector<16xi32>
    %swap3A = arith.constant 0 : index
    %swap3A_22 = tpu.vector_load %arg17[%swap3A] {strides = array<i32>} : memref<32xi32, #tpu.memory_space<vmem>>, vector<16xi32>,
    %swap3A_23 = vector.shape_cast %swap3A_22 : vector<16xi32> to vector<16xi32>
    %swap3A_24 = vector.shape_cast %mul3A_21 : vector<16xi32> to vector<16xi32>
    tpu.vector_store %arg17[%swap3A], %swap3A_24 {strides = array<i32>} : memref<32xi32, #tpu.memory_space<vmem>>, vector<16xi32>,
    %swap3A_25 = arith.constant 16 : index
    %swap3A_26 = tpu.vector_load %arg17[%swap3A_25] {strides = array<i32>} : memref<32xi32, #tpu.memory_space<vmem>>, vector<16xi32>,
    %swap3A_27 = vector.shape_cast %swap3A_26 : vector<16xi32> to vector<16xi32>
    %swap3A_28 = vector.shape_cast %scan3A_17 : vector<16xi32> to vector<16xi32>
    tpu.vector_store %arg17[%swap3A_25], %swap3A_28 {strides = array<i32>} : memref<32xi32, #tpu.memory_space<vmem>>, vector<16xi32>,
    %get3A = arith.constant 15 : index
    %get3A_29 = tpu.vector_load %arg17[%get3A] {strides = array<i32>} : memref<32xi32, #tpu.memory_space<vmem>>, vector<16xi32>,
    %get3A_30 = vector.shape_cast %get3A_29 : vector<16xi32> to vector<16xi32>
    %add3A_31 = arith.addi %scan3A_17, %get3A_30 : vector<16xi32>
    %swap3A_32 = arith.constant 16 : index
    %swap3A_33 = tpu.vector_load %arg17[%swap3A_32] {strides = array<i32>} : memref<32xi32, #tpu.memory_space<vmem>>, vector<16xi32>,
    %swap3A_34 = vector.shape_cast %swap3A_33 : vector<16xi32> to vector<16xi32>
    %swap3A_35 = vector.shape_cast %add3A_31 : vector<16xi32> to vector<16xi32>
    tpu.vector_store %arg17[%swap3A_32], %swap3A_35 {strides = array<i32>} : memref<32xi32, #tpu.memory_space<vmem>>, vector<16xi32>,
    %get3A_36 = arith.constant 14 : index
    %get3A_37 = tpu.vector_load %arg17[%get3A_36] {strides = array<i32>} : memref<32xi32, #tpu.memory_space<vmem>>, vector<16xi32>,
    %get3A_38 = vector.shape_cast %get3A_37 : vector<16xi32> to vector<16xi32>
    %add3A_39 = arith.addi %add3A_31, %get3A_38 : vector<16xi32>
    %swap3A_40 = arith.constant 16 : index
    %swap3A_41 = tpu.vector_load %arg17[%swap3A_40] {strides = array<i32>} : memref<32xi32, #tpu.memory_space<vmem>>, vector<16xi32>,
    %swap3A_42 = vector.shape_cast %swap3A_41 : vector<16xi32> to vector<16xi32>
    %swap3A_43 = vector.shape_cast %add3A_39 : vector<16xi32> to vector<16xi32>
    tpu.vector_store %arg17[%swap3A_40], %swap3A_43 {strides = array<i32>} : memref<32xi32, #tpu.memory_space<vmem>>, vector<16xi32>,
    %get3A_44 = arith.constant 12 : index
    %get3A_45 = tpu.vector_load %arg17[%get3A_44] {strides = array<i32>} : memref<32xi32, #tpu.memory_space<vmem>>, vector<16xi32>,
    %get3A_46 = vector.shape_cast %get3A_45 : vector<16xi32> to vector<16xi32>
    %add3A_47 = arith.addi %add3A_39, %get3A_46 : vector<16xi32>
    %swap3A_48 = arith.constant 16 : index
    %swap3A_49 = tpu.vector_load %arg17[%swap3A_48] {strides = array<i32>} : memref<32xi32, #tpu.memory_space<vmem>>, vector<16xi32>,
    %swap3A_50 = vector.shape_cast %swap3A_49 : vector<16xi32> to vector<16xi32>
    %swap3A_51 = vector.shape_cast %add3A_47 : vector<16xi32> to vector<16xi32>
    tpu.vector_store %arg17[%swap3A_48], %swap3A_51 {strides = array<i32>} : memref<32xi32, #tpu.memory_space<vmem>>, vector<16xi32>,
    %get3A_52 = arith.constant 8 : index
    %get3A_53 = tpu.vector_load %arg17[%get3A_52] {strides = array<i32>} : memref<32xi32, #tpu.memory_space<vmem>>, vector<16xi32>,
    %get3A_54 = vector.shape_cast %get3A_53 : vector<16xi32> to vector<16xi32>
    %add3A_55 = arith.addi %add3A_47, %get3A_54 : vector<16xi32>
    %sub3A = arith.subi %add3A_55, %scan3A_17 : vector<16xi32>
    %mul3A_56 = arith.constant 10880 : i32
    %mul3A_57 = arith.muli %arg1, %mul3A_56 : i32
    %add3A_58 = vector.broadcast %mul3A_57 : i32 to vector<16xi32>
    %add3A_59 = arith.addi %sub3A, %add3A_58 : vector<16xi32>
    %swap3A_60 = arith.constant 16 : index
    %swap3A_61 = tpu.vector_load %arg17[%swap3A_60] {strides = array<i32>} : memref<32xi32, #tpu.memory_space<vmem>>, vector<16xi32>,
    %swap3A_62 = vector.shape_cast %swap3A_61 : vector<16xi32> to vector<16xi32>
    %swap3A_63 = vector.shape_cast %add3A_55 : vector<16xi32> to vector<16xi32>
    tpu.vector_store %arg17[%swap3A_60], %swap3A_63 {strides = array<i32>} : memref<32xi32, #tpu.memory_space<vmem>>, vector<16xi32>,
    %get3A_64 = arith.constant 16 : index
    %get3A_65 = tpu.vector_load %arg17[%get3A_64] {strides = array<i32>} : memref<32xi32, #tpu.memory_space<vmem>>, vector<16xi32>,
    %get3A_66 = vector.shape_cast %get3A_65 : vector<16xi32> to vector<16xi32>
    %slice3A = vector.extract_strided_slice %get3A_66 {offsets = [15], sizes = [1], strides = [1]} : vector<16xi32> to vector<1xi32>
    %squeeze3A = vector.extract %slice3A[0] : i32 from vector<1xi32>
    %scan3A_67 = arith.constant 0 : i32
    %scan3A_68 = arith.constant 640 : i32
    %scan3A_69 = arith.addi %scan3A_67, %scan3A_68 : i32
    %scan3A_70 = arith.constant 1 : i32
    scf.for %scan3A_2337 = %scan3A_67 to %scan3A_69 step %scan3A_70  : i32 {
      %shift_right_logical3A_2338 = arith.constant 3 : i32
      %shift_right_logical3A_2339 = arith.shrui %scan3A_2337, %shift_right_logical3A_2338 : i32
      %and3A_2340 = arith.constant 7 : i32
      %and3A_2341 = arith.andi %scan3A_2337, %and3A_2340 : i32
      %mul3A_2342 = arith.constant 16 : i32
      %mul3A_2343 = arith.muli %and3A_2341, %mul3A_2342 : i32
      %get3A_2344 = arith.index_cast %shift_right_logical3A_2339 : i32 to index
      %get3A_2345 = arith.index_cast %mul3A_2343 : i32 to index
      %get3A_2346 = tpu.vector_load %arg9[%get3A_2344, %get3A_2345] {strides = array<i32>} : memref<80x128xi32, #tpu.memory_space<vmem>>, vector<1x16xi32>,
      %get3A_2347 = vector.shape_cast %get3A_2346 : vector<1x16xi32> to vector<16xi32>
      %get3A_2348 = arith.index_cast %shift_right_logical3A_2339 : i32 to index
      %get3A_2349 = arith.index_cast %mul3A_2343 : i32 to index
      %get3A_2350 = tpu.vector_load %arg8[%get3A_2348, %get3A_2349] {strides = array<i32>} : memref<80x128xi32, #tpu.memory_space<vmem>>, vector<1x16xi32>,
      %get3A_2351 = vector.shape_cast %get3A_2350 : vector<1x16xi32> to vector<16xi32>
      %sub3A_2352 = arith.constant 4096 : i32
      %sub3A_2353 = vector.broadcast %sub3A_2352 : i32 to vector<16xi32>
      %sub3A_2354 = arith.subi %get3A_2347, %sub3A_2353 : vector<16xi32>
      %shift_right_logical3A_2355 = arith.constant 31 : i32
      %shift_right_logical3A_2356 = vector.broadcast %shift_right_logical3A_2355 : i32 to vector<16xi32>
      %shift_right_logical3A_2357 = arith.shrui %sub3A_2354, %shift_right_logical3A_2356 : vector<16xi32>
      %mul3A_2358 = arith.constant 16 : i32
      %mul3A_2359 = arith.muli %scan3A_2337, %mul3A_2358 : i32
      %get3A_2360 = arith.index_cast %mul3A_2359 : i32 to index
      %get3A_2361 = tpu.vector_load %arg10[%get3A_2360] {strides = array<i32>} : memref<10240xi32, #tpu.memory_space<vmem>>, vector<16xi32>,
      %get3A_2362 = vector.shape_cast %get3A_2361 : vector<16xi32> to vector<16xi32>
      %mul3A_2363 = arith.constant 10880 : i32
      %mul3A_2364 = arith.muli %arg1, %mul3A_2363 : i32
      %add3A_2365 = arith.constant 10752 : i32
      %add3A_2366 = arith.addi %mul3A_2364, %add3A_2365 : i32
      %and3A_2367 = arith.constant 7 : i32
      %and3A_2368 = arith.andi %scan3A_2337, %and3A_2367 : i32
      %mul3A_2369 = arith.constant 16 : i32
      %mul3A_2370 = arith.muli %and3A_2368, %mul3A_2369 : i32
      %add3A_2371 = arith.addi %add3A_2366, %mul3A_2370 : i32
      %add3A_2372 = vector.broadcast %add3A_2371 : i32 to vector<16xi32>
      %add3A_2373 = arith.addi %add3A_2372, %iota3A : vector<16xi32>
      %add3A_2374 = arith.addi %add3A_59, %get3A_2362 : vector<16xi32>
      %mul3A_2375 = arith.muli %shift_right_logical3A_2357, %add3A_2374 : vector<16xi32>
      %sub3A_2376 = arith.constant 1 : i32
      %sub3A_2377 = vector.broadcast %sub3A_2376 : i32 to vector<16xi32>
      %sub3A_2378 = arith.subi %sub3A_2377, %shift_right_logical3A_2357 : vector<16xi32>
      %mul3A_2379 = arith.muli %sub3A_2378, %add3A_2373 : vector<16xi32>
      %add3A_2380 = arith.addi %mul3A_2375, %mul3A_2379 : vector<16xi32>
      %mul3A_2381 = arith.constant 16 : i32
      %mul3A_2382 = arith.muli %scan3A_2337, %mul3A_2381 : i32
      %swap3A_2383 = arith.index_cast %mul3A_2382 : i32 to index
      %swap3A_2384 = tpu.vector_load %arg10[%swap3A_2383] {strides = array<i32>} : memref<10240xi32, #tpu.memory_space<vmem>>, vector<16xi32>,
      %swap3A_2385 = vector.shape_cast %swap3A_2384 : vector<16xi32> to vector<16xi32>
      %swap3A_2386 = vector.shape_cast %add3A_2380 : vector<16xi32> to vector<16xi32>
      tpu.vector_store %arg10[%swap3A_2383], %swap3A_2386 {strides = array<i32>} : memref<10240xi32, #tpu.memory_space<vmem>>, vector<16xi32>,
      %mul3A_2387 = arith.constant 16384 : i32
      %mul3A_2388 = vector.broadcast %mul3A_2387 : i32 to vector<16xi32>
      %mul3A_2389 = arith.muli %get3A_2347, %mul3A_2388 : vector<16xi32>
      %add3A_2390 = arith.addi %mul3A_2389, %get3A_2351 : vector<16xi32>
      %mul3A_2391 = arith.constant 16 : i32
      %mul3A_2392 = arith.muli %scan3A_2337, %mul3A_2391 : i32
      %swap3A_2393 = arith.index_cast %mul3A_2392 : i32 to index
      %swap3A_2394 = tpu.vector_load %arg11[%swap3A_2393] {strides = array<i32>} : memref<10752xi32, #tpu.memory_space<vmem>>, vector<16xi32>,
      %swap3A_2395 = vector.shape_cast %swap3A_2394 : vector<16xi32> to vector<16xi32>
      %swap3A_2396 = vector.shape_cast %add3A_2390 : vector<16xi32> to vector<16xi32>
      tpu.vector_store %arg11[%swap3A_2393], %swap3A_2396 {strides = array<i32>} : memref<10752xi32, #tpu.memory_space<vmem>>, vector<16xi32>,
    }
    %scan3A_71 = arith.constant 640 : i32
    %mul3A_72 = arith.constant 10880 : i32
    %mul3A_73 = arith.muli %arg1, %mul3A_72 : i32
    "tpu.region"() ({
      %run_scoped3A = tpu.sem_alloc : memref<!tpu.dma_semaphore, #tpu.memory_space<semaphore_mem>>
      %dma_start3A_2337 = tpu.memref_slice %arg19[%mul3A_73] : memref<174080xi32, #tpu.memory_space<vmem_shared>> -> memref<10240xi32, #tpu.memory_space<vmem_shared>>
      %dma_start3A_2338 = tpu.memref_slice %arg19[%mul3A_73] : memref<174080xi32, #tpu.memory_space<vmem_shared>> -> memref<10240xi32, #tpu.memory_space<vmem_shared>>
      tpu.enqueue_dma source(%arg10 : memref<10240xi32, #tpu.memory_space<vmem>>) target(%dma_start3A_2338 : memref<10240xi32, #tpu.memory_space<vmem_shared>>) target_semaphore(%run_scoped3A : memref<!tpu.dma_semaphore, #tpu.memory_space<semaphore_mem>>)
      %dma_wait3A_2339 = tpu.memref_slice %arg19[%mul3A_73] : memref<174080xi32, #tpu.memory_space<vmem_shared>> -> memref<10240xi32, #tpu.memory_space<vmem_shared>>
      %dma_wait3A_2340 = tpu.memref_slice %arg19[%mul3A_73] : memref<174080xi32, #tpu.memory_space<vmem_shared>> -> memref<10240xi32, #tpu.memory_space<vmem_shared>>
      tpu.wait_dma2 semaphore(%run_scoped3A : memref<!tpu.dma_semaphore, #tpu.memory_space<semaphore_mem>>) src(%arg10 : memref<10240xi32, #tpu.memory_space<vmem>>) dst(%dma_wait3A_2340 : memref<10240xi32, #tpu.memory_space<vmem_shared>>)
      tpu.yield
    }) : () -> ()
    %mul3A_74 = arith.constant 10880 : i32
    %mul3A_75 = arith.muli %arg1, %mul3A_74 : i32
    "tpu.region"() ({
      %run_scoped3A = tpu.sem_alloc : memref<!tpu.dma_semaphore, #tpu.memory_space<semaphore_mem>>
      %dma_start3A_2337 = tpu.memref_slice %arg19[%mul3A_75] : memref<174080xi32, #tpu.memory_space<vmem_shared>> -> memref<10240xi32, #tpu.memory_space<vmem_shared>>
      %dma_start3A_2338 = tpu.memref_slice %arg19[%mul3A_75] : memref<174080xi32, #tpu.memory_space<vmem_shared>> -> memref<10240xi32, #tpu.memory_space<vmem_shared>>
      tpu.enqueue_dma source(%dma_start3A_2338 : memref<10240xi32, #tpu.memory_space<vmem_shared>>) target(%arg10 : memref<10240xi32, #tpu.memory_space<vmem>>) target_semaphore(%run_scoped3A : memref<!tpu.dma_semaphore, #tpu.memory_space<semaphore_mem>>)
      %dma_wait3A_2339 = tpu.memref_slice %arg19[%mul3A_75] : memref<174080xi32, #tpu.memory_space<vmem_shared>> -> memref<10240xi32, #tpu.memory_space<vmem_shared>>
      %dma_wait3A_2340 = tpu.memref_slice %arg19[%mul3A_75] : memref<174080xi32, #tpu.memory_space<vmem_shared>> -> memref<10240xi32, #tpu.memory_space<vmem_shared>>
      tpu.wait_dma2 semaphore(%run_scoped3A : memref<!tpu.dma_semaphore, #tpu.memory_space<semaphore_mem>>) src(%dma_wait3A_2340 : memref<10240xi32, #tpu.memory_space<vmem_shared>>) dst(%arg10 : memref<10240xi32, #tpu.memory_space<vmem>>)
      tpu.yield
    }) : () -> ()
    %mul3A_76 = arith.constant 10880 : i32
    %mul3A_77 = arith.muli %arg1, %mul3A_76 : i32
    "tpu.region"() ({
      %run_scoped3A = tpu.sem_alloc : memref<!tpu.dma_semaphore, #tpu.memory_space<semaphore_mem>>
      %dma_start3A_2337 = arith.constant 0 : i32
      %dma_start3A_2338 = tpu.memref_slice %arg11[%dma_start3A_2337] : memref<10752xi32, #tpu.memory_space<vmem>> -> memref<10240xi32, #tpu.memory_space<vmem>>
      %dma_start3A_2339 = tpu.memref_slice %arg19[%mul3A_77] : memref<174080xi32, #tpu.memory_space<vmem_shared>> -> memref<10240xi32, #tpu.memory_space<vmem_shared>>
      %dma_start3A_2340 = tpu.memref_slice %arg19[%mul3A_77] : memref<174080xi32, #tpu.memory_space<vmem_shared>> -> memref<10240xi32, #tpu.memory_space<vmem_shared>>
      %dma_start3A_2341 = arith.constant 0 : i32
      %dma_start3A_2342 = tpu.memref_slice %arg11[%dma_start3A_2341] : memref<10752xi32, #tpu.memory_space<vmem>> -> memref<10240xi32, #tpu.memory_space<vmem>>
      tpu.enqueue_dma source(%dma_start3A_2342 : memref<10240xi32, #tpu.memory_space<vmem>>) target(%dma_start3A_2340 : memref<10240xi32, #tpu.memory_space<vmem_shared>>) target_semaphore(%run_scoped3A : memref<!tpu.dma_semaphore, #tpu.memory_space<semaphore_mem>>)
      %dma_wait3A_2343 = arith.constant 0 : i32
      %dma_wait3A_2344 = tpu.memref_slice %arg11[%dma_wait3A_2343] : memref<10752xi32, #tpu.memory_space<vmem>> -> memref<10240xi32, #tpu.memory_space<vmem>>
      %dma_wait3A_2345 = tpu.memref_slice %arg19[%mul3A_77] : memref<174080xi32, #tpu.memory_space<vmem_shared>> -> memref<10240xi32, #tpu.memory_space<vmem_shared>>
      %dma_wait3A_2346 = tpu.memref_slice %arg19[%mul3A_77] : memref<174080xi32, #tpu.memory_space<vmem_shared>> -> memref<10240xi32, #tpu.memory_space<vmem_shared>>
      %dma_wait3A_2347 = arith.constant 0 : i32
      %dma_wait3A_2348 = tpu.memref_slice %arg11[%dma_wait3A_2347] : memref<10752xi32, #tpu.memory_space<vmem>> -> memref<10240xi32, #tpu.memory_space<vmem>>
      tpu.wait_dma2 semaphore(%run_scoped3A : memref<!tpu.dma_semaphore, #tpu.memory_space<semaphore_mem>>) src(%dma_wait3A_2348 : memref<10240xi32, #tpu.memory_space<vmem>>) dst(%dma_wait3A_2346 : memref<10240xi32, #tpu.memory_space<vmem_shared>>)
      tpu.yield
    }) : () -> ()
    %mul3A_78 = arith.constant 10880 : i32
    %mul3A_79 = arith.muli %arg1, %mul3A_78 : i32
    "tpu.region"() ({
      %run_scoped3A = tpu.sem_alloc : memref<!tpu.dma_semaphore, #tpu.memory_space<semaphore_mem>>
      %dma_start3A_2337 = arith.constant 0 : i32
      %dma_start3A_2338 = tpu.memref_slice %arg11[%dma_start3A_2337] : memref<10752xi32, #tpu.memory_space<vmem>> -> memref<10240xi32, #tpu.memory_space<vmem>>
      %dma_start3A_2339 = tpu.memref_slice %arg19[%mul3A_79] : memref<174080xi32, #tpu.memory_space<vmem_shared>> -> memref<10240xi32, #tpu.memory_space<vmem_shared>>
      %dma_start3A_2340 = arith.constant 0 : i32
      %dma_start3A_2341 = tpu.memref_slice %arg11[%dma_start3A_2340] : memref<10752xi32, #tpu.memory_space<vmem>> -> memref<10240xi32, #tpu.memory_space<vmem>>
      %dma_start3A_2342 = tpu.memref_slice %arg19[%mul3A_79] : memref<174080xi32, #tpu.memory_space<vmem_shared>> -> memref<10240xi32, #tpu.memory_space<vmem_shared>>
      tpu.enqueue_dma source(%dma_start3A_2342 : memref<10240xi32, #tpu.memory_space<vmem_shared>>) target(%dma_start3A_2341 : memref<10240xi32, #tpu.memory_space<vmem>>) target_semaphore(%run_scoped3A : memref<!tpu.dma_semaphore, #tpu.memory_space<semaphore_mem>>)
      %dma_wait3A_2343 = arith.constant 0 : i32
      %dma_wait3A_2344 = tpu.memref_slice %arg11[%dma_wait3A_2343] : memref<10752xi32, #tpu.memory_space<vmem>> -> memref<10240xi32, #tpu.memory_space<vmem>>
      %dma_wait3A_2345 = tpu.memref_slice %arg19[%mul3A_79] : memref<174080xi32, #tpu.memory_space<vmem_shared>> -> memref<10240xi32, #tpu.memory_space<vmem_shared>>
      %dma_wait3A_2346 = arith.constant 0 : i32
      %dma_wait3A_2347 = tpu.memref_slice %arg11[%dma_wait3A_2346] : memref<10752xi32, #tpu.memory_space<vmem>> -> memref<10240xi32, #tpu.memory_space<vmem>>
      %dma_wait3A_2348 = tpu.memref_slice %arg19[%mul3A_79] : memref<174080xi32, #tpu.memory_space<vmem_shared>> -> memref<10240xi32, #tpu.memory_space<vmem_shared>>
      tpu.wait_dma2 semaphore(%run_scoped3A : memref<!tpu.dma_semaphore, #tpu.memory_space<semaphore_mem>>) src(%dma_wait3A_2348 : memref<10240xi32, #tpu.memory_space<vmem_shared>>) dst(%dma_wait3A_2347 : memref<10240xi32, #tpu.memory_space<vmem>>)
      tpu.yield
    }) : () -> ()
    "tpu.region"() ({
      %run_scoped3A = tpu.sem_alloc : memref<!tpu.dma_semaphore, #tpu.memory_space<semaphore_mem>>
      tpu.enqueue_dma source(%arg6 : memref<2176xi32, #tpu.memory_space<hbm>>) target(%arg14 : memref<2176xi32, #tpu.memory_space<vmem>>) target_semaphore(%run_scoped3A : memref<!tpu.dma_semaphore, #tpu.memory_space<semaphore_mem>>)
      tpu.wait_dma2 semaphore(%run_scoped3A : memref<!tpu.dma_semaphore, #tpu.memory_space<semaphore_mem>>) src(%arg6 : memref<2176xi32, #tpu.memory_space<hbm>>) dst(%arg14 : memref<2176xi32, #tpu.memory_space<vmem>>)
      tpu.yield
    }) : () -> ()
    %scan3A_80 = arith.constant 0 : i32
    %scan3A_81 = arith.constant 5 : i32
    %scan3A_82 = arith.addi %scan3A_80, %scan3A_81 : i32
    %scan3A_83 = arith.constant 1 : i32
    scf.for %scan3A_2337 = %scan3A_80 to %scan3A_82 step %scan3A_83  : i32 {
      %mul3A_2338 = arith.constant 10880 : i32
      %mul3A_2339 = arith.muli %arg1, %mul3A_2338 : i32
      %mul3A_2340 = arith.constant 2176 : i32
      %mul3A_2341 = arith.muli %scan3A_2337, %mul3A_2340 : i32
      %add3A_2342 = arith.addi %mul3A_2339, %mul3A_2341 : i32
      "tpu.region"() ({
        %run_scoped3A = tpu.sem_alloc : memref<!tpu.dma_semaphore, #tpu.memory_space<semaphore_mem>>
        %dma_start3A_2343 = tpu.memref_slice %arg19[%add3A_2342] : memref<174080xi32, #tpu.memory_space<vmem_shared>> -> memref<2176xi32, #tpu.memory_space<vmem_shared>>
        %dma_start3A_2344 = tpu.memref_slice %arg19[%add3A_2342] : memref<174080xi32, #tpu.memory_space<vmem_shared>> -> memref<2176xi32, #tpu.memory_space<vmem_shared>>
        tpu.enqueue_dma source(%arg14 : memref<2176xi32, #tpu.memory_space<vmem>>) target(%dma_start3A_2344 : memref<2176xi32, #tpu.memory_space<vmem_shared>>) target_semaphore(%run_scoped3A : memref<!tpu.dma_semaphore, #tpu.memory_space<semaphore_mem>>)
        %dma_wait3A_2345 = tpu.memref_slice %arg19[%add3A_2342] : memref<174080xi32, #tpu.memory_space<vmem_shared>> -> memref<2176xi32, #tpu.memory_space<vmem_shared>>
        %dma_wait3A_2346 = tpu.memref_slice %arg19[%add3A_2342] : memref<174080xi32, #tpu.memory_space<vmem_shared>> -> memref<2176xi32, #tpu.memory_space<vmem_shared>>
        tpu.wait_dma2 semaphore(%run_scoped3A : memref<!tpu.dma_semaphore, #tpu.memory_space<semaphore_mem>>) src(%arg14 : memref<2176xi32, #tpu.memory_space<vmem>>) dst(%dma_wait3A_2346 : memref<2176xi32, #tpu.memory_space<vmem_shared>>)
        tpu.yield
      }) : () -> ()
    }
    %scan3A_84 = arith.constant 5 : i32
    %scan3A_85 = arith.constant 0 : i32
    %scan3A_86 = arith.constant 80 : i32
    %scan3A_87 = arith.addi %scan3A_85, %scan3A_86 : i32
    %scan3A_88 = arith.constant 1 : i32
    scf.for %scan3A_2337 = %scan3A_85 to %scan3A_87 step %scan3A_88  : i32 {
      %mul3A_2338 = arith.constant 128 : i32
      %mul3A_2339 = arith.muli %scan3A_2337, %mul3A_2338 : i32
      "tpu.region"() ({
        %run_scoped3A = tpu.sem_alloc : memref<!tpu.dma_semaphore, #tpu.memory_space<semaphore_mem>>
        %dma_start3A_2340 = tpu.memref_slice %arg11[%mul3A_2339] : memref<10752xi32, #tpu.memory_space<vmem>> -> memref<128xi32, #tpu.memory_space<vmem>>
        %dma_start3A_2341 = tpu.memref_slice %arg10[%mul3A_2339] : memref<10240xi32, #tpu.memory_space<vmem>> -> memref<128xi32, #tpu.memory_space<vmem>>
        %dma_start3A_2342 = arith.constant 0 : i32
        %dma_start3A_2343 = tpu.memref_slice %arg19[%dma_start3A_2342] : memref<174080xi32, #tpu.memory_space<vmem_shared>> -> memref<174080xi32, #tpu.memory_space<vmem_shared>>
        tpu.enqueue_indirect_dma source(%dma_start3A_2340 : memref<128xi32, #tpu.memory_space<vmem>>) target(%dma_start3A_2343 : memref<174080xi32, #tpu.memory_space<vmem_shared>>) offsets(%dma_start3A_2341 : memref<128xi32, #tpu.memory_space<vmem>>) semaphore(%run_scoped3A : memref<!tpu.dma_semaphore, #tpu.memory_space<semaphore_mem>>) {add = true}
        %dma_wait3A_2344 = tpu.memref_slice %arg11[%mul3A_2339] : memref<10752xi32, #tpu.memory_space<vmem>> -> memref<128xi32, #tpu.memory_space<vmem>>
        %dma_wait3A_2345 = tpu.memref_slice %arg10[%mul3A_2339] : memref<10240xi32, #tpu.memory_space<vmem>> -> memref<128xi32, #tpu.memory_space<vmem>>
        %dma_wait3A_2346 = arith.constant 0 : i32
        %dma_wait3A_2347 = tpu.memref_slice %arg19[%dma_wait3A_2346] : memref<174080xi32, #tpu.memory_space<vmem_shared>> -> memref<174080xi32, #tpu.memory_space<vmem_shared>>
        tpu.wait_indirect_dma semaphore(%run_scoped3A : memref<!tpu.dma_semaphore, #tpu.memory_space<semaphore_mem>>) src(%dma_wait3A_2344 : memref<128xi32, #tpu.memory_space<vmem>>) dst(%dma_wait3A_2347 : memref<174080xi32, #tpu.memory_space<vmem_shared>>)
        tpu.yield
      }) : () -> ()
    }
    %scan3A_89 = arith.constant 80 : i32
    %barrier3A = arith.constant 0 : index
    tpu.barrier barrier_id(%barrier3A)
    %mul3A_90 = arith.constant 10880 : i32
    %mul3A_91 = arith.muli %arg1, %mul3A_90 : i32
    "tpu.region"() ({
      %run_scoped3A = tpu.sem_alloc : memref<!tpu.dma_semaphore, #tpu.memory_space<semaphore_mem>>
      %dma_start3A_2337 = tpu.memref_slice %arg19[%mul3A_91] : memref<174080xi32, #tpu.memory_space<vmem_shared>> -> memref<10752xi32, #tpu.memory_space<vmem_shared>>
      %dma_start3A_2338 = tpu.memref_slice %arg19[%mul3A_91] : memref<174080xi32, #tpu.memory_space<vmem_shared>> -> memref<10752xi32, #tpu.memory_space<vmem_shared>>
      tpu.enqueue_dma source(%dma_start3A_2338 : memref<10752xi32, #tpu.memory_space<vmem_shared>>) target(%arg11 : memref<10752xi32, #tpu.memory_space<vmem>>) target_semaphore(%run_scoped3A : memref<!tpu.dma_semaphore, #tpu.memory_space<semaphore_mem>>)
      %dma_wait3A_2339 = tpu.memref_slice %arg19[%mul3A_91] : memref<174080xi32, #tpu.memory_space<vmem_shared>> -> memref<10752xi32, #tpu.memory_space<vmem_shared>>
      %dma_wait3A_2340 = tpu.memref_slice %arg19[%mul3A_91] : memref<174080xi32, #tpu.memory_space<vmem_shared>> -> memref<10752xi32, #tpu.memory_space<vmem_shared>>
      tpu.wait_dma2 semaphore(%run_scoped3A : memref<!tpu.dma_semaphore, #tpu.memory_space<semaphore_mem>>) src(%dma_wait3A_2340 : memref<10752xi32, #tpu.memory_space<vmem_shared>>) dst(%arg11 : memref<10752xi32, #tpu.memory_space<vmem>>)
      tpu.yield
    }) : () -> ()
    %scan3A_92 = arith.constant 0 : i32
    %scan3A_93 = arith.constant 672 : i32
    %scan3A_94 = arith.addi %scan3A_92, %scan3A_93 : i32
    %scan3A_95 = arith.constant 1 : i32
    scf.for %scan3A_2337 = %scan3A_92 to %scan3A_94 step %scan3A_95  : i32 {
      %mul3A_2338 = arith.constant 16 : i32
      %mul3A_2339 = arith.muli %scan3A_2337, %mul3A_2338 : i32
      %get3A_2340 = arith.index_cast %mul3A_2339 : i32 to index
      %get3A_2341 = tpu.vector_load %arg11[%get3A_2340] {strides = array<i32>} : memref<10752xi32, #tpu.memory_space<vmem>>, vector<16xi32>,
      %get3A_2342 = vector.shape_cast %get3A_2341 : vector<16xi32> to vector<16xi32>
      %and3A_2343 = arith.constant 16383 : i32
      %and3A_2344 = vector.broadcast %and3A_2343 : i32 to vector<16xi32>
      %and3A_2345 = arith.andi %get3A_2342, %and3A_2344 : vector<16xi32>
      %min3A = arith.constant 9999 : i32
      %min3A_2346 = vector.broadcast %min3A : i32 to vector<16xi32>
      %min3A_2347 = arith.minsi %and3A_2345, %min3A_2346 : vector<16xi32>
      %mul3A_2348 = arith.constant 16 : i32
      %mul3A_2349 = arith.muli %scan3A_2337, %mul3A_2348 : i32
      %swap3A_2350 = arith.index_cast %mul3A_2349 : i32 to index
      %swap3A_2351 = tpu.vector_load %arg12[%swap3A_2350] {strides = array<i32>} : memref<10752xi32, #tpu.memory_space<vmem>>, vector<16xi32>,
      %swap3A_2352 = vector.shape_cast %swap3A_2351 : vector<16xi32> to vector<16xi32>
      %swap3A_2353 = vector.shape_cast %min3A_2347 : vector<16xi32> to vector<16xi32>
      tpu.vector_store %arg12[%swap3A_2350], %swap3A_2353 {strides = array<i32>} : memref<10752xi32, #tpu.memory_space<vmem>>, vector<16xi32>,
      %shift_right_logical3A_2354 = arith.constant 14 : i32
      %shift_right_logical3A_2355 = vector.broadcast %shift_right_logical3A_2354 : i32 to vector<16xi32>
      %shift_right_logical3A_2356 = arith.shrui %get3A_2342, %shift_right_logical3A_2355 : vector<16xi32>
      %min3A_2357 = arith.constant 4223 : i32
      %min3A_2358 = vector.broadcast %min3A_2357 : i32 to vector<16xi32>
      %min3A_2359 = arith.minsi %shift_right_logical3A_2356, %min3A_2358 : vector<16xi32>
      %mul3A_2360 = arith.constant 16 : i32
      %mul3A_2361 = arith.muli %scan3A_2337, %mul3A_2360 : i32
      %swap3A_2362 = arith.index_cast %mul3A_2361 : i32 to index
      %swap3A_2363 = tpu.vector_load %arg13[%swap3A_2362] {strides = array<i32>} : memref<10752xi32, #tpu.memory_space<vmem>>, vector<16xi32>,
      %swap3A_2364 = vector.shape_cast %swap3A_2363 : vector<16xi32> to vector<16xi32>
      %swap3A_2365 = vector.shape_cast %min3A_2359 : vector<16xi32> to vector<16xi32>
      tpu.vector_store %arg13[%swap3A_2362], %swap3A_2365 {strides = array<i32>} : memref<10752xi32, #tpu.memory_space<vmem>>, vector<16xi32>,
    }
    %scan3A_96 = arith.constant 672 : i32
    %mul3A_97 = arith.constant 613 : i32
    %mul3A_98 = vector.broadcast %mul3A_97 : i32 to vector<16xi32>
    %mul3A_99 = arith.muli %iota3A, %mul3A_98 : vector<16xi32>
    %add3A_100 = arith.constant 0 : i32
    %add3A_101 = vector.broadcast %add3A_100 : i32 to vector<16xi32>
    %add3A_102 = arith.addi %mul3A_99, %add3A_101 : vector<16xi32>
    %jit3A = arith.constant 10000 : i32
    %eq3A = arith.constant 0 : i32
    %eq3A_103 = arith.cmpi eq, %jit3A, %eq3A : i32
    %jit3A_104 = arith.constant 1 : i32
    %select_n3A = arith.select %eq3A_103, %jit3A_104, %jit3A : i32
    %rem3A = vector.broadcast %select_n3A : i32 to vector<16xi32>
    %rem3A_105 = arith.remsi %add3A_102, %rem3A : vector<16xi32>
    %ne3A = arith.constant 0 : i32
    %ne3A_106 = vector.broadcast %ne3A : i32 to vector<16xi32>
    %ne3A_107 = arith.cmpi ne, %rem3A_105, %ne3A_106 : vector<16xi32>
    %lt3A = arith.constant 0 : i32
    %lt3A_108 = vector.broadcast %lt3A : i32 to vector<16xi32>
    %lt3A_109 = arith.cmpi slt, %rem3A_105, %lt3A_108 : vector<16xi32>
    %lt3A_110 = arith.constant 0 : i32
    %lt3A_111 = arith.cmpi slt, %select_n3A, %lt3A_110 : i32
    %ne3A_112 = vector.broadcast %lt3A_111 : i1 to vector<16xi1>
    %ne3A_113 = vector.broadcast %ne3A_112 : vector<16xi1> to vector<16xi1>
    %ne3A_114 = arith.xori %lt3A_109, %ne3A_113 : vector<16xi1>
    %and3A = arith.andi %ne3A_114, %ne3A_107 : vector<16xi1>
    %add3A_115 = vector.broadcast %select_n3A : i32 to vector<16xi32>
    %add3A_116 = arith.addi %rem3A_105, %add3A_115 : vector<16xi32>
    %select_n3A_117 = arith.select %and3A, %add3A_116, %rem3A_105 : vector<16xi1>, vector<16xi32>
    %add3A_118 = arith.constant 0 : i32
    %add3A_119 = arith.addi %squeeze3A, %add3A_118 : i32
    %swap3A_120 = arith.index_cast %add3A_119 : i32 to index
    %swap3A_121 = tpu.vector_load %arg12[%swap3A_120] {strides = array<i32>} : memref<10752xi32, #tpu.memory_space<vmem>>, vector<16xi32>,
    %swap3A_122 = vector.shape_cast %swap3A_121 : vector<16xi32> to vector<16xi32>
    %swap3A_123 = vector.shape_cast %select_n3A_117 : vector<16xi32> to vector<16xi32>
    tpu.vector_store %arg12[%swap3A_120], %swap3A_123 {strides = array<i32>} : memref<10752xi32, #tpu.memory_space<vmem>>, vector<16xi32>,
    %add3A_124 = arith.constant 0 : i32
    %add3A_125 = vector.broadcast %add3A_124 : i32 to vector<16xi32>
    %add3A_126 = arith.addi %iota3A, %add3A_125 : vector<16xi32>
    %jit3A_127 = arith.constant 128 : i32
    %eq3A_128 = arith.constant 0 : i32
    %eq3A_129 = arith.cmpi eq, %jit3A_127, %eq3A_128 : i32
    %jit3A_130 = arith.constant 1 : i32
    %select_n3A_131 = arith.select %eq3A_129, %jit3A_130, %jit3A_127 : i32
    %rem3A_132 = vector.broadcast %select_n3A_131 : i32 to vector<16xi32>
    %rem3A_133 = arith.remsi %add3A_126, %rem3A_132 : vector<16xi32>
    %ne3A_134 = arith.constant 0 : i32
    %ne3A_135 = vector.broadcast %ne3A_134 : i32 to vector<16xi32>
    %ne3A_136 = arith.cmpi ne, %rem3A_133, %ne3A_135 : vector<16xi32>
    %lt3A_137 = arith.constant 0 : i32
    %lt3A_138 = vector.broadcast %lt3A_137 : i32 to vector<16xi32>
    %lt3A_139 = arith.cmpi slt, %rem3A_133, %lt3A_138 : vector<16xi32>
    %lt3A_140 = arith.constant 0 : i32
    %lt3A_141 = arith.cmpi slt, %select_n3A_131, %lt3A_140 : i32
    %ne3A_142 = vector.broadcast %lt3A_141 : i1 to vector<16xi1>
    %ne3A_143 = vector.broadcast %ne3A_142 : vector<16xi1> to vector<16xi1>
    %ne3A_144 = arith.xori %lt3A_139, %ne3A_143 : vector<16xi1>
    %and3A_145 = arith.andi %ne3A_144, %ne3A_136 : vector<16xi1>
    %add3A_146 = vector.broadcast %select_n3A_131 : i32 to vector<16xi32>
    %add3A_147 = arith.addi %rem3A_133, %add3A_146 : vector<16xi32>
    %select_n3A_148 = arith.select %and3A_145, %add3A_147, %rem3A_133 : vector<16xi1>, vector<16xi32>
    %add3A_149 = arith.constant 4096 : i32
    %add3A_150 = vector.broadcast %add3A_149 : i32 to vector<16xi32>
    %add3A_151 = arith.addi %add3A_150, %select_n3A_148 : vector<16xi32>
    %add3A_152 = arith.constant 0 : i32
    %add3A_153 = arith.addi %squeeze3A, %add3A_152 : i32
    %swap3A_154 = arith.index_cast %add3A_153 : i32 to index
    %swap3A_155 = tpu.vector_load %arg13[%swap3A_154] {strides = array<i32>} : memref<10752xi32, #tpu.memory_space<vmem>>, vector<16xi32>,
    %swap3A_156 = vector.shape_cast %swap3A_155 : vector<16xi32> to vector<16xi32>
    %swap3A_157 = vector.shape_cast %add3A_151 : vector<16xi32> to vector<16xi32>
    tpu.vector_store %arg13[%swap3A_154], %swap3A_157 {strides = array<i32>} : memref<10752xi32, #tpu.memory_space<vmem>>, vector<16xi32>,
    %mul3A_158 = arith.constant 613 : i32
    %mul3A_159 = vector.broadcast %mul3A_158 : i32 to vector<16xi32>
    %mul3A_160 = arith.muli %iota3A, %mul3A_159 : vector<16xi32>
    %add3A_161 = arith.constant 131 : i32
    %add3A_162 = vector.broadcast %add3A_161 : i32 to vector<16xi32>
    %add3A_163 = arith.addi %mul3A_160, %add3A_162 : vector<16xi32>
    %jit3A_164 = arith.constant 10000 : i32
    %eq3A_165 = arith.constant 0 : i32
    %eq3A_166 = arith.cmpi eq, %jit3A_164, %eq3A_165 : i32
    %jit3A_167 = arith.constant 1 : i32
    %select_n3A_168 = arith.select %eq3A_166, %jit3A_167, %jit3A_164 : i32
    %rem3A_169 = vector.broadcast %select_n3A_168 : i32 to vector<16xi32>
    %rem3A_170 = arith.remsi %add3A_163, %rem3A_169 : vector<16xi32>
    %ne3A_171 = arith.constant 0 : i32
    %ne3A_172 = vector.broadcast %ne3A_171 : i32 to vector<16xi32>
    %ne3A_173 = arith.cmpi ne, %rem3A_170, %ne3A_172 : vector<16xi32>
    %lt3A_174 = arith.constant 0 : i32
    %lt3A_175 = vector.broadcast %lt3A_174 : i32 to vector<16xi32>
    %lt3A_176 = arith.cmpi slt, %rem3A_170, %lt3A_175 : vector<16xi32>
    %lt3A_177 = arith.constant 0 : i32
    %lt3A_178 = arith.cmpi slt, %select_n3A_168, %lt3A_177 : i32
    %ne3A_179 = vector.broadcast %lt3A_178 : i1 to vector<16xi1>
    %ne3A_180 = vector.broadcast %ne3A_179 : vector<16xi1> to vector<16xi1>
    %ne3A_181 = arith.xori %lt3A_176, %ne3A_180 : vector<16xi1>
    %and3A_182 = arith.andi %ne3A_181, %ne3A_173 : vector<16xi1>
    %add3A_183 = vector.broadcast %select_n3A_168 : i32 to vector<16xi32>
    %add3A_184 = arith.addi %rem3A_170, %add3A_183 : vector<16xi32>
    %select_n3A_185 = arith.select %and3A_182, %add3A_184, %rem3A_170 : vector<16xi1>, vector<16xi32>
    %add3A_186 = arith.constant 16 : i32
    %add3A_187 = arith.addi %squeeze3A, %add3A_186 : i32
    %swap3A_188 = arith.index_cast %add3A_187 : i32 to index
    %swap3A_189 = tpu.vector_load %arg12[%swap3A_188] {strides = array<i32>} : memref<10752xi32, #tpu.memory_space<vmem>>, vector<16xi32>,
    %swap3A_190 = vector.shape_cast %swap3A_189 : vector<16xi32> to vector<16xi32>
    %swap3A_191 = vector.shape_cast %select_n3A_185 : vector<16xi32> to vector<16xi32>
    tpu.vector_store %arg12[%swap3A_188], %swap3A_191 {strides = array<i32>} : memref<10752xi32, #tpu.memory_space<vmem>>, vector<16xi32>,
    %add3A_192 = arith.constant 16 : i32
    %add3A_193 = vector.broadcast %add3A_192 : i32 to vector<16xi32>
    %add3A_194 = arith.addi %iota3A, %add3A_193 : vector<16xi32>
    %jit3A_195 = arith.constant 128 : i32
    %eq3A_196 = arith.constant 0 : i32
    %eq3A_197 = arith.cmpi eq, %jit3A_195, %eq3A_196 : i32
    %jit3A_198 = arith.constant 1 : i32
    %select_n3A_199 = arith.select %eq3A_197, %jit3A_198, %jit3A_195 : i32
    %rem3A_200 = vector.broadcast %select_n3A_199 : i32 to vector<16xi32>
    %rem3A_201 = arith.remsi %add3A_194, %rem3A_200 : vector<16xi32>
    %ne3A_202 = arith.constant 0 : i32
    %ne3A_203 = vector.broadcast %ne3A_202 : i32 to vector<16xi32>
    %ne3A_204 = arith.cmpi ne, %rem3A_201, %ne3A_203 : vector<16xi32>
    %lt3A_205 = arith.constant 0 : i32
    %lt3A_206 = vector.broadcast %lt3A_205 : i32 to vector<16xi32>
    %lt3A_207 = arith.cmpi slt, %rem3A_201, %lt3A_206 : vector<16xi32>
    %lt3A_208 = arith.constant 0 : i32
    %lt3A_209 = arith.cmpi slt, %select_n3A_199, %lt3A_208 : i32
    %ne3A_210 = vector.broadcast %lt3A_209 : i1 to vector<16xi1>
    %ne3A_211 = vector.broadcast %ne3A_210 : vector<16xi1> to vector<16xi1>
    %ne3A_212 = arith.xori %lt3A_207, %ne3A_211 : vector<16xi1>
    %and3A_213 = arith.andi %ne3A_212, %ne3A_204 : vector<16xi1>
    %add3A_214 = vector.broadcast %select_n3A_199 : i32 to vector<16xi32>
    %add3A_215 = arith.addi %rem3A_201, %add3A_214 : vector<16xi32>
    %select_n3A_216 = arith.select %and3A_213, %add3A_215, %rem3A_201 : vector<16xi1>, vector<16xi32>
    %add3A_217 = arith.constant 4096 : i32
    %add3A_218 = vector.broadcast %add3A_217 : i32 to vector<16xi32>
    %add3A_219 = arith.addi %add3A_218, %select_n3A_216 : vector<16xi32>
    %add3A_220 = arith.constant 16 : i32
    %add3A_221 = arith.addi %squeeze3A, %add3A_220 : i32
    %swap3A_222 = arith.index_cast %add3A_221 : i32 to index
    %swap3A_223 = tpu.vector_load %arg13[%swap3A_222] {strides = array<i32>} : memref<10752xi32, #tpu.memory_space<vmem>>, vector<16xi32>,
    %swap3A_224 = vector.shape_cast %swap3A_223 : vector<16xi32> to vector<16xi32>
    %swap3A_225 = vector.shape_cast %add3A_219 : vector<16xi32> to vector<16xi32>
    tpu.vector_store %arg13[%swap3A_222], %swap3A_225 {strides = array<i32>} : memref<10752xi32, #tpu.memory_space<vmem>>, vector<16xi32>,
    %mul3A_226 = arith.constant 613 : i32
    %mul3A_227 = vector.broadcast %mul3A_226 : i32 to vector<16xi32>
    %mul3A_228 = arith.muli %iota3A, %mul3A_227 : vector<16xi32>
    %add3A_229 = arith.constant 262 : i32
    %add3A_230 = vector.broadcast %add3A_229 : i32 to vector<16xi32>
    %add3A_231 = arith.addi %mul3A_228, %add3A_230 : vector<16xi32>
    %jit3A_232 = arith.constant 10000 : i32
    %eq3A_233 = arith.constant 0 : i32
    %eq3A_234 = arith.cmpi eq, %jit3A_232, %eq3A_233 : i32
    %jit3A_235 = arith.constant 1 : i32
    %select_n3A_236 = arith.select %eq3A_234, %jit3A_235, %jit3A_232 : i32
    %rem3A_237 = vector.broadcast %select_n3A_236 : i32 to vector<16xi32>
    %rem3A_238 = arith.remsi %add3A_231, %rem3A_237 : vector<16xi32>
    %ne3A_239 = arith.constant 0 : i32
    %ne3A_240 = vector.broadcast %ne3A_239 : i32 to vector<16xi32>
    %ne3A_241 = arith.cmpi ne, %rem3A_238, %ne3A_240 : vector<16xi32>
    %lt3A_242 = arith.constant 0 : i32
    %lt3A_243 = vector.broadcast %lt3A_242 : i32 to vector<16xi32>
    %lt3A_244 = arith.cmpi slt, %rem3A_238, %lt3A_243 : vector<16xi32>
    %lt3A_245 = arith.constant 0 : i32
    %lt3A_246 = arith.cmpi slt, %select_n3A_236, %lt3A_245 : i32
    %ne3A_247 = vector.broadcast %lt3A_246 : i1 to vector<16xi1>
    %ne3A_248 = vector.broadcast %ne3A_247 : vector<16xi1> to vector<16xi1>
    %ne3A_249 = arith.xori %lt3A_244, %ne3A_248 : vector<16xi1>
    %and3A_250 = arith.andi %ne3A_249, %ne3A_241 : vector<16xi1>
    %add3A_251 = vector.broadcast %select_n3A_236 : i32 to vector<16xi32>
    %add3A_252 = arith.addi %rem3A_238, %add3A_251 : vector<16xi32>
    %select_n3A_253 = arith.select %and3A_250, %add3A_252, %rem3A_238 : vector<16xi1>, vector<16xi32>
    %add3A_254 = arith.constant 32 : i32
    %add3A_255 = arith.addi %squeeze3A, %add3A_254 : i32
    %swap3A_256 = arith.index_cast %add3A_255 : i32 to index
    %swap3A_257 = tpu.vector_load %arg12[%swap3A_256] {strides = array<i32>} : memref<10752xi32, #tpu.memory_space<vmem>>, vector<16xi32>,
    %swap3A_258 = vector.shape_cast %swap3A_257 : vector<16xi32> to vector<16xi32>
    %swap3A_259 = vector.shape_cast %select_n3A_253 : vector<16xi32> to vector<16xi32>
    tpu.vector_store %arg12[%swap3A_256], %swap3A_259 {strides = array<i32>} : memref<10752xi32, #tpu.memory_space<vmem>>, vector<16xi32>,
    %add3A_260 = arith.constant 32 : i32
    %add3A_261 = vector.broadcast %add3A_260 : i32 to vector<16xi32>
    %add3A_262 = arith.addi %iota3A, %add3A_261 : vector<16xi32>
    %jit3A_263 = arith.constant 128 : i32
    %eq3A_264 = arith.constant 0 : i32
    %eq3A_265 = arith.cmpi eq, %jit3A_263, %eq3A_264 : i32
    %jit3A_266 = arith.constant 1 : i32
    %select_n3A_267 = arith.select %eq3A_265, %jit3A_266, %jit3A_263 : i32
    %rem3A_268 = vector.broadcast %select_n3A_267 : i32 to vector<16xi32>
    %rem3A_269 = arith.remsi %add3A_262, %rem3A_268 : vector<16xi32>
    %ne3A_270 = arith.constant 0 : i32
    %ne3A_271 = vector.broadcast %ne3A_270 : i32 to vector<16xi32>
    %ne3A_272 = arith.cmpi ne, %rem3A_269, %ne3A_271 : vector<16xi32>
    %lt3A_273 = arith.constant 0 : i32
    %lt3A_274 = vector.broadcast %lt3A_273 : i32 to vector<16xi32>
    %lt3A_275 = arith.cmpi slt, %rem3A_269, %lt3A_274 : vector<16xi32>
    %lt3A_276 = arith.constant 0 : i32
    %lt3A_277 = arith.cmpi slt, %select_n3A_267, %lt3A_276 : i32
    %ne3A_278 = vector.broadcast %lt3A_277 : i1 to vector<16xi1>
    %ne3A_279 = vector.broadcast %ne3A_278 : vector<16xi1> to vector<16xi1>
    %ne3A_280 = arith.xori %lt3A_275, %ne3A_279 : vector<16xi1>
    %and3A_281 = arith.andi %ne3A_280, %ne3A_272 : vector<16xi1>
    %add3A_282 = vector.broadcast %select_n3A_267 : i32 to vector<16xi32>
    %add3A_283 = arith.addi %rem3A_269, %add3A_282 : vector<16xi32>
    %select_n3A_284 = arith.select %and3A_281, %add3A_283, %rem3A_269 : vector<16xi1>, vector<16xi32>
    %add3A_285 = arith.constant 4096 : i32
    %add3A_286 = vector.broadcast %add3A_285 : i32 to vector<16xi32>
    %add3A_287 = arith.addi %add3A_286, %select_n3A_284 : vector<16xi32>
    %add3A_288 = arith.constant 32 : i32
    %add3A_289 = arith.addi %squeeze3A, %add3A_288 : i32
    %swap3A_290 = arith.index_cast %add3A_289 : i32 to index
    %swap3A_291 = tpu.vector_load %arg13[%swap3A_290] {strides = array<i32>} : memref<10752xi32, #tpu.memory_space<vmem>>, vector<16xi32>,
    %swap3A_292 = vector.shape_cast %swap3A_291 : vector<16xi32> to vector<16xi32>
    %swap3A_293 = vector.shape_cast %add3A_287 : vector<16xi32> to vector<16xi32>
    tpu.vector_store %arg13[%swap3A_290], %swap3A_293 {strides = array<i32>} : memref<10752xi32, #tpu.memory_space<vmem>>, vector<16xi32>,
    %mul3A_294 = arith.constant 613 : i32
    %mul3A_295 = vector.broadcast %mul3A_294 : i32 to vector<16xi32>
    %mul3A_296 = arith.muli %iota3A, %mul3A_295 : vector<16xi32>
    %add3A_297 = arith.constant 393 : i32
    %add3A_298 = vector.broadcast %add3A_297 : i32 to vector<16xi32>
    %add3A_299 = arith.addi %mul3A_296, %add3A_298 : vector<16xi32>
    %jit3A_300 = arith.constant 10000 : i32
    %eq3A_301 = arith.constant 0 : i32
    %eq3A_302 = arith.cmpi eq, %jit3A_300, %eq3A_301 : i32
    %jit3A_303 = arith.constant 1 : i32
    %select_n3A_304 = arith.select %eq3A_302, %jit3A_303, %jit3A_300 : i32
    %rem3A_305 = vector.broadcast %select_n3A_304 : i32 to vector<16xi32>
    %rem3A_306 = arith.remsi %add3A_299, %rem3A_305 : vector<16xi32>
    %ne3A_307 = arith.constant 0 : i32
    %ne3A_308 = vector.broadcast %ne3A_307 : i32 to vector<16xi32>
    %ne3A_309 = arith.cmpi ne, %rem3A_306, %ne3A_308 : vector<16xi32>
    %lt3A_310 = arith.constant 0 : i32
    %lt3A_311 = vector.broadcast %lt3A_310 : i32 to vector<16xi32>
    %lt3A_312 = arith.cmpi slt, %rem3A_306, %lt3A_311 : vector<16xi32>
    %lt3A_313 = arith.constant 0 : i32
    %lt3A_314 = arith.cmpi slt, %select_n3A_304, %lt3A_313 : i32
    %ne3A_315 = vector.broadcast %lt3A_314 : i1 to vector<16xi1>
    %ne3A_316 = vector.broadcast %ne3A_315 : vector<16xi1> to vector<16xi1>
    %ne3A_317 = arith.xori %lt3A_312, %ne3A_316 : vector<16xi1>
    %and3A_318 = arith.andi %ne3A_317, %ne3A_309 : vector<16xi1>
    %add3A_319 = vector.broadcast %select_n3A_304 : i32 to vector<16xi32>
    %add3A_320 = arith.addi %rem3A_306, %add3A_319 : vector<16xi32>
    %select_n3A_321 = arith.select %and3A_318, %add3A_320, %rem3A_306 : vector<16xi1>, vector<16xi32>
    %add3A_322 = arith.constant 48 : i32
    %add3A_323 = arith.addi %squeeze3A, %add3A_322 : i32
    %swap3A_324 = arith.index_cast %add3A_323 : i32 to index
    %swap3A_325 = tpu.vector_load %arg12[%swap3A_324] {strides = array<i32>} : memref<10752xi32, #tpu.memory_space<vmem>>, vector<16xi32>,
    %swap3A_326 = vector.shape_cast %swap3A_325 : vector<16xi32> to vector<16xi32>
    %swap3A_327 = vector.shape_cast %select_n3A_321 : vector<16xi32> to vector<16xi32>
    tpu.vector_store %arg12[%swap3A_324], %swap3A_327 {strides = array<i32>} : memref<10752xi32, #tpu.memory_space<vmem>>, vector<16xi32>,
    %add3A_328 = arith.constant 48 : i32
    %add3A_329 = vector.broadcast %add3A_328 : i32 to vector<16xi32>
    %add3A_330 = arith.addi %iota3A, %add3A_329 : vector<16xi32>
    %jit3A_331 = arith.constant 128 : i32
    %eq3A_332 = arith.constant 0 : i32
    %eq3A_333 = arith.cmpi eq, %jit3A_331, %eq3A_332 : i32
    %jit3A_334 = arith.constant 1 : i32
    %select_n3A_335 = arith.select %eq3A_333, %jit3A_334, %jit3A_331 : i32
    %rem3A_336 = vector.broadcast %select_n3A_335 : i32 to vector<16xi32>
    %rem3A_337 = arith.remsi %add3A_330, %rem3A_336 : vector<16xi32>
    %ne3A_338 = arith.constant 0 : i32
    %ne3A_339 = vector.broadcast %ne3A_338 : i32 to vector<16xi32>
    %ne3A_340 = arith.cmpi ne, %rem3A_337, %ne3A_339 : vector<16xi32>
    %lt3A_341 = arith.constant 0 : i32
    %lt3A_342 = vector.broadcast %lt3A_341 : i32 to vector<16xi32>
    %lt3A_343 = arith.cmpi slt, %rem3A_337, %lt3A_342 : vector<16xi32>
    %lt3A_344 = arith.constant 0 : i32
    %lt3A_345 = arith.cmpi slt, %select_n3A_335, %lt3A_344 : i32
    %ne3A_346 = vector.broadcast %lt3A_345 : i1 to vector<16xi1>
    %ne3A_347 = vector.broadcast %ne3A_346 : vector<16xi1> to vector<16xi1>
    %ne3A_348 = arith.xori %lt3A_343, %ne3A_347 : vector<16xi1>
    %and3A_349 = arith.andi %ne3A_348, %ne3A_340 : vector<16xi1>
    %add3A_350 = vector.broadcast %select_n3A_335 : i32 to vector<16xi32>
    %add3A_351 = arith.addi %rem3A_337, %add3A_350 : vector<16xi32>
    %select_n3A_352 = arith.select %and3A_349, %add3A_351, %rem3A_337 : vector<16xi1>, vector<16xi32>
    %add3A_353 = arith.constant 4096 : i32
    %add3A_354 = vector.broadcast %add3A_353 : i32 to vector<16xi32>
    %add3A_355 = arith.addi %add3A_354, %select_n3A_352 : vector<16xi32>
    %add3A_356 = arith.constant 48 : i32
    %add3A_357 = arith.addi %squeeze3A, %add3A_356 : i32
    %swap3A_358 = arith.index_cast %add3A_357 : i32 to index
    %swap3A_359 = tpu.vector_load %arg13[%swap3A_358] {strides = array<i32>} : memref<10752xi32, #tpu.memory_space<vmem>>, vector<16xi32>,
    %swap3A_360 = vector.shape_cast %swap3A_359 : vector<16xi32> to vector<16xi32>
    %swap3A_361 = vector.shape_cast %add3A_355 : vector<16xi32> to vector<16xi32>
    tpu.vector_store %arg13[%swap3A_358], %swap3A_361 {strides = array<i32>} : memref<10752xi32, #tpu.memory_space<vmem>>, vector<16xi32>,
    %mul3A_362 = arith.constant 613 : i32
    %mul3A_363 = vector.broadcast %mul3A_362 : i32 to vector<16xi32>
    %mul3A_364 = arith.muli %iota3A, %mul3A_363 : vector<16xi32>
    %add3A_365 = arith.constant 524 : i32
    %add3A_366 = vector.broadcast %add3A_365 : i32 to vector<16xi32>
    %add3A_367 = arith.addi %mul3A_364, %add3A_366 : vector<16xi32>
    %jit3A_368 = arith.constant 10000 : i32
    %eq3A_369 = arith.constant 0 : i32
    %eq3A_370 = arith.cmpi eq, %jit3A_368, %eq3A_369 : i32
    %jit3A_371 = arith.constant 1 : i32
    %select_n3A_372 = arith.select %eq3A_370, %jit3A_371, %jit3A_368 : i32
    %rem3A_373 = vector.broadcast %select_n3A_372 : i32 to vector<16xi32>
    %rem3A_374 = arith.remsi %add3A_367, %rem3A_373 : vector<16xi32>
    %ne3A_375 = arith.constant 0 : i32
    %ne3A_376 = vector.broadcast %ne3A_375 : i32 to vector<16xi32>
    %ne3A_377 = arith.cmpi ne, %rem3A_374, %ne3A_376 : vector<16xi32>
    %lt3A_378 = arith.constant 0 : i32
    %lt3A_379 = vector.broadcast %lt3A_378 : i32 to vector<16xi32>
    %lt3A_380 = arith.cmpi slt, %rem3A_374, %lt3A_379 : vector<16xi32>
    %lt3A_381 = arith.constant 0 : i32
    %lt3A_382 = arith.cmpi slt, %select_n3A_372, %lt3A_381 : i32
    %ne3A_383 = vector.broadcast %lt3A_382 : i1 to vector<16xi1>
    %ne3A_384 = vector.broadcast %ne3A_383 : vector<16xi1> to vector<16xi1>
    %ne3A_385 = arith.xori %lt3A_380, %ne3A_384 : vector<16xi1>
    %and3A_386 = arith.andi %ne3A_385, %ne3A_377 : vector<16xi1>
    %add3A_387 = vector.broadcast %select_n3A_372 : i32 to vector<16xi32>
    %add3A_388 = arith.addi %rem3A_374, %add3A_387 : vector<16xi32>
    %select_n3A_389 = arith.select %and3A_386, %add3A_388, %rem3A_374 : vector<16xi1>, vector<16xi32>
    %add3A_390 = arith.constant 64 : i32
    %add3A_391 = arith.addi %squeeze3A, %add3A_390 : i32
    %swap3A_392 = arith.index_cast %add3A_391 : i32 to index
    %swap3A_393 = tpu.vector_load %arg12[%swap3A_392] {strides = array<i32>} : memref<10752xi32, #tpu.memory_space<vmem>>, vector<16xi32>,
    %swap3A_394 = vector.shape_cast %swap3A_393 : vector<16xi32> to vector<16xi32>
    %swap3A_395 = vector.shape_cast %select_n3A_389 : vector<16xi32> to vector<16xi32>
    tpu.vector_store %arg12[%swap3A_392], %swap3A_395 {strides = array<i32>} : memref<10752xi32, #tpu.memory_space<vmem>>, vector<16xi32>,
    %add3A_396 = arith.constant 64 : i32
    %add3A_397 = vector.broadcast %add3A_396 : i32 to vector<16xi32>
    %add3A_398 = arith.addi %iota3A, %add3A_397 : vector<16xi32>
    %jit3A_399 = arith.constant 128 : i32
    %eq3A_400 = arith.constant 0 : i32
    %eq3A_401 = arith.cmpi eq, %jit3A_399, %eq3A_400 : i32
    %jit3A_402 = arith.constant 1 : i32
    %select_n3A_403 = arith.select %eq3A_401, %jit3A_402, %jit3A_399 : i32
    %rem3A_404 = vector.broadcast %select_n3A_403 : i32 to vector<16xi32>
    %rem3A_405 = arith.remsi %add3A_398, %rem3A_404 : vector<16xi32>
    %ne3A_406 = arith.constant 0 : i32
    %ne3A_407 = vector.broadcast %ne3A_406 : i32 to vector<16xi32>
    %ne3A_408 = arith.cmpi ne, %rem3A_405, %ne3A_407 : vector<16xi32>
    %lt3A_409 = arith.constant 0 : i32
    %lt3A_410 = vector.broadcast %lt3A_409 : i32 to vector<16xi32>
    %lt3A_411 = arith.cmpi slt, %rem3A_405, %lt3A_410 : vector<16xi32>
    %lt3A_412 = arith.constant 0 : i32
    %lt3A_413 = arith.cmpi slt, %select_n3A_403, %lt3A_412 : i32
    %ne3A_414 = vector.broadcast %lt3A_413 : i1 to vector<16xi1>
    %ne3A_415 = vector.broadcast %ne3A_414 : vector<16xi1> to vector<16xi1>
    %ne3A_416 = arith.xori %lt3A_411, %ne3A_415 : vector<16xi1>
    %and3A_417 = arith.andi %ne3A_416, %ne3A_408 : vector<16xi1>
    %add3A_418 = vector.broadcast %select_n3A_403 : i32 to vector<16xi32>
    %add3A_419 = arith.addi %rem3A_405, %add3A_418 : vector<16xi32>
    %select_n3A_420 = arith.select %and3A_417, %add3A_419, %rem3A_405 : vector<16xi1>, vector<16xi32>
    %add3A_421 = arith.constant 4096 : i32
    %add3A_422 = vector.broadcast %add3A_421 : i32 to vector<16xi32>
    %add3A_423 = arith.addi %add3A_422, %select_n3A_420 : vector<16xi32>
    %add3A_424 = arith.constant 64 : i32
    %add3A_425 = arith.addi %squeeze3A, %add3A_424 : i32
    %swap3A_426 = arith.index_cast %add3A_425 : i32 to index
    %swap3A_427 = tpu.vector_load %arg13[%swap3A_426] {strides = array<i32>} : memref<10752xi32, #tpu.memory_space<vmem>>, vector<16xi32>,
    %swap3A_428 = vector.shape_cast %swap3A_427 : vector<16xi32> to vector<16xi32>
    %swap3A_429 = vector.shape_cast %add3A_423 : vector<16xi32> to vector<16xi32>
    tpu.vector_store %arg13[%swap3A_426], %swap3A_429 {strides = array<i32>} : memref<10752xi32, #tpu.memory_space<vmem>>, vector<16xi32>,
    %mul3A_430 = arith.constant 613 : i32
    %mul3A_431 = vector.broadcast %mul3A_430 : i32 to vector<16xi32>
    %mul3A_432 = arith.muli %iota3A, %mul3A_431 : vector<16xi32>
    %add3A_433 = arith.constant 655 : i32
    %add3A_434 = vector.broadcast %add3A_433 : i32 to vector<16xi32>
    %add3A_435 = arith.addi %mul3A_432, %add3A_434 : vector<16xi32>
    %jit3A_436 = arith.constant 10000 : i32
    %eq3A_437 = arith.constant 0 : i32
    %eq3A_438 = arith.cmpi eq, %jit3A_436, %eq3A_437 : i32
    %jit3A_439 = arith.constant 1 : i32
    %select_n3A_440 = arith.select %eq3A_438, %jit3A_439, %jit3A_436 : i32
    %rem3A_441 = vector.broadcast %select_n3A_440 : i32 to vector<16xi32>
    %rem3A_442 = arith.remsi %add3A_435, %rem3A_441 : vector<16xi32>
    %ne3A_443 = arith.constant 0 : i32
    %ne3A_444 = vector.broadcast %ne3A_443 : i32 to vector<16xi32>
    %ne3A_445 = arith.cmpi ne, %rem3A_442, %ne3A_444 : vector<16xi32>
    %lt3A_446 = arith.constant 0 : i32
    %lt3A_447 = vector.broadcast %lt3A_446 : i32 to vector<16xi32>
    %lt3A_448 = arith.cmpi slt, %rem3A_442, %lt3A_447 : vector<16xi32>
    %lt3A_449 = arith.constant 0 : i32
    %lt3A_450 = arith.cmpi slt, %select_n3A_440, %lt3A_449 : i32
    %ne3A_451 = vector.broadcast %lt3A_450 : i1 to vector<16xi1>
    %ne3A_452 = vector.broadcast %ne3A_451 : vector<16xi1> to vector<16xi1>
    %ne3A_453 = arith.xori %lt3A_448, %ne3A_452 : vector<16xi1>
    %and3A_454 = arith.andi %ne3A_453, %ne3A_445 : vector<16xi1>
    %add3A_455 = vector.broadcast %select_n3A_440 : i32 to vector<16xi32>
    %add3A_456 = arith.addi %rem3A_442, %add3A_455 : vector<16xi32>
    %select_n3A_457 = arith.select %and3A_454, %add3A_456, %rem3A_442 : vector<16xi1>, vector<16xi32>
    %add3A_458 = arith.constant 80 : i32
    %add3A_459 = arith.addi %squeeze3A, %add3A_458 : i32
    %swap3A_460 = arith.index_cast %add3A_459 : i32 to index
    %swap3A_461 = tpu.vector_load %arg12[%swap3A_460] {strides = array<i32>} : memref<10752xi32, #tpu.memory_space<vmem>>, vector<16xi32>,
    %swap3A_462 = vector.shape_cast %swap3A_461 : vector<16xi32> to vector<16xi32>
    %swap3A_463 = vector.shape_cast %select_n3A_457 : vector<16xi32> to vector<16xi32>
    tpu.vector_store %arg12[%swap3A_460], %swap3A_463 {strides = array<i32>} : memref<10752xi32, #tpu.memory_space<vmem>>, vector<16xi32>,
    %add3A_464 = arith.constant 80 : i32
    %add3A_465 = vector.broadcast %add3A_464 : i32 to vector<16xi32>
    %add3A_466 = arith.addi %iota3A, %add3A_465 : vector<16xi32>
    %jit3A_467 = arith.constant 128 : i32
    %eq3A_468 = arith.constant 0 : i32
    %eq3A_469 = arith.cmpi eq, %jit3A_467, %eq3A_468 : i32
    %jit3A_470 = arith.constant 1 : i32
    %select_n3A_471 = arith.select %eq3A_469, %jit3A_470, %jit3A_467 : i32
    %rem3A_472 = vector.broadcast %select_n3A_471 : i32 to vector<16xi32>
    %rem3A_473 = arith.remsi %add3A_466, %rem3A_472 : vector<16xi32>
    %ne3A_474 = arith.constant 0 : i32
    %ne3A_475 = vector.broadcast %ne3A_474 : i32 to vector<16xi32>
    %ne3A_476 = arith.cmpi ne, %rem3A_473, %ne3A_475 : vector<16xi32>
    %lt3A_477 = arith.constant 0 : i32
    %lt3A_478 = vector.broadcast %lt3A_477 : i32 to vector<16xi32>
    %lt3A_479 = arith.cmpi slt, %rem3A_473, %lt3A_478 : vector<16xi32>
    %lt3A_480 = arith.constant 0 : i32
    %lt3A_481 = arith.cmpi slt, %select_n3A_471, %lt3A_480 : i32
    %ne3A_482 = vector.broadcast %lt3A_481 : i1 to vector<16xi1>
    %ne3A_483 = vector.broadcast %ne3A_482 : vector<16xi1> to vector<16xi1>
    %ne3A_484 = arith.xori %lt3A_479, %ne3A_483 : vector<16xi1>
    %and3A_485 = arith.andi %ne3A_484, %ne3A_476 : vector<16xi1>
    %add3A_486 = vector.broadcast %select_n3A_471 : i32 to vector<16xi32>
    %add3A_487 = arith.addi %rem3A_473, %add3A_486 : vector<16xi32>
    %select_n3A_488 = arith.select %and3A_485, %add3A_487, %rem3A_473 : vector<16xi1>, vector<16xi32>
    %add3A_489 = arith.constant 4096 : i32
    %add3A_490 = vector.broadcast %add3A_489 : i32 to vector<16xi32>
    %add3A_491 = arith.addi %add3A_490, %select_n3A_488 : vector<16xi32>
    %add3A_492 = arith.constant 80 : i32
    %add3A_493 = arith.addi %squeeze3A, %add3A_492 : i32
    %swap3A_494 = arith.index_cast %add3A_493 : i32 to index
    %swap3A_495 = tpu.vector_load %arg13[%swap3A_494] {strides = array<i32>} : memref<10752xi32, #tpu.memory_space<vmem>>, vector<16xi32>,
    %swap3A_496 = vector.shape_cast %swap3A_495 : vector<16xi32> to vector<16xi32>
    %swap3A_497 = vector.shape_cast %add3A_491 : vector<16xi32> to vector<16xi32>
    tpu.vector_store %arg13[%swap3A_494], %swap3A_497 {strides = array<i32>} : memref<10752xi32, #tpu.memory_space<vmem>>, vector<16xi32>,
    %mul3A_498 = arith.constant 613 : i32
    %mul3A_499 = vector.broadcast %mul3A_498 : i32 to vector<16xi32>
    %mul3A_500 = arith.muli %iota3A, %mul3A_499 : vector<16xi32>
    %add3A_501 = arith.constant 786 : i32
    %add3A_502 = vector.broadcast %add3A_501 : i32 to vector<16xi32>
    %add3A_503 = arith.addi %mul3A_500, %add3A_502 : vector<16xi32>
    %jit3A_504 = arith.constant 10000 : i32
    %eq3A_505 = arith.constant 0 : i32
    %eq3A_506 = arith.cmpi eq, %jit3A_504, %eq3A_505 : i32
    %jit3A_507 = arith.constant 1 : i32
    %select_n3A_508 = arith.select %eq3A_506, %jit3A_507, %jit3A_504 : i32
    %rem3A_509 = vector.broadcast %select_n3A_508 : i32 to vector<16xi32>
    %rem3A_510 = arith.remsi %add3A_503, %rem3A_509 : vector<16xi32>
    %ne3A_511 = arith.constant 0 : i32
    %ne3A_512 = vector.broadcast %ne3A_511 : i32 to vector<16xi32>
    %ne3A_513 = arith.cmpi ne, %rem3A_510, %ne3A_512 : vector<16xi32>
    %lt3A_514 = arith.constant 0 : i32
    %lt3A_515 = vector.broadcast %lt3A_514 : i32 to vector<16xi32>
    %lt3A_516 = arith.cmpi slt, %rem3A_510, %lt3A_515 : vector<16xi32>
    %lt3A_517 = arith.constant 0 : i32
    %lt3A_518 = arith.cmpi slt, %select_n3A_508, %lt3A_517 : i32
    %ne3A_519 = vector.broadcast %lt3A_518 : i1 to vector<16xi1>
    %ne3A_520 = vector.broadcast %ne3A_519 : vector<16xi1> to vector<16xi1>
    %ne3A_521 = arith.xori %lt3A_516, %ne3A_520 : vector<16xi1>
    %and3A_522 = arith.andi %ne3A_521, %ne3A_513 : vector<16xi1>
    %add3A_523 = vector.broadcast %select_n3A_508 : i32 to vector<16xi32>
    %add3A_524 = arith.addi %rem3A_510, %add3A_523 : vector<16xi32>
    %select_n3A_525 = arith.select %and3A_522, %add3A_524, %rem3A_510 : vector<16xi1>, vector<16xi32>
    %add3A_526 = arith.constant 96 : i32
    %add3A_527 = arith.addi %squeeze3A, %add3A_526 : i32
    %swap3A_528 = arith.index_cast %add3A_527 : i32 to index
    %swap3A_529 = tpu.vector_load %arg12[%swap3A_528] {strides = array<i32>} : memref<10752xi32, #tpu.memory_space<vmem>>, vector<16xi32>,
    %swap3A_530 = vector.shape_cast %swap3A_529 : vector<16xi32> to vector<16xi32>
    %swap3A_531 = vector.shape_cast %select_n3A_525 : vector<16xi32> to vector<16xi32>
    tpu.vector_store %arg12[%swap3A_528], %swap3A_531 {strides = array<i32>} : memref<10752xi32, #tpu.memory_space<vmem>>, vector<16xi32>,
    %add3A_532 = arith.constant 96 : i32
    %add3A_533 = vector.broadcast %add3A_532 : i32 to vector<16xi32>
    %add3A_534 = arith.addi %iota3A, %add3A_533 : vector<16xi32>
    %jit3A_535 = arith.constant 128 : i32
    %eq3A_536 = arith.constant 0 : i32
    %eq3A_537 = arith.cmpi eq, %jit3A_535, %eq3A_536 : i32
    %jit3A_538 = arith.constant 1 : i32
    %select_n3A_539 = arith.select %eq3A_537, %jit3A_538, %jit3A_535 : i32
    %rem3A_540 = vector.broadcast %select_n3A_539 : i32 to vector<16xi32>
    %rem3A_541 = arith.remsi %add3A_534, %rem3A_540 : vector<16xi32>
    %ne3A_542 = arith.constant 0 : i32
    %ne3A_543 = vector.broadcast %ne3A_542 : i32 to vector<16xi32>
    %ne3A_544 = arith.cmpi ne, %rem3A_541, %ne3A_543 : vector<16xi32>
    %lt3A_545 = arith.constant 0 : i32
    %lt3A_546 = vector.broadcast %lt3A_545 : i32 to vector<16xi32>
    %lt3A_547 = arith.cmpi slt, %rem3A_541, %lt3A_546 : vector<16xi32>
    %lt3A_548 = arith.constant 0 : i32
    %lt3A_549 = arith.cmpi slt, %select_n3A_539, %lt3A_548 : i32
    %ne3A_550 = vector.broadcast %lt3A_549 : i1 to vector<16xi1>
    %ne3A_551 = vector.broadcast %ne3A_550 : vector<16xi1> to vector<16xi1>
    %ne3A_552 = arith.xori %lt3A_547, %ne3A_551 : vector<16xi1>
    %and3A_553 = arith.andi %ne3A_552, %ne3A_544 : vector<16xi1>
    %add3A_554 = vector.broadcast %select_n3A_539 : i32 to vector<16xi32>
    %add3A_555 = arith.addi %rem3A_541, %add3A_554 : vector<16xi32>
    %select_n3A_556 = arith.select %and3A_553, %add3A_555, %rem3A_541 : vector<16xi1>, vector<16xi32>
    %add3A_557 = arith.constant 4096 : i32
    %add3A_558 = vector.broadcast %add3A_557 : i32 to vector<16xi32>
    %add3A_559 = arith.addi %add3A_558, %select_n3A_556 : vector<16xi32>
    %add3A_560 = arith.constant 96 : i32
    %add3A_561 = arith.addi %squeeze3A, %add3A_560 : i32
    %swap3A_562 = arith.index_cast %add3A_561 : i32 to index
    %swap3A_563 = tpu.vector_load %arg13[%swap3A_562] {strides = array<i32>} : memref<10752xi32, #tpu.memory_space<vmem>>, vector<16xi32>,
    %swap3A_564 = vector.shape_cast %swap3A_563 : vector<16xi32> to vector<16xi32>
    %swap3A_565 = vector.shape_cast %add3A_559 : vector<16xi32> to vector<16xi32>
    tpu.vector_store %arg13[%swap3A_562], %swap3A_565 {strides = array<i32>} : memref<10752xi32, #tpu.memory_space<vmem>>, vector<16xi32>,
    %mul3A_566 = arith.constant 613 : i32
    %mul3A_567 = vector.broadcast %mul3A_566 : i32 to vector<16xi32>
    %mul3A_568 = arith.muli %iota3A, %mul3A_567 : vector<16xi32>
    %add3A_569 = arith.constant 917 : i32
    %add3A_570 = vector.broadcast %add3A_569 : i32 to vector<16xi32>
    %add3A_571 = arith.addi %mul3A_568, %add3A_570 : vector<16xi32>
    %jit3A_572 = arith.constant 10000 : i32
    %eq3A_573 = arith.constant 0 : i32
    %eq3A_574 = arith.cmpi eq, %jit3A_572, %eq3A_573 : i32
    %jit3A_575 = arith.constant 1 : i32
    %select_n3A_576 = arith.select %eq3A_574, %jit3A_575, %jit3A_572 : i32
    %rem3A_577 = vector.broadcast %select_n3A_576 : i32 to vector<16xi32>
    %rem3A_578 = arith.remsi %add3A_571, %rem3A_577 : vector<16xi32>
    %ne3A_579 = arith.constant 0 : i32
    %ne3A_580 = vector.broadcast %ne3A_579 : i32 to vector<16xi32>
    %ne3A_581 = arith.cmpi ne, %rem3A_578, %ne3A_580 : vector<16xi32>
    %lt3A_582 = arith.constant 0 : i32
    %lt3A_583 = vector.broadcast %lt3A_582 : i32 to vector<16xi32>
    %lt3A_584 = arith.cmpi slt, %rem3A_578, %lt3A_583 : vector<16xi32>
    %lt3A_585 = arith.constant 0 : i32
    %lt3A_586 = arith.cmpi slt, %select_n3A_576, %lt3A_585 : i32
    %ne3A_587 = vector.broadcast %lt3A_586 : i1 to vector<16xi1>
    %ne3A_588 = vector.broadcast %ne3A_587 : vector<16xi1> to vector<16xi1>
    %ne3A_589 = arith.xori %lt3A_584, %ne3A_588 : vector<16xi1>
    %and3A_590 = arith.andi %ne3A_589, %ne3A_581 : vector<16xi1>
    %add3A_591 = vector.broadcast %select_n3A_576 : i32 to vector<16xi32>
    %add3A_592 = arith.addi %rem3A_578, %add3A_591 : vector<16xi32>
    %select_n3A_593 = arith.select %and3A_590, %add3A_592, %rem3A_578 : vector<16xi1>, vector<16xi32>
    %add3A_594 = arith.constant 112 : i32
    %add3A_595 = arith.addi %squeeze3A, %add3A_594 : i32
    %swap3A_596 = arith.index_cast %add3A_595 : i32 to index
    %swap3A_597 = tpu.vector_load %arg12[%swap3A_596] {strides = array<i32>} : memref<10752xi32, #tpu.memory_space<vmem>>, vector<16xi32>,
    %swap3A_598 = vector.shape_cast %swap3A_597 : vector<16xi32> to vector<16xi32>
    %swap3A_599 = vector.shape_cast %select_n3A_593 : vector<16xi32> to vector<16xi32>
    tpu.vector_store %arg12[%swap3A_596], %swap3A_599 {strides = array<i32>} : memref<10752xi32, #tpu.memory_space<vmem>>, vector<16xi32>,
    %add3A_600 = arith.constant 112 : i32
    %add3A_601 = vector.broadcast %add3A_600 : i32 to vector<16xi32>
    %add3A_602 = arith.addi %iota3A, %add3A_601 : vector<16xi32>
    %jit3A_603 = arith.constant 128 : i32
    %eq3A_604 = arith.constant 0 : i32
    %eq3A_605 = arith.cmpi eq, %jit3A_603, %eq3A_604 : i32
    %jit3A_606 = arith.constant 1 : i32
    %select_n3A_607 = arith.select %eq3A_605, %jit3A_606, %jit3A_603 : i32
    %rem3A_608 = vector.broadcast %select_n3A_607 : i32 to vector<16xi32>
    %rem3A_609 = arith.remsi %add3A_602, %rem3A_608 : vector<16xi32>
    %ne3A_610 = arith.constant 0 : i32
    %ne3A_611 = vector.broadcast %ne3A_610 : i32 to vector<16xi32>
    %ne3A_612 = arith.cmpi ne, %rem3A_609, %ne3A_611 : vector<16xi32>
    %lt3A_613 = arith.constant 0 : i32
    %lt3A_614 = vector.broadcast %lt3A_613 : i32 to vector<16xi32>
    %lt3A_615 = arith.cmpi slt, %rem3A_609, %lt3A_614 : vector<16xi32>
    %lt3A_616 = arith.constant 0 : i32
    %lt3A_617 = arith.cmpi slt, %select_n3A_607, %lt3A_616 : i32
    %ne3A_618 = vector.broadcast %lt3A_617 : i1 to vector<16xi1>
    %ne3A_619 = vector.broadcast %ne3A_618 : vector<16xi1> to vector<16xi1>
    %ne3A_620 = arith.xori %lt3A_615, %ne3A_619 : vector<16xi1>
    %and3A_621 = arith.andi %ne3A_620, %ne3A_612 : vector<16xi1>
    %add3A_622 = vector.broadcast %select_n3A_607 : i32 to vector<16xi32>
    %add3A_623 = arith.addi %rem3A_609, %add3A_622 : vector<16xi32>
    %select_n3A_624 = arith.select %and3A_621, %add3A_623, %rem3A_609 : vector<16xi1>, vector<16xi32>
    %add3A_625 = arith.constant 4096 : i32
    %add3A_626 = vector.broadcast %add3A_625 : i32 to vector<16xi32>
    %add3A_627 = arith.addi %add3A_626, %select_n3A_624 : vector<16xi32>
    %add3A_628 = arith.constant 112 : i32
    %add3A_629 = arith.addi %squeeze3A, %add3A_628 : i32
    %swap3A_630 = arith.index_cast %add3A_629 : i32 to index
    %swap3A_631 = tpu.vector_load %arg13[%swap3A_630] {strides = array<i32>} : memref<10752xi32, #tpu.memory_space<vmem>>, vector<16xi32>,
    %swap3A_632 = vector.shape_cast %swap3A_631 : vector<16xi32> to vector<16xi32>
    %swap3A_633 = vector.shape_cast %add3A_627 : vector<16xi32> to vector<16xi32>
    tpu.vector_store %arg13[%swap3A_630], %swap3A_633 {strides = array<i32>} : memref<10752xi32, #tpu.memory_space<vmem>>, vector<16xi32>,
    %mul3A_634 = arith.constant 613 : i32
    %mul3A_635 = vector.broadcast %mul3A_634 : i32 to vector<16xi32>
    %mul3A_636 = arith.muli %iota3A, %mul3A_635 : vector<16xi32>
    %add3A_637 = arith.constant 1048 : i32
    %add3A_638 = vector.broadcast %add3A_637 : i32 to vector<16xi32>
    %add3A_639 = arith.addi %mul3A_636, %add3A_638 : vector<16xi32>
    %jit3A_640 = arith.constant 10000 : i32
    %eq3A_641 = arith.constant 0 : i32
    %eq3A_642 = arith.cmpi eq, %jit3A_640, %eq3A_641 : i32
    %jit3A_643 = arith.constant 1 : i32
    %select_n3A_644 = arith.select %eq3A_642, %jit3A_643, %jit3A_640 : i32
    %rem3A_645 = vector.broadcast %select_n3A_644 : i32 to vector<16xi32>
    %rem3A_646 = arith.remsi %add3A_639, %rem3A_645 : vector<16xi32>
    %ne3A_647 = arith.constant 0 : i32
    %ne3A_648 = vector.broadcast %ne3A_647 : i32 to vector<16xi32>
    %ne3A_649 = arith.cmpi ne, %rem3A_646, %ne3A_648 : vector<16xi32>
    %lt3A_650 = arith.constant 0 : i32
    %lt3A_651 = vector.broadcast %lt3A_650 : i32 to vector<16xi32>
    %lt3A_652 = arith.cmpi slt, %rem3A_646, %lt3A_651 : vector<16xi32>
    %lt3A_653 = arith.constant 0 : i32
    %lt3A_654 = arith.cmpi slt, %select_n3A_644, %lt3A_653 : i32
    %ne3A_655 = vector.broadcast %lt3A_654 : i1 to vector<16xi1>
    %ne3A_656 = vector.broadcast %ne3A_655 : vector<16xi1> to vector<16xi1>
    %ne3A_657 = arith.xori %lt3A_652, %ne3A_656 : vector<16xi1>
    %and3A_658 = arith.andi %ne3A_657, %ne3A_649 : vector<16xi1>
    %add3A_659 = vector.broadcast %select_n3A_644 : i32 to vector<16xi32>
    %add3A_660 = arith.addi %rem3A_646, %add3A_659 : vector<16xi32>
    %select_n3A_661 = arith.select %and3A_658, %add3A_660, %rem3A_646 : vector<16xi1>, vector<16xi32>
    %add3A_662 = arith.constant 128 : i32
    %add3A_663 = arith.addi %squeeze3A, %add3A_662 : i32
    %swap3A_664 = arith.index_cast %add3A_663 : i32 to index
    %swap3A_665 = tpu.vector_load %arg12[%swap3A_664] {strides = array<i32>} : memref<10752xi32, #tpu.memory_space<vmem>>, vector<16xi32>,
    %swap3A_666 = vector.shape_cast %swap3A_665 : vector<16xi32> to vector<16xi32>
    %swap3A_667 = vector.shape_cast %select_n3A_661 : vector<16xi32> to vector<16xi32>
    tpu.vector_store %arg12[%swap3A_664], %swap3A_667 {strides = array<i32>} : memref<10752xi32, #tpu.memory_space<vmem>>, vector<16xi32>,
    %add3A_668 = arith.constant 128 : i32
    %add3A_669 = vector.broadcast %add3A_668 : i32 to vector<16xi32>
    %add3A_670 = arith.addi %iota3A, %add3A_669 : vector<16xi32>
    %jit3A_671 = arith.constant 128 : i32
    %eq3A_672 = arith.constant 0 : i32
    %eq3A_673 = arith.cmpi eq, %jit3A_671, %eq3A_672 : i32
    %jit3A_674 = arith.constant 1 : i32
    %select_n3A_675 = arith.select %eq3A_673, %jit3A_674, %jit3A_671 : i32
    %rem3A_676 = vector.broadcast %select_n3A_675 : i32 to vector<16xi32>
    %rem3A_677 = arith.remsi %add3A_670, %rem3A_676 : vector<16xi32>
    %ne3A_678 = arith.constant 0 : i32
    %ne3A_679 = vector.broadcast %ne3A_678 : i32 to vector<16xi32>
    %ne3A_680 = arith.cmpi ne, %rem3A_677, %ne3A_679 : vector<16xi32>
    %lt3A_681 = arith.constant 0 : i32
    %lt3A_682 = vector.broadcast %lt3A_681 : i32 to vector<16xi32>
    %lt3A_683 = arith.cmpi slt, %rem3A_677, %lt3A_682 : vector<16xi32>
    %lt3A_684 = arith.constant 0 : i32
    %lt3A_685 = arith.cmpi slt, %select_n3A_675, %lt3A_684 : i32
    %ne3A_686 = vector.broadcast %lt3A_685 : i1 to vector<16xi1>
    %ne3A_687 = vector.broadcast %ne3A_686 : vector<16xi1> to vector<16xi1>
    %ne3A_688 = arith.xori %lt3A_683, %ne3A_687 : vector<16xi1>
    %and3A_689 = arith.andi %ne3A_688, %ne3A_680 : vector<16xi1>
    %add3A_690 = vector.broadcast %select_n3A_675 : i32 to vector<16xi32>
    %add3A_691 = arith.addi %rem3A_677, %add3A_690 : vector<16xi32>
    %select_n3A_692 = arith.select %and3A_689, %add3A_691, %rem3A_677 : vector<16xi1>, vector<16xi32>
    %add3A_693 = arith.constant 4096 : i32
    %add3A_694 = vector.broadcast %add3A_693 : i32 to vector<16xi32>
    %add3A_695 = arith.addi %add3A_694, %select_n3A_692 : vector<16xi32>
    %add3A_696 = arith.constant 128 : i32
    %add3A_697 = arith.addi %squeeze3A, %add3A_696 : i32
    %swap3A_698 = arith.index_cast %add3A_697 : i32 to index
    %swap3A_699 = tpu.vector_load %arg13[%swap3A_698] {strides = array<i32>} : memref<10752xi32, #tpu.memory_space<vmem>>, vector<16xi32>,
    %swap3A_700 = vector.shape_cast %swap3A_699 : vector<16xi32> to vector<16xi32>
    %swap3A_701 = vector.shape_cast %add3A_695 : vector<16xi32> to vector<16xi32>
    tpu.vector_store %arg13[%swap3A_698], %swap3A_701 {strides = array<i32>} : memref<10752xi32, #tpu.memory_space<vmem>>, vector<16xi32>,
    %mul3A_702 = arith.constant 613 : i32
    %mul3A_703 = vector.broadcast %mul3A_702 : i32 to vector<16xi32>
    %mul3A_704 = arith.muli %iota3A, %mul3A_703 : vector<16xi32>
    %add3A_705 = arith.constant 1179 : i32
    %add3A_706 = vector.broadcast %add3A_705 : i32 to vector<16xi32>
    %add3A_707 = arith.addi %mul3A_704, %add3A_706 : vector<16xi32>
    %jit3A_708 = arith.constant 10000 : i32
    %eq3A_709 = arith.constant 0 : i32
    %eq3A_710 = arith.cmpi eq, %jit3A_708, %eq3A_709 : i32
    %jit3A_711 = arith.constant 1 : i32
    %select_n3A_712 = arith.select %eq3A_710, %jit3A_711, %jit3A_708 : i32
    %rem3A_713 = vector.broadcast %select_n3A_712 : i32 to vector<16xi32>
    %rem3A_714 = arith.remsi %add3A_707, %rem3A_713 : vector<16xi32>
    %ne3A_715 = arith.constant 0 : i32
    %ne3A_716 = vector.broadcast %ne3A_715 : i32 to vector<16xi32>
    %ne3A_717 = arith.cmpi ne, %rem3A_714, %ne3A_716 : vector<16xi32>
    %lt3A_718 = arith.constant 0 : i32
    %lt3A_719 = vector.broadcast %lt3A_718 : i32 to vector<16xi32>
    %lt3A_720 = arith.cmpi slt, %rem3A_714, %lt3A_719 : vector<16xi32>
    %lt3A_721 = arith.constant 0 : i32
    %lt3A_722 = arith.cmpi slt, %select_n3A_712, %lt3A_721 : i32
    %ne3A_723 = vector.broadcast %lt3A_722 : i1 to vector<16xi1>
    %ne3A_724 = vector.broadcast %ne3A_723 : vector<16xi1> to vector<16xi1>
    %ne3A_725 = arith.xori %lt3A_720, %ne3A_724 : vector<16xi1>
    %and3A_726 = arith.andi %ne3A_725, %ne3A_717 : vector<16xi1>
    %add3A_727 = vector.broadcast %select_n3A_712 : i32 to vector<16xi32>
    %add3A_728 = arith.addi %rem3A_714, %add3A_727 : vector<16xi32>
    %select_n3A_729 = arith.select %and3A_726, %add3A_728, %rem3A_714 : vector<16xi1>, vector<16xi32>
    %add3A_730 = arith.constant 144 : i32
    %add3A_731 = arith.addi %squeeze3A, %add3A_730 : i32
    %swap3A_732 = arith.index_cast %add3A_731 : i32 to index
    %swap3A_733 = tpu.vector_load %arg12[%swap3A_732] {strides = array<i32>} : memref<10752xi32, #tpu.memory_space<vmem>>, vector<16xi32>,
    %swap3A_734 = vector.shape_cast %swap3A_733 : vector<16xi32> to vector<16xi32>
    %swap3A_735 = vector.shape_cast %select_n3A_729 : vector<16xi32> to vector<16xi32>
    tpu.vector_store %arg12[%swap3A_732], %swap3A_735 {strides = array<i32>} : memref<10752xi32, #tpu.memory_space<vmem>>, vector<16xi32>,
    %add3A_736 = arith.constant 144 : i32
    %add3A_737 = vector.broadcast %add3A_736 : i32 to vector<16xi32>
    %add3A_738 = arith.addi %iota3A, %add3A_737 : vector<16xi32>
    %jit3A_739 = arith.constant 128 : i32
    %eq3A_740 = arith.constant 0 : i32
    %eq3A_741 = arith.cmpi eq, %jit3A_739, %eq3A_740 : i32
    %jit3A_742 = arith.constant 1 : i32
    %select_n3A_743 = arith.select %eq3A_741, %jit3A_742, %jit3A_739 : i32
    %rem3A_744 = vector.broadcast %select_n3A_743 : i32 to vector<16xi32>
    %rem3A_745 = arith.remsi %add3A_738, %rem3A_744 : vector<16xi32>
    %ne3A_746 = arith.constant 0 : i32
    %ne3A_747 = vector.broadcast %ne3A_746 : i32 to vector<16xi32>
    %ne3A_748 = arith.cmpi ne, %rem3A_745, %ne3A_747 : vector<16xi32>
    %lt3A_749 = arith.constant 0 : i32
    %lt3A_750 = vector.broadcast %lt3A_749 : i32 to vector<16xi32>
    %lt3A_751 = arith.cmpi slt, %rem3A_745, %lt3A_750 : vector<16xi32>
    %lt3A_752 = arith.constant 0 : i32
    %lt3A_753 = arith.cmpi slt, %select_n3A_743, %lt3A_752 : i32
    %ne3A_754 = vector.broadcast %lt3A_753 : i1 to vector<16xi1>
    %ne3A_755 = vector.broadcast %ne3A_754 : vector<16xi1> to vector<16xi1>
    %ne3A_756 = arith.xori %lt3A_751, %ne3A_755 : vector<16xi1>
    %and3A_757 = arith.andi %ne3A_756, %ne3A_748 : vector<16xi1>
    %add3A_758 = vector.broadcast %select_n3A_743 : i32 to vector<16xi32>
    %add3A_759 = arith.addi %rem3A_745, %add3A_758 : vector<16xi32>
    %select_n3A_760 = arith.select %and3A_757, %add3A_759, %rem3A_745 : vector<16xi1>, vector<16xi32>
    %add3A_761 = arith.constant 4096 : i32
    %add3A_762 = vector.broadcast %add3A_761 : i32 to vector<16xi32>
    %add3A_763 = arith.addi %add3A_762, %select_n3A_760 : vector<16xi32>
    %add3A_764 = arith.constant 144 : i32
    %add3A_765 = arith.addi %squeeze3A, %add3A_764 : i32
    %swap3A_766 = arith.index_cast %add3A_765 : i32 to index
    %swap3A_767 = tpu.vector_load %arg13[%swap3A_766] {strides = array<i32>} : memref<10752xi32, #tpu.memory_space<vmem>>, vector<16xi32>,
    %swap3A_768 = vector.shape_cast %swap3A_767 : vector<16xi32> to vector<16xi32>
    %swap3A_769 = vector.shape_cast %add3A_763 : vector<16xi32> to vector<16xi32>
    tpu.vector_store %arg13[%swap3A_766], %swap3A_769 {strides = array<i32>} : memref<10752xi32, #tpu.memory_space<vmem>>, vector<16xi32>,
    %mul3A_770 = arith.constant 613 : i32
    %mul3A_771 = vector.broadcast %mul3A_770 : i32 to vector<16xi32>
    %mul3A_772 = arith.muli %iota3A, %mul3A_771 : vector<16xi32>
    %add3A_773 = arith.constant 1310 : i32
    %add3A_774 = vector.broadcast %add3A_773 : i32 to vector<16xi32>
    %add3A_775 = arith.addi %mul3A_772, %add3A_774 : vector<16xi32>
    %jit3A_776 = arith.constant 10000 : i32
    %eq3A_777 = arith.constant 0 : i32
    %eq3A_778 = arith.cmpi eq, %jit3A_776, %eq3A_777 : i32
    %jit3A_779 = arith.constant 1 : i32
    %select_n3A_780 = arith.select %eq3A_778, %jit3A_779, %jit3A_776 : i32
    %rem3A_781 = vector.broadcast %select_n3A_780 : i32 to vector<16xi32>
    %rem3A_782 = arith.remsi %add3A_775, %rem3A_781 : vector<16xi32>
    %ne3A_783 = arith.constant 0 : i32
    %ne3A_784 = vector.broadcast %ne3A_783 : i32 to vector<16xi32>
    %ne3A_785 = arith.cmpi ne, %rem3A_782, %ne3A_784 : vector<16xi32>
    %lt3A_786 = arith.constant 0 : i32
    %lt3A_787 = vector.broadcast %lt3A_786 : i32 to vector<16xi32>
    %lt3A_788 = arith.cmpi slt, %rem3A_782, %lt3A_787 : vector<16xi32>
    %lt3A_789 = arith.constant 0 : i32
    %lt3A_790 = arith.cmpi slt, %select_n3A_780, %lt3A_789 : i32
    %ne3A_791 = vector.broadcast %lt3A_790 : i1 to vector<16xi1>
    %ne3A_792 = vector.broadcast %ne3A_791 : vector<16xi1> to vector<16xi1>
    %ne3A_793 = arith.xori %lt3A_788, %ne3A_792 : vector<16xi1>
    %and3A_794 = arith.andi %ne3A_793, %ne3A_785 : vector<16xi1>
    %add3A_795 = vector.broadcast %select_n3A_780 : i32 to vector<16xi32>
    %add3A_796 = arith.addi %rem3A_782, %add3A_795 : vector<16xi32>
    %select_n3A_797 = arith.select %and3A_794, %add3A_796, %rem3A_782 : vector<16xi1>, vector<16xi32>
    %add3A_798 = arith.constant 160 : i32
    %add3A_799 = arith.addi %squeeze3A, %add3A_798 : i32
    %swap3A_800 = arith.index_cast %add3A_799 : i32 to index
    %swap3A_801 = tpu.vector_load %arg12[%swap3A_800] {strides = array<i32>} : memref<10752xi32, #tpu.memory_space<vmem>>, vector<16xi32>,
    %swap3A_802 = vector.shape_cast %swap3A_801 : vector<16xi32> to vector<16xi32>
    %swap3A_803 = vector.shape_cast %select_n3A_797 : vector<16xi32> to vector<16xi32>
    tpu.vector_store %arg12[%swap3A_800], %swap3A_803 {strides = array<i32>} : memref<10752xi32, #tpu.memory_space<vmem>>, vector<16xi32>,
    %add3A_804 = arith.constant 160 : i32
    %add3A_805 = vector.broadcast %add3A_804 : i32 to vector<16xi32>
    %add3A_806 = arith.addi %iota3A, %add3A_805 : vector<16xi32>
    %jit3A_807 = arith.constant 128 : i32
    %eq3A_808 = arith.constant 0 : i32
    %eq3A_809 = arith.cmpi eq, %jit3A_807, %eq3A_808 : i32
    %jit3A_810 = arith.constant 1 : i32
    %select_n3A_811 = arith.select %eq3A_809, %jit3A_810, %jit3A_807 : i32
    %rem3A_812 = vector.broadcast %select_n3A_811 : i32 to vector<16xi32>
    %rem3A_813 = arith.remsi %add3A_806, %rem3A_812 : vector<16xi32>
    %ne3A_814 = arith.constant 0 : i32
    %ne3A_815 = vector.broadcast %ne3A_814 : i32 to vector<16xi32>
    %ne3A_816 = arith.cmpi ne, %rem3A_813, %ne3A_815 : vector<16xi32>
    %lt3A_817 = arith.constant 0 : i32
    %lt3A_818 = vector.broadcast %lt3A_817 : i32 to vector<16xi32>
    %lt3A_819 = arith.cmpi slt, %rem3A_813, %lt3A_818 : vector<16xi32>
    %lt3A_820 = arith.constant 0 : i32
    %lt3A_821 = arith.cmpi slt, %select_n3A_811, %lt3A_820 : i32
    %ne3A_822 = vector.broadcast %lt3A_821 : i1 to vector<16xi1>
    %ne3A_823 = vector.broadcast %ne3A_822 : vector<16xi1> to vector<16xi1>
    %ne3A_824 = arith.xori %lt3A_819, %ne3A_823 : vector<16xi1>
    %and3A_825 = arith.andi %ne3A_824, %ne3A_816 : vector<16xi1>
    %add3A_826 = vector.broadcast %select_n3A_811 : i32 to vector<16xi32>
    %add3A_827 = arith.addi %rem3A_813, %add3A_826 : vector<16xi32>
    %select_n3A_828 = arith.select %and3A_825, %add3A_827, %rem3A_813 : vector<16xi1>, vector<16xi32>
    %add3A_829 = arith.constant 4096 : i32
    %add3A_830 = vector.broadcast %add3A_829 : i32 to vector<16xi32>
    %add3A_831 = arith.addi %add3A_830, %select_n3A_828 : vector<16xi32>
    %add3A_832 = arith.constant 160 : i32
    %add3A_833 = arith.addi %squeeze3A, %add3A_832 : i32
    %swap3A_834 = arith.index_cast %add3A_833 : i32 to index
    %swap3A_835 = tpu.vector_load %arg13[%swap3A_834] {strides = array<i32>} : memref<10752xi32, #tpu.memory_space<vmem>>, vector<16xi32>,
    %swap3A_836 = vector.shape_cast %swap3A_835 : vector<16xi32> to vector<16xi32>
    %swap3A_837 = vector.shape_cast %add3A_831 : vector<16xi32> to vector<16xi32>
    tpu.vector_store %arg13[%swap3A_834], %swap3A_837 {strides = array<i32>} : memref<10752xi32, #tpu.memory_space<vmem>>, vector<16xi32>,
    %mul3A_838 = arith.constant 613 : i32
    %mul3A_839 = vector.broadcast %mul3A_838 : i32 to vector<16xi32>
    %mul3A_840 = arith.muli %iota3A, %mul3A_839 : vector<16xi32>
    %add3A_841 = arith.constant 1441 : i32
    %add3A_842 = vector.broadcast %add3A_841 : i32 to vector<16xi32>
    %add3A_843 = arith.addi %mul3A_840, %add3A_842 : vector<16xi32>
    %jit3A_844 = arith.constant 10000 : i32
    %eq3A_845 = arith.constant 0 : i32
    %eq3A_846 = arith.cmpi eq, %jit3A_844, %eq3A_845 : i32
    %jit3A_847 = arith.constant 1 : i32
    %select_n3A_848 = arith.select %eq3A_846, %jit3A_847, %jit3A_844 : i32
    %rem3A_849 = vector.broadcast %select_n3A_848 : i32 to vector<16xi32>
    %rem3A_850 = arith.remsi %add3A_843, %rem3A_849 : vector<16xi32>
    %ne3A_851 = arith.constant 0 : i32
    %ne3A_852 = vector.broadcast %ne3A_851 : i32 to vector<16xi32>
    %ne3A_853 = arith.cmpi ne, %rem3A_850, %ne3A_852 : vector<16xi32>
    %lt3A_854 = arith.constant 0 : i32
    %lt3A_855 = vector.broadcast %lt3A_854 : i32 to vector<16xi32>
    %lt3A_856 = arith.cmpi slt, %rem3A_850, %lt3A_855 : vector<16xi32>
    %lt3A_857 = arith.constant 0 : i32
    %lt3A_858 = arith.cmpi slt, %select_n3A_848, %lt3A_857 : i32
    %ne3A_859 = vector.broadcast %lt3A_858 : i1 to vector<16xi1>
    %ne3A_860 = vector.broadcast %ne3A_859 : vector<16xi1> to vector<16xi1>
    %ne3A_861 = arith.xori %lt3A_856, %ne3A_860 : vector<16xi1>
    %and3A_862 = arith.andi %ne3A_861, %ne3A_853 : vector<16xi1>
    %add3A_863 = vector.broadcast %select_n3A_848 : i32 to vector<16xi32>
    %add3A_864 = arith.addi %rem3A_850, %add3A_863 : vector<16xi32>
    %select_n3A_865 = arith.select %and3A_862, %add3A_864, %rem3A_850 : vector<16xi1>, vector<16xi32>
    %add3A_866 = arith.constant 176 : i32
    %add3A_867 = arith.addi %squeeze3A, %add3A_866 : i32
    %swap3A_868 = arith.index_cast %add3A_867 : i32 to index
    %swap3A_869 = tpu.vector_load %arg12[%swap3A_868] {strides = array<i32>} : memref<10752xi32, #tpu.memory_space<vmem>>, vector<16xi32>,
    %swap3A_870 = vector.shape_cast %swap3A_869 : vector<16xi32> to vector<16xi32>
    %swap3A_871 = vector.shape_cast %select_n3A_865 : vector<16xi32> to vector<16xi32>
    tpu.vector_store %arg12[%swap3A_868], %swap3A_871 {strides = array<i32>} : memref<10752xi32, #tpu.memory_space<vmem>>, vector<16xi32>,
    %add3A_872 = arith.constant 176 : i32
    %add3A_873 = vector.broadcast %add3A_872 : i32 to vector<16xi32>
    %add3A_874 = arith.addi %iota3A, %add3A_873 : vector<16xi32>
    %jit3A_875 = arith.constant 128 : i32
    %eq3A_876 = arith.constant 0 : i32
    %eq3A_877 = arith.cmpi eq, %jit3A_875, %eq3A_876 : i32
    %jit3A_878 = arith.constant 1 : i32
    %select_n3A_879 = arith.select %eq3A_877, %jit3A_878, %jit3A_875 : i32
    %rem3A_880 = vector.broadcast %select_n3A_879 : i32 to vector<16xi32>
    %rem3A_881 = arith.remsi %add3A_874, %rem3A_880 : vector<16xi32>
    %ne3A_882 = arith.constant 0 : i32
    %ne3A_883 = vector.broadcast %ne3A_882 : i32 to vector<16xi32>
    %ne3A_884 = arith.cmpi ne, %rem3A_881, %ne3A_883 : vector<16xi32>
    %lt3A_885 = arith.constant 0 : i32
    %lt3A_886 = vector.broadcast %lt3A_885 : i32 to vector<16xi32>
    %lt3A_887 = arith.cmpi slt, %rem3A_881, %lt3A_886 : vector<16xi32>
    %lt3A_888 = arith.constant 0 : i32
    %lt3A_889 = arith.cmpi slt, %select_n3A_879, %lt3A_888 : i32
    %ne3A_890 = vector.broadcast %lt3A_889 : i1 to vector<16xi1>
    %ne3A_891 = vector.broadcast %ne3A_890 : vector<16xi1> to vector<16xi1>
    %ne3A_892 = arith.xori %lt3A_887, %ne3A_891 : vector<16xi1>
    %and3A_893 = arith.andi %ne3A_892, %ne3A_884 : vector<16xi1>
    %add3A_894 = vector.broadcast %select_n3A_879 : i32 to vector<16xi32>
    %add3A_895 = arith.addi %rem3A_881, %add3A_894 : vector<16xi32>
    %select_n3A_896 = arith.select %and3A_893, %add3A_895, %rem3A_881 : vector<16xi1>, vector<16xi32>
    %add3A_897 = arith.constant 4096 : i32
    %add3A_898 = vector.broadcast %add3A_897 : i32 to vector<16xi32>
    %add3A_899 = arith.addi %add3A_898, %select_n3A_896 : vector<16xi32>
    %add3A_900 = arith.constant 176 : i32
    %add3A_901 = arith.addi %squeeze3A, %add3A_900 : i32
    %swap3A_902 = arith.index_cast %add3A_901 : i32 to index
    %swap3A_903 = tpu.vector_load %arg13[%swap3A_902] {strides = array<i32>} : memref<10752xi32, #tpu.memory_space<vmem>>, vector<16xi32>,
    %swap3A_904 = vector.shape_cast %swap3A_903 : vector<16xi32> to vector<16xi32>
    %swap3A_905 = vector.shape_cast %add3A_899 : vector<16xi32> to vector<16xi32>
    tpu.vector_store %arg13[%swap3A_902], %swap3A_905 {strides = array<i32>} : memref<10752xi32, #tpu.memory_space<vmem>>, vector<16xi32>,
    %mul3A_906 = arith.constant 613 : i32
    %mul3A_907 = vector.broadcast %mul3A_906 : i32 to vector<16xi32>
    %mul3A_908 = arith.muli %iota3A, %mul3A_907 : vector<16xi32>
    %add3A_909 = arith.constant 1572 : i32
    %add3A_910 = vector.broadcast %add3A_909 : i32 to vector<16xi32>
    %add3A_911 = arith.addi %mul3A_908, %add3A_910 : vector<16xi32>
    %jit3A_912 = arith.constant 10000 : i32
    %eq3A_913 = arith.constant 0 : i32
    %eq3A_914 = arith.cmpi eq, %jit3A_912, %eq3A_913 : i32
    %jit3A_915 = arith.constant 1 : i32
    %select_n3A_916 = arith.select %eq3A_914, %jit3A_915, %jit3A_912 : i32
    %rem3A_917 = vector.broadcast %select_n3A_916 : i32 to vector<16xi32>
    %rem3A_918 = arith.remsi %add3A_911, %rem3A_917 : vector<16xi32>
    %ne3A_919 = arith.constant 0 : i32
    %ne3A_920 = vector.broadcast %ne3A_919 : i32 to vector<16xi32>
    %ne3A_921 = arith.cmpi ne, %rem3A_918, %ne3A_920 : vector<16xi32>
    %lt3A_922 = arith.constant 0 : i32
    %lt3A_923 = vector.broadcast %lt3A_922 : i32 to vector<16xi32>
    %lt3A_924 = arith.cmpi slt, %rem3A_918, %lt3A_923 : vector<16xi32>
    %lt3A_925 = arith.constant 0 : i32
    %lt3A_926 = arith.cmpi slt, %select_n3A_916, %lt3A_925 : i32
    %ne3A_927 = vector.broadcast %lt3A_926 : i1 to vector<16xi1>
    %ne3A_928 = vector.broadcast %ne3A_927 : vector<16xi1> to vector<16xi1>
    %ne3A_929 = arith.xori %lt3A_924, %ne3A_928 : vector<16xi1>
    %and3A_930 = arith.andi %ne3A_929, %ne3A_921 : vector<16xi1>
    %add3A_931 = vector.broadcast %select_n3A_916 : i32 to vector<16xi32>
    %add3A_932 = arith.addi %rem3A_918, %add3A_931 : vector<16xi32>
    %select_n3A_933 = arith.select %and3A_930, %add3A_932, %rem3A_918 : vector<16xi1>, vector<16xi32>
    %add3A_934 = arith.constant 192 : i32
    %add3A_935 = arith.addi %squeeze3A, %add3A_934 : i32
    %swap3A_936 = arith.index_cast %add3A_935 : i32 to index
    %swap3A_937 = tpu.vector_load %arg12[%swap3A_936] {strides = array<i32>} : memref<10752xi32, #tpu.memory_space<vmem>>, vector<16xi32>,
    %swap3A_938 = vector.shape_cast %swap3A_937 : vector<16xi32> to vector<16xi32>
    %swap3A_939 = vector.shape_cast %select_n3A_933 : vector<16xi32> to vector<16xi32>
    tpu.vector_store %arg12[%swap3A_936], %swap3A_939 {strides = array<i32>} : memref<10752xi32, #tpu.memory_space<vmem>>, vector<16xi32>,
    %add3A_940 = arith.constant 192 : i32
    %add3A_941 = vector.broadcast %add3A_940 : i32 to vector<16xi32>
    %add3A_942 = arith.addi %iota3A, %add3A_941 : vector<16xi32>
    %jit3A_943 = arith.constant 128 : i32
    %eq3A_944 = arith.constant 0 : i32
    %eq3A_945 = arith.cmpi eq, %jit3A_943, %eq3A_944 : i32
    %jit3A_946 = arith.constant 1 : i32
    %select_n3A_947 = arith.select %eq3A_945, %jit3A_946, %jit3A_943 : i32
    %rem3A_948 = vector.broadcast %select_n3A_947 : i32 to vector<16xi32>
    %rem3A_949 = arith.remsi %add3A_942, %rem3A_948 : vector<16xi32>
    %ne3A_950 = arith.constant 0 : i32
    %ne3A_951 = vector.broadcast %ne3A_950 : i32 to vector<16xi32>
    %ne3A_952 = arith.cmpi ne, %rem3A_949, %ne3A_951 : vector<16xi32>
    %lt3A_953 = arith.constant 0 : i32
    %lt3A_954 = vector.broadcast %lt3A_953 : i32 to vector<16xi32>
    %lt3A_955 = arith.cmpi slt, %rem3A_949, %lt3A_954 : vector<16xi32>
    %lt3A_956 = arith.constant 0 : i32
    %lt3A_957 = arith.cmpi slt, %select_n3A_947, %lt3A_956 : i32
    %ne3A_958 = vector.broadcast %lt3A_957 : i1 to vector<16xi1>
    %ne3A_959 = vector.broadcast %ne3A_958 : vector<16xi1> to vector<16xi1>
    %ne3A_960 = arith.xori %lt3A_955, %ne3A_959 : vector<16xi1>
    %and3A_961 = arith.andi %ne3A_960, %ne3A_952 : vector<16xi1>
    %add3A_962 = vector.broadcast %select_n3A_947 : i32 to vector<16xi32>
    %add3A_963 = arith.addi %rem3A_949, %add3A_962 : vector<16xi32>
    %select_n3A_964 = arith.select %and3A_961, %add3A_963, %rem3A_949 : vector<16xi1>, vector<16xi32>
    %add3A_965 = arith.constant 4096 : i32
    %add3A_966 = vector.broadcast %add3A_965 : i32 to vector<16xi32>
    %add3A_967 = arith.addi %add3A_966, %select_n3A_964 : vector<16xi32>
    %add3A_968 = arith.constant 192 : i32
    %add3A_969 = arith.addi %squeeze3A, %add3A_968 : i32
    %swap3A_970 = arith.index_cast %add3A_969 : i32 to index
    %swap3A_971 = tpu.vector_load %arg13[%swap3A_970] {strides = array<i32>} : memref<10752xi32, #tpu.memory_space<vmem>>, vector<16xi32>,
    %swap3A_972 = vector.shape_cast %swap3A_971 : vector<16xi32> to vector<16xi32>
    %swap3A_973 = vector.shape_cast %add3A_967 : vector<16xi32> to vector<16xi32>
    tpu.vector_store %arg13[%swap3A_970], %swap3A_973 {strides = array<i32>} : memref<10752xi32, #tpu.memory_space<vmem>>, vector<16xi32>,
    %mul3A_974 = arith.constant 613 : i32
    %mul3A_975 = vector.broadcast %mul3A_974 : i32 to vector<16xi32>
    %mul3A_976 = arith.muli %iota3A, %mul3A_975 : vector<16xi32>
    %add3A_977 = arith.constant 1703 : i32
    %add3A_978 = vector.broadcast %add3A_977 : i32 to vector<16xi32>
    %add3A_979 = arith.addi %mul3A_976, %add3A_978 : vector<16xi32>
    %jit3A_980 = arith.constant 10000 : i32
    %eq3A_981 = arith.constant 0 : i32
    %eq3A_982 = arith.cmpi eq, %jit3A_980, %eq3A_981 : i32
    %jit3A_983 = arith.constant 1 : i32
    %select_n3A_984 = arith.select %eq3A_982, %jit3A_983, %jit3A_980 : i32
    %rem3A_985 = vector.broadcast %select_n3A_984 : i32 to vector<16xi32>
    %rem3A_986 = arith.remsi %add3A_979, %rem3A_985 : vector<16xi32>
    %ne3A_987 = arith.constant 0 : i32
    %ne3A_988 = vector.broadcast %ne3A_987 : i32 to vector<16xi32>
    %ne3A_989 = arith.cmpi ne, %rem3A_986, %ne3A_988 : vector<16xi32>
    %lt3A_990 = arith.constant 0 : i32
    %lt3A_991 = vector.broadcast %lt3A_990 : i32 to vector<16xi32>
    %lt3A_992 = arith.cmpi slt, %rem3A_986, %lt3A_991 : vector<16xi32>
    %lt3A_993 = arith.constant 0 : i32
    %lt3A_994 = arith.cmpi slt, %select_n3A_984, %lt3A_993 : i32
    %ne3A_995 = vector.broadcast %lt3A_994 : i1 to vector<16xi1>
    %ne3A_996 = vector.broadcast %ne3A_995 : vector<16xi1> to vector<16xi1>
    %ne3A_997 = arith.xori %lt3A_992, %ne3A_996 : vector<16xi1>
    %and3A_998 = arith.andi %ne3A_997, %ne3A_989 : vector<16xi1>
    %add3A_999 = vector.broadcast %select_n3A_984 : i32 to vector<16xi32>
    %add3A_1000 = arith.addi %rem3A_986, %add3A_999 : vector<16xi32>
    %select_n3A_1001 = arith.select %and3A_998, %add3A_1000, %rem3A_986 : vector<16xi1>, vector<16xi32>
    %add3A_1002 = arith.constant 208 : i32
    %add3A_1003 = arith.addi %squeeze3A, %add3A_1002 : i32
    %swap3A_1004 = arith.index_cast %add3A_1003 : i32 to index
    %swap3A_1005 = tpu.vector_load %arg12[%swap3A_1004] {strides = array<i32>} : memref<10752xi32, #tpu.memory_space<vmem>>, vector<16xi32>,
    %swap3A_1006 = vector.shape_cast %swap3A_1005 : vector<16xi32> to vector<16xi32>
    %swap3A_1007 = vector.shape_cast %select_n3A_1001 : vector<16xi32> to vector<16xi32>
    tpu.vector_store %arg12[%swap3A_1004], %swap3A_1007 {strides = array<i32>} : memref<10752xi32, #tpu.memory_space<vmem>>, vector<16xi32>,
    %add3A_1008 = arith.constant 208 : i32
    %add3A_1009 = vector.broadcast %add3A_1008 : i32 to vector<16xi32>
    %add3A_1010 = arith.addi %iota3A, %add3A_1009 : vector<16xi32>
    %jit3A_1011 = arith.constant 128 : i32
    %eq3A_1012 = arith.constant 0 : i32
    %eq3A_1013 = arith.cmpi eq, %jit3A_1011, %eq3A_1012 : i32
    %jit3A_1014 = arith.constant 1 : i32
    %select_n3A_1015 = arith.select %eq3A_1013, %jit3A_1014, %jit3A_1011 : i32
    %rem3A_1016 = vector.broadcast %select_n3A_1015 : i32 to vector<16xi32>
    %rem3A_1017 = arith.remsi %add3A_1010, %rem3A_1016 : vector<16xi32>
    %ne3A_1018 = arith.constant 0 : i32
    %ne3A_1019 = vector.broadcast %ne3A_1018 : i32 to vector<16xi32>
    %ne3A_1020 = arith.cmpi ne, %rem3A_1017, %ne3A_1019 : vector<16xi32>
    %lt3A_1021 = arith.constant 0 : i32
    %lt3A_1022 = vector.broadcast %lt3A_1021 : i32 to vector<16xi32>
    %lt3A_1023 = arith.cmpi slt, %rem3A_1017, %lt3A_1022 : vector<16xi32>
    %lt3A_1024 = arith.constant 0 : i32
    %lt3A_1025 = arith.cmpi slt, %select_n3A_1015, %lt3A_1024 : i32
    %ne3A_1026 = vector.broadcast %lt3A_1025 : i1 to vector<16xi1>
    %ne3A_1027 = vector.broadcast %ne3A_1026 : vector<16xi1> to vector<16xi1>
    %ne3A_1028 = arith.xori %lt3A_1023, %ne3A_1027 : vector<16xi1>
    %and3A_1029 = arith.andi %ne3A_1028, %ne3A_1020 : vector<16xi1>
    %add3A_1030 = vector.broadcast %select_n3A_1015 : i32 to vector<16xi32>
    %add3A_1031 = arith.addi %rem3A_1017, %add3A_1030 : vector<16xi32>
    %select_n3A_1032 = arith.select %and3A_1029, %add3A_1031, %rem3A_1017 : vector<16xi1>, vector<16xi32>
    %add3A_1033 = arith.constant 4096 : i32
    %add3A_1034 = vector.broadcast %add3A_1033 : i32 to vector<16xi32>
    %add3A_1035 = arith.addi %add3A_1034, %select_n3A_1032 : vector<16xi32>
    %add3A_1036 = arith.constant 208 : i32
    %add3A_1037 = arith.addi %squeeze3A, %add3A_1036 : i32
    %swap3A_1038 = arith.index_cast %add3A_1037 : i32 to index
    %swap3A_1039 = tpu.vector_load %arg13[%swap3A_1038] {strides = array<i32>} : memref<10752xi32, #tpu.memory_space<vmem>>, vector<16xi32>,
    %swap3A_1040 = vector.shape_cast %swap3A_1039 : vector<16xi32> to vector<16xi32>
    %swap3A_1041 = vector.shape_cast %add3A_1035 : vector<16xi32> to vector<16xi32>
    tpu.vector_store %arg13[%swap3A_1038], %swap3A_1041 {strides = array<i32>} : memref<10752xi32, #tpu.memory_space<vmem>>, vector<16xi32>,
    %mul3A_1042 = arith.constant 613 : i32
    %mul3A_1043 = vector.broadcast %mul3A_1042 : i32 to vector<16xi32>
    %mul3A_1044 = arith.muli %iota3A, %mul3A_1043 : vector<16xi32>
    %add3A_1045 = arith.constant 1834 : i32
    %add3A_1046 = vector.broadcast %add3A_1045 : i32 to vector<16xi32>
    %add3A_1047 = arith.addi %mul3A_1044, %add3A_1046 : vector<16xi32>
    %jit3A_1048 = arith.constant 10000 : i32
    %eq3A_1049 = arith.constant 0 : i32
    %eq3A_1050 = arith.cmpi eq, %jit3A_1048, %eq3A_1049 : i32
    %jit3A_1051 = arith.constant 1 : i32
    %select_n3A_1052 = arith.select %eq3A_1050, %jit3A_1051, %jit3A_1048 : i32
    %rem3A_1053 = vector.broadcast %select_n3A_1052 : i32 to vector<16xi32>
    %rem3A_1054 = arith.remsi %add3A_1047, %rem3A_1053 : vector<16xi32>
    %ne3A_1055 = arith.constant 0 : i32
    %ne3A_1056 = vector.broadcast %ne3A_1055 : i32 to vector<16xi32>
    %ne3A_1057 = arith.cmpi ne, %rem3A_1054, %ne3A_1056 : vector<16xi32>
    %lt3A_1058 = arith.constant 0 : i32
    %lt3A_1059 = vector.broadcast %lt3A_1058 : i32 to vector<16xi32>
    %lt3A_1060 = arith.cmpi slt, %rem3A_1054, %lt3A_1059 : vector<16xi32>
    %lt3A_1061 = arith.constant 0 : i32
    %lt3A_1062 = arith.cmpi slt, %select_n3A_1052, %lt3A_1061 : i32
    %ne3A_1063 = vector.broadcast %lt3A_1062 : i1 to vector<16xi1>
    %ne3A_1064 = vector.broadcast %ne3A_1063 : vector<16xi1> to vector<16xi1>
    %ne3A_1065 = arith.xori %lt3A_1060, %ne3A_1064 : vector<16xi1>
    %and3A_1066 = arith.andi %ne3A_1065, %ne3A_1057 : vector<16xi1>
    %add3A_1067 = vector.broadcast %select_n3A_1052 : i32 to vector<16xi32>
    %add3A_1068 = arith.addi %rem3A_1054, %add3A_1067 : vector<16xi32>
    %select_n3A_1069 = arith.select %and3A_1066, %add3A_1068, %rem3A_1054 : vector<16xi1>, vector<16xi32>
    %add3A_1070 = arith.constant 224 : i32
    %add3A_1071 = arith.addi %squeeze3A, %add3A_1070 : i32
    %swap3A_1072 = arith.index_cast %add3A_1071 : i32 to index
    %swap3A_1073 = tpu.vector_load %arg12[%swap3A_1072] {strides = array<i32>} : memref<10752xi32, #tpu.memory_space<vmem>>, vector<16xi32>,
    %swap3A_1074 = vector.shape_cast %swap3A_1073 : vector<16xi32> to vector<16xi32>
    %swap3A_1075 = vector.shape_cast %select_n3A_1069 : vector<16xi32> to vector<16xi32>
    tpu.vector_store %arg12[%swap3A_1072], %swap3A_1075 {strides = array<i32>} : memref<10752xi32, #tpu.memory_space<vmem>>, vector<16xi32>,
    %add3A_1076 = arith.constant 224 : i32
    %add3A_1077 = vector.broadcast %add3A_1076 : i32 to vector<16xi32>
    %add3A_1078 = arith.addi %iota3A, %add3A_1077 : vector<16xi32>
    %jit3A_1079 = arith.constant 128 : i32
    %eq3A_1080 = arith.constant 0 : i32
    %eq3A_1081 = arith.cmpi eq, %jit3A_1079, %eq3A_1080 : i32
    %jit3A_1082 = arith.constant 1 : i32
    %select_n3A_1083 = arith.select %eq3A_1081, %jit3A_1082, %jit3A_1079 : i32
    %rem3A_1084 = vector.broadcast %select_n3A_1083 : i32 to vector<16xi32>
    %rem3A_1085 = arith.remsi %add3A_1078, %rem3A_1084 : vector<16xi32>
    %ne3A_1086 = arith.constant 0 : i32
    %ne3A_1087 = vector.broadcast %ne3A_1086 : i32 to vector<16xi32>
    %ne3A_1088 = arith.cmpi ne, %rem3A_1085, %ne3A_1087 : vector<16xi32>
    %lt3A_1089 = arith.constant 0 : i32
    %lt3A_1090 = vector.broadcast %lt3A_1089 : i32 to vector<16xi32>
    %lt3A_1091 = arith.cmpi slt, %rem3A_1085, %lt3A_1090 : vector<16xi32>
    %lt3A_1092 = arith.constant 0 : i32
    %lt3A_1093 = arith.cmpi slt, %select_n3A_1083, %lt3A_1092 : i32
    %ne3A_1094 = vector.broadcast %lt3A_1093 : i1 to vector<16xi1>
    %ne3A_1095 = vector.broadcast %ne3A_1094 : vector<16xi1> to vector<16xi1>
    %ne3A_1096 = arith.xori %lt3A_1091, %ne3A_1095 : vector<16xi1>
    %and3A_1097 = arith.andi %ne3A_1096, %ne3A_1088 : vector<16xi1>
    %add3A_1098 = vector.broadcast %select_n3A_1083 : i32 to vector<16xi32>
    %add3A_1099 = arith.addi %rem3A_1085, %add3A_1098 : vector<16xi32>
    %select_n3A_1100 = arith.select %and3A_1097, %add3A_1099, %rem3A_1085 : vector<16xi1>, vector<16xi32>
    %add3A_1101 = arith.constant 4096 : i32
    %add3A_1102 = vector.broadcast %add3A_1101 : i32 to vector<16xi32>
    %add3A_1103 = arith.addi %add3A_1102, %select_n3A_1100 : vector<16xi32>
    %add3A_1104 = arith.constant 224 : i32
    %add3A_1105 = arith.addi %squeeze3A, %add3A_1104 : i32
    %swap3A_1106 = arith.index_cast %add3A_1105 : i32 to index
    %swap3A_1107 = tpu.vector_load %arg13[%swap3A_1106] {strides = array<i32>} : memref<10752xi32, #tpu.memory_space<vmem>>, vector<16xi32>,
    %swap3A_1108 = vector.shape_cast %swap3A_1107 : vector<16xi32> to vector<16xi32>
    %swap3A_1109 = vector.shape_cast %add3A_1103 : vector<16xi32> to vector<16xi32>
    tpu.vector_store %arg13[%swap3A_1106], %swap3A_1109 {strides = array<i32>} : memref<10752xi32, #tpu.memory_space<vmem>>, vector<16xi32>,
    %mul3A_1110 = arith.constant 613 : i32
    %mul3A_1111 = vector.broadcast %mul3A_1110 : i32 to vector<16xi32>
    %mul3A_1112 = arith.muli %iota3A, %mul3A_1111 : vector<16xi32>
    %add3A_1113 = arith.constant 1965 : i32
    %add3A_1114 = vector.broadcast %add3A_1113 : i32 to vector<16xi32>
    %add3A_1115 = arith.addi %mul3A_1112, %add3A_1114 : vector<16xi32>
    %jit3A_1116 = arith.constant 10000 : i32
    %eq3A_1117 = arith.constant 0 : i32
    %eq3A_1118 = arith.cmpi eq, %jit3A_1116, %eq3A_1117 : i32
    %jit3A_1119 = arith.constant 1 : i32
    %select_n3A_1120 = arith.select %eq3A_1118, %jit3A_1119, %jit3A_1116 : i32
    %rem3A_1121 = vector.broadcast %select_n3A_1120 : i32 to vector<16xi32>
    %rem3A_1122 = arith.remsi %add3A_1115, %rem3A_1121 : vector<16xi32>
    %ne3A_1123 = arith.constant 0 : i32
    %ne3A_1124 = vector.broadcast %ne3A_1123 : i32 to vector<16xi32>
    %ne3A_1125 = arith.cmpi ne, %rem3A_1122, %ne3A_1124 : vector<16xi32>
    %lt3A_1126 = arith.constant 0 : i32
    %lt3A_1127 = vector.broadcast %lt3A_1126 : i32 to vector<16xi32>
    %lt3A_1128 = arith.cmpi slt, %rem3A_1122, %lt3A_1127 : vector<16xi32>
    %lt3A_1129 = arith.constant 0 : i32
    %lt3A_1130 = arith.cmpi slt, %select_n3A_1120, %lt3A_1129 : i32
    %ne3A_1131 = vector.broadcast %lt3A_1130 : i1 to vector<16xi1>
    %ne3A_1132 = vector.broadcast %ne3A_1131 : vector<16xi1> to vector<16xi1>
    %ne3A_1133 = arith.xori %lt3A_1128, %ne3A_1132 : vector<16xi1>
    %and3A_1134 = arith.andi %ne3A_1133, %ne3A_1125 : vector<16xi1>
    %add3A_1135 = vector.broadcast %select_n3A_1120 : i32 to vector<16xi32>
    %add3A_1136 = arith.addi %rem3A_1122, %add3A_1135 : vector<16xi32>
    %select_n3A_1137 = arith.select %and3A_1134, %add3A_1136, %rem3A_1122 : vector<16xi1>, vector<16xi32>
    %add3A_1138 = arith.constant 240 : i32
    %add3A_1139 = arith.addi %squeeze3A, %add3A_1138 : i32
    %swap3A_1140 = arith.index_cast %add3A_1139 : i32 to index
    %swap3A_1141 = tpu.vector_load %arg12[%swap3A_1140] {strides = array<i32>} : memref<10752xi32, #tpu.memory_space<vmem>>, vector<16xi32>,
    %swap3A_1142 = vector.shape_cast %swap3A_1141 : vector<16xi32> to vector<16xi32>
    %swap3A_1143 = vector.shape_cast %select_n3A_1137 : vector<16xi32> to vector<16xi32>
    tpu.vector_store %arg12[%swap3A_1140], %swap3A_1143 {strides = array<i32>} : memref<10752xi32, #tpu.memory_space<vmem>>, vector<16xi32>,
    %add3A_1144 = arith.constant 240 : i32
    %add3A_1145 = vector.broadcast %add3A_1144 : i32 to vector<16xi32>
    %add3A_1146 = arith.addi %iota3A, %add3A_1145 : vector<16xi32>
    %jit3A_1147 = arith.constant 128 : i32
    %eq3A_1148 = arith.constant 0 : i32
    %eq3A_1149 = arith.cmpi eq, %jit3A_1147, %eq3A_1148 : i32
    %jit3A_1150 = arith.constant 1 : i32
    %select_n3A_1151 = arith.select %eq3A_1149, %jit3A_1150, %jit3A_1147 : i32
    %rem3A_1152 = vector.broadcast %select_n3A_1151 : i32 to vector<16xi32>
    %rem3A_1153 = arith.remsi %add3A_1146, %rem3A_1152 : vector<16xi32>
    %ne3A_1154 = arith.constant 0 : i32
    %ne3A_1155 = vector.broadcast %ne3A_1154 : i32 to vector<16xi32>
    %ne3A_1156 = arith.cmpi ne, %rem3A_1153, %ne3A_1155 : vector<16xi32>
    %lt3A_1157 = arith.constant 0 : i32
    %lt3A_1158 = vector.broadcast %lt3A_1157 : i32 to vector<16xi32>
    %lt3A_1159 = arith.cmpi slt, %rem3A_1153, %lt3A_1158 : vector<16xi32>
    %lt3A_1160 = arith.constant 0 : i32
    %lt3A_1161 = arith.cmpi slt, %select_n3A_1151, %lt3A_1160 : i32
    %ne3A_1162 = vector.broadcast %lt3A_1161 : i1 to vector<16xi1>
    %ne3A_1163 = vector.broadcast %ne3A_1162 : vector<16xi1> to vector<16xi1>
    %ne3A_1164 = arith.xori %lt3A_1159, %ne3A_1163 : vector<16xi1>
    %and3A_1165 = arith.andi %ne3A_1164, %ne3A_1156 : vector<16xi1>
    %add3A_1166 = vector.broadcast %select_n3A_1151 : i32 to vector<16xi32>
    %add3A_1167 = arith.addi %rem3A_1153, %add3A_1166 : vector<16xi32>
    %select_n3A_1168 = arith.select %and3A_1165, %add3A_1167, %rem3A_1153 : vector<16xi1>, vector<16xi32>
    %add3A_1169 = arith.constant 4096 : i32
    %add3A_1170 = vector.broadcast %add3A_1169 : i32 to vector<16xi32>
    %add3A_1171 = arith.addi %add3A_1170, %select_n3A_1168 : vector<16xi32>
    %add3A_1172 = arith.constant 240 : i32
    %add3A_1173 = arith.addi %squeeze3A, %add3A_1172 : i32
    %swap3A_1174 = arith.index_cast %add3A_1173 : i32 to index
    %swap3A_1175 = tpu.vector_load %arg13[%swap3A_1174] {strides = array<i32>} : memref<10752xi32, #tpu.memory_space<vmem>>, vector<16xi32>,
    %swap3A_1176 = vector.shape_cast %swap3A_1175 : vector<16xi32> to vector<16xi32>
    %swap3A_1177 = vector.shape_cast %add3A_1171 : vector<16xi32> to vector<16xi32>
    tpu.vector_store %arg13[%swap3A_1174], %swap3A_1177 {strides = array<i32>} : memref<10752xi32, #tpu.memory_space<vmem>>, vector<16xi32>,
    %mul3A_1178 = arith.constant 613 : i32
    %mul3A_1179 = vector.broadcast %mul3A_1178 : i32 to vector<16xi32>
    %mul3A_1180 = arith.muli %iota3A, %mul3A_1179 : vector<16xi32>
    %add3A_1181 = arith.constant 2096 : i32
    %add3A_1182 = vector.broadcast %add3A_1181 : i32 to vector<16xi32>
    %add3A_1183 = arith.addi %mul3A_1180, %add3A_1182 : vector<16xi32>
    %jit3A_1184 = arith.constant 10000 : i32
    %eq3A_1185 = arith.constant 0 : i32
    %eq3A_1186 = arith.cmpi eq, %jit3A_1184, %eq3A_1185 : i32
    %jit3A_1187 = arith.constant 1 : i32
    %select_n3A_1188 = arith.select %eq3A_1186, %jit3A_1187, %jit3A_1184 : i32
    %rem3A_1189 = vector.broadcast %select_n3A_1188 : i32 to vector<16xi32>
    %rem3A_1190 = arith.remsi %add3A_1183, %rem3A_1189 : vector<16xi32>
    %ne3A_1191 = arith.constant 0 : i32
    %ne3A_1192 = vector.broadcast %ne3A_1191 : i32 to vector<16xi32>
    %ne3A_1193 = arith.cmpi ne, %rem3A_1190, %ne3A_1192 : vector<16xi32>
    %lt3A_1194 = arith.constant 0 : i32
    %lt3A_1195 = vector.broadcast %lt3A_1194 : i32 to vector<16xi32>
    %lt3A_1196 = arith.cmpi slt, %rem3A_1190, %lt3A_1195 : vector<16xi32>
    %lt3A_1197 = arith.constant 0 : i32
    %lt3A_1198 = arith.cmpi slt, %select_n3A_1188, %lt3A_1197 : i32
    %ne3A_1199 = vector.broadcast %lt3A_1198 : i1 to vector<16xi1>
    %ne3A_1200 = vector.broadcast %ne3A_1199 : vector<16xi1> to vector<16xi1>
    %ne3A_1201 = arith.xori %lt3A_1196, %ne3A_1200 : vector<16xi1>
    %and3A_1202 = arith.andi %ne3A_1201, %ne3A_1193 : vector<16xi1>
    %add3A_1203 = vector.broadcast %select_n3A_1188 : i32 to vector<16xi32>
    %add3A_1204 = arith.addi %rem3A_1190, %add3A_1203 : vector<16xi32>
    %select_n3A_1205 = arith.select %and3A_1202, %add3A_1204, %rem3A_1190 : vector<16xi1>, vector<16xi32>
    %add3A_1206 = arith.constant 256 : i32
    %add3A_1207 = arith.addi %squeeze3A, %add3A_1206 : i32
    %swap3A_1208 = arith.index_cast %add3A_1207 : i32 to index
    %swap3A_1209 = tpu.vector_load %arg12[%swap3A_1208] {strides = array<i32>} : memref<10752xi32, #tpu.memory_space<vmem>>, vector<16xi32>,
    %swap3A_1210 = vector.shape_cast %swap3A_1209 : vector<16xi32> to vector<16xi32>
    %swap3A_1211 = vector.shape_cast %select_n3A_1205 : vector<16xi32> to vector<16xi32>
    tpu.vector_store %arg12[%swap3A_1208], %swap3A_1211 {strides = array<i32>} : memref<10752xi32, #tpu.memory_space<vmem>>, vector<16xi32>,
    %add3A_1212 = arith.constant 256 : i32
    %add3A_1213 = vector.broadcast %add3A_1212 : i32 to vector<16xi32>
    %add3A_1214 = arith.addi %iota3A, %add3A_1213 : vector<16xi32>
    %jit3A_1215 = arith.constant 128 : i32
    %eq3A_1216 = arith.constant 0 : i32
    %eq3A_1217 = arith.cmpi eq, %jit3A_1215, %eq3A_1216 : i32
    %jit3A_1218 = arith.constant 1 : i32
    %select_n3A_1219 = arith.select %eq3A_1217, %jit3A_1218, %jit3A_1215 : i32
    %rem3A_1220 = vector.broadcast %select_n3A_1219 : i32 to vector<16xi32>
    %rem3A_1221 = arith.remsi %add3A_1214, %rem3A_1220 : vector<16xi32>
    %ne3A_1222 = arith.constant 0 : i32
    %ne3A_1223 = vector.broadcast %ne3A_1222 : i32 to vector<16xi32>
    %ne3A_1224 = arith.cmpi ne, %rem3A_1221, %ne3A_1223 : vector<16xi32>
    %lt3A_1225 = arith.constant 0 : i32
    %lt3A_1226 = vector.broadcast %lt3A_1225 : i32 to vector<16xi32>
    %lt3A_1227 = arith.cmpi slt, %rem3A_1221, %lt3A_1226 : vector<16xi32>
    %lt3A_1228 = arith.constant 0 : i32
    %lt3A_1229 = arith.cmpi slt, %select_n3A_1219, %lt3A_1228 : i32
    %ne3A_1230 = vector.broadcast %lt3A_1229 : i1 to vector<16xi1>
    %ne3A_1231 = vector.broadcast %ne3A_1230 : vector<16xi1> to vector<16xi1>
    %ne3A_1232 = arith.xori %lt3A_1227, %ne3A_1231 : vector<16xi1>
    %and3A_1233 = arith.andi %ne3A_1232, %ne3A_1224 : vector<16xi1>
    %add3A_1234 = vector.broadcast %select_n3A_1219 : i32 to vector<16xi32>
    %add3A_1235 = arith.addi %rem3A_1221, %add3A_1234 : vector<16xi32>
    %select_n3A_1236 = arith.select %and3A_1233, %add3A_1235, %rem3A_1221 : vector<16xi1>, vector<16xi32>
    %add3A_1237 = arith.constant 4096 : i32
    %add3A_1238 = vector.broadcast %add3A_1237 : i32 to vector<16xi32>
    %add3A_1239 = arith.addi %add3A_1238, %select_n3A_1236 : vector<16xi32>
    %add3A_1240 = arith.constant 256 : i32
    %add3A_1241 = arith.addi %squeeze3A, %add3A_1240 : i32
    %swap3A_1242 = arith.index_cast %add3A_1241 : i32 to index
    %swap3A_1243 = tpu.vector_load %arg13[%swap3A_1242] {strides = array<i32>} : memref<10752xi32, #tpu.memory_space<vmem>>, vector<16xi32>,
    %swap3A_1244 = vector.shape_cast %swap3A_1243 : vector<16xi32> to vector<16xi32>
    %swap3A_1245 = vector.shape_cast %add3A_1239 : vector<16xi32> to vector<16xi32>
    tpu.vector_store %arg13[%swap3A_1242], %swap3A_1245 {strides = array<i32>} : memref<10752xi32, #tpu.memory_space<vmem>>, vector<16xi32>,
    %mul3A_1246 = arith.constant 613 : i32
    %mul3A_1247 = vector.broadcast %mul3A_1246 : i32 to vector<16xi32>
    %mul3A_1248 = arith.muli %iota3A, %mul3A_1247 : vector<16xi32>
    %add3A_1249 = arith.constant 2227 : i32
    %add3A_1250 = vector.broadcast %add3A_1249 : i32 to vector<16xi32>
    %add3A_1251 = arith.addi %mul3A_1248, %add3A_1250 : vector<16xi32>
    %jit3A_1252 = arith.constant 10000 : i32
    %eq3A_1253 = arith.constant 0 : i32
    %eq3A_1254 = arith.cmpi eq, %jit3A_1252, %eq3A_1253 : i32
    %jit3A_1255 = arith.constant 1 : i32
    %select_n3A_1256 = arith.select %eq3A_1254, %jit3A_1255, %jit3A_1252 : i32
    %rem3A_1257 = vector.broadcast %select_n3A_1256 : i32 to vector<16xi32>
    %rem3A_1258 = arith.remsi %add3A_1251, %rem3A_1257 : vector<16xi32>
    %ne3A_1259 = arith.constant 0 : i32
    %ne3A_1260 = vector.broadcast %ne3A_1259 : i32 to vector<16xi32>
    %ne3A_1261 = arith.cmpi ne, %rem3A_1258, %ne3A_1260 : vector<16xi32>
    %lt3A_1262 = arith.constant 0 : i32
    %lt3A_1263 = vector.broadcast %lt3A_1262 : i32 to vector<16xi32>
    %lt3A_1264 = arith.cmpi slt, %rem3A_1258, %lt3A_1263 : vector<16xi32>
    %lt3A_1265 = arith.constant 0 : i32
    %lt3A_1266 = arith.cmpi slt, %select_n3A_1256, %lt3A_1265 : i32
    %ne3A_1267 = vector.broadcast %lt3A_1266 : i1 to vector<16xi1>
    %ne3A_1268 = vector.broadcast %ne3A_1267 : vector<16xi1> to vector<16xi1>
    %ne3A_1269 = arith.xori %lt3A_1264, %ne3A_1268 : vector<16xi1>
    %and3A_1270 = arith.andi %ne3A_1269, %ne3A_1261 : vector<16xi1>
    %add3A_1271 = vector.broadcast %select_n3A_1256 : i32 to vector<16xi32>
    %add3A_1272 = arith.addi %rem3A_1258, %add3A_1271 : vector<16xi32>
    %select_n3A_1273 = arith.select %and3A_1270, %add3A_1272, %rem3A_1258 : vector<16xi1>, vector<16xi32>
    %add3A_1274 = arith.constant 272 : i32
    %add3A_1275 = arith.addi %squeeze3A, %add3A_1274 : i32
    %swap3A_1276 = arith.index_cast %add3A_1275 : i32 to index
    %swap3A_1277 = tpu.vector_load %arg12[%swap3A_1276] {strides = array<i32>} : memref<10752xi32, #tpu.memory_space<vmem>>, vector<16xi32>,
    %swap3A_1278 = vector.shape_cast %swap3A_1277 : vector<16xi32> to vector<16xi32>
    %swap3A_1279 = vector.shape_cast %select_n3A_1273 : vector<16xi32> to vector<16xi32>
    tpu.vector_store %arg12[%swap3A_1276], %swap3A_1279 {strides = array<i32>} : memref<10752xi32, #tpu.memory_space<vmem>>, vector<16xi32>,
    %add3A_1280 = arith.constant 272 : i32
    %add3A_1281 = vector.broadcast %add3A_1280 : i32 to vector<16xi32>
    %add3A_1282 = arith.addi %iota3A, %add3A_1281 : vector<16xi32>
    %jit3A_1283 = arith.constant 128 : i32
    %eq3A_1284 = arith.constant 0 : i32
    %eq3A_1285 = arith.cmpi eq, %jit3A_1283, %eq3A_1284 : i32
    %jit3A_1286 = arith.constant 1 : i32
    %select_n3A_1287 = arith.select %eq3A_1285, %jit3A_1286, %jit3A_1283 : i32
    %rem3A_1288 = vector.broadcast %select_n3A_1287 : i32 to vector<16xi32>
    %rem3A_1289 = arith.remsi %add3A_1282, %rem3A_1288 : vector<16xi32>
    %ne3A_1290 = arith.constant 0 : i32
    %ne3A_1291 = vector.broadcast %ne3A_1290 : i32 to vector<16xi32>
    %ne3A_1292 = arith.cmpi ne, %rem3A_1289, %ne3A_1291 : vector<16xi32>
    %lt3A_1293 = arith.constant 0 : i32
    %lt3A_1294 = vector.broadcast %lt3A_1293 : i32 to vector<16xi32>
    %lt3A_1295 = arith.cmpi slt, %rem3A_1289, %lt3A_1294 : vector<16xi32>
    %lt3A_1296 = arith.constant 0 : i32
    %lt3A_1297 = arith.cmpi slt, %select_n3A_1287, %lt3A_1296 : i32
    %ne3A_1298 = vector.broadcast %lt3A_1297 : i1 to vector<16xi1>
    %ne3A_1299 = vector.broadcast %ne3A_1298 : vector<16xi1> to vector<16xi1>
    %ne3A_1300 = arith.xori %lt3A_1295, %ne3A_1299 : vector<16xi1>
    %and3A_1301 = arith.andi %ne3A_1300, %ne3A_1292 : vector<16xi1>
    %add3A_1302 = vector.broadcast %select_n3A_1287 : i32 to vector<16xi32>
    %add3A_1303 = arith.addi %rem3A_1289, %add3A_1302 : vector<16xi32>
    %select_n3A_1304 = arith.select %and3A_1301, %add3A_1303, %rem3A_1289 : vector<16xi1>, vector<16xi32>
    %add3A_1305 = arith.constant 4096 : i32
    %add3A_1306 = vector.broadcast %add3A_1305 : i32 to vector<16xi32>
    %add3A_1307 = arith.addi %add3A_1306, %select_n3A_1304 : vector<16xi32>
    %add3A_1308 = arith.constant 272 : i32
    %add3A_1309 = arith.addi %squeeze3A, %add3A_1308 : i32
    %swap3A_1310 = arith.index_cast %add3A_1309 : i32 to index
    %swap3A_1311 = tpu.vector_load %arg13[%swap3A_1310] {strides = array<i32>} : memref<10752xi32, #tpu.memory_space<vmem>>, vector<16xi32>,
    %swap3A_1312 = vector.shape_cast %swap3A_1311 : vector<16xi32> to vector<16xi32>
    %swap3A_1313 = vector.shape_cast %add3A_1307 : vector<16xi32> to vector<16xi32>
    tpu.vector_store %arg13[%swap3A_1310], %swap3A_1313 {strides = array<i32>} : memref<10752xi32, #tpu.memory_space<vmem>>, vector<16xi32>,
    %mul3A_1314 = arith.constant 613 : i32
    %mul3A_1315 = vector.broadcast %mul3A_1314 : i32 to vector<16xi32>
    %mul3A_1316 = arith.muli %iota3A, %mul3A_1315 : vector<16xi32>
    %add3A_1317 = arith.constant 2358 : i32
    %add3A_1318 = vector.broadcast %add3A_1317 : i32 to vector<16xi32>
    %add3A_1319 = arith.addi %mul3A_1316, %add3A_1318 : vector<16xi32>
    %jit3A_1320 = arith.constant 10000 : i32
    %eq3A_1321 = arith.constant 0 : i32
    %eq3A_1322 = arith.cmpi eq, %jit3A_1320, %eq3A_1321 : i32
    %jit3A_1323 = arith.constant 1 : i32
    %select_n3A_1324 = arith.select %eq3A_1322, %jit3A_1323, %jit3A_1320 : i32
    %rem3A_1325 = vector.broadcast %select_n3A_1324 : i32 to vector<16xi32>
    %rem3A_1326 = arith.remsi %add3A_1319, %rem3A_1325 : vector<16xi32>
    %ne3A_1327 = arith.constant 0 : i32
    %ne3A_1328 = vector.broadcast %ne3A_1327 : i32 to vector<16xi32>
    %ne3A_1329 = arith.cmpi ne, %rem3A_1326, %ne3A_1328 : vector<16xi32>
    %lt3A_1330 = arith.constant 0 : i32
    %lt3A_1331 = vector.broadcast %lt3A_1330 : i32 to vector<16xi32>
    %lt3A_1332 = arith.cmpi slt, %rem3A_1326, %lt3A_1331 : vector<16xi32>
    %lt3A_1333 = arith.constant 0 : i32
    %lt3A_1334 = arith.cmpi slt, %select_n3A_1324, %lt3A_1333 : i32
    %ne3A_1335 = vector.broadcast %lt3A_1334 : i1 to vector<16xi1>
    %ne3A_1336 = vector.broadcast %ne3A_1335 : vector<16xi1> to vector<16xi1>
    %ne3A_1337 = arith.xori %lt3A_1332, %ne3A_1336 : vector<16xi1>
    %and3A_1338 = arith.andi %ne3A_1337, %ne3A_1329 : vector<16xi1>
    %add3A_1339 = vector.broadcast %select_n3A_1324 : i32 to vector<16xi32>
    %add3A_1340 = arith.addi %rem3A_1326, %add3A_1339 : vector<16xi32>
    %select_n3A_1341 = arith.select %and3A_1338, %add3A_1340, %rem3A_1326 : vector<16xi1>, vector<16xi32>
    %add3A_1342 = arith.constant 288 : i32
    %add3A_1343 = arith.addi %squeeze3A, %add3A_1342 : i32
    %swap3A_1344 = arith.index_cast %add3A_1343 : i32 to index
    %swap3A_1345 = tpu.vector_load %arg12[%swap3A_1344] {strides = array<i32>} : memref<10752xi32, #tpu.memory_space<vmem>>, vector<16xi32>,
    %swap3A_1346 = vector.shape_cast %swap3A_1345 : vector<16xi32> to vector<16xi32>
    %swap3A_1347 = vector.shape_cast %select_n3A_1341 : vector<16xi32> to vector<16xi32>
    tpu.vector_store %arg12[%swap3A_1344], %swap3A_1347 {strides = array<i32>} : memref<10752xi32, #tpu.memory_space<vmem>>, vector<16xi32>,
    %add3A_1348 = arith.constant 288 : i32
    %add3A_1349 = vector.broadcast %add3A_1348 : i32 to vector<16xi32>
    %add3A_1350 = arith.addi %iota3A, %add3A_1349 : vector<16xi32>
    %jit3A_1351 = arith.constant 128 : i32
    %eq3A_1352 = arith.constant 0 : i32
    %eq3A_1353 = arith.cmpi eq, %jit3A_1351, %eq3A_1352 : i32
    %jit3A_1354 = arith.constant 1 : i32
    %select_n3A_1355 = arith.select %eq3A_1353, %jit3A_1354, %jit3A_1351 : i32
    %rem3A_1356 = vector.broadcast %select_n3A_1355 : i32 to vector<16xi32>
    %rem3A_1357 = arith.remsi %add3A_1350, %rem3A_1356 : vector<16xi32>
    %ne3A_1358 = arith.constant 0 : i32
    %ne3A_1359 = vector.broadcast %ne3A_1358 : i32 to vector<16xi32>
    %ne3A_1360 = arith.cmpi ne, %rem3A_1357, %ne3A_1359 : vector<16xi32>
    %lt3A_1361 = arith.constant 0 : i32
    %lt3A_1362 = vector.broadcast %lt3A_1361 : i32 to vector<16xi32>
    %lt3A_1363 = arith.cmpi slt, %rem3A_1357, %lt3A_1362 : vector<16xi32>
    %lt3A_1364 = arith.constant 0 : i32
    %lt3A_1365 = arith.cmpi slt, %select_n3A_1355, %lt3A_1364 : i32
    %ne3A_1366 = vector.broadcast %lt3A_1365 : i1 to vector<16xi1>
    %ne3A_1367 = vector.broadcast %ne3A_1366 : vector<16xi1> to vector<16xi1>
    %ne3A_1368 = arith.xori %lt3A_1363, %ne3A_1367 : vector<16xi1>
    %and3A_1369 = arith.andi %ne3A_1368, %ne3A_1360 : vector<16xi1>
    %add3A_1370 = vector.broadcast %select_n3A_1355 : i32 to vector<16xi32>
    %add3A_1371 = arith.addi %rem3A_1357, %add3A_1370 : vector<16xi32>
    %select_n3A_1372 = arith.select %and3A_1369, %add3A_1371, %rem3A_1357 : vector<16xi1>, vector<16xi32>
    %add3A_1373 = arith.constant 4096 : i32
    %add3A_1374 = vector.broadcast %add3A_1373 : i32 to vector<16xi32>
    %add3A_1375 = arith.addi %add3A_1374, %select_n3A_1372 : vector<16xi32>
    %add3A_1376 = arith.constant 288 : i32
    %add3A_1377 = arith.addi %squeeze3A, %add3A_1376 : i32
    %swap3A_1378 = arith.index_cast %add3A_1377 : i32 to index
    %swap3A_1379 = tpu.vector_load %arg13[%swap3A_1378] {strides = array<i32>} : memref<10752xi32, #tpu.memory_space<vmem>>, vector<16xi32>,
    %swap3A_1380 = vector.shape_cast %swap3A_1379 : vector<16xi32> to vector<16xi32>
    %swap3A_1381 = vector.shape_cast %add3A_1375 : vector<16xi32> to vector<16xi32>
    tpu.vector_store %arg13[%swap3A_1378], %swap3A_1381 {strides = array<i32>} : memref<10752xi32, #tpu.memory_space<vmem>>, vector<16xi32>,
    %mul3A_1382 = arith.constant 613 : i32
    %mul3A_1383 = vector.broadcast %mul3A_1382 : i32 to vector<16xi32>
    %mul3A_1384 = arith.muli %iota3A, %mul3A_1383 : vector<16xi32>
    %add3A_1385 = arith.constant 2489 : i32
    %add3A_1386 = vector.broadcast %add3A_1385 : i32 to vector<16xi32>
    %add3A_1387 = arith.addi %mul3A_1384, %add3A_1386 : vector<16xi32>
    %jit3A_1388 = arith.constant 10000 : i32
    %eq3A_1389 = arith.constant 0 : i32
    %eq3A_1390 = arith.cmpi eq, %jit3A_1388, %eq3A_1389 : i32
    %jit3A_1391 = arith.constant 1 : i32
    %select_n3A_1392 = arith.select %eq3A_1390, %jit3A_1391, %jit3A_1388 : i32
    %rem3A_1393 = vector.broadcast %select_n3A_1392 : i32 to vector<16xi32>
    %rem3A_1394 = arith.remsi %add3A_1387, %rem3A_1393 : vector<16xi32>
    %ne3A_1395 = arith.constant 0 : i32
    %ne3A_1396 = vector.broadcast %ne3A_1395 : i32 to vector<16xi32>
    %ne3A_1397 = arith.cmpi ne, %rem3A_1394, %ne3A_1396 : vector<16xi32>
    %lt3A_1398 = arith.constant 0 : i32
    %lt3A_1399 = vector.broadcast %lt3A_1398 : i32 to vector<16xi32>
    %lt3A_1400 = arith.cmpi slt, %rem3A_1394, %lt3A_1399 : vector<16xi32>
    %lt3A_1401 = arith.constant 0 : i32
    %lt3A_1402 = arith.cmpi slt, %select_n3A_1392, %lt3A_1401 : i32
    %ne3A_1403 = vector.broadcast %lt3A_1402 : i1 to vector<16xi1>
    %ne3A_1404 = vector.broadcast %ne3A_1403 : vector<16xi1> to vector<16xi1>
    %ne3A_1405 = arith.xori %lt3A_1400, %ne3A_1404 : vector<16xi1>
    %and3A_1406 = arith.andi %ne3A_1405, %ne3A_1397 : vector<16xi1>
    %add3A_1407 = vector.broadcast %select_n3A_1392 : i32 to vector<16xi32>
    %add3A_1408 = arith.addi %rem3A_1394, %add3A_1407 : vector<16xi32>
    %select_n3A_1409 = arith.select %and3A_1406, %add3A_1408, %rem3A_1394 : vector<16xi1>, vector<16xi32>
    %add3A_1410 = arith.constant 304 : i32
    %add3A_1411 = arith.addi %squeeze3A, %add3A_1410 : i32
    %swap3A_1412 = arith.index_cast %add3A_1411 : i32 to index
    %swap3A_1413 = tpu.vector_load %arg12[%swap3A_1412] {strides = array<i32>} : memref<10752xi32, #tpu.memory_space<vmem>>, vector<16xi32>,
    %swap3A_1414 = vector.shape_cast %swap3A_1413 : vector<16xi32> to vector<16xi32>
    %swap3A_1415 = vector.shape_cast %select_n3A_1409 : vector<16xi32> to vector<16xi32>
    tpu.vector_store %arg12[%swap3A_1412], %swap3A_1415 {strides = array<i32>} : memref<10752xi32, #tpu.memory_space<vmem>>, vector<16xi32>,
    %add3A_1416 = arith.constant 304 : i32
    %add3A_1417 = vector.broadcast %add3A_1416 : i32 to vector<16xi32>
    %add3A_1418 = arith.addi %iota3A, %add3A_1417 : vector<16xi32>
    %jit3A_1419 = arith.constant 128 : i32
    %eq3A_1420 = arith.constant 0 : i32
    %eq3A_1421 = arith.cmpi eq, %jit3A_1419, %eq3A_1420 : i32
    %jit3A_1422 = arith.constant 1 : i32
    %select_n3A_1423 = arith.select %eq3A_1421, %jit3A_1422, %jit3A_1419 : i32
    %rem3A_1424 = vector.broadcast %select_n3A_1423 : i32 to vector<16xi32>
    %rem3A_1425 = arith.remsi %add3A_1418, %rem3A_1424 : vector<16xi32>
    %ne3A_1426 = arith.constant 0 : i32
    %ne3A_1427 = vector.broadcast %ne3A_1426 : i32 to vector<16xi32>
    %ne3A_1428 = arith.cmpi ne, %rem3A_1425, %ne3A_1427 : vector<16xi32>
    %lt3A_1429 = arith.constant 0 : i32
    %lt3A_1430 = vector.broadcast %lt3A_1429 : i32 to vector<16xi32>
    %lt3A_1431 = arith.cmpi slt, %rem3A_1425, %lt3A_1430 : vector<16xi32>
    %lt3A_1432 = arith.constant 0 : i32
    %lt3A_1433 = arith.cmpi slt, %select_n3A_1423, %lt3A_1432 : i32
    %ne3A_1434 = vector.broadcast %lt3A_1433 : i1 to vector<16xi1>
    %ne3A_1435 = vector.broadcast %ne3A_1434 : vector<16xi1> to vector<16xi1>
    %ne3A_1436 = arith.xori %lt3A_1431, %ne3A_1435 : vector<16xi1>
    %and3A_1437 = arith.andi %ne3A_1436, %ne3A_1428 : vector<16xi1>
    %add3A_1438 = vector.broadcast %select_n3A_1423 : i32 to vector<16xi32>
    %add3A_1439 = arith.addi %rem3A_1425, %add3A_1438 : vector<16xi32>
    %select_n3A_1440 = arith.select %and3A_1437, %add3A_1439, %rem3A_1425 : vector<16xi1>, vector<16xi32>
    %add3A_1441 = arith.constant 4096 : i32
    %add3A_1442 = vector.broadcast %add3A_1441 : i32 to vector<16xi32>
    %add3A_1443 = arith.addi %add3A_1442, %select_n3A_1440 : vector<16xi32>
    %add3A_1444 = arith.constant 304 : i32
    %add3A_1445 = arith.addi %squeeze3A, %add3A_1444 : i32
    %swap3A_1446 = arith.index_cast %add3A_1445 : i32 to index
    %swap3A_1447 = tpu.vector_load %arg13[%swap3A_1446] {strides = array<i32>} : memref<10752xi32, #tpu.memory_space<vmem>>, vector<16xi32>,
    %swap3A_1448 = vector.shape_cast %swap3A_1447 : vector<16xi32> to vector<16xi32>
    %swap3A_1449 = vector.shape_cast %add3A_1443 : vector<16xi32> to vector<16xi32>
    tpu.vector_store %arg13[%swap3A_1446], %swap3A_1449 {strides = array<i32>} : memref<10752xi32, #tpu.memory_space<vmem>>, vector<16xi32>,
    %mul3A_1450 = arith.constant 613 : i32
    %mul3A_1451 = vector.broadcast %mul3A_1450 : i32 to vector<16xi32>
    %mul3A_1452 = arith.muli %iota3A, %mul3A_1451 : vector<16xi32>
    %add3A_1453 = arith.constant 2620 : i32
    %add3A_1454 = vector.broadcast %add3A_1453 : i32 to vector<16xi32>
    %add3A_1455 = arith.addi %mul3A_1452, %add3A_1454 : vector<16xi32>
    %jit3A_1456 = arith.constant 10000 : i32
    %eq3A_1457 = arith.constant 0 : i32
    %eq3A_1458 = arith.cmpi eq, %jit3A_1456, %eq3A_1457 : i32
    %jit3A_1459 = arith.constant 1 : i32
    %select_n3A_1460 = arith.select %eq3A_1458, %jit3A_1459, %jit3A_1456 : i32
    %rem3A_1461 = vector.broadcast %select_n3A_1460 : i32 to vector<16xi32>
    %rem3A_1462 = arith.remsi %add3A_1455, %rem3A_1461 : vector<16xi32>
    %ne3A_1463 = arith.constant 0 : i32
    %ne3A_1464 = vector.broadcast %ne3A_1463 : i32 to vector<16xi32>
    %ne3A_1465 = arith.cmpi ne, %rem3A_1462, %ne3A_1464 : vector<16xi32>
    %lt3A_1466 = arith.constant 0 : i32
    %lt3A_1467 = vector.broadcast %lt3A_1466 : i32 to vector<16xi32>
    %lt3A_1468 = arith.cmpi slt, %rem3A_1462, %lt3A_1467 : vector<16xi32>
    %lt3A_1469 = arith.constant 0 : i32
    %lt3A_1470 = arith.cmpi slt, %select_n3A_1460, %lt3A_1469 : i32
    %ne3A_1471 = vector.broadcast %lt3A_1470 : i1 to vector<16xi1>
    %ne3A_1472 = vector.broadcast %ne3A_1471 : vector<16xi1> to vector<16xi1>
    %ne3A_1473 = arith.xori %lt3A_1468, %ne3A_1472 : vector<16xi1>
    %and3A_1474 = arith.andi %ne3A_1473, %ne3A_1465 : vector<16xi1>
    %add3A_1475 = vector.broadcast %select_n3A_1460 : i32 to vector<16xi32>
    %add3A_1476 = arith.addi %rem3A_1462, %add3A_1475 : vector<16xi32>
    %select_n3A_1477 = arith.select %and3A_1474, %add3A_1476, %rem3A_1462 : vector<16xi1>, vector<16xi32>
    %add3A_1478 = arith.constant 320 : i32
    %add3A_1479 = arith.addi %squeeze3A, %add3A_1478 : i32
    %swap3A_1480 = arith.index_cast %add3A_1479 : i32 to index
    %swap3A_1481 = tpu.vector_load %arg12[%swap3A_1480] {strides = array<i32>} : memref<10752xi32, #tpu.memory_space<vmem>>, vector<16xi32>,
    %swap3A_1482 = vector.shape_cast %swap3A_1481 : vector<16xi32> to vector<16xi32>
    %swap3A_1483 = vector.shape_cast %select_n3A_1477 : vector<16xi32> to vector<16xi32>
    tpu.vector_store %arg12[%swap3A_1480], %swap3A_1483 {strides = array<i32>} : memref<10752xi32, #tpu.memory_space<vmem>>, vector<16xi32>,
    %add3A_1484 = arith.constant 320 : i32
    %add3A_1485 = vector.broadcast %add3A_1484 : i32 to vector<16xi32>
    %add3A_1486 = arith.addi %iota3A, %add3A_1485 : vector<16xi32>
    %jit3A_1487 = arith.constant 128 : i32
    %eq3A_1488 = arith.constant 0 : i32
    %eq3A_1489 = arith.cmpi eq, %jit3A_1487, %eq3A_1488 : i32
    %jit3A_1490 = arith.constant 1 : i32
    %select_n3A_1491 = arith.select %eq3A_1489, %jit3A_1490, %jit3A_1487 : i32
    %rem3A_1492 = vector.broadcast %select_n3A_1491 : i32 to vector<16xi32>
    %rem3A_1493 = arith.remsi %add3A_1486, %rem3A_1492 : vector<16xi32>
    %ne3A_1494 = arith.constant 0 : i32
    %ne3A_1495 = vector.broadcast %ne3A_1494 : i32 to vector<16xi32>
    %ne3A_1496 = arith.cmpi ne, %rem3A_1493, %ne3A_1495 : vector<16xi32>
    %lt3A_1497 = arith.constant 0 : i32
    %lt3A_1498 = vector.broadcast %lt3A_1497 : i32 to vector<16xi32>
    %lt3A_1499 = arith.cmpi slt, %rem3A_1493, %lt3A_1498 : vector<16xi32>
    %lt3A_1500 = arith.constant 0 : i32
    %lt3A_1501 = arith.cmpi slt, %select_n3A_1491, %lt3A_1500 : i32
    %ne3A_1502 = vector.broadcast %lt3A_1501 : i1 to vector<16xi1>
    %ne3A_1503 = vector.broadcast %ne3A_1502 : vector<16xi1> to vector<16xi1>
    %ne3A_1504 = arith.xori %lt3A_1499, %ne3A_1503 : vector<16xi1>
    %and3A_1505 = arith.andi %ne3A_1504, %ne3A_1496 : vector<16xi1>
    %add3A_1506 = vector.broadcast %select_n3A_1491 : i32 to vector<16xi32>
    %add3A_1507 = arith.addi %rem3A_1493, %add3A_1506 : vector<16xi32>
    %select_n3A_1508 = arith.select %and3A_1505, %add3A_1507, %rem3A_1493 : vector<16xi1>, vector<16xi32>
    %add3A_1509 = arith.constant 4096 : i32
    %add3A_1510 = vector.broadcast %add3A_1509 : i32 to vector<16xi32>
    %add3A_1511 = arith.addi %add3A_1510, %select_n3A_1508 : vector<16xi32>
    %add3A_1512 = arith.constant 320 : i32
    %add3A_1513 = arith.addi %squeeze3A, %add3A_1512 : i32
    %swap3A_1514 = arith.index_cast %add3A_1513 : i32 to index
    %swap3A_1515 = tpu.vector_load %arg13[%swap3A_1514] {strides = array<i32>} : memref<10752xi32, #tpu.memory_space<vmem>>, vector<16xi32>,
    %swap3A_1516 = vector.shape_cast %swap3A_1515 : vector<16xi32> to vector<16xi32>
    %swap3A_1517 = vector.shape_cast %add3A_1511 : vector<16xi32> to vector<16xi32>
    tpu.vector_store %arg13[%swap3A_1514], %swap3A_1517 {strides = array<i32>} : memref<10752xi32, #tpu.memory_space<vmem>>, vector<16xi32>,
    %mul3A_1518 = arith.constant 613 : i32
    %mul3A_1519 = vector.broadcast %mul3A_1518 : i32 to vector<16xi32>
    %mul3A_1520 = arith.muli %iota3A, %mul3A_1519 : vector<16xi32>
    %add3A_1521 = arith.constant 2751 : i32
    %add3A_1522 = vector.broadcast %add3A_1521 : i32 to vector<16xi32>
    %add3A_1523 = arith.addi %mul3A_1520, %add3A_1522 : vector<16xi32>
    %jit3A_1524 = arith.constant 10000 : i32
    %eq3A_1525 = arith.constant 0 : i32
    %eq3A_1526 = arith.cmpi eq, %jit3A_1524, %eq3A_1525 : i32
    %jit3A_1527 = arith.constant 1 : i32
    %select_n3A_1528 = arith.select %eq3A_1526, %jit3A_1527, %jit3A_1524 : i32
    %rem3A_1529 = vector.broadcast %select_n3A_1528 : i32 to vector<16xi32>
    %rem3A_1530 = arith.remsi %add3A_1523, %rem3A_1529 : vector<16xi32>
    %ne3A_1531 = arith.constant 0 : i32
    %ne3A_1532 = vector.broadcast %ne3A_1531 : i32 to vector<16xi32>
    %ne3A_1533 = arith.cmpi ne, %rem3A_1530, %ne3A_1532 : vector<16xi32>
    %lt3A_1534 = arith.constant 0 : i32
    %lt3A_1535 = vector.broadcast %lt3A_1534 : i32 to vector<16xi32>
    %lt3A_1536 = arith.cmpi slt, %rem3A_1530, %lt3A_1535 : vector<16xi32>
    %lt3A_1537 = arith.constant 0 : i32
    %lt3A_1538 = arith.cmpi slt, %select_n3A_1528, %lt3A_1537 : i32
    %ne3A_1539 = vector.broadcast %lt3A_1538 : i1 to vector<16xi1>
    %ne3A_1540 = vector.broadcast %ne3A_1539 : vector<16xi1> to vector<16xi1>
    %ne3A_1541 = arith.xori %lt3A_1536, %ne3A_1540 : vector<16xi1>
    %and3A_1542 = arith.andi %ne3A_1541, %ne3A_1533 : vector<16xi1>
    %add3A_1543 = vector.broadcast %select_n3A_1528 : i32 to vector<16xi32>
    %add3A_1544 = arith.addi %rem3A_1530, %add3A_1543 : vector<16xi32>
    %select_n3A_1545 = arith.select %and3A_1542, %add3A_1544, %rem3A_1530 : vector<16xi1>, vector<16xi32>
    %add3A_1546 = arith.constant 336 : i32
    %add3A_1547 = arith.addi %squeeze3A, %add3A_1546 : i32
    %swap3A_1548 = arith.index_cast %add3A_1547 : i32 to index
    %swap3A_1549 = tpu.vector_load %arg12[%swap3A_1548] {strides = array<i32>} : memref<10752xi32, #tpu.memory_space<vmem>>, vector<16xi32>,
    %swap3A_1550 = vector.shape_cast %swap3A_1549 : vector<16xi32> to vector<16xi32>
    %swap3A_1551 = vector.shape_cast %select_n3A_1545 : vector<16xi32> to vector<16xi32>
    tpu.vector_store %arg12[%swap3A_1548], %swap3A_1551 {strides = array<i32>} : memref<10752xi32, #tpu.memory_space<vmem>>, vector<16xi32>,
    %add3A_1552 = arith.constant 336 : i32
    %add3A_1553 = vector.broadcast %add3A_1552 : i32 to vector<16xi32>
    %add3A_1554 = arith.addi %iota3A, %add3A_1553 : vector<16xi32>
    %jit3A_1555 = arith.constant 128 : i32
    %eq3A_1556 = arith.constant 0 : i32
    %eq3A_1557 = arith.cmpi eq, %jit3A_1555, %eq3A_1556 : i32
    %jit3A_1558 = arith.constant 1 : i32
    %select_n3A_1559 = arith.select %eq3A_1557, %jit3A_1558, %jit3A_1555 : i32
    %rem3A_1560 = vector.broadcast %select_n3A_1559 : i32 to vector<16xi32>
    %rem3A_1561 = arith.remsi %add3A_1554, %rem3A_1560 : vector<16xi32>
    %ne3A_1562 = arith.constant 0 : i32
    %ne3A_1563 = vector.broadcast %ne3A_1562 : i32 to vector<16xi32>
    %ne3A_1564 = arith.cmpi ne, %rem3A_1561, %ne3A_1563 : vector<16xi32>
    %lt3A_1565 = arith.constant 0 : i32
    %lt3A_1566 = vector.broadcast %lt3A_1565 : i32 to vector<16xi32>
    %lt3A_1567 = arith.cmpi slt, %rem3A_1561, %lt3A_1566 : vector<16xi32>
    %lt3A_1568 = arith.constant 0 : i32
    %lt3A_1569 = arith.cmpi slt, %select_n3A_1559, %lt3A_1568 : i32
    %ne3A_1570 = vector.broadcast %lt3A_1569 : i1 to vector<16xi1>
    %ne3A_1571 = vector.broadcast %ne3A_1570 : vector<16xi1> to vector<16xi1>
    %ne3A_1572 = arith.xori %lt3A_1567, %ne3A_1571 : vector<16xi1>
    %and3A_1573 = arith.andi %ne3A_1572, %ne3A_1564 : vector<16xi1>
    %add3A_1574 = vector.broadcast %select_n3A_1559 : i32 to vector<16xi32>
    %add3A_1575 = arith.addi %rem3A_1561, %add3A_1574 : vector<16xi32>
    %select_n3A_1576 = arith.select %and3A_1573, %add3A_1575, %rem3A_1561 : vector<16xi1>, vector<16xi32>
    %add3A_1577 = arith.constant 4096 : i32
    %add3A_1578 = vector.broadcast %add3A_1577 : i32 to vector<16xi32>
    %add3A_1579 = arith.addi %add3A_1578, %select_n3A_1576 : vector<16xi32>
    %add3A_1580 = arith.constant 336 : i32
    %add3A_1581 = arith.addi %squeeze3A, %add3A_1580 : i32
    %swap3A_1582 = arith.index_cast %add3A_1581 : i32 to index
    %swap3A_1583 = tpu.vector_load %arg13[%swap3A_1582] {strides = array<i32>} : memref<10752xi32, #tpu.memory_space<vmem>>, vector<16xi32>,
    %swap3A_1584 = vector.shape_cast %swap3A_1583 : vector<16xi32> to vector<16xi32>
    %swap3A_1585 = vector.shape_cast %add3A_1579 : vector<16xi32> to vector<16xi32>
    tpu.vector_store %arg13[%swap3A_1582], %swap3A_1585 {strides = array<i32>} : memref<10752xi32, #tpu.memory_space<vmem>>, vector<16xi32>,
    %mul3A_1586 = arith.constant 613 : i32
    %mul3A_1587 = vector.broadcast %mul3A_1586 : i32 to vector<16xi32>
    %mul3A_1588 = arith.muli %iota3A, %mul3A_1587 : vector<16xi32>
    %add3A_1589 = arith.constant 2882 : i32
    %add3A_1590 = vector.broadcast %add3A_1589 : i32 to vector<16xi32>
    %add3A_1591 = arith.addi %mul3A_1588, %add3A_1590 : vector<16xi32>
    %jit3A_1592 = arith.constant 10000 : i32
    %eq3A_1593 = arith.constant 0 : i32
    %eq3A_1594 = arith.cmpi eq, %jit3A_1592, %eq3A_1593 : i32
    %jit3A_1595 = arith.constant 1 : i32
    %select_n3A_1596 = arith.select %eq3A_1594, %jit3A_1595, %jit3A_1592 : i32
    %rem3A_1597 = vector.broadcast %select_n3A_1596 : i32 to vector<16xi32>
    %rem3A_1598 = arith.remsi %add3A_1591, %rem3A_1597 : vector<16xi32>
    %ne3A_1599 = arith.constant 0 : i32
    %ne3A_1600 = vector.broadcast %ne3A_1599 : i32 to vector<16xi32>
    %ne3A_1601 = arith.cmpi ne, %rem3A_1598, %ne3A_1600 : vector<16xi32>
    %lt3A_1602 = arith.constant 0 : i32
    %lt3A_1603 = vector.broadcast %lt3A_1602 : i32 to vector<16xi32>
    %lt3A_1604 = arith.cmpi slt, %rem3A_1598, %lt3A_1603 : vector<16xi32>
    %lt3A_1605 = arith.constant 0 : i32
    %lt3A_1606 = arith.cmpi slt, %select_n3A_1596, %lt3A_1605 : i32
    %ne3A_1607 = vector.broadcast %lt3A_1606 : i1 to vector<16xi1>
    %ne3A_1608 = vector.broadcast %ne3A_1607 : vector<16xi1> to vector<16xi1>
    %ne3A_1609 = arith.xori %lt3A_1604, %ne3A_1608 : vector<16xi1>
    %and3A_1610 = arith.andi %ne3A_1609, %ne3A_1601 : vector<16xi1>
    %add3A_1611 = vector.broadcast %select_n3A_1596 : i32 to vector<16xi32>
    %add3A_1612 = arith.addi %rem3A_1598, %add3A_1611 : vector<16xi32>
    %select_n3A_1613 = arith.select %and3A_1610, %add3A_1612, %rem3A_1598 : vector<16xi1>, vector<16xi32>
    %add3A_1614 = arith.constant 352 : i32
    %add3A_1615 = arith.addi %squeeze3A, %add3A_1614 : i32
    %swap3A_1616 = arith.index_cast %add3A_1615 : i32 to index
    %swap3A_1617 = tpu.vector_load %arg12[%swap3A_1616] {strides = array<i32>} : memref<10752xi32, #tpu.memory_space<vmem>>, vector<16xi32>,
    %swap3A_1618 = vector.shape_cast %swap3A_1617 : vector<16xi32> to vector<16xi32>
    %swap3A_1619 = vector.shape_cast %select_n3A_1613 : vector<16xi32> to vector<16xi32>
    tpu.vector_store %arg12[%swap3A_1616], %swap3A_1619 {strides = array<i32>} : memref<10752xi32, #tpu.memory_space<vmem>>, vector<16xi32>,
    %add3A_1620 = arith.constant 352 : i32
    %add3A_1621 = vector.broadcast %add3A_1620 : i32 to vector<16xi32>
    %add3A_1622 = arith.addi %iota3A, %add3A_1621 : vector<16xi32>
    %jit3A_1623 = arith.constant 128 : i32
    %eq3A_1624 = arith.constant 0 : i32
    %eq3A_1625 = arith.cmpi eq, %jit3A_1623, %eq3A_1624 : i32
    %jit3A_1626 = arith.constant 1 : i32
    %select_n3A_1627 = arith.select %eq3A_1625, %jit3A_1626, %jit3A_1623 : i32
    %rem3A_1628 = vector.broadcast %select_n3A_1627 : i32 to vector<16xi32>
    %rem3A_1629 = arith.remsi %add3A_1622, %rem3A_1628 : vector<16xi32>
    %ne3A_1630 = arith.constant 0 : i32
    %ne3A_1631 = vector.broadcast %ne3A_1630 : i32 to vector<16xi32>
    %ne3A_1632 = arith.cmpi ne, %rem3A_1629, %ne3A_1631 : vector<16xi32>
    %lt3A_1633 = arith.constant 0 : i32
    %lt3A_1634 = vector.broadcast %lt3A_1633 : i32 to vector<16xi32>
    %lt3A_1635 = arith.cmpi slt, %rem3A_1629, %lt3A_1634 : vector<16xi32>
    %lt3A_1636 = arith.constant 0 : i32
    %lt3A_1637 = arith.cmpi slt, %select_n3A_1627, %lt3A_1636 : i32
    %ne3A_1638 = vector.broadcast %lt3A_1637 : i1 to vector<16xi1>
    %ne3A_1639 = vector.broadcast %ne3A_1638 : vector<16xi1> to vector<16xi1>
    %ne3A_1640 = arith.xori %lt3A_1635, %ne3A_1639 : vector<16xi1>
    %and3A_1641 = arith.andi %ne3A_1640, %ne3A_1632 : vector<16xi1>
    %add3A_1642 = vector.broadcast %select_n3A_1627 : i32 to vector<16xi32>
    %add3A_1643 = arith.addi %rem3A_1629, %add3A_1642 : vector<16xi32>
    %select_n3A_1644 = arith.select %and3A_1641, %add3A_1643, %rem3A_1629 : vector<16xi1>, vector<16xi32>
    %add3A_1645 = arith.constant 4096 : i32
    %add3A_1646 = vector.broadcast %add3A_1645 : i32 to vector<16xi32>
    %add3A_1647 = arith.addi %add3A_1646, %select_n3A_1644 : vector<16xi32>
    %add3A_1648 = arith.constant 352 : i32
    %add3A_1649 = arith.addi %squeeze3A, %add3A_1648 : i32
    %swap3A_1650 = arith.index_cast %add3A_1649 : i32 to index
    %swap3A_1651 = tpu.vector_load %arg13[%swap3A_1650] {strides = array<i32>} : memref<10752xi32, #tpu.memory_space<vmem>>, vector<16xi32>,
    %swap3A_1652 = vector.shape_cast %swap3A_1651 : vector<16xi32> to vector<16xi32>
    %swap3A_1653 = vector.shape_cast %add3A_1647 : vector<16xi32> to vector<16xi32>
    tpu.vector_store %arg13[%swap3A_1650], %swap3A_1653 {strides = array<i32>} : memref<10752xi32, #tpu.memory_space<vmem>>, vector<16xi32>,
    %mul3A_1654 = arith.constant 613 : i32
    %mul3A_1655 = vector.broadcast %mul3A_1654 : i32 to vector<16xi32>
    %mul3A_1656 = arith.muli %iota3A, %mul3A_1655 : vector<16xi32>
    %add3A_1657 = arith.constant 3013 : i32
    %add3A_1658 = vector.broadcast %add3A_1657 : i32 to vector<16xi32>
    %add3A_1659 = arith.addi %mul3A_1656, %add3A_1658 : vector<16xi32>
    %jit3A_1660 = arith.constant 10000 : i32
    %eq3A_1661 = arith.constant 0 : i32
    %eq3A_1662 = arith.cmpi eq, %jit3A_1660, %eq3A_1661 : i32
    %jit3A_1663 = arith.constant 1 : i32
    %select_n3A_1664 = arith.select %eq3A_1662, %jit3A_1663, %jit3A_1660 : i32
    %rem3A_1665 = vector.broadcast %select_n3A_1664 : i32 to vector<16xi32>
    %rem3A_1666 = arith.remsi %add3A_1659, %rem3A_1665 : vector<16xi32>
    %ne3A_1667 = arith.constant 0 : i32
    %ne3A_1668 = vector.broadcast %ne3A_1667 : i32 to vector<16xi32>
    %ne3A_1669 = arith.cmpi ne, %rem3A_1666, %ne3A_1668 : vector<16xi32>
    %lt3A_1670 = arith.constant 0 : i32
    %lt3A_1671 = vector.broadcast %lt3A_1670 : i32 to vector<16xi32>
    %lt3A_1672 = arith.cmpi slt, %rem3A_1666, %lt3A_1671 : vector<16xi32>
    %lt3A_1673 = arith.constant 0 : i32
    %lt3A_1674 = arith.cmpi slt, %select_n3A_1664, %lt3A_1673 : i32
    %ne3A_1675 = vector.broadcast %lt3A_1674 : i1 to vector<16xi1>
    %ne3A_1676 = vector.broadcast %ne3A_1675 : vector<16xi1> to vector<16xi1>
    %ne3A_1677 = arith.xori %lt3A_1672, %ne3A_1676 : vector<16xi1>
    %and3A_1678 = arith.andi %ne3A_1677, %ne3A_1669 : vector<16xi1>
    %add3A_1679 = vector.broadcast %select_n3A_1664 : i32 to vector<16xi32>
    %add3A_1680 = arith.addi %rem3A_1666, %add3A_1679 : vector<16xi32>
    %select_n3A_1681 = arith.select %and3A_1678, %add3A_1680, %rem3A_1666 : vector<16xi1>, vector<16xi32>
    %add3A_1682 = arith.constant 368 : i32
    %add3A_1683 = arith.addi %squeeze3A, %add3A_1682 : i32
    %swap3A_1684 = arith.index_cast %add3A_1683 : i32 to index
    %swap3A_1685 = tpu.vector_load %arg12[%swap3A_1684] {strides = array<i32>} : memref<10752xi32, #tpu.memory_space<vmem>>, vector<16xi32>,
    %swap3A_1686 = vector.shape_cast %swap3A_1685 : vector<16xi32> to vector<16xi32>
    %swap3A_1687 = vector.shape_cast %select_n3A_1681 : vector<16xi32> to vector<16xi32>
    tpu.vector_store %arg12[%swap3A_1684], %swap3A_1687 {strides = array<i32>} : memref<10752xi32, #tpu.memory_space<vmem>>, vector<16xi32>,
    %add3A_1688 = arith.constant 368 : i32
    %add3A_1689 = vector.broadcast %add3A_1688 : i32 to vector<16xi32>
    %add3A_1690 = arith.addi %iota3A, %add3A_1689 : vector<16xi32>
    %jit3A_1691 = arith.constant 128 : i32
    %eq3A_1692 = arith.constant 0 : i32
    %eq3A_1693 = arith.cmpi eq, %jit3A_1691, %eq3A_1692 : i32
    %jit3A_1694 = arith.constant 1 : i32
    %select_n3A_1695 = arith.select %eq3A_1693, %jit3A_1694, %jit3A_1691 : i32
    %rem3A_1696 = vector.broadcast %select_n3A_1695 : i32 to vector<16xi32>
    %rem3A_1697 = arith.remsi %add3A_1690, %rem3A_1696 : vector<16xi32>
    %ne3A_1698 = arith.constant 0 : i32
    %ne3A_1699 = vector.broadcast %ne3A_1698 : i32 to vector<16xi32>
    %ne3A_1700 = arith.cmpi ne, %rem3A_1697, %ne3A_1699 : vector<16xi32>
    %lt3A_1701 = arith.constant 0 : i32
    %lt3A_1702 = vector.broadcast %lt3A_1701 : i32 to vector<16xi32>
    %lt3A_1703 = arith.cmpi slt, %rem3A_1697, %lt3A_1702 : vector<16xi32>
    %lt3A_1704 = arith.constant 0 : i32
    %lt3A_1705 = arith.cmpi slt, %select_n3A_1695, %lt3A_1704 : i32
    %ne3A_1706 = vector.broadcast %lt3A_1705 : i1 to vector<16xi1>
    %ne3A_1707 = vector.broadcast %ne3A_1706 : vector<16xi1> to vector<16xi1>
    %ne3A_1708 = arith.xori %lt3A_1703, %ne3A_1707 : vector<16xi1>
    %and3A_1709 = arith.andi %ne3A_1708, %ne3A_1700 : vector<16xi1>
    %add3A_1710 = vector.broadcast %select_n3A_1695 : i32 to vector<16xi32>
    %add3A_1711 = arith.addi %rem3A_1697, %add3A_1710 : vector<16xi32>
    %select_n3A_1712 = arith.select %and3A_1709, %add3A_1711, %rem3A_1697 : vector<16xi1>, vector<16xi32>
    %add3A_1713 = arith.constant 4096 : i32
    %add3A_1714 = vector.broadcast %add3A_1713 : i32 to vector<16xi32>
    %add3A_1715 = arith.addi %add3A_1714, %select_n3A_1712 : vector<16xi32>
    %add3A_1716 = arith.constant 368 : i32
    %add3A_1717 = arith.addi %squeeze3A, %add3A_1716 : i32
    %swap3A_1718 = arith.index_cast %add3A_1717 : i32 to index
    %swap3A_1719 = tpu.vector_load %arg13[%swap3A_1718] {strides = array<i32>} : memref<10752xi32, #tpu.memory_space<vmem>>, vector<16xi32>,
    %swap3A_1720 = vector.shape_cast %swap3A_1719 : vector<16xi32> to vector<16xi32>
    %swap3A_1721 = vector.shape_cast %add3A_1715 : vector<16xi32> to vector<16xi32>
    tpu.vector_store %arg13[%swap3A_1718], %swap3A_1721 {strides = array<i32>} : memref<10752xi32, #tpu.memory_space<vmem>>, vector<16xi32>,
    %mul3A_1722 = arith.constant 613 : i32
    %mul3A_1723 = vector.broadcast %mul3A_1722 : i32 to vector<16xi32>
    %mul3A_1724 = arith.muli %iota3A, %mul3A_1723 : vector<16xi32>
    %add3A_1725 = arith.constant 3144 : i32
    %add3A_1726 = vector.broadcast %add3A_1725 : i32 to vector<16xi32>
    %add3A_1727 = arith.addi %mul3A_1724, %add3A_1726 : vector<16xi32>
    %jit3A_1728 = arith.constant 10000 : i32
    %eq3A_1729 = arith.constant 0 : i32
    %eq3A_1730 = arith.cmpi eq, %jit3A_1728, %eq3A_1729 : i32
    %jit3A_1731 = arith.constant 1 : i32
    %select_n3A_1732 = arith.select %eq3A_1730, %jit3A_1731, %jit3A_1728 : i32
    %rem3A_1733 = vector.broadcast %select_n3A_1732 : i32 to vector<16xi32>
    %rem3A_1734 = arith.remsi %add3A_1727, %rem3A_1733 : vector<16xi32>
    %ne3A_1735 = arith.constant 0 : i32
    %ne3A_1736 = vector.broadcast %ne3A_1735 : i32 to vector<16xi32>
    %ne3A_1737 = arith.cmpi ne, %rem3A_1734, %ne3A_1736 : vector<16xi32>
    %lt3A_1738 = arith.constant 0 : i32
    %lt3A_1739 = vector.broadcast %lt3A_1738 : i32 to vector<16xi32>
    %lt3A_1740 = arith.cmpi slt, %rem3A_1734, %lt3A_1739 : vector<16xi32>
    %lt3A_1741 = arith.constant 0 : i32
    %lt3A_1742 = arith.cmpi slt, %select_n3A_1732, %lt3A_1741 : i32
    %ne3A_1743 = vector.broadcast %lt3A_1742 : i1 to vector<16xi1>
    %ne3A_1744 = vector.broadcast %ne3A_1743 : vector<16xi1> to vector<16xi1>
    %ne3A_1745 = arith.xori %lt3A_1740, %ne3A_1744 : vector<16xi1>
    %and3A_1746 = arith.andi %ne3A_1745, %ne3A_1737 : vector<16xi1>
    %add3A_1747 = vector.broadcast %select_n3A_1732 : i32 to vector<16xi32>
    %add3A_1748 = arith.addi %rem3A_1734, %add3A_1747 : vector<16xi32>
    %select_n3A_1749 = arith.select %and3A_1746, %add3A_1748, %rem3A_1734 : vector<16xi1>, vector<16xi32>
    %add3A_1750 = arith.constant 384 : i32
    %add3A_1751 = arith.addi %squeeze3A, %add3A_1750 : i32
    %swap3A_1752 = arith.index_cast %add3A_1751 : i32 to index
    %swap3A_1753 = tpu.vector_load %arg12[%swap3A_1752] {strides = array<i32>} : memref<10752xi32, #tpu.memory_space<vmem>>, vector<16xi32>,
    %swap3A_1754 = vector.shape_cast %swap3A_1753 : vector<16xi32> to vector<16xi32>
    %swap3A_1755 = vector.shape_cast %select_n3A_1749 : vector<16xi32> to vector<16xi32>
    tpu.vector_store %arg12[%swap3A_1752], %swap3A_1755 {strides = array<i32>} : memref<10752xi32, #tpu.memory_space<vmem>>, vector<16xi32>,
    %add3A_1756 = arith.constant 384 : i32
    %add3A_1757 = vector.broadcast %add3A_1756 : i32 to vector<16xi32>
    %add3A_1758 = arith.addi %iota3A, %add3A_1757 : vector<16xi32>
    %jit3A_1759 = arith.constant 128 : i32
    %eq3A_1760 = arith.constant 0 : i32
    %eq3A_1761 = arith.cmpi eq, %jit3A_1759, %eq3A_1760 : i32
    %jit3A_1762 = arith.constant 1 : i32
    %select_n3A_1763 = arith.select %eq3A_1761, %jit3A_1762, %jit3A_1759 : i32
    %rem3A_1764 = vector.broadcast %select_n3A_1763 : i32 to vector<16xi32>
    %rem3A_1765 = arith.remsi %add3A_1758, %rem3A_1764 : vector<16xi32>
    %ne3A_1766 = arith.constant 0 : i32
    %ne3A_1767 = vector.broadcast %ne3A_1766 : i32 to vector<16xi32>
    %ne3A_1768 = arith.cmpi ne, %rem3A_1765, %ne3A_1767 : vector<16xi32>
    %lt3A_1769 = arith.constant 0 : i32
    %lt3A_1770 = vector.broadcast %lt3A_1769 : i32 to vector<16xi32>
    %lt3A_1771 = arith.cmpi slt, %rem3A_1765, %lt3A_1770 : vector<16xi32>
    %lt3A_1772 = arith.constant 0 : i32
    %lt3A_1773 = arith.cmpi slt, %select_n3A_1763, %lt3A_1772 : i32
    %ne3A_1774 = vector.broadcast %lt3A_1773 : i1 to vector<16xi1>
    %ne3A_1775 = vector.broadcast %ne3A_1774 : vector<16xi1> to vector<16xi1>
    %ne3A_1776 = arith.xori %lt3A_1771, %ne3A_1775 : vector<16xi1>
    %and3A_1777 = arith.andi %ne3A_1776, %ne3A_1768 : vector<16xi1>
    %add3A_1778 = vector.broadcast %select_n3A_1763 : i32 to vector<16xi32>
    %add3A_1779 = arith.addi %rem3A_1765, %add3A_1778 : vector<16xi32>
    %select_n3A_1780 = arith.select %and3A_1777, %add3A_1779, %rem3A_1765 : vector<16xi1>, vector<16xi32>
    %add3A_1781 = arith.constant 4096 : i32
    %add3A_1782 = vector.broadcast %add3A_1781 : i32 to vector<16xi32>
    %add3A_1783 = arith.addi %add3A_1782, %select_n3A_1780 : vector<16xi32>
    %add3A_1784 = arith.constant 384 : i32
    %add3A_1785 = arith.addi %squeeze3A, %add3A_1784 : i32
    %swap3A_1786 = arith.index_cast %add3A_1785 : i32 to index
    %swap3A_1787 = tpu.vector_load %arg13[%swap3A_1786] {strides = array<i32>} : memref<10752xi32, #tpu.memory_space<vmem>>, vector<16xi32>,
    %swap3A_1788 = vector.shape_cast %swap3A_1787 : vector<16xi32> to vector<16xi32>
    %swap3A_1789 = vector.shape_cast %add3A_1783 : vector<16xi32> to vector<16xi32>
    tpu.vector_store %arg13[%swap3A_1786], %swap3A_1789 {strides = array<i32>} : memref<10752xi32, #tpu.memory_space<vmem>>, vector<16xi32>,
    %mul3A_1790 = arith.constant 613 : i32
    %mul3A_1791 = vector.broadcast %mul3A_1790 : i32 to vector<16xi32>
    %mul3A_1792 = arith.muli %iota3A, %mul3A_1791 : vector<16xi32>
    %add3A_1793 = arith.constant 3275 : i32
    %add3A_1794 = vector.broadcast %add3A_1793 : i32 to vector<16xi32>
    %add3A_1795 = arith.addi %mul3A_1792, %add3A_1794 : vector<16xi32>
    %jit3A_1796 = arith.constant 10000 : i32
    %eq3A_1797 = arith.constant 0 : i32
    %eq3A_1798 = arith.cmpi eq, %jit3A_1796, %eq3A_1797 : i32
    %jit3A_1799 = arith.constant 1 : i32
    %select_n3A_1800 = arith.select %eq3A_1798, %jit3A_1799, %jit3A_1796 : i32
    %rem3A_1801 = vector.broadcast %select_n3A_1800 : i32 to vector<16xi32>
    %rem3A_1802 = arith.remsi %add3A_1795, %rem3A_1801 : vector<16xi32>
    %ne3A_1803 = arith.constant 0 : i32
    %ne3A_1804 = vector.broadcast %ne3A_1803 : i32 to vector<16xi32>
    %ne3A_1805 = arith.cmpi ne, %rem3A_1802, %ne3A_1804 : vector<16xi32>
    %lt3A_1806 = arith.constant 0 : i32
    %lt3A_1807 = vector.broadcast %lt3A_1806 : i32 to vector<16xi32>
    %lt3A_1808 = arith.cmpi slt, %rem3A_1802, %lt3A_1807 : vector<16xi32>
    %lt3A_1809 = arith.constant 0 : i32
    %lt3A_1810 = arith.cmpi slt, %select_n3A_1800, %lt3A_1809 : i32
    %ne3A_1811 = vector.broadcast %lt3A_1810 : i1 to vector<16xi1>
    %ne3A_1812 = vector.broadcast %ne3A_1811 : vector<16xi1> to vector<16xi1>
    %ne3A_1813 = arith.xori %lt3A_1808, %ne3A_1812 : vector<16xi1>
    %and3A_1814 = arith.andi %ne3A_1813, %ne3A_1805 : vector<16xi1>
    %add3A_1815 = vector.broadcast %select_n3A_1800 : i32 to vector<16xi32>
    %add3A_1816 = arith.addi %rem3A_1802, %add3A_1815 : vector<16xi32>
    %select_n3A_1817 = arith.select %and3A_1814, %add3A_1816, %rem3A_1802 : vector<16xi1>, vector<16xi32>
    %add3A_1818 = arith.constant 400 : i32
    %add3A_1819 = arith.addi %squeeze3A, %add3A_1818 : i32
    %swap3A_1820 = arith.index_cast %add3A_1819 : i32 to index
    %swap3A_1821 = tpu.vector_load %arg12[%swap3A_1820] {strides = array<i32>} : memref<10752xi32, #tpu.memory_space<vmem>>, vector<16xi32>,
    %swap3A_1822 = vector.shape_cast %swap3A_1821 : vector<16xi32> to vector<16xi32>
    %swap3A_1823 = vector.shape_cast %select_n3A_1817 : vector<16xi32> to vector<16xi32>
    tpu.vector_store %arg12[%swap3A_1820], %swap3A_1823 {strides = array<i32>} : memref<10752xi32, #tpu.memory_space<vmem>>, vector<16xi32>,
    %add3A_1824 = arith.constant 400 : i32
    %add3A_1825 = vector.broadcast %add3A_1824 : i32 to vector<16xi32>
    %add3A_1826 = arith.addi %iota3A, %add3A_1825 : vector<16xi32>
    %jit3A_1827 = arith.constant 128 : i32
    %eq3A_1828 = arith.constant 0 : i32
    %eq3A_1829 = arith.cmpi eq, %jit3A_1827, %eq3A_1828 : i32
    %jit3A_1830 = arith.constant 1 : i32
    %select_n3A_1831 = arith.select %eq3A_1829, %jit3A_1830, %jit3A_1827 : i32
    %rem3A_1832 = vector.broadcast %select_n3A_1831 : i32 to vector<16xi32>
    %rem3A_1833 = arith.remsi %add3A_1826, %rem3A_1832 : vector<16xi32>
    %ne3A_1834 = arith.constant 0 : i32
    %ne3A_1835 = vector.broadcast %ne3A_1834 : i32 to vector<16xi32>
    %ne3A_1836 = arith.cmpi ne, %rem3A_1833, %ne3A_1835 : vector<16xi32>
    %lt3A_1837 = arith.constant 0 : i32
    %lt3A_1838 = vector.broadcast %lt3A_1837 : i32 to vector<16xi32>
    %lt3A_1839 = arith.cmpi slt, %rem3A_1833, %lt3A_1838 : vector<16xi32>
    %lt3A_1840 = arith.constant 0 : i32
    %lt3A_1841 = arith.cmpi slt, %select_n3A_1831, %lt3A_1840 : i32
    %ne3A_1842 = vector.broadcast %lt3A_1841 : i1 to vector<16xi1>
    %ne3A_1843 = vector.broadcast %ne3A_1842 : vector<16xi1> to vector<16xi1>
    %ne3A_1844 = arith.xori %lt3A_1839, %ne3A_1843 : vector<16xi1>
    %and3A_1845 = arith.andi %ne3A_1844, %ne3A_1836 : vector<16xi1>
    %add3A_1846 = vector.broadcast %select_n3A_1831 : i32 to vector<16xi32>
    %add3A_1847 = arith.addi %rem3A_1833, %add3A_1846 : vector<16xi32>
    %select_n3A_1848 = arith.select %and3A_1845, %add3A_1847, %rem3A_1833 : vector<16xi1>, vector<16xi32>
    %add3A_1849 = arith.constant 4096 : i32
    %add3A_1850 = vector.broadcast %add3A_1849 : i32 to vector<16xi32>
    %add3A_1851 = arith.addi %add3A_1850, %select_n3A_1848 : vector<16xi32>
    %add3A_1852 = arith.constant 400 : i32
    %add3A_1853 = arith.addi %squeeze3A, %add3A_1852 : i32
    %swap3A_1854 = arith.index_cast %add3A_1853 : i32 to index
    %swap3A_1855 = tpu.vector_load %arg13[%swap3A_1854] {strides = array<i32>} : memref<10752xi32, #tpu.memory_space<vmem>>, vector<16xi32>,
    %swap3A_1856 = vector.shape_cast %swap3A_1855 : vector<16xi32> to vector<16xi32>
    %swap3A_1857 = vector.shape_cast %add3A_1851 : vector<16xi32> to vector<16xi32>
    tpu.vector_store %arg13[%swap3A_1854], %swap3A_1857 {strides = array<i32>} : memref<10752xi32, #tpu.memory_space<vmem>>, vector<16xi32>,
    %mul3A_1858 = arith.constant 613 : i32
    %mul3A_1859 = vector.broadcast %mul3A_1858 : i32 to vector<16xi32>
    %mul3A_1860 = arith.muli %iota3A, %mul3A_1859 : vector<16xi32>
    %add3A_1861 = arith.constant 3406 : i32
    %add3A_1862 = vector.broadcast %add3A_1861 : i32 to vector<16xi32>
    %add3A_1863 = arith.addi %mul3A_1860, %add3A_1862 : vector<16xi32>
    %jit3A_1864 = arith.constant 10000 : i32
    %eq3A_1865 = arith.constant 0 : i32
    %eq3A_1866 = arith.cmpi eq, %jit3A_1864, %eq3A_1865 : i32
    %jit3A_1867 = arith.constant 1 : i32
    %select_n3A_1868 = arith.select %eq3A_1866, %jit3A_1867, %jit3A_1864 : i32
    %rem3A_1869 = vector.broadcast %select_n3A_1868 : i32 to vector<16xi32>
    %rem3A_1870 = arith.remsi %add3A_1863, %rem3A_1869 : vector<16xi32>
    %ne3A_1871 = arith.constant 0 : i32
    %ne3A_1872 = vector.broadcast %ne3A_1871 : i32 to vector<16xi32>
    %ne3A_1873 = arith.cmpi ne, %rem3A_1870, %ne3A_1872 : vector<16xi32>
    %lt3A_1874 = arith.constant 0 : i32
    %lt3A_1875 = vector.broadcast %lt3A_1874 : i32 to vector<16xi32>
    %lt3A_1876 = arith.cmpi slt, %rem3A_1870, %lt3A_1875 : vector<16xi32>
    %lt3A_1877 = arith.constant 0 : i32
    %lt3A_1878 = arith.cmpi slt, %select_n3A_1868, %lt3A_1877 : i32
    %ne3A_1879 = vector.broadcast %lt3A_1878 : i1 to vector<16xi1>
    %ne3A_1880 = vector.broadcast %ne3A_1879 : vector<16xi1> to vector<16xi1>
    %ne3A_1881 = arith.xori %lt3A_1876, %ne3A_1880 : vector<16xi1>
    %and3A_1882 = arith.andi %ne3A_1881, %ne3A_1873 : vector<16xi1>
    %add3A_1883 = vector.broadcast %select_n3A_1868 : i32 to vector<16xi32>
    %add3A_1884 = arith.addi %rem3A_1870, %add3A_1883 : vector<16xi32>
    %select_n3A_1885 = arith.select %and3A_1882, %add3A_1884, %rem3A_1870 : vector<16xi1>, vector<16xi32>
    %add3A_1886 = arith.constant 416 : i32
    %add3A_1887 = arith.addi %squeeze3A, %add3A_1886 : i32
    %swap3A_1888 = arith.index_cast %add3A_1887 : i32 to index
    %swap3A_1889 = tpu.vector_load %arg12[%swap3A_1888] {strides = array<i32>} : memref<10752xi32, #tpu.memory_space<vmem>>, vector<16xi32>,
    %swap3A_1890 = vector.shape_cast %swap3A_1889 : vector<16xi32> to vector<16xi32>
    %swap3A_1891 = vector.shape_cast %select_n3A_1885 : vector<16xi32> to vector<16xi32>
    tpu.vector_store %arg12[%swap3A_1888], %swap3A_1891 {strides = array<i32>} : memref<10752xi32, #tpu.memory_space<vmem>>, vector<16xi32>,
    %add3A_1892 = arith.constant 416 : i32
    %add3A_1893 = vector.broadcast %add3A_1892 : i32 to vector<16xi32>
    %add3A_1894 = arith.addi %iota3A, %add3A_1893 : vector<16xi32>
    %jit3A_1895 = arith.constant 128 : i32
    %eq3A_1896 = arith.constant 0 : i32
    %eq3A_1897 = arith.cmpi eq, %jit3A_1895, %eq3A_1896 : i32
    %jit3A_1898 = arith.constant 1 : i32
    %select_n3A_1899 = arith.select %eq3A_1897, %jit3A_1898, %jit3A_1895 : i32
    %rem3A_1900 = vector.broadcast %select_n3A_1899 : i32 to vector<16xi32>
    %rem3A_1901 = arith.remsi %add3A_1894, %rem3A_1900 : vector<16xi32>
    %ne3A_1902 = arith.constant 0 : i32
    %ne3A_1903 = vector.broadcast %ne3A_1902 : i32 to vector<16xi32>
    %ne3A_1904 = arith.cmpi ne, %rem3A_1901, %ne3A_1903 : vector<16xi32>
    %lt3A_1905 = arith.constant 0 : i32
    %lt3A_1906 = vector.broadcast %lt3A_1905 : i32 to vector<16xi32>
    %lt3A_1907 = arith.cmpi slt, %rem3A_1901, %lt3A_1906 : vector<16xi32>
    %lt3A_1908 = arith.constant 0 : i32
    %lt3A_1909 = arith.cmpi slt, %select_n3A_1899, %lt3A_1908 : i32
    %ne3A_1910 = vector.broadcast %lt3A_1909 : i1 to vector<16xi1>
    %ne3A_1911 = vector.broadcast %ne3A_1910 : vector<16xi1> to vector<16xi1>
    %ne3A_1912 = arith.xori %lt3A_1907, %ne3A_1911 : vector<16xi1>
    %and3A_1913 = arith.andi %ne3A_1912, %ne3A_1904 : vector<16xi1>
    %add3A_1914 = vector.broadcast %select_n3A_1899 : i32 to vector<16xi32>
    %add3A_1915 = arith.addi %rem3A_1901, %add3A_1914 : vector<16xi32>
    %select_n3A_1916 = arith.select %and3A_1913, %add3A_1915, %rem3A_1901 : vector<16xi1>, vector<16xi32>
    %add3A_1917 = arith.constant 4096 : i32
    %add3A_1918 = vector.broadcast %add3A_1917 : i32 to vector<16xi32>
    %add3A_1919 = arith.addi %add3A_1918, %select_n3A_1916 : vector<16xi32>
    %add3A_1920 = arith.constant 416 : i32
    %add3A_1921 = arith.addi %squeeze3A, %add3A_1920 : i32
    %swap3A_1922 = arith.index_cast %add3A_1921 : i32 to index
    %swap3A_1923 = tpu.vector_load %arg13[%swap3A_1922] {strides = array<i32>} : memref<10752xi32, #tpu.memory_space<vmem>>, vector<16xi32>,
    %swap3A_1924 = vector.shape_cast %swap3A_1923 : vector<16xi32> to vector<16xi32>
    %swap3A_1925 = vector.shape_cast %add3A_1919 : vector<16xi32> to vector<16xi32>
    tpu.vector_store %arg13[%swap3A_1922], %swap3A_1925 {strides = array<i32>} : memref<10752xi32, #tpu.memory_space<vmem>>, vector<16xi32>,
    %mul3A_1926 = arith.constant 613 : i32
    %mul3A_1927 = vector.broadcast %mul3A_1926 : i32 to vector<16xi32>
    %mul3A_1928 = arith.muli %iota3A, %mul3A_1927 : vector<16xi32>
    %add3A_1929 = arith.constant 3537 : i32
    %add3A_1930 = vector.broadcast %add3A_1929 : i32 to vector<16xi32>
    %add3A_1931 = arith.addi %mul3A_1928, %add3A_1930 : vector<16xi32>
    %jit3A_1932 = arith.constant 10000 : i32
    %eq3A_1933 = arith.constant 0 : i32
    %eq3A_1934 = arith.cmpi eq, %jit3A_1932, %eq3A_1933 : i32
    %jit3A_1935 = arith.constant 1 : i32
    %select_n3A_1936 = arith.select %eq3A_1934, %jit3A_1935, %jit3A_1932 : i32
    %rem3A_1937 = vector.broadcast %select_n3A_1936 : i32 to vector<16xi32>
    %rem3A_1938 = arith.remsi %add3A_1931, %rem3A_1937 : vector<16xi32>
    %ne3A_1939 = arith.constant 0 : i32
    %ne3A_1940 = vector.broadcast %ne3A_1939 : i32 to vector<16xi32>
    %ne3A_1941 = arith.cmpi ne, %rem3A_1938, %ne3A_1940 : vector<16xi32>
    %lt3A_1942 = arith.constant 0 : i32
    %lt3A_1943 = vector.broadcast %lt3A_1942 : i32 to vector<16xi32>
    %lt3A_1944 = arith.cmpi slt, %rem3A_1938, %lt3A_1943 : vector<16xi32>
    %lt3A_1945 = arith.constant 0 : i32
    %lt3A_1946 = arith.cmpi slt, %select_n3A_1936, %lt3A_1945 : i32
    %ne3A_1947 = vector.broadcast %lt3A_1946 : i1 to vector<16xi1>
    %ne3A_1948 = vector.broadcast %ne3A_1947 : vector<16xi1> to vector<16xi1>
    %ne3A_1949 = arith.xori %lt3A_1944, %ne3A_1948 : vector<16xi1>
    %and3A_1950 = arith.andi %ne3A_1949, %ne3A_1941 : vector<16xi1>
    %add3A_1951 = vector.broadcast %select_n3A_1936 : i32 to vector<16xi32>
    %add3A_1952 = arith.addi %rem3A_1938, %add3A_1951 : vector<16xi32>
    %select_n3A_1953 = arith.select %and3A_1950, %add3A_1952, %rem3A_1938 : vector<16xi1>, vector<16xi32>
    %add3A_1954 = arith.constant 432 : i32
    %add3A_1955 = arith.addi %squeeze3A, %add3A_1954 : i32
    %swap3A_1956 = arith.index_cast %add3A_1955 : i32 to index
    %swap3A_1957 = tpu.vector_load %arg12[%swap3A_1956] {strides = array<i32>} : memref<10752xi32, #tpu.memory_space<vmem>>, vector<16xi32>,
    %swap3A_1958 = vector.shape_cast %swap3A_1957 : vector<16xi32> to vector<16xi32>
    %swap3A_1959 = vector.shape_cast %select_n3A_1953 : vector<16xi32> to vector<16xi32>
    tpu.vector_store %arg12[%swap3A_1956], %swap3A_1959 {strides = array<i32>} : memref<10752xi32, #tpu.memory_space<vmem>>, vector<16xi32>,
    %add3A_1960 = arith.constant 432 : i32
    %add3A_1961 = vector.broadcast %add3A_1960 : i32 to vector<16xi32>
    %add3A_1962 = arith.addi %iota3A, %add3A_1961 : vector<16xi32>
    %jit3A_1963 = arith.constant 128 : i32
    %eq3A_1964 = arith.constant 0 : i32
    %eq3A_1965 = arith.cmpi eq, %jit3A_1963, %eq3A_1964 : i32
    %jit3A_1966 = arith.constant 1 : i32
    %select_n3A_1967 = arith.select %eq3A_1965, %jit3A_1966, %jit3A_1963 : i32
    %rem3A_1968 = vector.broadcast %select_n3A_1967 : i32 to vector<16xi32>
    %rem3A_1969 = arith.remsi %add3A_1962, %rem3A_1968 : vector<16xi32>
    %ne3A_1970 = arith.constant 0 : i32
    %ne3A_1971 = vector.broadcast %ne3A_1970 : i32 to vector<16xi32>
    %ne3A_1972 = arith.cmpi ne, %rem3A_1969, %ne3A_1971 : vector<16xi32>
    %lt3A_1973 = arith.constant 0 : i32
    %lt3A_1974 = vector.broadcast %lt3A_1973 : i32 to vector<16xi32>
    %lt3A_1975 = arith.cmpi slt, %rem3A_1969, %lt3A_1974 : vector<16xi32>
    %lt3A_1976 = arith.constant 0 : i32
    %lt3A_1977 = arith.cmpi slt, %select_n3A_1967, %lt3A_1976 : i32
    %ne3A_1978 = vector.broadcast %lt3A_1977 : i1 to vector<16xi1>
    %ne3A_1979 = vector.broadcast %ne3A_1978 : vector<16xi1> to vector<16xi1>
    %ne3A_1980 = arith.xori %lt3A_1975, %ne3A_1979 : vector<16xi1>
    %and3A_1981 = arith.andi %ne3A_1980, %ne3A_1972 : vector<16xi1>
    %add3A_1982 = vector.broadcast %select_n3A_1967 : i32 to vector<16xi32>
    %add3A_1983 = arith.addi %rem3A_1969, %add3A_1982 : vector<16xi32>
    %select_n3A_1984 = arith.select %and3A_1981, %add3A_1983, %rem3A_1969 : vector<16xi1>, vector<16xi32>
    %add3A_1985 = arith.constant 4096 : i32
    %add3A_1986 = vector.broadcast %add3A_1985 : i32 to vector<16xi32>
    %add3A_1987 = arith.addi %add3A_1986, %select_n3A_1984 : vector<16xi32>
    %add3A_1988 = arith.constant 432 : i32
    %add3A_1989 = arith.addi %squeeze3A, %add3A_1988 : i32
    %swap3A_1990 = arith.index_cast %add3A_1989 : i32 to index
    %swap3A_1991 = tpu.vector_load %arg13[%swap3A_1990] {strides = array<i32>} : memref<10752xi32, #tpu.memory_space<vmem>>, vector<16xi32>,
    %swap3A_1992 = vector.shape_cast %swap3A_1991 : vector<16xi32> to vector<16xi32>
    %swap3A_1993 = vector.shape_cast %add3A_1987 : vector<16xi32> to vector<16xi32>
    tpu.vector_store %arg13[%swap3A_1990], %swap3A_1993 {strides = array<i32>} : memref<10752xi32, #tpu.memory_space<vmem>>, vector<16xi32>,
    %mul3A_1994 = arith.constant 613 : i32
    %mul3A_1995 = vector.broadcast %mul3A_1994 : i32 to vector<16xi32>
    %mul3A_1996 = arith.muli %iota3A, %mul3A_1995 : vector<16xi32>
    %add3A_1997 = arith.constant 3668 : i32
    %add3A_1998 = vector.broadcast %add3A_1997 : i32 to vector<16xi32>
    %add3A_1999 = arith.addi %mul3A_1996, %add3A_1998 : vector<16xi32>
    %jit3A_2000 = arith.constant 10000 : i32
    %eq3A_2001 = arith.constant 0 : i32
    %eq3A_2002 = arith.cmpi eq, %jit3A_2000, %eq3A_2001 : i32
    %jit3A_2003 = arith.constant 1 : i32
    %select_n3A_2004 = arith.select %eq3A_2002, %jit3A_2003, %jit3A_2000 : i32
    %rem3A_2005 = vector.broadcast %select_n3A_2004 : i32 to vector<16xi32>
    %rem3A_2006 = arith.remsi %add3A_1999, %rem3A_2005 : vector<16xi32>
    %ne3A_2007 = arith.constant 0 : i32
    %ne3A_2008 = vector.broadcast %ne3A_2007 : i32 to vector<16xi32>
    %ne3A_2009 = arith.cmpi ne, %rem3A_2006, %ne3A_2008 : vector<16xi32>
    %lt3A_2010 = arith.constant 0 : i32
    %lt3A_2011 = vector.broadcast %lt3A_2010 : i32 to vector<16xi32>
    %lt3A_2012 = arith.cmpi slt, %rem3A_2006, %lt3A_2011 : vector<16xi32>
    %lt3A_2013 = arith.constant 0 : i32
    %lt3A_2014 = arith.cmpi slt, %select_n3A_2004, %lt3A_2013 : i32
    %ne3A_2015 = vector.broadcast %lt3A_2014 : i1 to vector<16xi1>
    %ne3A_2016 = vector.broadcast %ne3A_2015 : vector<16xi1> to vector<16xi1>
    %ne3A_2017 = arith.xori %lt3A_2012, %ne3A_2016 : vector<16xi1>
    %and3A_2018 = arith.andi %ne3A_2017, %ne3A_2009 : vector<16xi1>
    %add3A_2019 = vector.broadcast %select_n3A_2004 : i32 to vector<16xi32>
    %add3A_2020 = arith.addi %rem3A_2006, %add3A_2019 : vector<16xi32>
    %select_n3A_2021 = arith.select %and3A_2018, %add3A_2020, %rem3A_2006 : vector<16xi1>, vector<16xi32>
    %add3A_2022 = arith.constant 448 : i32
    %add3A_2023 = arith.addi %squeeze3A, %add3A_2022 : i32
    %swap3A_2024 = arith.index_cast %add3A_2023 : i32 to index
    %swap3A_2025 = tpu.vector_load %arg12[%swap3A_2024] {strides = array<i32>} : memref<10752xi32, #tpu.memory_space<vmem>>, vector<16xi32>,
    %swap3A_2026 = vector.shape_cast %swap3A_2025 : vector<16xi32> to vector<16xi32>
    %swap3A_2027 = vector.shape_cast %select_n3A_2021 : vector<16xi32> to vector<16xi32>
    tpu.vector_store %arg12[%swap3A_2024], %swap3A_2027 {strides = array<i32>} : memref<10752xi32, #tpu.memory_space<vmem>>, vector<16xi32>,
    %add3A_2028 = arith.constant 448 : i32
    %add3A_2029 = vector.broadcast %add3A_2028 : i32 to vector<16xi32>
    %add3A_2030 = arith.addi %iota3A, %add3A_2029 : vector<16xi32>
    %jit3A_2031 = arith.constant 128 : i32
    %eq3A_2032 = arith.constant 0 : i32
    %eq3A_2033 = arith.cmpi eq, %jit3A_2031, %eq3A_2032 : i32
    %jit3A_2034 = arith.constant 1 : i32
    %select_n3A_2035 = arith.select %eq3A_2033, %jit3A_2034, %jit3A_2031 : i32
    %rem3A_2036 = vector.broadcast %select_n3A_2035 : i32 to vector<16xi32>
    %rem3A_2037 = arith.remsi %add3A_2030, %rem3A_2036 : vector<16xi32>
    %ne3A_2038 = arith.constant 0 : i32
    %ne3A_2039 = vector.broadcast %ne3A_2038 : i32 to vector<16xi32>
    %ne3A_2040 = arith.cmpi ne, %rem3A_2037, %ne3A_2039 : vector<16xi32>
    %lt3A_2041 = arith.constant 0 : i32
    %lt3A_2042 = vector.broadcast %lt3A_2041 : i32 to vector<16xi32>
    %lt3A_2043 = arith.cmpi slt, %rem3A_2037, %lt3A_2042 : vector<16xi32>
    %lt3A_2044 = arith.constant 0 : i32
    %lt3A_2045 = arith.cmpi slt, %select_n3A_2035, %lt3A_2044 : i32
    %ne3A_2046 = vector.broadcast %lt3A_2045 : i1 to vector<16xi1>
    %ne3A_2047 = vector.broadcast %ne3A_2046 : vector<16xi1> to vector<16xi1>
    %ne3A_2048 = arith.xori %lt3A_2043, %ne3A_2047 : vector<16xi1>
    %and3A_2049 = arith.andi %ne3A_2048, %ne3A_2040 : vector<16xi1>
    %add3A_2050 = vector.broadcast %select_n3A_2035 : i32 to vector<16xi32>
    %add3A_2051 = arith.addi %rem3A_2037, %add3A_2050 : vector<16xi32>
    %select_n3A_2052 = arith.select %and3A_2049, %add3A_2051, %rem3A_2037 : vector<16xi1>, vector<16xi32>
    %add3A_2053 = arith.constant 4096 : i32
    %add3A_2054 = vector.broadcast %add3A_2053 : i32 to vector<16xi32>
    %add3A_2055 = arith.addi %add3A_2054, %select_n3A_2052 : vector<16xi32>
    %add3A_2056 = arith.constant 448 : i32
    %add3A_2057 = arith.addi %squeeze3A, %add3A_2056 : i32
    %swap3A_2058 = arith.index_cast %add3A_2057 : i32 to index
    %swap3A_2059 = tpu.vector_load %arg13[%swap3A_2058] {strides = array<i32>} : memref<10752xi32, #tpu.memory_space<vmem>>, vector<16xi32>,
    %swap3A_2060 = vector.shape_cast %swap3A_2059 : vector<16xi32> to vector<16xi32>
    %swap3A_2061 = vector.shape_cast %add3A_2055 : vector<16xi32> to vector<16xi32>
    tpu.vector_store %arg13[%swap3A_2058], %swap3A_2061 {strides = array<i32>} : memref<10752xi32, #tpu.memory_space<vmem>>, vector<16xi32>,
    %mul3A_2062 = arith.constant 613 : i32
    %mul3A_2063 = vector.broadcast %mul3A_2062 : i32 to vector<16xi32>
    %mul3A_2064 = arith.muli %iota3A, %mul3A_2063 : vector<16xi32>
    %add3A_2065 = arith.constant 3799 : i32
    %add3A_2066 = vector.broadcast %add3A_2065 : i32 to vector<16xi32>
    %add3A_2067 = arith.addi %mul3A_2064, %add3A_2066 : vector<16xi32>
    %jit3A_2068 = arith.constant 10000 : i32
    %eq3A_2069 = arith.constant 0 : i32
    %eq3A_2070 = arith.cmpi eq, %jit3A_2068, %eq3A_2069 : i32
    %jit3A_2071 = arith.constant 1 : i32
    %select_n3A_2072 = arith.select %eq3A_2070, %jit3A_2071, %jit3A_2068 : i32
    %rem3A_2073 = vector.broadcast %select_n3A_2072 : i32 to vector<16xi32>
    %rem3A_2074 = arith.remsi %add3A_2067, %rem3A_2073 : vector<16xi32>
    %ne3A_2075 = arith.constant 0 : i32
    %ne3A_2076 = vector.broadcast %ne3A_2075 : i32 to vector<16xi32>
    %ne3A_2077 = arith.cmpi ne, %rem3A_2074, %ne3A_2076 : vector<16xi32>
    %lt3A_2078 = arith.constant 0 : i32
    %lt3A_2079 = vector.broadcast %lt3A_2078 : i32 to vector<16xi32>
    %lt3A_2080 = arith.cmpi slt, %rem3A_2074, %lt3A_2079 : vector<16xi32>
    %lt3A_2081 = arith.constant 0 : i32
    %lt3A_2082 = arith.cmpi slt, %select_n3A_2072, %lt3A_2081 : i32
    %ne3A_2083 = vector.broadcast %lt3A_2082 : i1 to vector<16xi1>
    %ne3A_2084 = vector.broadcast %ne3A_2083 : vector<16xi1> to vector<16xi1>
    %ne3A_2085 = arith.xori %lt3A_2080, %ne3A_2084 : vector<16xi1>
    %and3A_2086 = arith.andi %ne3A_2085, %ne3A_2077 : vector<16xi1>
    %add3A_2087 = vector.broadcast %select_n3A_2072 : i32 to vector<16xi32>
    %add3A_2088 = arith.addi %rem3A_2074, %add3A_2087 : vector<16xi32>
    %select_n3A_2089 = arith.select %and3A_2086, %add3A_2088, %rem3A_2074 : vector<16xi1>, vector<16xi32>
    %add3A_2090 = arith.constant 464 : i32
    %add3A_2091 = arith.addi %squeeze3A, %add3A_2090 : i32
    %swap3A_2092 = arith.index_cast %add3A_2091 : i32 to index
    %swap3A_2093 = tpu.vector_load %arg12[%swap3A_2092] {strides = array<i32>} : memref<10752xi32, #tpu.memory_space<vmem>>, vector<16xi32>,
    %swap3A_2094 = vector.shape_cast %swap3A_2093 : vector<16xi32> to vector<16xi32>
    %swap3A_2095 = vector.shape_cast %select_n3A_2089 : vector<16xi32> to vector<16xi32>
    tpu.vector_store %arg12[%swap3A_2092], %swap3A_2095 {strides = array<i32>} : memref<10752xi32, #tpu.memory_space<vmem>>, vector<16xi32>,
    %add3A_2096 = arith.constant 464 : i32
    %add3A_2097 = vector.broadcast %add3A_2096 : i32 to vector<16xi32>
    %add3A_2098 = arith.addi %iota3A, %add3A_2097 : vector<16xi32>
    %jit3A_2099 = arith.constant 128 : i32
    %eq3A_2100 = arith.constant 0 : i32
    %eq3A_2101 = arith.cmpi eq, %jit3A_2099, %eq3A_2100 : i32
    %jit3A_2102 = arith.constant 1 : i32
    %select_n3A_2103 = arith.select %eq3A_2101, %jit3A_2102, %jit3A_2099 : i32
    %rem3A_2104 = vector.broadcast %select_n3A_2103 : i32 to vector<16xi32>
    %rem3A_2105 = arith.remsi %add3A_2098, %rem3A_2104 : vector<16xi32>
    %ne3A_2106 = arith.constant 0 : i32
    %ne3A_2107 = vector.broadcast %ne3A_2106 : i32 to vector<16xi32>
    %ne3A_2108 = arith.cmpi ne, %rem3A_2105, %ne3A_2107 : vector<16xi32>
    %lt3A_2109 = arith.constant 0 : i32
    %lt3A_2110 = vector.broadcast %lt3A_2109 : i32 to vector<16xi32>
    %lt3A_2111 = arith.cmpi slt, %rem3A_2105, %lt3A_2110 : vector<16xi32>
    %lt3A_2112 = arith.constant 0 : i32
    %lt3A_2113 = arith.cmpi slt, %select_n3A_2103, %lt3A_2112 : i32
    %ne3A_2114 = vector.broadcast %lt3A_2113 : i1 to vector<16xi1>
    %ne3A_2115 = vector.broadcast %ne3A_2114 : vector<16xi1> to vector<16xi1>
    %ne3A_2116 = arith.xori %lt3A_2111, %ne3A_2115 : vector<16xi1>
    %and3A_2117 = arith.andi %ne3A_2116, %ne3A_2108 : vector<16xi1>
    %add3A_2118 = vector.broadcast %select_n3A_2103 : i32 to vector<16xi32>
    %add3A_2119 = arith.addi %rem3A_2105, %add3A_2118 : vector<16xi32>
    %select_n3A_2120 = arith.select %and3A_2117, %add3A_2119, %rem3A_2105 : vector<16xi1>, vector<16xi32>
    %add3A_2121 = arith.constant 4096 : i32
    %add3A_2122 = vector.broadcast %add3A_2121 : i32 to vector<16xi32>
    %add3A_2123 = arith.addi %add3A_2122, %select_n3A_2120 : vector<16xi32>
    %add3A_2124 = arith.constant 464 : i32
    %add3A_2125 = arith.addi %squeeze3A, %add3A_2124 : i32
    %swap3A_2126 = arith.index_cast %add3A_2125 : i32 to index
    %swap3A_2127 = tpu.vector_load %arg13[%swap3A_2126] {strides = array<i32>} : memref<10752xi32, #tpu.memory_space<vmem>>, vector<16xi32>,
    %swap3A_2128 = vector.shape_cast %swap3A_2127 : vector<16xi32> to vector<16xi32>
    %swap3A_2129 = vector.shape_cast %add3A_2123 : vector<16xi32> to vector<16xi32>
    tpu.vector_store %arg13[%swap3A_2126], %swap3A_2129 {strides = array<i32>} : memref<10752xi32, #tpu.memory_space<vmem>>, vector<16xi32>,
    %mul3A_2130 = arith.constant 613 : i32
    %mul3A_2131 = vector.broadcast %mul3A_2130 : i32 to vector<16xi32>
    %mul3A_2132 = arith.muli %iota3A, %mul3A_2131 : vector<16xi32>
    %add3A_2133 = arith.constant 3930 : i32
    %add3A_2134 = vector.broadcast %add3A_2133 : i32 to vector<16xi32>
    %add3A_2135 = arith.addi %mul3A_2132, %add3A_2134 : vector<16xi32>
    %jit3A_2136 = arith.constant 10000 : i32
    %eq3A_2137 = arith.constant 0 : i32
    %eq3A_2138 = arith.cmpi eq, %jit3A_2136, %eq3A_2137 : i32
    %jit3A_2139 = arith.constant 1 : i32
    %select_n3A_2140 = arith.select %eq3A_2138, %jit3A_2139, %jit3A_2136 : i32
    %rem3A_2141 = vector.broadcast %select_n3A_2140 : i32 to vector<16xi32>
    %rem3A_2142 = arith.remsi %add3A_2135, %rem3A_2141 : vector<16xi32>
    %ne3A_2143 = arith.constant 0 : i32
    %ne3A_2144 = vector.broadcast %ne3A_2143 : i32 to vector<16xi32>
    %ne3A_2145 = arith.cmpi ne, %rem3A_2142, %ne3A_2144 : vector<16xi32>
    %lt3A_2146 = arith.constant 0 : i32
    %lt3A_2147 = vector.broadcast %lt3A_2146 : i32 to vector<16xi32>
    %lt3A_2148 = arith.cmpi slt, %rem3A_2142, %lt3A_2147 : vector<16xi32>
    %lt3A_2149 = arith.constant 0 : i32
    %lt3A_2150 = arith.cmpi slt, %select_n3A_2140, %lt3A_2149 : i32
    %ne3A_2151 = vector.broadcast %lt3A_2150 : i1 to vector<16xi1>
    %ne3A_2152 = vector.broadcast %ne3A_2151 : vector<16xi1> to vector<16xi1>
    %ne3A_2153 = arith.xori %lt3A_2148, %ne3A_2152 : vector<16xi1>
    %and3A_2154 = arith.andi %ne3A_2153, %ne3A_2145 : vector<16xi1>
    %add3A_2155 = vector.broadcast %select_n3A_2140 : i32 to vector<16xi32>
    %add3A_2156 = arith.addi %rem3A_2142, %add3A_2155 : vector<16xi32>
    %select_n3A_2157 = arith.select %and3A_2154, %add3A_2156, %rem3A_2142 : vector<16xi1>, vector<16xi32>
    %add3A_2158 = arith.constant 480 : i32
    %add3A_2159 = arith.addi %squeeze3A, %add3A_2158 : i32
    %swap3A_2160 = arith.index_cast %add3A_2159 : i32 to index
    %swap3A_2161 = tpu.vector_load %arg12[%swap3A_2160] {strides = array<i32>} : memref<10752xi32, #tpu.memory_space<vmem>>, vector<16xi32>,
    %swap3A_2162 = vector.shape_cast %swap3A_2161 : vector<16xi32> to vector<16xi32>
    %swap3A_2163 = vector.shape_cast %select_n3A_2157 : vector<16xi32> to vector<16xi32>
    tpu.vector_store %arg12[%swap3A_2160], %swap3A_2163 {strides = array<i32>} : memref<10752xi32, #tpu.memory_space<vmem>>, vector<16xi32>,
    %add3A_2164 = arith.constant 480 : i32
    %add3A_2165 = vector.broadcast %add3A_2164 : i32 to vector<16xi32>
    %add3A_2166 = arith.addi %iota3A, %add3A_2165 : vector<16xi32>
    %jit3A_2167 = arith.constant 128 : i32
    %eq3A_2168 = arith.constant 0 : i32
    %eq3A_2169 = arith.cmpi eq, %jit3A_2167, %eq3A_2168 : i32
    %jit3A_2170 = arith.constant 1 : i32
    %select_n3A_2171 = arith.select %eq3A_2169, %jit3A_2170, %jit3A_2167 : i32
    %rem3A_2172 = vector.broadcast %select_n3A_2171 : i32 to vector<16xi32>
    %rem3A_2173 = arith.remsi %add3A_2166, %rem3A_2172 : vector<16xi32>
    %ne3A_2174 = arith.constant 0 : i32
    %ne3A_2175 = vector.broadcast %ne3A_2174 : i32 to vector<16xi32>
    %ne3A_2176 = arith.cmpi ne, %rem3A_2173, %ne3A_2175 : vector<16xi32>
    %lt3A_2177 = arith.constant 0 : i32
    %lt3A_2178 = vector.broadcast %lt3A_2177 : i32 to vector<16xi32>
    %lt3A_2179 = arith.cmpi slt, %rem3A_2173, %lt3A_2178 : vector<16xi32>
    %lt3A_2180 = arith.constant 0 : i32
    %lt3A_2181 = arith.cmpi slt, %select_n3A_2171, %lt3A_2180 : i32
    %ne3A_2182 = vector.broadcast %lt3A_2181 : i1 to vector<16xi1>
    %ne3A_2183 = vector.broadcast %ne3A_2182 : vector<16xi1> to vector<16xi1>
    %ne3A_2184 = arith.xori %lt3A_2179, %ne3A_2183 : vector<16xi1>
    %and3A_2185 = arith.andi %ne3A_2184, %ne3A_2176 : vector<16xi1>
    %add3A_2186 = vector.broadcast %select_n3A_2171 : i32 to vector<16xi32>
    %add3A_2187 = arith.addi %rem3A_2173, %add3A_2186 : vector<16xi32>
    %select_n3A_2188 = arith.select %and3A_2185, %add3A_2187, %rem3A_2173 : vector<16xi1>, vector<16xi32>
    %add3A_2189 = arith.constant 4096 : i32
    %add3A_2190 = vector.broadcast %add3A_2189 : i32 to vector<16xi32>
    %add3A_2191 = arith.addi %add3A_2190, %select_n3A_2188 : vector<16xi32>
    %add3A_2192 = arith.constant 480 : i32
    %add3A_2193 = arith.addi %squeeze3A, %add3A_2192 : i32
    %swap3A_2194 = arith.index_cast %add3A_2193 : i32 to index
    %swap3A_2195 = tpu.vector_load %arg13[%swap3A_2194] {strides = array<i32>} : memref<10752xi32, #tpu.memory_space<vmem>>, vector<16xi32>,
    %swap3A_2196 = vector.shape_cast %swap3A_2195 : vector<16xi32> to vector<16xi32>
    %swap3A_2197 = vector.shape_cast %add3A_2191 : vector<16xi32> to vector<16xi32>
    tpu.vector_store %arg13[%swap3A_2194], %swap3A_2197 {strides = array<i32>} : memref<10752xi32, #tpu.memory_space<vmem>>, vector<16xi32>,
    %mul3A_2198 = arith.constant 613 : i32
    %mul3A_2199 = vector.broadcast %mul3A_2198 : i32 to vector<16xi32>
    %mul3A_2200 = arith.muli %iota3A, %mul3A_2199 : vector<16xi32>
    %add3A_2201 = arith.constant 4061 : i32
    %add3A_2202 = vector.broadcast %add3A_2201 : i32 to vector<16xi32>
    %add3A_2203 = arith.addi %mul3A_2200, %add3A_2202 : vector<16xi32>
    %jit3A_2204 = arith.constant 10000 : i32
    %eq3A_2205 = arith.constant 0 : i32
    %eq3A_2206 = arith.cmpi eq, %jit3A_2204, %eq3A_2205 : i32
    %jit3A_2207 = arith.constant 1 : i32
    %select_n3A_2208 = arith.select %eq3A_2206, %jit3A_2207, %jit3A_2204 : i32
    %rem3A_2209 = vector.broadcast %select_n3A_2208 : i32 to vector<16xi32>
    %rem3A_2210 = arith.remsi %add3A_2203, %rem3A_2209 : vector<16xi32>
    %ne3A_2211 = arith.constant 0 : i32
    %ne3A_2212 = vector.broadcast %ne3A_2211 : i32 to vector<16xi32>
    %ne3A_2213 = arith.cmpi ne, %rem3A_2210, %ne3A_2212 : vector<16xi32>
    %lt3A_2214 = arith.constant 0 : i32
    %lt3A_2215 = vector.broadcast %lt3A_2214 : i32 to vector<16xi32>
    %lt3A_2216 = arith.cmpi slt, %rem3A_2210, %lt3A_2215 : vector<16xi32>
    %lt3A_2217 = arith.constant 0 : i32
    %lt3A_2218 = arith.cmpi slt, %select_n3A_2208, %lt3A_2217 : i32
    %ne3A_2219 = vector.broadcast %lt3A_2218 : i1 to vector<16xi1>
    %ne3A_2220 = vector.broadcast %ne3A_2219 : vector<16xi1> to vector<16xi1>
    %ne3A_2221 = arith.xori %lt3A_2216, %ne3A_2220 : vector<16xi1>
    %and3A_2222 = arith.andi %ne3A_2221, %ne3A_2213 : vector<16xi1>
    %add3A_2223 = vector.broadcast %select_n3A_2208 : i32 to vector<16xi32>
    %add3A_2224 = arith.addi %rem3A_2210, %add3A_2223 : vector<16xi32>
    %select_n3A_2225 = arith.select %and3A_2222, %add3A_2224, %rem3A_2210 : vector<16xi1>, vector<16xi32>
    %add3A_2226 = arith.constant 496 : i32
    %add3A_2227 = arith.addi %squeeze3A, %add3A_2226 : i32
    %swap3A_2228 = arith.index_cast %add3A_2227 : i32 to index
    %swap3A_2229 = tpu.vector_load %arg12[%swap3A_2228] {strides = array<i32>} : memref<10752xi32, #tpu.memory_space<vmem>>, vector<16xi32>,
    %swap3A_2230 = vector.shape_cast %swap3A_2229 : vector<16xi32> to vector<16xi32>
    %swap3A_2231 = vector.shape_cast %select_n3A_2225 : vector<16xi32> to vector<16xi32>
    tpu.vector_store %arg12[%swap3A_2228], %swap3A_2231 {strides = array<i32>} : memref<10752xi32, #tpu.memory_space<vmem>>, vector<16xi32>,
    %add3A_2232 = arith.constant 496 : i32
    %add3A_2233 = vector.broadcast %add3A_2232 : i32 to vector<16xi32>
    %add3A_2234 = arith.addi %iota3A, %add3A_2233 : vector<16xi32>
    %jit3A_2235 = arith.constant 128 : i32
    %eq3A_2236 = arith.constant 0 : i32
    %eq3A_2237 = arith.cmpi eq, %jit3A_2235, %eq3A_2236 : i32
    %jit3A_2238 = arith.constant 1 : i32
    %select_n3A_2239 = arith.select %eq3A_2237, %jit3A_2238, %jit3A_2235 : i32
    %rem3A_2240 = vector.broadcast %select_n3A_2239 : i32 to vector<16xi32>
    %rem3A_2241 = arith.remsi %add3A_2234, %rem3A_2240 : vector<16xi32>
    %ne3A_2242 = arith.constant 0 : i32
    %ne3A_2243 = vector.broadcast %ne3A_2242 : i32 to vector<16xi32>
    %ne3A_2244 = arith.cmpi ne, %rem3A_2241, %ne3A_2243 : vector<16xi32>
    %lt3A_2245 = arith.constant 0 : i32
    %lt3A_2246 = vector.broadcast %lt3A_2245 : i32 to vector<16xi32>
    %lt3A_2247 = arith.cmpi slt, %rem3A_2241, %lt3A_2246 : vector<16xi32>
    %lt3A_2248 = arith.constant 0 : i32
    %lt3A_2249 = arith.cmpi slt, %select_n3A_2239, %lt3A_2248 : i32
    %ne3A_2250 = vector.broadcast %lt3A_2249 : i1 to vector<16xi1>
    %ne3A_2251 = vector.broadcast %ne3A_2250 : vector<16xi1> to vector<16xi1>
    %ne3A_2252 = arith.xori %lt3A_2247, %ne3A_2251 : vector<16xi1>
    %and3A_2253 = arith.andi %ne3A_2252, %ne3A_2244 : vector<16xi1>
    %add3A_2254 = vector.broadcast %select_n3A_2239 : i32 to vector<16xi32>
    %add3A_2255 = arith.addi %rem3A_2241, %add3A_2254 : vector<16xi32>
    %select_n3A_2256 = arith.select %and3A_2253, %add3A_2255, %rem3A_2241 : vector<16xi1>, vector<16xi32>
    %add3A_2257 = arith.constant 4096 : i32
    %add3A_2258 = vector.broadcast %add3A_2257 : i32 to vector<16xi32>
    %add3A_2259 = arith.addi %add3A_2258, %select_n3A_2256 : vector<16xi32>
    %add3A_2260 = arith.constant 496 : i32
    %add3A_2261 = arith.addi %squeeze3A, %add3A_2260 : i32
    %swap3A_2262 = arith.index_cast %add3A_2261 : i32 to index
    %swap3A_2263 = tpu.vector_load %arg13[%swap3A_2262] {strides = array<i32>} : memref<10752xi32, #tpu.memory_space<vmem>>, vector<16xi32>,
    %swap3A_2264 = vector.shape_cast %swap3A_2263 : vector<16xi32> to vector<16xi32>
    %swap3A_2265 = vector.shape_cast %add3A_2259 : vector<16xi32> to vector<16xi32>
    tpu.vector_store %arg13[%swap3A_2262], %swap3A_2265 {strides = array<i32>} : memref<10752xi32, #tpu.memory_space<vmem>>, vector<16xi32>,
    %mul3A_2266 = arith.constant 10880 : i32
    %mul3A_2267 = arith.muli %arg1, %mul3A_2266 : i32
    "tpu.region"() ({
      %run_scoped3A = tpu.sem_alloc : memref<!tpu.dma_semaphore, #tpu.memory_space<semaphore_mem>>
      %dma_start3A_2337 = tpu.memref_slice %arg19[%mul3A_2267] : memref<174080xi32, #tpu.memory_space<vmem_shared>> -> memref<10752xi32, #tpu.memory_space<vmem_shared>>
      %dma_start3A_2338 = tpu.memref_slice %arg19[%mul3A_2267] : memref<174080xi32, #tpu.memory_space<vmem_shared>> -> memref<10752xi32, #tpu.memory_space<vmem_shared>>
      tpu.enqueue_dma source(%arg12 : memref<10752xi32, #tpu.memory_space<vmem>>) target(%dma_start3A_2338 : memref<10752xi32, #tpu.memory_space<vmem_shared>>) target_semaphore(%run_scoped3A : memref<!tpu.dma_semaphore, #tpu.memory_space<semaphore_mem>>)
      %dma_wait3A_2339 = tpu.memref_slice %arg19[%mul3A_2267] : memref<174080xi32, #tpu.memory_space<vmem_shared>> -> memref<10752xi32, #tpu.memory_space<vmem_shared>>
      %dma_wait3A_2340 = tpu.memref_slice %arg19[%mul3A_2267] : memref<174080xi32, #tpu.memory_space<vmem_shared>> -> memref<10752xi32, #tpu.memory_space<vmem_shared>>
      tpu.wait_dma2 semaphore(%run_scoped3A : memref<!tpu.dma_semaphore, #tpu.memory_space<semaphore_mem>>) src(%arg12 : memref<10752xi32, #tpu.memory_space<vmem>>) dst(%dma_wait3A_2340 : memref<10752xi32, #tpu.memory_space<vmem_shared>>)
      tpu.yield
    }) : () -> ()
    %mul3A_2268 = arith.constant 10880 : i32
    %mul3A_2269 = arith.muli %arg1, %mul3A_2268 : i32
    "tpu.region"() ({
      %run_scoped3A = tpu.sem_alloc : memref<!tpu.dma_semaphore, #tpu.memory_space<semaphore_mem>>
      %dma_start3A_2337 = tpu.memref_slice %arg19[%mul3A_2269] : memref<174080xi32, #tpu.memory_space<vmem_shared>> -> memref<10752xi32, #tpu.memory_space<vmem_shared>>
      %dma_start3A_2338 = tpu.memref_slice %arg19[%mul3A_2269] : memref<174080xi32, #tpu.memory_space<vmem_shared>> -> memref<10752xi32, #tpu.memory_space<vmem_shared>>
      tpu.enqueue_dma source(%dma_start3A_2338 : memref<10752xi32, #tpu.memory_space<vmem_shared>>) target(%arg12 : memref<10752xi32, #tpu.memory_space<vmem>>) target_semaphore(%run_scoped3A : memref<!tpu.dma_semaphore, #tpu.memory_space<semaphore_mem>>)
      %dma_wait3A_2339 = tpu.memref_slice %arg19[%mul3A_2269] : memref<174080xi32, #tpu.memory_space<vmem_shared>> -> memref<10752xi32, #tpu.memory_space<vmem_shared>>
      %dma_wait3A_2340 = tpu.memref_slice %arg19[%mul3A_2269] : memref<174080xi32, #tpu.memory_space<vmem_shared>> -> memref<10752xi32, #tpu.memory_space<vmem_shared>>
      tpu.wait_dma2 semaphore(%run_scoped3A : memref<!tpu.dma_semaphore, #tpu.memory_space<semaphore_mem>>) src(%dma_wait3A_2340 : memref<10752xi32, #tpu.memory_space<vmem_shared>>) dst(%arg12 : memref<10752xi32, #tpu.memory_space<vmem>>)
      tpu.yield
    }) : () -> ()
    %mul3A_2270 = arith.constant 10880 : i32
    %mul3A_2271 = arith.muli %arg1, %mul3A_2270 : i32
    "tpu.region"() ({
      %run_scoped3A = tpu.sem_alloc : memref<!tpu.dma_semaphore, #tpu.memory_space<semaphore_mem>>
      %dma_start3A_2337 = tpu.memref_slice %arg19[%mul3A_2271] : memref<174080xi32, #tpu.memory_space<vmem_shared>> -> memref<10752xi32, #tpu.memory_space<vmem_shared>>
      %dma_start3A_2338 = tpu.memref_slice %arg19[%mul3A_2271] : memref<174080xi32, #tpu.memory_space<vmem_shared>> -> memref<10752xi32, #tpu.memory_space<vmem_shared>>
      tpu.enqueue_dma source(%arg13 : memref<10752xi32, #tpu.memory_space<vmem>>) target(%dma_start3A_2338 : memref<10752xi32, #tpu.memory_space<vmem_shared>>) target_semaphore(%run_scoped3A : memref<!tpu.dma_semaphore, #tpu.memory_space<semaphore_mem>>)
      %dma_wait3A_2339 = tpu.memref_slice %arg19[%mul3A_2271] : memref<174080xi32, #tpu.memory_space<vmem_shared>> -> memref<10752xi32, #tpu.memory_space<vmem_shared>>
      %dma_wait3A_2340 = tpu.memref_slice %arg19[%mul3A_2271] : memref<174080xi32, #tpu.memory_space<vmem_shared>> -> memref<10752xi32, #tpu.memory_space<vmem_shared>>
      tpu.wait_dma2 semaphore(%run_scoped3A : memref<!tpu.dma_semaphore, #tpu.memory_space<semaphore_mem>>) src(%arg13 : memref<10752xi32, #tpu.memory_space<vmem>>) dst(%dma_wait3A_2340 : memref<10752xi32, #tpu.memory_space<vmem_shared>>)
      tpu.yield
    }) : () -> ()
    %mul3A_2272 = arith.constant 10880 : i32
    %mul3A_2273 = arith.muli %arg1, %mul3A_2272 : i32
    "tpu.region"() ({
      %run_scoped3A = tpu.sem_alloc : memref<!tpu.dma_semaphore, #tpu.memory_space<semaphore_mem>>
      %dma_start3A_2337 = tpu.memref_slice %arg19[%mul3A_2273] : memref<174080xi32, #tpu.memory_space<vmem_shared>> -> memref<10752xi32, #tpu.memory_space<vmem_shared>>
      %dma_start3A_2338 = tpu.memref_slice %arg19[%mul3A_2273] : memref<174080xi32, #tpu.memory_space<vmem_shared>> -> memref<10752xi32, #tpu.memory_space<vmem_shared>>
      tpu.enqueue_dma source(%dma_start3A_2338 : memref<10752xi32, #tpu.memory_space<vmem_shared>>) target(%arg13 : memref<10752xi32, #tpu.memory_space<vmem>>) target_semaphore(%run_scoped3A : memref<!tpu.dma_semaphore, #tpu.memory_space<semaphore_mem>>)
      %dma_wait3A_2339 = tpu.memref_slice %arg19[%mul3A_2273] : memref<174080xi32, #tpu.memory_space<vmem_shared>> -> memref<10752xi32, #tpu.memory_space<vmem_shared>>
      %dma_wait3A_2340 = tpu.memref_slice %arg19[%mul3A_2273] : memref<174080xi32, #tpu.memory_space<vmem_shared>> -> memref<10752xi32, #tpu.memory_space<vmem_shared>>
      tpu.wait_dma2 semaphore(%run_scoped3A : memref<!tpu.dma_semaphore, #tpu.memory_space<semaphore_mem>>) src(%dma_wait3A_2340 : memref<10752xi32, #tpu.memory_space<vmem_shared>>) dst(%arg13 : memref<10752xi32, #tpu.memory_space<vmem>>)
      tpu.yield
    }) : () -> ()
    %add3A_2274 = arith.constant 127 : i32
    %add3A_2275 = arith.addi %squeeze3A, %add3A_2274 : i32
    %shift_right_logical3A = arith.constant 7 : i32
    %shift_right_logical3A_2276 = arith.shrui %add3A_2275, %shift_right_logical3A : i32
    %barrier3A_2277 = arith.constant 0 : index
    tpu.barrier barrier_id(%barrier3A_2277)
    %dma_start3A = arith.constant 0 : i32
    %dma_start3A_2278 = tpu.memref_slice %arg12[%dma_start3A] : memref<10752xi32, #tpu.memory_space<vmem>> -> memref<64xi32, #tpu.memory_space<vmem>>
    %dma_start3A_2279 = arith.constant 0 : i32
    %dma_start3A_2280 = arith.constant 0 : i32
    %dma_start3A_2281 = tpu.memref_slice %arg2[%dma_start3A_2279, %dma_start3A_2280] : memref<10000x128xf32, #tpu.memory_space<hbm>> -> memref<10000x128xf32, #tpu.memory_space<hbm>>
    tpu.enqueue_indirect_dma source(%dma_start3A_2281 : memref<10000x128xf32, #tpu.memory_space<hbm>>) target(%arg15 : memref<64x128xf32, #tpu.memory_space<vmem>>) offsets(%dma_start3A_2278 : memref<64xi32, #tpu.memory_space<vmem>>) semaphore(%arg21 : memref<!tpu.dma_semaphore, #tpu.memory_space<semaphore_mem>>)
    %dma_start3A_2282 = arith.constant 64 : i32
    %dma_start3A_2283 = tpu.memref_slice %arg12[%dma_start3A_2282] : memref<10752xi32, #tpu.memory_space<vmem>> -> memref<64xi32, #tpu.memory_space<vmem>>
    %dma_start3A_2284 = arith.constant 0 : i32
    %dma_start3A_2285 = arith.constant 0 : i32
    %dma_start3A_2286 = tpu.memref_slice %arg2[%dma_start3A_2284, %dma_start3A_2285] : memref<10000x128xf32, #tpu.memory_space<hbm>> -> memref<10000x128xf32, #tpu.memory_space<hbm>>
    tpu.enqueue_indirect_dma source(%dma_start3A_2286 : memref<10000x128xf32, #tpu.memory_space<hbm>>) target(%arg16 : memref<64x128xf32, #tpu.memory_space<vmem>>) offsets(%dma_start3A_2283 : memref<64xi32, #tpu.memory_space<vmem>>) semaphore(%arg22 : memref<!tpu.dma_semaphore, #tpu.memory_space<semaphore_mem>>)
    %while3A = arith.constant 0 : i32
    %while3A_2287 = arith.subi %shift_right_logical3A_2276, %while3A : i32
    %while3A_2288 = arith.addi %while3A, %while3A_2287 : i32
    %while3A_2289 = arith.constant 1 : i32
    %while3A_2290 = arith.divsi %while3A_2287, %while3A_2289 : i32
    %while3A_2291 = arith.muli %while3A_2290, %while3A_2289 : i32
    %while3A_2292 = arith.addi %while3A, %while3A_2291 : i32
    %while3A_2293 = arith.constant 1 : i32
    scf.for %while3A_2337 = %while3A to %while3A_2292 step %while3A_2293  : i32 {
      %mul3A_2338 = arith.constant 128 : i32
      %mul3A_2339 = arith.muli %while3A_2337, %mul3A_2338 : i32
      %dma_wait3A_2340 = tpu.memref_slice %arg12[%mul3A_2339] : memref<10752xi32, #tpu.memory_space<vmem>> -> memref<64xi32, #tpu.memory_space<vmem>>
      %dma_wait3A_2341 = arith.constant 0 : i32
      %dma_wait3A_2342 = arith.constant 0 : i32
      %dma_wait3A_2343 = tpu.memref_slice %arg2[%dma_wait3A_2341, %dma_wait3A_2342] : memref<10000x128xf32, #tpu.memory_space<hbm>> -> memref<10000x128xf32, #tpu.memory_space<hbm>>
      tpu.wait_indirect_dma semaphore(%arg21 : memref<!tpu.dma_semaphore, #tpu.memory_space<semaphore_mem>>) src(%dma_wait3A_2343 : memref<10000x128xf32, #tpu.memory_space<hbm>>) dst(%arg15 : memref<64x128xf32, #tpu.memory_space<vmem>>)
      "tpu.region"() ({
        %run_scoped3A = tpu.sem_alloc : memref<!tpu.dma_semaphore, #tpu.memory_space<semaphore_mem>>
        %dma_start3A_2364 = tpu.memref_slice %arg13[%mul3A_2339] : memref<10752xi32, #tpu.memory_space<vmem>> -> memref<64xi32, #tpu.memory_space<vmem>>
        %dma_start3A_2365 = arith.constant 0 : i32
        %dma_start3A_2366 = arith.constant 0 : i32
        %dma_start3A_2367 = tpu.memref_slice %arg20[%dma_start3A_2365, %dma_start3A_2366] : memref<4224x128xf32, #tpu.memory_space<vmem_shared>> -> memref<4224x128xf32, #tpu.memory_space<vmem_shared>>
        tpu.enqueue_indirect_dma source(%arg15 : memref<64x128xf32, #tpu.memory_space<vmem>>) target(%dma_start3A_2367 : memref<4224x128xf32, #tpu.memory_space<vmem_shared>>) offsets(%dma_start3A_2364 : memref<64xi32, #tpu.memory_space<vmem>>) semaphore(%run_scoped3A : memref<!tpu.dma_semaphore, #tpu.memory_space<semaphore_mem>>) {add = true}
        %dma_wait3A_2368 = tpu.memref_slice %arg13[%mul3A_2339] : memref<10752xi32, #tpu.memory_space<vmem>> -> memref<64xi32, #tpu.memory_space<vmem>>
        %dma_wait3A_2369 = arith.constant 0 : i32
        %dma_wait3A_2370 = arith.constant 0 : i32
        %dma_wait3A_2371 = tpu.memref_slice %arg20[%dma_wait3A_2369, %dma_wait3A_2370] : memref<4224x128xf32, #tpu.memory_space<vmem_shared>> -> memref<4224x128xf32, #tpu.memory_space<vmem_shared>>
        tpu.wait_indirect_dma semaphore(%run_scoped3A : memref<!tpu.dma_semaphore, #tpu.memory_space<semaphore_mem>>) src(%arg15 : memref<64x128xf32, #tpu.memory_space<vmem>>) dst(%dma_wait3A_2371 : memref<4224x128xf32, #tpu.memory_space<vmem_shared>>)
        tpu.yield
      }) : () -> ()
      %add3A_2344 = arith.constant 128 : i32
      %add3A_2345 = arith.addi %mul3A_2339, %add3A_2344 : i32
      %dma_start3A_2346 = tpu.memref_slice %arg12[%add3A_2345] : memref<10752xi32, #tpu.memory_space<vmem>> -> memref<64xi32, #tpu.memory_space<vmem>>
      %dma_start3A_2347 = arith.constant 0 : i32
      %dma_start3A_2348 = arith.constant 0 : i32
      %dma_start3A_2349 = tpu.memref_slice %arg2[%dma_start3A_2347, %dma_start3A_2348] : memref<10000x128xf32, #tpu.memory_space<hbm>> -> memref<10000x128xf32, #tpu.memory_space<hbm>>
      tpu.enqueue_indirect_dma source(%dma_start3A_2349 : memref<10000x128xf32, #tpu.memory_space<hbm>>) target(%arg15 : memref<64x128xf32, #tpu.memory_space<vmem>>) offsets(%dma_start3A_2346 : memref<64xi32, #tpu.memory_space<vmem>>) semaphore(%arg21 : memref<!tpu.dma_semaphore, #tpu.memory_space<semaphore_mem>>)
      %add3A_2350 = arith.constant 64 : i32
      %add3A_2351 = arith.addi %mul3A_2339, %add3A_2350 : i32
      %dma_wait3A_2352 = tpu.memref_slice %arg12[%add3A_2351] : memref<10752xi32, #tpu.memory_space<vmem>> -> memref<64xi32, #tpu.memory_space<vmem>>
      %dma_wait3A_2353 = arith.constant 0 : i32
      %dma_wait3A_2354 = arith.constant 0 : i32
      %dma_wait3A_2355 = tpu.memref_slice %arg2[%dma_wait3A_2353, %dma_wait3A_2354] : memref<10000x128xf32, #tpu.memory_space<hbm>> -> memref<10000x128xf32, #tpu.memory_space<hbm>>
      tpu.wait_indirect_dma semaphore(%arg22 : memref<!tpu.dma_semaphore, #tpu.memory_space<semaphore_mem>>) src(%dma_wait3A_2355 : memref<10000x128xf32, #tpu.memory_space<hbm>>) dst(%arg16 : memref<64x128xf32, #tpu.memory_space<vmem>>)
      %add3A_2356 = arith.constant 64 : i32
      %add3A_2357 = arith.addi %mul3A_2339, %add3A_2356 : i32
      "tpu.region"() ({
        %run_scoped3A = tpu.sem_alloc : memref<!tpu.dma_semaphore, #tpu.memory_space<semaphore_mem>>
        %dma_start3A_2364 = tpu.memref_slice %arg13[%add3A_2357] : memref<10752xi32, #tpu.memory_space<vmem>> -> memref<64xi32, #tpu.memory_space<vmem>>
        %dma_start3A_2365 = arith.constant 0 : i32
        %dma_start3A_2366 = arith.constant 0 : i32
        %dma_start3A_2367 = tpu.memref_slice %arg20[%dma_start3A_2365, %dma_start3A_2366] : memref<4224x128xf32, #tpu.memory_space<vmem_shared>> -> memref<4224x128xf32, #tpu.memory_space<vmem_shared>>
        tpu.enqueue_indirect_dma source(%arg16 : memref<64x128xf32, #tpu.memory_space<vmem>>) target(%dma_start3A_2367 : memref<4224x128xf32, #tpu.memory_space<vmem_shared>>) offsets(%dma_start3A_2364 : memref<64xi32, #tpu.memory_space<vmem>>) semaphore(%run_scoped3A : memref<!tpu.dma_semaphore, #tpu.memory_space<semaphore_mem>>) {add = true}
        %dma_wait3A_2368 = tpu.memref_slice %arg13[%add3A_2357] : memref<10752xi32, #tpu.memory_space<vmem>> -> memref<64xi32, #tpu.memory_space<vmem>>
        %dma_wait3A_2369 = arith.constant 0 : i32
        %dma_wait3A_2370 = arith.constant 0 : i32
        %dma_wait3A_2371 = tpu.memref_slice %arg20[%dma_wait3A_2369, %dma_wait3A_2370] : memref<4224x128xf32, #tpu.memory_space<vmem_shared>> -> memref<4224x128xf32, #tpu.memory_space<vmem_shared>>
        tpu.wait_indirect_dma semaphore(%run_scoped3A : memref<!tpu.dma_semaphore, #tpu.memory_space<semaphore_mem>>) src(%arg16 : memref<64x128xf32, #tpu.memory_space<vmem>>) dst(%dma_wait3A_2371 : memref<4224x128xf32, #tpu.memory_space<vmem_shared>>)
        tpu.yield
      }) : () -> ()
      %add3A_2358 = arith.constant 192 : i32
      %add3A_2359 = arith.addi %mul3A_2339, %add3A_2358 : i32
      %dma_start3A_2360 = tpu.memref_slice %arg12[%add3A_2359] : memref<10752xi32, #tpu.memory_space<vmem>> -> memref<64xi32, #tpu.memory_space<vmem>>
      %dma_start3A_2361 = arith.constant 0 : i32
      %dma_start3A_2362 = arith.constant 0 : i32
      %dma_start3A_2363 = tpu.memref_slice %arg2[%dma_start3A_2361, %dma_start3A_2362] : memref<10000x128xf32, #tpu.memory_space<hbm>> -> memref<10000x128xf32, #tpu.memory_space<hbm>>
      tpu.enqueue_indirect_dma source(%dma_start3A_2363 : memref<10000x128xf32, #tpu.memory_space<hbm>>) target(%arg16 : memref<64x128xf32, #tpu.memory_space<vmem>>) offsets(%dma_start3A_2360 : memref<64xi32, #tpu.memory_space<vmem>>) semaphore(%arg22 : memref<!tpu.dma_semaphore, #tpu.memory_space<semaphore_mem>>)
    }
    %while3A_2294 = arith.constant 1 : i32
    scf.for %while3A_2337 = %while3A_2292 to %while3A_2288 step %while3A_2294  : i32 {
      %mul3A_2338 = arith.constant 128 : i32
      %mul3A_2339 = arith.muli %while3A_2337, %mul3A_2338 : i32
      %dma_wait3A_2340 = tpu.memref_slice %arg12[%mul3A_2339] : memref<10752xi32, #tpu.memory_space<vmem>> -> memref<64xi32, #tpu.memory_space<vmem>>
      %dma_wait3A_2341 = arith.constant 0 : i32
      %dma_wait3A_2342 = arith.constant 0 : i32
      %dma_wait3A_2343 = tpu.memref_slice %arg2[%dma_wait3A_2341, %dma_wait3A_2342] : memref<10000x128xf32, #tpu.memory_space<hbm>> -> memref<10000x128xf32, #tpu.memory_space<hbm>>
      tpu.wait_indirect_dma semaphore(%arg21 : memref<!tpu.dma_semaphore, #tpu.memory_space<semaphore_mem>>) src(%dma_wait3A_2343 : memref<10000x128xf32, #tpu.memory_space<hbm>>) dst(%arg15 : memref<64x128xf32, #tpu.memory_space<vmem>>)
      "tpu.region"() ({
        %run_scoped3A = tpu.sem_alloc : memref<!tpu.dma_semaphore, #tpu.memory_space<semaphore_mem>>
        %dma_start3A_2364 = tpu.memref_slice %arg13[%mul3A_2339] : memref<10752xi32, #tpu.memory_space<vmem>> -> memref<64xi32, #tpu.memory_space<vmem>>
        %dma_start3A_2365 = arith.constant 0 : i32
        %dma_start3A_2366 = arith.constant 0 : i32
        %dma_start3A_2367 = tpu.memref_slice %arg20[%dma_start3A_2365, %dma_start3A_2366] : memref<4224x128xf32, #tpu.memory_space<vmem_shared>> -> memref<4224x128xf32, #tpu.memory_space<vmem_shared>>
        tpu.enqueue_indirect_dma source(%arg15 : memref<64x128xf32, #tpu.memory_space<vmem>>) target(%dma_start3A_2367 : memref<4224x128xf32, #tpu.memory_space<vmem_shared>>) offsets(%dma_start3A_2364 : memref<64xi32, #tpu.memory_space<vmem>>) semaphore(%run_scoped3A : memref<!tpu.dma_semaphore, #tpu.memory_space<semaphore_mem>>) {add = true}
        %dma_wait3A_2368 = tpu.memref_slice %arg13[%mul3A_2339] : memref<10752xi32, #tpu.memory_space<vmem>> -> memref<64xi32, #tpu.memory_space<vmem>>
        %dma_wait3A_2369 = arith.constant 0 : i32
        %dma_wait3A_2370 = arith.constant 0 : i32
        %dma_wait3A_2371 = tpu.memref_slice %arg20[%dma_wait3A_2369, %dma_wait3A_2370] : memref<4224x128xf32, #tpu.memory_space<vmem_shared>> -> memref<4224x128xf32, #tpu.memory_space<vmem_shared>>
        tpu.wait_indirect_dma semaphore(%run_scoped3A : memref<!tpu.dma_semaphore, #tpu.memory_space<semaphore_mem>>) src(%arg15 : memref<64x128xf32, #tpu.memory_space<vmem>>) dst(%dma_wait3A_2371 : memref<4224x128xf32, #tpu.memory_space<vmem_shared>>)
        tpu.yield
      }) : () -> ()
      %add3A_2344 = arith.constant 128 : i32
      %add3A_2345 = arith.addi %mul3A_2339, %add3A_2344 : i32
      %dma_start3A_2346 = tpu.memref_slice %arg12[%add3A_2345] : memref<10752xi32, #tpu.memory_space<vmem>> -> memref<64xi32, #tpu.memory_space<vmem>>
      %dma_start3A_2347 = arith.constant 0 : i32
      %dma_start3A_2348 = arith.constant 0 : i32
      %dma_start3A_2349 = tpu.memref_slice %arg2[%dma_start3A_2347, %dma_start3A_2348] : memref<10000x128xf32, #tpu.memory_space<hbm>> -> memref<10000x128xf32, #tpu.memory_space<hbm>>
      tpu.enqueue_indirect_dma source(%dma_start3A_2349 : memref<10000x128xf32, #tpu.memory_space<hbm>>) target(%arg15 : memref<64x128xf32, #tpu.memory_space<vmem>>) offsets(%dma_start3A_2346 : memref<64xi32, #tpu.memory_space<vmem>>) semaphore(%arg21 : memref<!tpu.dma_semaphore, #tpu.memory_space<semaphore_mem>>)
      %add3A_2350 = arith.constant 64 : i32
      %add3A_2351 = arith.addi %mul3A_2339, %add3A_2350 : i32
      %dma_wait3A_2352 = tpu.memref_slice %arg12[%add3A_2351] : memref<10752xi32, #tpu.memory_space<vmem>> -> memref<64xi32, #tpu.memory_space<vmem>>
      %dma_wait3A_2353 = arith.constant 0 : i32
      %dma_wait3A_2354 = arith.constant 0 : i32
      %dma_wait3A_2355 = tpu.memref_slice %arg2[%dma_wait3A_2353, %dma_wait3A_2354] : memref<10000x128xf32, #tpu.memory_space<hbm>> -> memref<10000x128xf32, #tpu.memory_space<hbm>>
      tpu.wait_indirect_dma semaphore(%arg22 : memref<!tpu.dma_semaphore, #tpu.memory_space<semaphore_mem>>) src(%dma_wait3A_2355 : memref<10000x128xf32, #tpu.memory_space<hbm>>) dst(%arg16 : memref<64x128xf32, #tpu.memory_space<vmem>>)
      %add3A_2356 = arith.constant 64 : i32
      %add3A_2357 = arith.addi %mul3A_2339, %add3A_2356 : i32
      "tpu.region"() ({
        %run_scoped3A = tpu.sem_alloc : memref<!tpu.dma_semaphore, #tpu.memory_space<semaphore_mem>>
        %dma_start3A_2364 = tpu.memref_slice %arg13[%add3A_2357] : memref<10752xi32, #tpu.memory_space<vmem>> -> memref<64xi32, #tpu.memory_space<vmem>>
        %dma_start3A_2365 = arith.constant 0 : i32
        %dma_start3A_2366 = arith.constant 0 : i32
        %dma_start3A_2367 = tpu.memref_slice %arg20[%dma_start3A_2365, %dma_start3A_2366] : memref<4224x128xf32, #tpu.memory_space<vmem_shared>> -> memref<4224x128xf32, #tpu.memory_space<vmem_shared>>
        tpu.enqueue_indirect_dma source(%arg16 : memref<64x128xf32, #tpu.memory_space<vmem>>) target(%dma_start3A_2367 : memref<4224x128xf32, #tpu.memory_space<vmem_shared>>) offsets(%dma_start3A_2364 : memref<64xi32, #tpu.memory_space<vmem>>) semaphore(%run_scoped3A : memref<!tpu.dma_semaphore, #tpu.memory_space<semaphore_mem>>) {add = true}
        %dma_wait3A_2368 = tpu.memref_slice %arg13[%add3A_2357] : memref<10752xi32, #tpu.memory_space<vmem>> -> memref<64xi32, #tpu.memory_space<vmem>>
        %dma_wait3A_2369 = arith.constant 0 : i32
        %dma_wait3A_2370 = arith.constant 0 : i32
        %dma_wait3A_2371 = tpu.memref_slice %arg20[%dma_wait3A_2369, %dma_wait3A_2370] : memref<4224x128xf32, #tpu.memory_space<vmem_shared>> -> memref<4224x128xf32, #tpu.memory_space<vmem_shared>>
        tpu.wait_indirect_dma semaphore(%run_scoped3A : memref<!tpu.dma_semaphore, #tpu.memory_space<semaphore_mem>>) src(%arg16 : memref<64x128xf32, #tpu.memory_space<vmem>>) dst(%dma_wait3A_2371 : memref<4224x128xf32, #tpu.memory_space<vmem_shared>>)
        tpu.yield
      }) : () -> ()
      %add3A_2358 = arith.constant 192 : i32
      %add3A_2359 = arith.addi %mul3A_2339, %add3A_2358 : i32
      %dma_start3A_2360 = tpu.memref_slice %arg12[%add3A_2359] : memref<10752xi32, #tpu.memory_space<vmem>> -> memref<64xi32, #tpu.memory_space<vmem>>
      %dma_start3A_2361 = arith.constant 0 : i32
      %dma_start3A_2362 = arith.constant 0 : i32
      %dma_start3A_2363 = tpu.memref_slice %arg2[%dma_start3A_2361, %dma_start3A_2362] : memref<10000x128xf32, #tpu.memory_space<hbm>> -> memref<10000x128xf32, #tpu.memory_space<hbm>>
      tpu.enqueue_indirect_dma source(%dma_start3A_2363 : memref<10000x128xf32, #tpu.memory_space<hbm>>) target(%arg16 : memref<64x128xf32, #tpu.memory_space<vmem>>) offsets(%dma_start3A_2360 : memref<64xi32, #tpu.memory_space<vmem>>) semaphore(%arg22 : memref<!tpu.dma_semaphore, #tpu.memory_space<semaphore_mem>>)
    }
    %dma_wait3A = arith.constant 0 : i32
    %dma_wait3A_2295 = tpu.memref_slice %arg12[%dma_wait3A] : memref<10752xi32, #tpu.memory_space<vmem>> -> memref<64xi32, #tpu.memory_space<vmem>>
    %dma_wait3A_2296 = arith.constant 0 : i32
    %dma_wait3A_2297 = arith.constant 0 : i32
    %dma_wait3A_2298 = tpu.memref_slice %arg2[%dma_wait3A_2296, %dma_wait3A_2297] : memref<10000x128xf32, #tpu.memory_space<hbm>> -> memref<10000x128xf32, #tpu.memory_space<hbm>>
    tpu.wait_indirect_dma semaphore(%arg21 : memref<!tpu.dma_semaphore, #tpu.memory_space<semaphore_mem>>) src(%dma_wait3A_2298 : memref<10000x128xf32, #tpu.memory_space<hbm>>) dst(%arg15 : memref<64x128xf32, #tpu.memory_space<vmem>>)
    %dma_wait3A_2299 = arith.constant 0 : i32
    %dma_wait3A_2300 = tpu.memref_slice %arg12[%dma_wait3A_2299] : memref<10752xi32, #tpu.memory_space<vmem>> -> memref<64xi32, #tpu.memory_space<vmem>>
    %dma_wait3A_2301 = arith.constant 0 : i32
    %dma_wait3A_2302 = arith.constant 0 : i32
    %dma_wait3A_2303 = tpu.memref_slice %arg2[%dma_wait3A_2301, %dma_wait3A_2302] : memref<10000x128xf32, #tpu.memory_space<hbm>> -> memref<10000x128xf32, #tpu.memory_space<hbm>>
    tpu.wait_indirect_dma semaphore(%arg22 : memref<!tpu.dma_semaphore, #tpu.memory_space<semaphore_mem>>) src(%dma_wait3A_2303 : memref<10000x128xf32, #tpu.memory_space<hbm>>) dst(%arg16 : memref<64x128xf32, #tpu.memory_space<vmem>>)
    %barrier3A_2304 = arith.constant 0 : index
    tpu.barrier barrier_id(%barrier3A_2304)
    %mul3A_2305 = arith.constant 256 : i32
    %mul3A_2306 = arith.muli %arg1, %mul3A_2305 : i32
    %add3A_2307 = arith.constant 0 : i32
    %add3A_2308 = arith.addi %mul3A_2306, %add3A_2307 : i32
    "tpu.region"() ({
      %run_scoped3A = tpu.sem_alloc : memref<!tpu.dma_semaphore, #tpu.memory_space<semaphore_mem>>
      %dma_start3A_2337 = arith.constant 0 : i32
      %dma_start3A_2338 = tpu.memref_slice %arg20[%add3A_2308, %dma_start3A_2337] : memref<4224x128xf32, #tpu.memory_space<vmem_shared>> -> memref<64x128xf32, #tpu.memory_space<vmem_shared>>
      %dma_start3A_2339 = arith.constant 0 : i32
      %dma_start3A_2340 = tpu.memref_slice %arg20[%add3A_2308, %dma_start3A_2339] : memref<4224x128xf32, #tpu.memory_space<vmem_shared>> -> memref<64x128xf32, #tpu.memory_space<vmem_shared>>
      tpu.enqueue_dma source(%dma_start3A_2340 : memref<64x128xf32, #tpu.memory_space<vmem_shared>>) target(%arg15 : memref<64x128xf32, #tpu.memory_space<vmem>>) target_semaphore(%run_scoped3A : memref<!tpu.dma_semaphore, #tpu.memory_space<semaphore_mem>>)
      %dma_wait3A_2341 = arith.constant 0 : i32
      %dma_wait3A_2342 = tpu.memref_slice %arg20[%add3A_2308, %dma_wait3A_2341] : memref<4224x128xf32, #tpu.memory_space<vmem_shared>> -> memref<64x128xf32, #tpu.memory_space<vmem_shared>>
      %dma_wait3A_2343 = arith.constant 0 : i32
      %dma_wait3A_2344 = tpu.memref_slice %arg20[%add3A_2308, %dma_wait3A_2343] : memref<4224x128xf32, #tpu.memory_space<vmem_shared>> -> memref<64x128xf32, #tpu.memory_space<vmem_shared>>
      tpu.wait_dma2 semaphore(%run_scoped3A : memref<!tpu.dma_semaphore, #tpu.memory_space<semaphore_mem>>) src(%dma_wait3A_2344 : memref<64x128xf32, #tpu.memory_space<vmem_shared>>) dst(%arg15 : memref<64x128xf32, #tpu.memory_space<vmem>>)
      tpu.yield
    }) : () -> ()
    %mul3A_2309 = arith.constant 256 : i32
    %mul3A_2310 = arith.muli %arg1, %mul3A_2309 : i32
    %add3A_2311 = arith.constant 0 : i32
    %add3A_2312 = arith.addi %mul3A_2310, %add3A_2311 : i32
    "tpu.region"() ({
      %run_scoped3A = tpu.sem_alloc : memref<!tpu.dma_semaphore, #tpu.memory_space<semaphore_mem>>
      %dma_start3A_2337 = arith.constant 0 : i32
      %dma_start3A_2338 = tpu.memref_slice %arg7[%arg0, %add3A_2312, %dma_start3A_2337] : memref<2x4096x128xf32, #tpu.memory_space<hbm>> -> memref<1x64x128xf32, #tpu.memory_space<hbm>>
      %dma_start3A_2339 = tpu.memref_squeeze %dma_start3A_2338 : memref<1x64x128xf32, #tpu.memory_space<hbm>> -> memref<64x128xf32, #tpu.memory_space<hbm>>
      %dma_start3A_2340 = arith.constant 0 : i32
      %dma_start3A_2341 = tpu.memref_slice %arg7[%arg0, %add3A_2312, %dma_start3A_2340] : memref<2x4096x128xf32, #tpu.memory_space<hbm>> -> memref<1x64x128xf32, #tpu.memory_space<hbm>>
      %dma_start3A_2342 = tpu.memref_squeeze %dma_start3A_2341 : memref<1x64x128xf32, #tpu.memory_space<hbm>> -> memref<64x128xf32, #tpu.memory_space<hbm>>
      tpu.enqueue_dma source(%arg15 : memref<64x128xf32, #tpu.memory_space<vmem>>) target(%dma_start3A_2342 : memref<64x128xf32, #tpu.memory_space<hbm>>) target_semaphore(%run_scoped3A : memref<!tpu.dma_semaphore, #tpu.memory_space<semaphore_mem>>)
      %dma_wait3A_2343 = arith.constant 0 : i32
      %dma_wait3A_2344 = tpu.memref_slice %arg7[%arg0, %add3A_2312, %dma_wait3A_2343] : memref<2x4096x128xf32, #tpu.memory_space<hbm>> -> memref<1x64x128xf32, #tpu.memory_space<hbm>>
      %dma_wait3A_2345 = tpu.memref_squeeze %dma_wait3A_2344 : memref<1x64x128xf32, #tpu.memory_space<hbm>> -> memref<64x128xf32, #tpu.memory_space<hbm>>
      %dma_wait3A_2346 = arith.constant 0 : i32
      %dma_wait3A_2347 = tpu.memref_slice %arg7[%arg0, %add3A_2312, %dma_wait3A_2346] : memref<2x4096x128xf32, #tpu.memory_space<hbm>> -> memref<1x64x128xf32, #tpu.memory_space<hbm>>
      %dma_wait3A_2348 = tpu.memref_squeeze %dma_wait3A_2347 : memref<1x64x128xf32, #tpu.memory_space<hbm>> -> memref<64x128xf32, #tpu.memory_space<hbm>>
      tpu.wait_dma2 semaphore(%run_scoped3A : memref<!tpu.dma_semaphore, #tpu.memory_space<semaphore_mem>>) src(%arg15 : memref<64x128xf32, #tpu.memory_space<vmem>>) dst(%dma_wait3A_2348 : memref<64x128xf32, #tpu.memory_space<hbm>>)
      tpu.yield
    }) : () -> ()
    %mul3A_2313 = arith.constant 256 : i32
    %mul3A_2314 = arith.muli %arg1, %mul3A_2313 : i32
    %add3A_2315 = arith.constant 64 : i32
    %add3A_2316 = arith.addi %mul3A_2314, %add3A_2315 : i32
    "tpu.region"() ({
      %run_scoped3A = tpu.sem_alloc : memref<!tpu.dma_semaphore, #tpu.memory_space<semaphore_mem>>
      %dma_start3A_2337 = arith.constant 0 : i32
      %dma_start3A_2338 = tpu.memref_slice %arg20[%add3A_2316, %dma_start3A_2337] : memref<4224x128xf32, #tpu.memory_space<vmem_shared>> -> memref<64x128xf32, #tpu.memory_space<vmem_shared>>
      %dma_start3A_2339 = arith.constant 0 : i32
      %dma_start3A_2340 = tpu.memref_slice %arg20[%add3A_2316, %dma_start3A_2339] : memref<4224x128xf32, #tpu.memory_space<vmem_shared>> -> memref<64x128xf32, #tpu.memory_space<vmem_shared>>
      tpu.enqueue_dma source(%dma_start3A_2340 : memref<64x128xf32, #tpu.memory_space<vmem_shared>>) target(%arg15 : memref<64x128xf32, #tpu.memory_space<vmem>>) target_semaphore(%run_scoped3A : memref<!tpu.dma_semaphore, #tpu.memory_space<semaphore_mem>>)
      %dma_wait3A_2341 = arith.constant 0 : i32
      %dma_wait3A_2342 = tpu.memref_slice %arg20[%add3A_2316, %dma_wait3A_2341] : memref<4224x128xf32, #tpu.memory_space<vmem_shared>> -> memref<64x128xf32, #tpu.memory_space<vmem_shared>>
      %dma_wait3A_2343 = arith.constant 0 : i32
      %dma_wait3A_2344 = tpu.memref_slice %arg20[%add3A_2316, %dma_wait3A_2343] : memref<4224x128xf32, #tpu.memory_space<vmem_shared>> -> memref<64x128xf32, #tpu.memory_space<vmem_shared>>
      tpu.wait_dma2 semaphore(%run_scoped3A : memref<!tpu.dma_semaphore, #tpu.memory_space<semaphore_mem>>) src(%dma_wait3A_2344 : memref<64x128xf32, #tpu.memory_space<vmem_shared>>) dst(%arg15 : memref<64x128xf32, #tpu.memory_space<vmem>>)
      tpu.yield
    }) : () -> ()
    %mul3A_2317 = arith.constant 256 : i32
    %mul3A_2318 = arith.muli %arg1, %mul3A_2317 : i32
    %add3A_2319 = arith.constant 64 : i32
    %add3A_2320 = arith.addi %mul3A_2318, %add3A_2319 : i32
    "tpu.region"() ({
      %run_scoped3A = tpu.sem_alloc : memref<!tpu.dma_semaphore, #tpu.memory_space<semaphore_mem>>
      %dma_start3A_2337 = arith.constant 0 : i32
      %dma_start3A_2338 = tpu.memref_slice %arg7[%arg0, %add3A_2320, %dma_start3A_2337] : memref<2x4096x128xf32, #tpu.memory_space<hbm>> -> memref<1x64x128xf32, #tpu.memory_space<hbm>>
      %dma_start3A_2339 = tpu.memref_squeeze %dma_start3A_2338 : memref<1x64x128xf32, #tpu.memory_space<hbm>> -> memref<64x128xf32, #tpu.memory_space<hbm>>
      %dma_start3A_2340 = arith.constant 0 : i32
      %dma_start3A_2341 = tpu.memref_slice %arg7[%arg0, %add3A_2320, %dma_start3A_2340] : memref<2x4096x128xf32, #tpu.memory_space<hbm>> -> memref<1x64x128xf32, #tpu.memory_space<hbm>>
      %dma_start3A_2342 = tpu.memref_squeeze %dma_start3A_2341 : memref<1x64x128xf32, #tpu.memory_space<hbm>> -> memref<64x128xf32, #tpu.memory_space<hbm>>
      tpu.enqueue_dma source(%arg15 : memref<64x128xf32, #tpu.memory_space<vmem>>) target(%dma_start3A_2342 : memref<64x128xf32, #tpu.memory_space<hbm>>) target_semaphore(%run_scoped3A : memref<!tpu.dma_semaphore, #tpu.memory_space<semaphore_mem>>)
      %dma_wait3A_2343 = arith.constant 0 : i32
      %dma_wait3A_2344 = tpu.memref_slice %arg7[%arg0, %add3A_2320, %dma_wait3A_2343] : memref<2x4096x128xf32, #tpu.memory_space<hbm>> -> memref<1x64x128xf32, #tpu.memory_space<hbm>>
      %dma_wait3A_2345 = tpu.memref_squeeze %dma_wait3A_2344 : memref<1x64x128xf32, #tpu.memory_space<hbm>> -> memref<64x128xf32, #tpu.memory_space<hbm>>
      %dma_wait3A_2346 = arith.constant 0 : i32
      %dma_wait3A_2347 = tpu.memref_slice %arg7[%arg0, %add3A_2320, %dma_wait3A_2346] : memref<2x4096x128xf32, #tpu.memory_space<hbm>> -> memref<1x64x128xf32, #tpu.memory_space<hbm>>
      %dma_wait3A_2348 = tpu.memref_squeeze %dma_wait3A_2347 : memref<1x64x128xf32, #tpu.memory_space<hbm>> -> memref<64x128xf32, #tpu.memory_space<hbm>>
      tpu.wait_dma2 semaphore(%run_scoped3A : memref<!tpu.dma_semaphore, #tpu.memory_space<semaphore_mem>>) src(%arg15 : memref<64x128xf32, #tpu.memory_space<vmem>>) dst(%dma_wait3A_2348 : memref<64x128xf32, #tpu.memory_space<hbm>>)
      tpu.yield
    }) : () -> ()
    %mul3A_2321 = arith.constant 256 : i32
    %mul3A_2322 = arith.muli %arg1, %mul3A_2321 : i32
    %add3A_2323 = arith.constant 128 : i32
    %add3A_2324 = arith.addi %mul3A_2322, %add3A_2323 : i32
    "tpu.region"() ({
      %run_scoped3A = tpu.sem_alloc : memref<!tpu.dma_semaphore, #tpu.memory_space<semaphore_mem>>
      %dma_start3A_2337 = arith.constant 0 : i32
      %dma_start3A_2338 = tpu.memref_slice %arg20[%add3A_2324, %dma_start3A_2337] : memref<4224x128xf32, #tpu.memory_space<vmem_shared>> -> memref<64x128xf32, #tpu.memory_space<vmem_shared>>
      %dma_start3A_2339 = arith.constant 0 : i32
      %dma_start3A_2340 = tpu.memref_slice %arg20[%add3A_2324, %dma_start3A_2339] : memref<4224x128xf32, #tpu.memory_space<vmem_shared>> -> memref<64x128xf32, #tpu.memory_space<vmem_shared>>
      tpu.enqueue_dma source(%dma_start3A_2340 : memref<64x128xf32, #tpu.memory_space<vmem_shared>>) target(%arg15 : memref<64x128xf32, #tpu.memory_space<vmem>>) target_semaphore(%run_scoped3A : memref<!tpu.dma_semaphore, #tpu.memory_space<semaphore_mem>>)
      %dma_wait3A_2341 = arith.constant 0 : i32
      %dma_wait3A_2342 = tpu.memref_slice %arg20[%add3A_2324, %dma_wait3A_2341] : memref<4224x128xf32, #tpu.memory_space<vmem_shared>> -> memref<64x128xf32, #tpu.memory_space<vmem_shared>>
      %dma_wait3A_2343 = arith.constant 0 : i32
      %dma_wait3A_2344 = tpu.memref_slice %arg20[%add3A_2324, %dma_wait3A_2343] : memref<4224x128xf32, #tpu.memory_space<vmem_shared>> -> memref<64x128xf32, #tpu.memory_space<vmem_shared>>
      tpu.wait_dma2 semaphore(%run_scoped3A : memref<!tpu.dma_semaphore, #tpu.memory_space<semaphore_mem>>) src(%dma_wait3A_2344 : memref<64x128xf32, #tpu.memory_space<vmem_shared>>) dst(%arg15 : memref<64x128xf32, #tpu.memory_space<vmem>>)
      tpu.yield
    }) : () -> ()
    %mul3A_2325 = arith.constant 256 : i32
    %mul3A_2326 = arith.muli %arg1, %mul3A_2325 : i32
    %add3A_2327 = arith.constant 128 : i32
    %add3A_2328 = arith.addi %mul3A_2326, %add3A_2327 : i32
    "tpu.region"() ({
      %run_scoped3A = tpu.sem_alloc : memref<!tpu.dma_semaphore, #tpu.memory_space<semaphore_mem>>
      %dma_start3A_2337 = arith.constant 0 : i32
      %dma_start3A_2338 = tpu.memref_slice %arg7[%arg0, %add3A_2328, %dma_start3A_2337] : memref<2x4096x128xf32, #tpu.memory_space<hbm>> -> memref<1x64x128xf32, #tpu.memory_space<hbm>>
      %dma_start3A_2339 = tpu.memref_squeeze %dma_start3A_2338 : memref<1x64x128xf32, #tpu.memory_space<hbm>> -> memref<64x128xf32, #tpu.memory_space<hbm>>
      %dma_start3A_2340 = arith.constant 0 : i32
      %dma_start3A_2341 = tpu.memref_slice %arg7[%arg0, %add3A_2328, %dma_start3A_2340] : memref<2x4096x128xf32, #tpu.memory_space<hbm>> -> memref<1x64x128xf32, #tpu.memory_space<hbm>>
      %dma_start3A_2342 = tpu.memref_squeeze %dma_start3A_2341 : memref<1x64x128xf32, #tpu.memory_space<hbm>> -> memref<64x128xf32, #tpu.memory_space<hbm>>
      tpu.enqueue_dma source(%arg15 : memref<64x128xf32, #tpu.memory_space<vmem>>) target(%dma_start3A_2342 : memref<64x128xf32, #tpu.memory_space<hbm>>) target_semaphore(%run_scoped3A : memref<!tpu.dma_semaphore, #tpu.memory_space<semaphore_mem>>)
      %dma_wait3A_2343 = arith.constant 0 : i32
      %dma_wait3A_2344 = tpu.memref_slice %arg7[%arg0, %add3A_2328, %dma_wait3A_2343] : memref<2x4096x128xf32, #tpu.memory_space<hbm>> -> memref<1x64x128xf32, #tpu.memory_space<hbm>>
      %dma_wait3A_2345 = tpu.memref_squeeze %dma_wait3A_2344 : memref<1x64x128xf32, #tpu.memory_space<hbm>> -> memref<64x128xf32, #tpu.memory_space<hbm>>
      %dma_wait3A_2346 = arith.constant 0 : i32
      %dma_wait3A_2347 = tpu.memref_slice %arg7[%arg0, %add3A_2328, %dma_wait3A_2346] : memref<2x4096x128xf32, #tpu.memory_space<hbm>> -> memref<1x64x128xf32, #tpu.memory_space<hbm>>
      %dma_wait3A_2348 = tpu.memref_squeeze %dma_wait3A_2347 : memref<1x64x128xf32, #tpu.memory_space<hbm>> -> memref<64x128xf32, #tpu.memory_space<hbm>>
      tpu.wait_dma2 semaphore(%run_scoped3A : memref<!tpu.dma_semaphore, #tpu.memory_space<semaphore_mem>>) src(%arg15 : memref<64x128xf32, #tpu.memory_space<vmem>>) dst(%dma_wait3A_2348 : memref<64x128xf32, #tpu.memory_space<hbm>>)
      tpu.yield
    }) : () -> ()
    %mul3A_2329 = arith.constant 256 : i32
    %mul3A_2330 = arith.muli %arg1, %mul3A_2329 : i32
    %add3A_2331 = arith.constant 192 : i32
    %add3A_2332 = arith.addi %mul3A_2330, %add3A_2331 : i32
    "tpu.region"() ({
      %run_scoped3A = tpu.sem_alloc : memref<!tpu.dma_semaphore, #tpu.memory_space<semaphore_mem>>
      %dma_start3A_2337 = arith.constant 0 : i32
      %dma_start3A_2338 = tpu.memref_slice %arg20[%add3A_2332, %dma_start3A_2337] : memref<4224x128xf32, #tpu.memory_space<vmem_shared>> -> memref<64x128xf32, #tpu.memory_space<vmem_shared>>
      %dma_start3A_2339 = arith.constant 0 : i32
      %dma_start3A_2340 = tpu.memref_slice %arg20[%add3A_2332, %dma_start3A_2339] : memref<4224x128xf32, #tpu.memory_space<vmem_shared>> -> memref<64x128xf32, #tpu.memory_space<vmem_shared>>
      tpu.enqueue_dma source(%dma_start3A_2340 : memref<64x128xf32, #tpu.memory_space<vmem_shared>>) target(%arg15 : memref<64x128xf32, #tpu.memory_space<vmem>>) target_semaphore(%run_scoped3A : memref<!tpu.dma_semaphore, #tpu.memory_space<semaphore_mem>>)
      %dma_wait3A_2341 = arith.constant 0 : i32
      %dma_wait3A_2342 = tpu.memref_slice %arg20[%add3A_2332, %dma_wait3A_2341] : memref<4224x128xf32, #tpu.memory_space<vmem_shared>> -> memref<64x128xf32, #tpu.memory_space<vmem_shared>>
      %dma_wait3A_2343 = arith.constant 0 : i32
      %dma_wait3A_2344 = tpu.memref_slice %arg20[%add3A_2332, %dma_wait3A_2343] : memref<4224x128xf32, #tpu.memory_space<vmem_shared>> -> memref<64x128xf32, #tpu.memory_space<vmem_shared>>
      tpu.wait_dma2 semaphore(%run_scoped3A : memref<!tpu.dma_semaphore, #tpu.memory_space<semaphore_mem>>) src(%dma_wait3A_2344 : memref<64x128xf32, #tpu.memory_space<vmem_shared>>) dst(%arg15 : memref<64x128xf32, #tpu.memory_space<vmem>>)
      tpu.yield
    }) : () -> ()
    %mul3A_2333 = arith.constant 256 : i32
    %mul3A_2334 = arith.muli %arg1, %mul3A_2333 : i32
    %add3A_2335 = arith.constant 192 : i32
    %add3A_2336 = arith.addi %mul3A_2334, %add3A_2335 : i32
    "tpu.region"() ({
      %run_scoped3A = tpu.sem_alloc : memref<!tpu.dma_semaphore, #tpu.memory_space<semaphore_mem>>
      %dma_start3A_2337 = arith.constant 0 : i32
      %dma_start3A_2338 = tpu.memref_slice %arg7[%arg0, %add3A_2336, %dma_start3A_2337] : memref<2x4096x128xf32, #tpu.memory_space<hbm>> -> memref<1x64x128xf32, #tpu.memory_space<hbm>>
      %dma_start3A_2339 = tpu.memref_squeeze %dma_start3A_2338 : memref<1x64x128xf32, #tpu.memory_space<hbm>> -> memref<64x128xf32, #tpu.memory_space<hbm>>
      %dma_start3A_2340 = arith.constant 0 : i32
      %dma_start3A_2341 = tpu.memref_slice %arg7[%arg0, %add3A_2336, %dma_start3A_2340] : memref<2x4096x128xf32, #tpu.memory_space<hbm>> -> memref<1x64x128xf32, #tpu.memory_space<hbm>>
      %dma_start3A_2342 = tpu.memref_squeeze %dma_start3A_2341 : memref<1x64x128xf32, #tpu.memory_space<hbm>> -> memref<64x128xf32, #tpu.memory_space<hbm>>
      tpu.enqueue_dma source(%arg15 : memref<64x128xf32, #tpu.memory_space<vmem>>) target(%dma_start3A_2342 : memref<64x128xf32, #tpu.memory_space<hbm>>) target_semaphore(%run_scoped3A : memref<!tpu.dma_semaphore, #tpu.memory_space<semaphore_mem>>)
      %dma_wait3A_2343 = arith.constant 0 : i32
      %dma_wait3A_2344 = tpu.memref_slice %arg7[%arg0, %add3A_2336, %dma_wait3A_2343] : memref<2x4096x128xf32, #tpu.memory_space<hbm>> -> memref<1x64x128xf32, #tpu.memory_space<hbm>>
      %dma_wait3A_2345 = tpu.memref_squeeze %dma_wait3A_2344 : memref<1x64x128xf32, #tpu.memory_space<hbm>> -> memref<64x128xf32, #tpu.memory_space<hbm>>
      %dma_wait3A_2346 = arith.constant 0 : i32
      %dma_wait3A_2347 = tpu.memref_slice %arg7[%arg0, %add3A_2336, %dma_wait3A_2346] : memref<2x4096x128xf32, #tpu.memory_space<hbm>> -> memref<1x64x128xf32, #tpu.memory_space<hbm>>
      %dma_wait3A_2348 = tpu.memref_squeeze %dma_wait3A_2347 : memref<1x64x128xf32, #tpu.memory_space<hbm>> -> memref<64x128xf32, #tpu.memory_space<hbm>>
      tpu.wait_dma2 semaphore(%run_scoped3A : memref<!tpu.dma_semaphore, #tpu.memory_space<semaphore_mem>>) src(%arg15 : memref<64x128xf32, #tpu.memory_space<vmem>>) dst(%dma_wait3A_2348 : memref<64x128xf32, #tpu.memory_space<hbm>>)
      tpu.yield
    }) : () -> ()
    return
  }
}

module attributes {stable_mosaic.version = 14 : i64} {
  func.func @_tc1a_body(%arg0: i32, %arg1: memref<1000x128xf32, #tpu.memory_space<vmem>>, %arg2: memref<128x96xf32, #tpu.memory_space<vmem>>, %arg3: memref<1x96xf32, #tpu.memory_space<vmem>>, %arg4: memref<96x96xf32, #tpu.memory_space<vmem>>, %arg5: memref<1x96xf32, #tpu.memory_space<vmem>>, %arg6: memref<96x96xf32, #tpu.memory_space<vmem>>, %arg7: memref<1000x96xf32, #tpu.memory_space<vmem>>) attributes {dimension_semantics = [#tpu.dimension_semantics<arbitrary>], iteration_bounds = array<i64: 10>, scalar_prefetch = 0 : i64, scratch_operands = 0 : i64, tpu.core_type = #tpu.core_type<tc>, window_params = [{transform_indices = @transform_0, window_bounds = array<i64: 1000, 128>}, {pipeline_mode = #tpu.pipeline_mode<synchronous>, transform_indices = @transform_1, window_bounds = array<i64: 128, 96>}, {pipeline_mode = #tpu.pipeline_mode<synchronous>, transform_indices = @transform_2, window_bounds = array<i64: 1, 96>}, {pipeline_mode = #tpu.pipeline_mode<synchronous>, transform_indices = @transform_3, window_bounds = array<i64: 96, 96>}, {pipeline_mode = #tpu.pipeline_mode<synchronous>, transform_indices = @transform_4, window_bounds = array<i64: 1, 96>}, {pipeline_mode = #tpu.pipeline_mode<synchronous>, transform_indices = @transform_5, window_bounds = array<i64: 96, 96>}, {transform_indices = @transform_6, window_bounds = array<i64: 1000, 96>}]} {
    %get3A = arith.constant 0 : index
    %get3A_0 = arith.constant 0 : index
    %get3A_1 = vector.load %arg1[%get3A, %get3A_0] : memref<1000x128xf32, #tpu.memory_space<vmem>>, vector<1000x128xf32>
    %get3A_2 = arith.constant 0 : index
    %get3A_3 = arith.constant 0 : index
    %get3A_4 = vector.load %arg2[%get3A_2, %get3A_3] : memref<128x96xf32, #tpu.memory_space<vmem>>, vector<128x96xf32>
    %dot_general3A = arith.constant dense<0.000000e+00> : vector<1000x96xf32>
    %dot_general3A_5 = tpu.matmul %get3A_1, %get3A_4, %dot_general3A {dimension_numbers = #tpu.dot_dimension_numbers<[1], [0], [0], [1], [0, 0, 1, 1], [], []>, transpose_lhs_hint = false} : vector<1000x128xf32>, vector<128x96xf32>, vector<1000x96xf32> -> vector<1000x96xf32>
    %get3A_6 = arith.constant 0 : index
    %get3A_7 = arith.constant 0 : index
    %get3A_8 = vector.load %arg3[%get3A_6, %get3A_7] : memref<1x96xf32, #tpu.memory_space<vmem>>, vector<1x96xf32>
    %add3A = vector.broadcast %get3A_8 : vector<1x96xf32> to vector<1000x96xf32>
    %add3A_9 = arith.addf %dot_general3A_5, %add3A : vector<1000x96xf32>
    %ge3A = arith.constant 0.000000e+00 : f32
    %ge3A_10 = vector.broadcast %ge3A : f32 to vector<1000x96xf32>
    %ge3A_11 = arith.cmpf oge, %add3A_9, %ge3A_10 : vector<1000x96xf32>
    %mul3A = arith.constant 0.00999999977 : f32
    %mul3A_12 = vector.broadcast %mul3A : f32 to vector<1000x96xf32>
    %mul3A_13 = arith.mulf %mul3A_12, %add3A_9 : vector<1000x96xf32>
    %select_n3A = arith.select %ge3A_11, %add3A_9, %mul3A_13 : vector<1000x96xi1>, vector<1000x96xf32>
    %get3A_14 = arith.constant 0 : index
    %get3A_15 = arith.constant 0 : index
    %get3A_16 = vector.load %arg4[%get3A_14, %get3A_15] : memref<96x96xf32, #tpu.memory_space<vmem>>, vector<96x96xf32>
    %dot_general3A_17 = arith.constant dense<0.000000e+00> : vector<1000x96xf32>
    %dot_general3A_18 = tpu.matmul %select_n3A, %get3A_16, %dot_general3A_17 {dimension_numbers = #tpu.dot_dimension_numbers<[1], [0], [0], [1], [0, 0, 1, 1], [], []>, transpose_lhs_hint = false} : vector<1000x96xf32>, vector<96x96xf32>, vector<1000x96xf32> -> vector<1000x96xf32>
    %get3A_19 = arith.constant 0 : index
    %get3A_20 = arith.constant 0 : index
    %get3A_21 = vector.load %arg5[%get3A_19, %get3A_20] : memref<1x96xf32, #tpu.memory_space<vmem>>, vector<1x96xf32>
    %add3A_22 = vector.broadcast %get3A_21 : vector<1x96xf32> to vector<1000x96xf32>
    %add3A_23 = arith.addf %dot_general3A_18, %add3A_22 : vector<1000x96xf32>
    %get3A_24 = arith.constant 0 : index
    %get3A_25 = arith.constant 0 : index
    %get3A_26 = vector.load %arg6[%get3A_24, %get3A_25] : memref<96x96xf32, #tpu.memory_space<vmem>>, vector<96x96xf32>
    %dot_general3A_27 = arith.constant dense<0.000000e+00> : vector<1000x96xf32>
    %dot_general3A_28 = tpu.matmul %add3A_23, %get3A_26, %dot_general3A_27 {dimension_numbers = #tpu.dot_dimension_numbers<[1], [0], [0], [1], [0, 0, 1, 1], [], []>, transpose_lhs_hint = false} : vector<1000x96xf32>, vector<96x96xf32>, vector<1000x96xf32> -> vector<1000x96xf32>
    %swap3A = arith.constant 0 : index
    %swap3A_29 = arith.constant 0 : index
    %swap3A_30 = vector.load %arg7[%swap3A, %swap3A_29] : memref<1000x96xf32, #tpu.memory_space<vmem>>, vector<1000x96xf32>
    tpu.vector_store %arg7[%swap3A, %swap3A_29], %dot_general3A_28 {strides = array<i32>} : memref<1000x96xf32, #tpu.memory_space<vmem>>, vector<1000x96xf32>,
    return
  }
  func.func @transform_0(%arg0: i32) -> (i32, i32) {
    %c0_i32 = arith.constant 0 : i32
    %c0_i32_0 = arith.constant 0 : i32
    return %arg0, %c0_i32 : i32, i32
  }
  func.func @transform_1(%arg0: i32) -> (i32, i32) {
    %c0_i32 = arith.constant 0 : i32
    %c0_i32_0 = arith.constant 0 : i32
    %c0_i32_1 = arith.constant 0 : i32
    return %c0_i32, %c0_i32_0 : i32, i32
  }
  func.func @transform_2(%arg0: i32) -> (i32, i32) {
    %c0_i32 = arith.constant 0 : i32
    %c0_i32_0 = arith.constant 0 : i32
    %c0_i32_1 = arith.constant 0 : i32
    return %c0_i32, %c0_i32_0 : i32, i32
  }
  func.func @transform_3(%arg0: i32) -> (i32, i32) {
    %c0_i32 = arith.constant 0 : i32
    %c0_i32_0 = arith.constant 0 : i32
    %c0_i32_1 = arith.constant 0 : i32
    return %c0_i32, %c0_i32_0 : i32, i32
  }
  func.func @transform_4(%arg0: i32) -> (i32, i32) {
    %c0_i32 = arith.constant 0 : i32
    %c0_i32_0 = arith.constant 0 : i32
    %c0_i32_1 = arith.constant 0 : i32
    return %c0_i32, %c0_i32_0 : i32, i32
  }
  func.func @transform_5(%arg0: i32) -> (i32, i32) {
    %c0_i32 = arith.constant 0 : i32
    %c0_i32_0 = arith.constant 0 : i32
    %c0_i32_1 = arith.constant 0 : i32
    return %c0_i32, %c0_i32_0 : i32, i32
  }
  func.func @transform_6(%arg0: i32) -> (i32, i32) {
    %c0_i32 = arith.constant 0 : i32
    %c0_i32_0 = arith.constant 0 : i32
    return %arg0, %c0_i32 : i32, i32
  }
}

module attributes {stable_mosaic.version = 14 : i64} {
  func.func @_tc1b_body(%arg0: i32, %arg1: memref<1000x96xf32, #tpu.memory_space<vmem>>, %arg2: memref<1000x1xf32, #tpu.memory_space<vmem>>, %arg3: memref<1000x1xf32, #tpu.memory_space<vmem>>, %arg4: memref<1000x128xf32, #tpu.memory_space<vmem>>, %arg5: memref<1000x1xf32, #tpu.memory_space<vmem>>) attributes {dimension_semantics = [#tpu.dimension_semantics<arbitrary>], iteration_bounds = array<i64: 10>, scalar_prefetch = 0 : i64, scratch_operands = 0 : i64, tpu.core_type = #tpu.core_type<tc>, window_params = [{transform_indices = @transform_0, window_bounds = array<i64: 1000, 96>}, {transform_indices = @transform_1, window_bounds = array<i64: 1000, 1>}, {transform_indices = @transform_2, window_bounds = array<i64: 1000, 1>}, {transform_indices = @transform_3, window_bounds = array<i64: 1000, 128>}, {transform_indices = @transform_4, window_bounds = array<i64: 1000, 1>}]} {
    %get3A = arith.constant 0 : index
    %get3A_0 = arith.constant 0 : index
    %get3A_1 = vector.load %arg1[%get3A, %get3A_0] : memref<1000x96xf32, #tpu.memory_space<vmem>>, vector<1000x96xf32>
    %get3A_2 = arith.constant 0 : index
    %get3A_3 = arith.constant 0 : index
    %get3A_4 = vector.load %arg2[%get3A_2, %get3A_3] : memref<1000x1xf32, #tpu.memory_space<vmem>>, vector<1000x1xf32>
    %get3A_5 = arith.constant 0 : index
    %get3A_6 = arith.constant 0 : index
    %get3A_7 = vector.load %arg3[%get3A_5, %get3A_6] : memref<1000x1xf32, #tpu.memory_space<vmem>>, vector<1000x1xf32>
    %add3A = arith.addf %get3A_4, %get3A_7 : vector<1000x1xf32>
    %add3A_8 = arith.constant 1.000000e+00 : f32
    %add3A_9 = vector.broadcast %add3A_8 : f32 to vector<1000x1xf32>
    %add3A_10 = arith.addf %add3A, %add3A_9 : vector<1000x1xf32>
    %rsqrt3A = math.rsqrt %add3A_10 : vector<1000x1xf32>
    %mul3A = vector.broadcast %rsqrt3A : vector<1000x1xf32> to vector<1000x96xf32>
    %mul3A_11 = arith.mulf %get3A_1, %mul3A : vector<1000x96xf32>
    %broadcast_in_dim3A = arith.constant 0.000000e+00 : f32
    %broadcast_in_dim3A_12 = vector.broadcast %broadcast_in_dim3A : f32 to vector<1000x32xf32>
    %concatenate3A = tpu.concatenate %mul3A_11, %broadcast_in_dim3A_12 in 1 : vector<1000x96xf32>, vector<1000x32xf32> -> vector<1000x128xf32>
    %swap3A = arith.constant 0 : index
    %swap3A_13 = arith.constant 0 : index
    %swap3A_14 = vector.load %arg4[%swap3A, %swap3A_13] : memref<1000x128xf32, #tpu.memory_space<vmem>>, vector<1000x128xf32>
    tpu.vector_store %arg4[%swap3A, %swap3A_13], %concatenate3A {strides = array<i32>} : memref<1000x128xf32, #tpu.memory_space<vmem>>, vector<1000x128xf32>,
    %swap3A_15 = arith.constant 0 : index
    %swap3A_16 = arith.constant 0 : index
    %swap3A_17 = vector.load %arg5[%swap3A_15, %swap3A_16] : memref<1000x1xf32, #tpu.memory_space<vmem>>, vector<1000x1xf32>
    tpu.vector_store %arg5[%swap3A_15, %swap3A_16], %rsqrt3A {strides = array<i32>} : memref<1000x1xf32, #tpu.memory_space<vmem>>, vector<1000x1xf32>,
    return
  }
  func.func @transform_0(%arg0: i32) -> (i32, i32) {
    %c0_i32 = arith.constant 0 : i32
    %c0_i32_0 = arith.constant 0 : i32
    return %arg0, %c0_i32 : i32, i32
  }
  func.func @transform_1(%arg0: i32) -> (i32, i32) {
    %c0_i32 = arith.constant 0 : i32
    %c0_i32_0 = arith.constant 0 : i32
    return %arg0, %c0_i32 : i32, i32
  }
  func.func @transform_2(%arg0: i32) -> (i32, i32) {
    %c0_i32 = arith.constant 0 : i32
    %c0_i32_0 = arith.constant 0 : i32
    return %arg0, %c0_i32 : i32, i32
  }
  func.func @transform_3(%arg0: i32) -> (i32, i32) {
    %c0_i32 = arith.constant 0 : i32
    %c0_i32_0 = arith.constant 0 : i32
    return %arg0, %c0_i32 : i32, i32
  }
  func.func @transform_4(%arg0: i32) -> (i32, i32) {
    %c0_i32 = arith.constant 0 : i32
    %c0_i32_0 = arith.constant 0 : i32
    return %arg0, %c0_i32 : i32, i32
  }
}

module attributes {stable_mosaic.version = 14 : i64} {
  func.func @_tc2_body(%arg0: i32, %arg1: memref<1024x128xf32, #tpu.memory_space<vmem>>, %arg2: memref<1024x128xf32, #tpu.memory_space<vmem>>, %arg3: memref<1024x128xf32, #tpu.memory_space<vmem>>, %arg4: memref<1024x1xf32, #tpu.memory_space<vmem>>, %arg5: memref<1x96xf32, #tpu.memory_space<vmem>>, %arg6: memref<32x32xf32, #tpu.memory_space<vmem>>, %arg7: memref<1x32xf32, #tpu.memory_space<vmem>>, %arg8: memref<32x32xf32, #tpu.memory_space<vmem>>, %arg9: memref<1x32xf32, #tpu.memory_space<vmem>>, %arg10: memref<32x32xf32, #tpu.memory_space<vmem>>, %arg11: memref<1x32xf32, #tpu.memory_space<vmem>>, %arg12: memref<32x1xf32, #tpu.memory_space<vmem>>, %arg13: memref<32x2xf32, #tpu.memory_space<vmem>>, %arg14: memref<1x2xf32, #tpu.memory_space<vmem>>, %arg15: memref<1024x2xf32, #tpu.memory_space<vmem>>, %arg16: memref<1024x96xf32, #tpu.memory_space<vmem>>) attributes {dimension_semantics = [#tpu.dimension_semantics<arbitrary>], iteration_bounds = array<i64: 4>, scalar_prefetch = 0 : i64, scratch_operands = 0 : i64, tpu.core_type = #tpu.core_type<tc>, window_params = [{transform_indices = @transform_0, window_bounds = array<i64: 1024, 128>}, {transform_indices = @transform_1, window_bounds = array<i64: 1024, 128>}, {transform_indices = @transform_2, window_bounds = array<i64: 1024, 128>}, {transform_indices = @transform_3, window_bounds = array<i64: 1024, 1>}, {pipeline_mode = #tpu.pipeline_mode<synchronous>, transform_indices = @transform_4, window_bounds = array<i64: 1, 96>}, {pipeline_mode = #tpu.pipeline_mode<synchronous>, transform_indices = @transform_5, window_bounds = array<i64: 32, 32>}, {pipeline_mode = #tpu.pipeline_mode<synchronous>, transform_indices = @transform_6, window_bounds = array<i64: 1, 32>}, {pipeline_mode = #tpu.pipeline_mode<synchronous>, transform_indices = @transform_7, window_bounds = array<i64: 32, 32>}, {pipeline_mode = #tpu.pipeline_mode<synchronous>, transform_indices = @transform_8, window_bounds = array<i64: 1, 32>}, {pipeline_mode = #tpu.pipeline_mode<synchronous>, transform_indices = @transform_9, window_bounds = array<i64: 32, 32>}, {pipeline_mode = #tpu.pipeline_mode<synchronous>, transform_indices = @transform_10, window_bounds = array<i64: 1, 32>}, {pipeline_mode = #tpu.pipeline_mode<synchronous>, transform_indices = @transform_11, window_bounds = array<i64: 32, 1>}, {pipeline_mode = #tpu.pipeline_mode<synchronous>, transform_indices = @transform_12, window_bounds = array<i64: 32, 2>}, {pipeline_mode = #tpu.pipeline_mode<synchronous>, transform_indices = @transform_13, window_bounds = array<i64: 1, 2>}, {transform_indices = @transform_14, window_bounds = array<i64: 1024, 2>}, {transform_indices = @transform_15, window_bounds = array<i64: 1024, 96>}]} {
    %get3A = arith.constant 0 : index
    %get3A_0 = arith.constant 0 : index
    %get3A_1 = vector.load %arg4[%get3A, %get3A_0] : memref<1024x1xf32, #tpu.memory_space<vmem>>, vector<1024x1xf32>
    %get3A_2 = arith.constant 0 : index
    %get3A_3 = arith.constant 0 : index
    %get3A_4 = vector.load %arg1[%get3A_2, %get3A_3] : memref<1024x128xf32, #tpu.memory_space<vmem>>, vector<1024x128xf32>
    %slice3A = vector.extract_strided_slice %get3A_4 {offsets = [0, 0], sizes = [1024, 96], strides = [1, 1]} : vector<1024x128xf32> to vector<1024x96xf32>
    %get3A_5 = arith.constant 0 : index
    %get3A_6 = arith.constant 0 : index
    %get3A_7 = vector.load %arg2[%get3A_5, %get3A_6] : memref<1024x128xf32, #tpu.memory_space<vmem>>, vector<1024x128xf32>
    %slice3A_8 = vector.extract_strided_slice %get3A_7 {offsets = [0, 0], sizes = [1024, 96], strides = [1, 1]} : vector<1024x128xf32> to vector<1024x96xf32>
    %add3A = arith.addf %slice3A, %slice3A_8 : vector<1024x96xf32>
    %get3A_9 = arith.constant 0 : index
    %get3A_10 = arith.constant 0 : index
    %get3A_11 = vector.load %arg3[%get3A_9, %get3A_10] : memref<1024x128xf32, #tpu.memory_space<vmem>>, vector<1024x128xf32>
    %slice3A_12 = vector.extract_strided_slice %get3A_11 {offsets = [0, 0], sizes = [1024, 96], strides = [1, 1]} : vector<1024x128xf32> to vector<1024x96xf32>
    %add3A_13 = arith.addf %add3A, %slice3A_12 : vector<1024x96xf32>
    %mul3A = vector.broadcast %get3A_1 : vector<1024x1xf32> to vector<1024x96xf32>
    %mul3A_14 = arith.mulf %mul3A, %add3A_13 : vector<1024x96xf32>
    %get3A_15 = arith.constant 0 : index
    %get3A_16 = arith.constant 0 : index
    %get3A_17 = vector.load %arg5[%get3A_15, %get3A_16] : memref<1x96xf32, #tpu.memory_space<vmem>>, vector<1x96xf32>
    %add3A_18 = vector.broadcast %get3A_17 : vector<1x96xf32> to vector<1024x96xf32>
    %add3A_19 = arith.addf %mul3A_14, %add3A_18 : vector<1024x96xf32>
    %slice3A_20 = vector.extract_strided_slice %add3A_19 {offsets = [0, 0], sizes = [1024, 32], strides = [1, 1]} : vector<1024x96xf32> to vector<1024x32xf32>
    %slice3A_21 = vector.extract_strided_slice %add3A_19 {offsets = [0, 32], sizes = [1024, 32], strides = [1, 1]} : vector<1024x96xf32> to vector<1024x32xf32>
    %slice3A_22 = vector.extract_strided_slice %add3A_19 {offsets = [0, 64], sizes = [1024, 32], strides = [1, 1]} : vector<1024x96xf32> to vector<1024x32xf32>
    %tanh3A = math.tanh %slice3A_20 : vector<1024x32xf32>
    %get3A_23 = arith.constant 0 : index
    %get3A_24 = arith.constant 0 : index
    %get3A_25 = vector.load %arg6[%get3A_23, %get3A_24] : memref<32x32xf32, #tpu.memory_space<vmem>>, vector<32x32xf32>
    %dot_general3A = arith.constant dense<0.000000e+00> : vector<1024x32xf32>
    %dot_general3A_26 = tpu.matmul %tanh3A, %get3A_25, %dot_general3A {dimension_numbers = #tpu.dot_dimension_numbers<[1], [0], [0], [1], [0, 0, 1, 1], [], []>, transpose_lhs_hint = false} : vector<1024x32xf32>, vector<32x32xf32>, vector<1024x32xf32> -> vector<1024x32xf32>
    %get3A_27 = arith.constant 0 : index
    %get3A_28 = arith.constant 0 : index
    %get3A_29 = vector.load %arg7[%get3A_27, %get3A_28] : memref<1x32xf32, #tpu.memory_space<vmem>>, vector<1x32xf32>
    %add3A_30 = vector.broadcast %get3A_29 : vector<1x32xf32> to vector<1024x32xf32>
    %add3A_31 = arith.addf %dot_general3A_26, %add3A_30 : vector<1024x32xf32>
    %get3A_32 = arith.constant 0 : index
    %get3A_33 = arith.constant 0 : index
    %get3A_34 = vector.load %arg12[%get3A_32, %get3A_33] : memref<32x1xf32, #tpu.memory_space<vmem>>, vector<32x1xf32>
    %dot_general3A_35 = arith.constant dense<0.000000e+00> : vector<1024x1xf32>
    %dot_general3A_36 = tpu.matmul %add3A_31, %get3A_34, %dot_general3A_35 {dimension_numbers = #tpu.dot_dimension_numbers<[1], [0], [0], [1], [0, 0, 1, 1], [], []>, transpose_lhs_hint = false} : vector<1024x32xf32>, vector<32x1xf32>, vector<1024x1xf32> -> vector<1024x1xf32>
    %tanh3A_37 = math.tanh %slice3A_21 : vector<1024x32xf32>
    %get3A_38 = arith.constant 0 : index
    %get3A_39 = arith.constant 0 : index
    %get3A_40 = vector.load %arg8[%get3A_38, %get3A_39] : memref<32x32xf32, #tpu.memory_space<vmem>>, vector<32x32xf32>
    %dot_general3A_41 = arith.constant dense<0.000000e+00> : vector<1024x32xf32>
    %dot_general3A_42 = tpu.matmul %tanh3A_37, %get3A_40, %dot_general3A_41 {dimension_numbers = #tpu.dot_dimension_numbers<[1], [0], [0], [1], [0, 0, 1, 1], [], []>, transpose_lhs_hint = false} : vector<1024x32xf32>, vector<32x32xf32>, vector<1024x32xf32> -> vector<1024x32xf32>
    %get3A_43 = arith.constant 0 : index
    %get3A_44 = arith.constant 0 : index
    %get3A_45 = vector.load %arg9[%get3A_43, %get3A_44] : memref<1x32xf32, #tpu.memory_space<vmem>>, vector<1x32xf32>
    %add3A_46 = vector.broadcast %get3A_45 : vector<1x32xf32> to vector<1024x32xf32>
    %add3A_47 = arith.addf %dot_general3A_42, %add3A_46 : vector<1024x32xf32>
    %get3A_48 = arith.constant 0 : index
    %get3A_49 = arith.constant 0 : index
    %get3A_50 = vector.load %arg12[%get3A_48, %get3A_49] : memref<32x1xf32, #tpu.memory_space<vmem>>, vector<32x1xf32>
    %dot_general3A_51 = arith.constant dense<0.000000e+00> : vector<1024x1xf32>
    %dot_general3A_52 = tpu.matmul %add3A_47, %get3A_50, %dot_general3A_51 {dimension_numbers = #tpu.dot_dimension_numbers<[1], [0], [0], [1], [0, 0, 1, 1], [], []>, transpose_lhs_hint = false} : vector<1024x32xf32>, vector<32x1xf32>, vector<1024x1xf32> -> vector<1024x1xf32>
    %tanh3A_53 = math.tanh %slice3A_22 : vector<1024x32xf32>
    %get3A_54 = arith.constant 0 : index
    %get3A_55 = arith.constant 0 : index
    %get3A_56 = vector.load %arg10[%get3A_54, %get3A_55] : memref<32x32xf32, #tpu.memory_space<vmem>>, vector<32x32xf32>
    %dot_general3A_57 = arith.constant dense<0.000000e+00> : vector<1024x32xf32>
    %dot_general3A_58 = tpu.matmul %tanh3A_53, %get3A_56, %dot_general3A_57 {dimension_numbers = #tpu.dot_dimension_numbers<[1], [0], [0], [1], [0, 0, 1, 1], [], []>, transpose_lhs_hint = false} : vector<1024x32xf32>, vector<32x32xf32>, vector<1024x32xf32> -> vector<1024x32xf32>
    %get3A_59 = arith.constant 0 : index
    %get3A_60 = arith.constant 0 : index
    %get3A_61 = vector.load %arg11[%get3A_59, %get3A_60] : memref<1x32xf32, #tpu.memory_space<vmem>>, vector<1x32xf32>
    %add3A_62 = vector.broadcast %get3A_61 : vector<1x32xf32> to vector<1024x32xf32>
    %add3A_63 = arith.addf %dot_general3A_58, %add3A_62 : vector<1024x32xf32>
    %get3A_64 = arith.constant 0 : index
    %get3A_65 = arith.constant 0 : index
    %get3A_66 = vector.load %arg12[%get3A_64, %get3A_65] : memref<32x1xf32, #tpu.memory_space<vmem>>, vector<32x1xf32>
    %dot_general3A_67 = arith.constant dense<0.000000e+00> : vector<1024x1xf32>
    %dot_general3A_68 = tpu.matmul %add3A_63, %get3A_66, %dot_general3A_67 {dimension_numbers = #tpu.dot_dimension_numbers<[1], [0], [0], [1], [0, 0, 1, 1], [], []>, transpose_lhs_hint = false} : vector<1024x32xf32>, vector<32x1xf32>, vector<1024x1xf32> -> vector<1024x1xf32>
    %max3A = arith.maximumf %dot_general3A_36, %dot_general3A_52 : vector<1024x1xf32>
    %max3A_69 = arith.maximumf %max3A, %dot_general3A_68 : vector<1024x1xf32>
    %sub3A = arith.subf %dot_general3A_36, %max3A_69 : vector<1024x1xf32>
    %exp3A = math.exp %sub3A : vector<1024x1xf32>
    %sub3A_70 = arith.subf %dot_general3A_52, %max3A_69 : vector<1024x1xf32>
    %exp3A_71 = math.exp %sub3A_70 : vector<1024x1xf32>
    %sub3A_72 = arith.subf %dot_general3A_68, %max3A_69 : vector<1024x1xf32>
    %exp3A_73 = math.exp %sub3A_72 : vector<1024x1xf32>
    %add3A_74 = arith.addf %exp3A, %exp3A_71 : vector<1024x1xf32>
    %add3A_75 = arith.addf %add3A_74, %exp3A_73 : vector<1024x1xf32>
    %mul3A_76 = vector.broadcast %exp3A : vector<1024x1xf32> to vector<1024x32xf32>
    %mul3A_77 = arith.mulf %mul3A_76, %slice3A_20 : vector<1024x32xf32>
    %mul3A_78 = vector.broadcast %exp3A_71 : vector<1024x1xf32> to vector<1024x32xf32>
    %mul3A_79 = arith.mulf %mul3A_78, %slice3A_21 : vector<1024x32xf32>
    %add3A_80 = arith.addf %mul3A_77, %mul3A_79 : vector<1024x32xf32>
    %mul3A_81 = vector.broadcast %exp3A_73 : vector<1024x1xf32> to vector<1024x32xf32>
    %mul3A_82 = arith.mulf %mul3A_81, %slice3A_22 : vector<1024x32xf32>
    %add3A_83 = arith.addf %add3A_80, %mul3A_82 : vector<1024x32xf32>
    %div3A = vector.broadcast %add3A_75 : vector<1024x1xf32> to vector<1024x32xf32>
    %div3A_84 = arith.divf %add3A_83, %div3A : vector<1024x32xf32>
    %get3A_85 = arith.constant 0 : index
    %get3A_86 = arith.constant 0 : index
    %get3A_87 = vector.load %arg13[%get3A_85, %get3A_86] : memref<32x2xf32, #tpu.memory_space<vmem>>, vector<32x2xf32>
    %dot_general3A_88 = arith.constant dense<0.000000e+00> : vector<1024x2xf32>
    %dot_general3A_89 = tpu.matmul %div3A_84, %get3A_87, %dot_general3A_88 {dimension_numbers = #tpu.dot_dimension_numbers<[1], [0], [0], [1], [0, 0, 1, 1], [], []>, transpose_lhs_hint = false} : vector<1024x32xf32>, vector<32x2xf32>, vector<1024x2xf32> -> vector<1024x2xf32>
    %get3A_90 = arith.constant 0 : index
    %get3A_91 = arith.constant 0 : index
    %get3A_92 = vector.load %arg14[%get3A_90, %get3A_91] : memref<1x2xf32, #tpu.memory_space<vmem>>, vector<1x2xf32>
    %add3A_93 = vector.broadcast %get3A_92 : vector<1x2xf32> to vector<1024x2xf32>
    %add3A_94 = arith.addf %dot_general3A_89, %add3A_93 : vector<1024x2xf32>
    %swap3A = arith.constant 0 : index
    %swap3A_95 = arith.constant 0 : index
    %swap3A_96 = vector.load %arg15[%swap3A, %swap3A_95] : memref<1024x2xf32, #tpu.memory_space<vmem>>, vector<1024x2xf32>
    tpu.vector_store %arg15[%swap3A, %swap3A_95], %add3A_94 {strides = array<i32>} : memref<1024x2xf32, #tpu.memory_space<vmem>>, vector<1024x2xf32>,
    %swap3A_97 = arith.constant 0 : index
    %swap3A_98 = arith.constant 0 : index
    %swap3A_99 = vector.load %arg16[%swap3A_97, %swap3A_98] : memref<1024x96xf32, #tpu.memory_space<vmem>>, vector<1024x96xf32>
    tpu.vector_store %arg16[%swap3A_97, %swap3A_98], %add3A_19 {strides = array<i32>} : memref<1024x96xf32, #tpu.memory_space<vmem>>, vector<1024x96xf32>,
    return
  }
  func.func @transform_0(%arg0: i32) -> (i32, i32) {
    %c0_i32 = arith.constant 0 : i32
    %c0_i32_0 = arith.constant 0 : i32
    return %arg0, %c0_i32 : i32, i32
  }
  func.func @transform_1(%arg0: i32) -> (i32, i32) {
    %c0_i32 = arith.constant 0 : i32
    %c0_i32_0 = arith.constant 0 : i32
    return %arg0, %c0_i32 : i32, i32
  }
  func.func @transform_2(%arg0: i32) -> (i32, i32) {
    %c0_i32 = arith.constant 0 : i32
    %c0_i32_0 = arith.constant 0 : i32
    return %arg0, %c0_i32 : i32, i32
  }
  func.func @transform_3(%arg0: i32) -> (i32, i32) {
    %c0_i32 = arith.constant 0 : i32
    %c0_i32_0 = arith.constant 0 : i32
    return %arg0, %c0_i32 : i32, i32
  }
  func.func @transform_4(%arg0: i32) -> (i32, i32) {
    %c0_i32 = arith.constant 0 : i32
    %c0_i32_0 = arith.constant 0 : i32
    %c0_i32_1 = arith.constant 0 : i32
    return %c0_i32, %c0_i32_0 : i32, i32
  }
  func.func @transform_5(%arg0: i32) -> (i32, i32) {
    %c0_i32 = arith.constant 0 : i32
    %c0_i32_0 = arith.constant 0 : i32
    %c0_i32_1 = arith.constant 0 : i32
    return %c0_i32, %c0_i32_0 : i32, i32
  }
  func.func @transform_6(%arg0: i32) -> (i32, i32) {
    %c0_i32 = arith.constant 0 : i32
    %c0_i32_0 = arith.constant 0 : i32
    %c0_i32_1 = arith.constant 0 : i32
    return %c0_i32, %c0_i32_0 : i32, i32
  }
  func.func @transform_7(%arg0: i32) -> (i32, i32) {
    %c0_i32 = arith.constant 0 : i32
    %c0_i32_0 = arith.constant 0 : i32
    %c0_i32_1 = arith.constant 0 : i32
    return %c0_i32, %c0_i32_0 : i32, i32
  }
  func.func @transform_8(%arg0: i32) -> (i32, i32) {
    %c0_i32 = arith.constant 0 : i32
    %c0_i32_0 = arith.constant 0 : i32
    %c0_i32_1 = arith.constant 0 : i32
    return %c0_i32, %c0_i32_0 : i32, i32
  }
  func.func @transform_9(%arg0: i32) -> (i32, i32) {
    %c0_i32 = arith.constant 0 : i32
    %c0_i32_0 = arith.constant 0 : i32
    %c0_i32_1 = arith.constant 0 : i32
    return %c0_i32, %c0_i32_0 : i32, i32
  }
  func.func @transform_10(%arg0: i32) -> (i32, i32) {
    %c0_i32 = arith.constant 0 : i32
    %c0_i32_0 = arith.constant 0 : i32
    %c0_i32_1 = arith.constant 0 : i32
    return %c0_i32, %c0_i32_0 : i32, i32
  }
  func.func @transform_11(%arg0: i32) -> (i32, i32) {
    %c0_i32 = arith.constant 0 : i32
    %c0_i32_0 = arith.constant 0 : i32
    %c0_i32_1 = arith.constant 0 : i32
    return %c0_i32, %c0_i32_0 : i32, i32
  }
  func.func @transform_12(%arg0: i32) -> (i32, i32) {
    %c0_i32 = arith.constant 0 : i32
    %c0_i32_0 = arith.constant 0 : i32
    %c0_i32_1 = arith.constant 0 : i32
    return %c0_i32, %c0_i32_0 : i32, i32
  }
  func.func @transform_13(%arg0: i32) -> (i32, i32) {
    %c0_i32 = arith.constant 0 : i32
    %c0_i32_0 = arith.constant 0 : i32
    %c0_i32_1 = arith.constant 0 : i32
    return %c0_i32, %c0_i32_0 : i32, i32
  }
  func.func @transform_14(%arg0: i32) -> (i32, i32) {
    %c0_i32 = arith.constant 0 : i32
    %c0_i32_0 = arith.constant 0 : i32
    return %arg0, %c0_i32 : i32, i32
  }
  func.func @transform_15(%arg0: i32) -> (i32, i32) {
    %c0_i32 = arith.constant 0 : i32
    %c0_i32_0 = arith.constant 0 : i32
    return %arg0, %c0_i32 : i32, i32
  }
}

</mosaic_0001>

<sc_bundles>
// kernel: kernel.10.cloned.1.call-start
scs
__scs_entry_jumppad:
0x0: {  	(pc) =	sbr.rel $0x88, $3  }
0x1: {  	(tag) =	ssettag $0x0;
	lr =	simm.s32 $0x1  }
0x2: {  	[smem:$0x3F90] =	sst lr;
	_ =	strace $0xD0000000  }
0x3: {  	_ = 	snop  }
0x4: {  	_ = 	snop  }
0x5: {  	_ = 	snop  }
0x6: {  	_ = 	snop  }
0x7: {  	_ = 	snop  }
__scs_overlays_trampoline_lowered:
0x8: {  	[smem:$0x3F9F] =	sst s0  }
0x9: {  	[smem:$0x3FA0] =	sst s1  }
0xa: {  	[smem:$0x3FA1] =	sst s2  }
0xb: {  	[smem:$0x3FA2] =	sst s3  }
0xc: {  	[smem:$0x3FA3] =	sst s4  }
0xd: {  	[smem:$0x3FA4] =	sst s5  }
0xe: {  	[smem:$0x3FA5] =	sst s6  }
0xf: {  	[smem:$0x3FA6] =	sst s7  }
0x10: {  	[smem:$0x3FA7] =	sst s8  }
0x11: {  	[smem:$0x3FA8] =	sst s9;
	s0 =	simm.s32 @!p0 $0x0  }
0x12: {  	s1 =	sld [smem:$0x3F8E];
	s0 =	simm.s32 @p0 $0x1  }
0x13: {  	[smem:$0x3FA9] =	sst s0;
	s0 =	simm.s32 @!p1 $0x0  }
0x14: {  	s2 =	sld [smem:$0x3F8D];
	s0 =	simm.s32 @p1 $0x1  }
0x15: {  	[smem:$0x3FAA] =	sst s0;
	s0 =	simm.s32 @!p2 $0x0  }
0x16: {  	s3 =	sld [smem:$0x3FDB];
	s0 =	simm.s32 @p2 $0x1  }
0x17: {  	s4 =	simm.s32 $0x1BF5;
	[smem:$0x3FAC] =	sst s0  }
0x18: {  	s0 =	sld [smem:$0x3F8F];
	_ =	swait.ge [sflag:s4], $0x0  }
0x19: {  	s7 =	sld [smem:$0x3F90]  }
0x1a: {  	s8 =	sadd.s32 $0xFFFFE003, lr  }
0x1b: {  	s9 =	sadd.s32 $0xFFFFFEF7, lr;
	s5 =	simm.s32 $0xFFFFFFFF;
	p2 =	slt.u32 s8, $0xFFFFF086  }
0x1c: {  	p1 =	slt.u32 s9, $0xF7A;
	s5 =	simm.s32 @!p2 $0x0  }
0x1d: {  	s5 =	simm.s32 @p1 $0x1;
	p0 =	seq.s32 s7, s2  }
0x1e: {  	s7 =	smul.u32 @!p0 $0xF7A, s2;
	p2 =	seq.s32 @!p0 s5, $0x0  }
0x1f: {  	s9 =	smul.u32 $0xF7A, s1;
	s8 =	simm.s32 @!p0 $0x1BF5;
	p2 =	por !p2, p0  }
0x20: {  	[sflag:s8] =	ssyncset.s32 @!p0 $0xFFFFF086;
	s6 =	sadd.s32 @!p0 s3, s7;
	s7 =	simm.s32 @!p0 $0x108  }
0x21: {  	s3 =	sadd.s32 s3, s9;
	s6 =	sadd.s32 @!p0 $0x88, s6;
	s7 =	simm.s32 @p2 $0x1082  }
0x22: {  	[simem:s7], [sflag:s8] =	dma.local @!p0 [hbm:s6], $0xF7A  }
0x23: {  	s9 =	sor.u32 $0xD0000000, s2;
	s6 =	simm.s32 $0x108;
	_ =	swait.ge @!p0 [sflag:s8], $0x0  }
0x24: {  	s3 =	sadd.s32 $0x88, s3;
	s6 =	simm.s32 @!p1 $0x1082;
	[sflag:s4] =	ssyncset.s32 $0xFFFFF086  }
0x25: {  	[simem:s6], [sflag:s4] =	dma.local [hbm:s3], $0xF7A  }
0x26: {  	[smem:$0x3F90] =	sst s1;
	(tag) =	ssettag s2;
	_ =	strace s9  }
0x27: {  	s1 =	sld [smem:$0x3FA0]  }
0x28: {  	s2 =	sld [smem:$0x3FA1]  }
0x29: {  	s4 =	sld [smem:$0x3FA3]  }
0x2a: {  	p0 =	seq.s32 s5, $0x0;
	s5 =	sld [smem:$0x3FA4]  }
0x2b: {  	s6 =	sld [smem:$0x3FA5]  }
0x2c: {  	s7 =	sld [smem:$0x3FA6]  }
0x2d: {  	s3 =	simm.s32 $0x108;
	s8 =	sld [smem:$0x3FA7]  }
0x2e: {  	s3 =	simm.s32 @!p0 $0x1082;
	s9 =	sld [smem:$0x3FA8]  }
0x2f: {  	lr =	sadd.s32 s0, s3;
	s0 =	sld [smem:$0x3F9F]  }
0x30: {  	s3 =	sld [smem:$0x3FA2]  }
0x31: {  	[smem:$0x3FAB] =	sst s10  }
0x32: {  	s10 =	sld [smem:$0x3FA9];
	_ =	sdelay $0x3  }
0x33: {  	p0 =	seq.s32 s10, $0x1;
	s10 =	sld [smem:$0x3FAB];
	_ =	sdelay $0x3  }
0x34: {  	[smem:$0x3FAB] =	sst s10  }
0x35: {  	s10 =	sld [smem:$0x3FAA];
	_ =	sdelay $0x3  }
0x36: {  	p1 =	seq.s32 s10, $0x1;
	s10 =	sld [smem:$0x3FAB];
	_ =	sdelay $0x3  }
0x37: {  	[smem:$0x3FAB] =	sst s10  }
0x38: {  	s10 =	sld [smem:$0x3FAC]  }
0x39: {  	_ = 	snop;
	(pc) =	sbr.ind lr, $3  }
0x3a: {  	_ = 	snop  }
0x3b: {  	_ = 	snop  }
0x3c: {  	p2 =	seq.s32 s10, $0x1;
	s10 =	sld [smem:$0x3FAB]  }
0x3d: {  	_ =	shalt  }
0x3e: {  	_ =	shalt  }
0x3f: {  	_ =	shalt  }
0x40: {  	_ =	shalt  }
0x41: {  	_ =	shalt  }
0x42: {  	_ =	shalt  }
0x43: {  	_ =	shalt  }
0x44: {  	_ =	shalt  }
0x45: {  	_ =	shalt  }
0x46: {  	_ =	shalt  }
0x47: {  	_ =	shalt  }
0x48: {  	_ =	shalt  }
0x49: {  	_ =	shalt  }
0x4a: {  	_ =	shalt  }
0x4b: {  	_ =	shalt  }
0x4c: {  	_ =	shalt  }
0x4d: {  	_ =	shalt  }
0x4e: {  	_ =	shalt  }
0x4f: {  	_ =	shalt  }
0x50: {  	_ =	shalt  }
0x51: {  	_ =	shalt  }
0x52: {  	_ =	shalt  }
0x53: {  	_ =	shalt  }
0x54: {  	_ =	shalt  }
0x55: {  	_ =	shalt  }
0x56: {  	_ =	shalt  }
0x57: {  	_ =	shalt  }
0x58: {  	_ =	shalt  }
0x59: {  	_ =	shalt  }
0x5a: {  	_ =	shalt  }
0x5b: {  	_ =	shalt  }
0x5c: {  	_ =	shalt  }
0x5d: {  	_ =	shalt  }
0x5e: {  	_ =	shalt  }
0x5f: {  	_ =	shalt  }
0x60: {  	_ =	shalt  }
0x61: {  	_ =	shalt  }
0x62: {  	_ =	shalt  }
0x63: {  	_ =	shalt  }
0x64: {  	_ =	shalt  }
0x65: {  	_ =	shalt  }
0x66: {  	_ =	shalt  }
0x67: {  	_ =	shalt  }
0x68: {  	_ =	shalt  }
0x69: {  	_ =	shalt  }
0x6a: {  	_ =	shalt  }
0x6b: {  	_ =	shalt  }
0x6c: {  	_ =	shalt  }
0x6d: {  	_ =	shalt  }
0x6e: {  	_ =	shalt  }
0x6f: {  	_ =	shalt  }
0x70: {  	_ =	shalt  }
0x71: {  	_ =	shalt  }
0x72: {  	_ =	shalt  }
0x73: {  	_ =	shalt  }
0x74: {  	_ =	shalt  }
0x75: {  	_ =	shalt  }
0x76: {  	_ =	shalt  }
0x77: {  	_ =	shalt  }
0x78: {  	_ =	shalt  }
0x79: {  	_ =	shalt  }
0x7a: {  	_ =	shalt  }
0x7b: {  	_ =	shalt  }
0x7c: {  	_ =	shalt  }
0x7d: {  	_ =	shalt  }
0x7e: {  	_ =	shalt  }
0x7f: {  	_ =	shalt  }
0x80: {  	_ =	shalt  }
0x81: {  	_ =	shalt  }
0x82: {  	_ =	shalt  }
0x83: {  	_ =	shalt  }
0x84: {  	_ =	shalt  }
0x85: {  	_ =	shalt  }
0x86: {  	_ =	shalt  }
0x87: {  	_ =	shalt  }
.Lfunc_end0:
.L_simem_size_0:
called_computation.1_lowered:
.L_overlay_start_0:
0x88: {  	s2 =	sld [smem:$0x3FD9]  }
0x89: {  	s3 =	sld [smem:$0x3FFE];
	_ =	sdelay $0x1  }
0x8a: {  	s1 =	srdreg.scid  }
0x8b: {  	s0 =	sand.u32 $0x1, s1  }
0x8c: {  	s14 =	sshll.u32 s0, $0xA;
	s2 =	sadd.s32 s3, s2  }
0x8d: {  	s2 =	sadd.s32 s2, s14  }
0x8e: {  	[smem:$0x3FB7] =	sst s2  }
0x8f: {  	_ = 	snop  }
0x90: {  	s2 =	sld [smem:$0x3FD0];
	_ =	sdelay $0x2  }
0x91: {  	s15 =	simm.s32 $0xA;
	s4 =	simm.s32 $0x10  }
0x92: {  	[smem:s4], [sflag:s15] =	dma.local [hbm:s2], $0x1  }
0x93: {  	_ =	swait.eq [sflag:s15], $0x1  }
0x94: {  	[sflag:s15] =	ssyncset.done $0x0  }
0x95: {  	s16 =	sld [smem:$0x10];
	[sflag:s15] =	ssyncadd.s32 $0xFFFFFFFF  }
0x96: {  	s17 =	sld [smem:$0x11];
	(tm) =	ssettm $0x1  }
0x97: {  	s18 =	sld [smem:$0x3FFB];
	_ =	sdelay $0x3  }
0x98: {  	_ =	strace s18  }
0x99: {  	s4 =	sld [smem:$0x3FFC];
	_ =	sdelay $0x3  }
0x9a: {  	_ =	strace s4  }
0x9b: {  	s4 =	sld [smem:$0x3FFD];
	_ =	sdelay $0x3  }
0x9c: {  	_ =	strace s4  }
0x9d: {  	_ =	strace $0x8FFFFFFF  }
0x9e: {  	s19 =	sld [smem:$0x3FDB];
	_ =	sdelay $0x1  }
0x9f: {  	s5 =	simm.s32 $_scs_section_size  }
0xa0: {  	s6 =	simm.s32 $_size__tile_overlayer_lowered;
	s7 =	simm.s32 $_tile_overlayer_lowered  }
0xa1: {  	s22 =	simm.s32 $0x1BFF;
	s21 =	sshll.u32 s7, $0x1;
	s4 =	sadd.s32 s5, s19  }
0xa2: {  	s8 =	simm.s32 $0x0;
	s20 =	sshll.u32 s6, $0x1;
	s6 =	sadd.s32 s21, s4  }
0xa3: {  	[timem:s8], [sflag:s22] =	dma.local [hbm:s6], s20  }
0xa4: {  	_ =	swait.ge [sflag:s22], s20  }
0xa5: {  	s5 =	ssub.s32 $0x0, s20;
	[sflag:s22] =	ssyncset.done $0x0  }
0xa6: {  	[sflag:s22] =	ssyncadd.s32 s5;
	_ =	sdelay $0x1  }
0xa7: {  	s23 =	simm.s32 $0x1B8B  }
0xa8: {  	_ =	swait.ge [sflag:s23], $0x1  }
0xa9: {  	[sflag:s23] =	ssyncset.done $0x0  }
0xaa: {  	s25 =	simm.s32 $0x1B8E;
	s24 =	sld [smem:$0x3FFE];
	[sflag:s23] =	ssyncadd.s32 $0xFFFFFFFF  }
0xab: {  	s26 =	simm.s32 $execute0_lowered;
	[smem:$0x3FD2] =	sst s25  }
0xac: {  	s6 =	sshll.u32 s26, $0x1;
	_ =	strace $0x80000049;
	[dreg:$0x1] =	wrdreg $0xFFFFFFFF  }
0xad: {  	s28 =	simm.s32 $_size_execute0_lowered;
	s4 =	sadd.s32 s4, s6;
	[dreg:$0x0] =	wrdreg $0x0  }
0xae: {  	s6 =	sshll.u32 s28, $0x1;
	[dreg:$0x2] =	wrdreg s4  }
0xaf: {  	[dreg:$0x3] =	wrdreg s6  }
0xb0: {  	[dreg:$0x4] =	wrdreg $0xC0  }
0xb1: {  	_ =	task [dreg:s8], $0x5FFFF  }
0xb2: {  	[dreg:$0x1] =	wrdreg $0xFFFFFFFF  }
0xb3: {  	[dreg:$0x0] =	wrdreg $0x60  }
0xb4: {  	[dreg:$0x2] =	wrdreg s24  }
0xb5: {  	[dreg:$0x3] =	wrdreg s16  }
0xb6: {  	[dreg:$0x4] =	wrdreg s17  }
0xb7: {  	[dreg:$0x5] =	wrdreg $0x169800  }
0xb8: {  	[dreg:$0x6] =	wrdreg $0x13F000  }
0xb9: {  	[dreg:$0x7] =	wrdreg $0x9  }
0xba: {  	_ =	task.clear_ibuf [dreg:s8], $0x8FFFF;
	_ =	strace $0x90000049  }
0xbb: {  	s29 =	simm.s32 $0x9;
	_ =	strace $0x8000004B  }
0xbc: {  	_ =	swait.ge [sflag:s29], $0x1  }
0xbd: {  	[sflag:s29] =	ssyncadd.s32 $0xFFFFFFFF  }
0xbe: {  	_ =	strace $0x9000004B  }
0xbf: {  	_ =	sfence  }
0xc0: {  	s30 =	sld [smem:$0x0];
	_ =	sdelay $0x2  }
0xc1: {  	s31 =	sshll.u32 s1, $0xD;
	s1 =	sshrl.u32 s1, $0x2  }
0xc2: {  	s3 =	sand.u32 $0x4000, s31;
	s1 =	sadd.s32 s1, s30  }
0xc3: {  	s0 =	sor.u32 s3, s0;
	s1 =	sshll.u32 s1, $0x11  }
0xc4: {  	s0 =	sor.u32 s1, s0  }
0xc5: {  	s0 =	sadd.s32 $0x8F2B, s0  }
0xc6: {  	[sflag:s0] =	ssyncadd.remote.s32 $0x1  }
0xc7: {  	_ =	sfence.sel $0xFFFF  }
0xc8: {  	[dreg:$0x0] =	wrdreg $0xFFFFFFFF;
	(pc) =	sbr.abs _section_cstart, $3  }
0xc9: {  	[dreg:$0x1] =	wrdreg $0xFFFFFFFF  }
0xca: {  	_ =	task.clear_ibuf [dreg:s8], $0x2FFFF;
	_ =	strace $0x9FFFFFFF  }
0xcb: {  	(tm) =	ssettm $0x7FFFFFFF  }
tec
execute0_lowered:
.L_overlay_start_1:
0x0: {  	(tag) =	ssettag $0x1  }
0x1: {  	v1 =	vimm.s32 $0x0  }
0x2: {  	v3 =	vimm.s32 $0x70;
	vm14 =	vcmask $0x300;
	v2 =	vlaneseq.u32  }
0x3: {  	vm13 =	vcmask $0x704;
	vm12 =	vcmask $0xB08;
	vm11 =	vcmask $0xF0C  }
0x4: {  	vm10 =	vcmask $0x1310;
	vm9 =	vcmask $0x1714;
	vm8 =	vcmask $0x1B18  }
0x5: {  	vm7 =	vcmask $0x1F1C;
	vm6 =	vcmask $0x2320;
	vm5 =	vcmask $0x2724  }
0x6: {  	vm4 =	vcmask $0x2B28;
	vm3 =	vcmask $0x2F2C;
	vm2 =	vcmask $0x3330  }
0x7: {  	vm1 =	vcmask $0x3734;
	vm0 =	vcmask $0x3B38;
	v19 =	vimm.s32 $0xF3  }
0x8: {  	v20 =	vimm.s32 $0x176;
	v21 =	vimm.s32 $0x1F9;
	v22 =	vimm.s32 $0x27C  }
0x9: {  	v23 =	vimm.s32 $0x2FF;
	v24 =	vimm.s32 $0x382;
	v25 =	vimm.s32 $0x405  }
0xa: {  	v26 =	vimm.s32 $0x488;
	v27 =	vimm.s32 $0x50B;
	v28 =	vimm.s32 $0x58E  }
0xb: {  	v29 =	vimm.s32 $0x611;
	v30 =	vimm.s32 $0x694;
	v31 =	vimm.s32 $0x717  }
0xc: {  	v32 =	vimm.s32 $0x79A;
	v33 =	vimm.s32 $0x81D;
	v34 =	vimm.s32 $0x8A0  }
0xd: {  	v35 =	vimm.s32 $0x923;
	v36 =	vimm.s32 $0x9A6;
	v37 =	vimm.s32 $0xA29  }
0xe: {  	v38 =	vimm.s32 $0xAAC;
	v39 =	vimm.s32 $0xB2F;
	v40 =	vimm.s32 $0xBB2  }
0xf: {  	v41 =	vimm.s32 $0xC35;
	v42 =	vimm.s32 $0xCB8;
	v4 =	vsel vm14, $0x395, v3  }
0x10: {  	v3 =	vmul.u32 $0x265, v2;
	v18 =	vor.u32 $0x1070, v2;
	v19 =	vsel vm14, $0x418, v19  }
0x11: {  	v20 =	vsel vm14, $0x49B, v20;
	v21 =	vsel vm14, $0x51E, v21;
	v22 =	vsel vm14, $0x5A1, v22  }
0x12: {  	v23 =	vsel vm14, $0x624, v23;
	v24 =	vsel vm14, $0x6A7, v24;
	v25 =	vsel vm14, $0x72A, v25  }
0x13: {  	v26 =	vsel vm14, $0x7AD, v26;
	v27 =	vsel vm14, $0x830, v27;
	v28 =	vsel vm14, $0x8B3, v28  }
0x14: {  	v29 =	vsel vm14, $0x936, v29;
	v30 =	vsel vm14, $0x9B9, v30;
	v31 =	vsel vm14, $0xA3C, v31  }
0x15: {  	v32 =	vsel vm14, $0xABF, v32;
	v33 =	vsel vm14, $0xB42, v33;
	v34 =	vsel vm14, $0xBC5, v34  }
0x16: {  	v35 =	vsel vm14, $0xC48, v35;
	v36 =	vsel vm14, $0xCCB, v36;
	v37 =	vsel vm14, $0xD4E, v37  }
0x17: {  	v38 =	vsel vm14, $0xDD1, v38;
	v39 =	vsel vm14, $0xE54, v39;
	v40 =	vsel vm14, $0xED7, v40  }
0x18: {  	v41 =	vsel vm14, $0xF5A, v41;
	v42 =	vsel vm14, $0xFDD, v42;
	v5 =	vsel vm13, $0x5FA, v4  }
0x19: {  	v4 =	vor.u32 $0x1000, v2;
	v19 =	vsel vm13, $0x67D, v19;
	v20 =	vsel vm13, $0x700, v20  }
0x1a: {  	v21 =	vsel vm13, $0x783, v21;
	v22 =	vsel vm13, $0x806, v22;
	v23 =	vsel vm13, $0x889, v23  }
0x1b: {  	v24 =	vsel vm13, $0x90C, v24;
	v25 =	vsel vm13, $0x98F, v25;
	v26 =	vsel vm13, $0xA12, v26  }
0x1c: {  	v27 =	vsel vm13, $0xA95, v27;
	v28 =	vsel vm13, $0xB18, v28;
	v29 =	vsel vm13, $0xB9B, v29  }
0x1d: {  	v30 =	vsel vm13, $0xC1E, v30;
	v31 =	vsel vm13, $0xCA1, v31;
	v32 =	vsel vm13, $0xD24, v32  }
0x1e: {  	s12 =	stileid.u32;
	v33 =	vsel vm13, $0xDA7, v33;
	v34 =	vsel vm13, $0xE2A, v34;
	v35 =	vsel vm13, $0xEAD, v35  }
0x1f: {  	s0 =	smul.u32 $0x2A80, s12;
	v36 =	vsel vm13, $0xF30, v36;
	v37 =	vsel vm13, $0xFB3, v37;
	v38 =	vsel vm13, $0x1036, v38  }
0x20: {  	v39 =	vsel vm13, $0x10B9, v39;
	v40 =	vsel vm13, $0x113C, v40;
	v41 =	vsel vm13, $0x11BF, v41  }
0x21: {  	v42 =	vsel vm13, $0x1242, v42;
	v0 =	vmov s0;
	v6 =	vsel vm12, $0x85F, v5  }
0x22: {  	v5 =	vadd.s32 $0x83, v3;
	v19 =	vsel vm12, $0x8E2, v19;
	v20 =	vsel vm12, $0x965, v20  }
0x23: {  	v21 =	vsel vm12, $0x9E8, v21;
	v22 =	vsel vm12, $0xA6B, v22;
	v23 =	vsel vm12, $0xAEE, v23  }
0x24: {  	v24 =	vsel vm12, $0xB71, v24;
	v25 =	vsel vm12, $0xBF4, v25;
	v26 =	vsel vm12, $0xC77, v26  }
0x25: {  	v27 =	vsel vm12, $0xCFA, v27;
	v28 =	vsel vm12, $0xD7D, v28;
	v29 =	vsel vm12, $0xE00, v29  }
0x26: {  	v30 =	vsel vm12, $0xE83, v30;
	v31 =	vsel vm12, $0xF06, v31;
	v32 =	vsel vm12, $0xF89, v32  }
0x27: {  	v33 =	vsel vm12, $0x100C, v33;
	v34 =	vsel vm12, $0x108F, v34;
	v35 =	vsel vm12, $0x1112, v35  }
0x28: {  	v36 =	vsel vm12, $0x1195, v36;
	v37 =	vsel vm12, $0x1218, v37;
	v38 =	vsel vm12, $0x129B, v38  }
0x29: {  	v39 =	vsel vm12, $0x131E, v39;
	v40 =	vsel vm12, $0x13A1, v40;
	v41 =	vsel vm12, $0x1424, v41  }
0x2a: {  	v42 =	vsel vm12, $0x14A7, v42;
	v7 =	vsel vm11, $0xAC4, v6;
	v6 =	vor.u32 $0x1010, v2  }
0x2b: {  	v19 =	vsel vm11, $0xB47, v19;
	v20 =	vsel vm11, $0xBCA, v20;
	v21 =	vsel vm11, $0xC4D, v21  }
0x2c: {  	v22 =	vsel vm11, $0xCD0, v22;
	v23 =	vsel vm11, $0xD53, v23;
	v24 =	vsel vm11, $0xDD6, v24  }
0x2d: {  	v25 =	vsel vm11, $0xE59, v25;
	v26 =	vsel vm11, $0xEDC, v26;
	v27 =	vsel vm11, $0xF5F, v27  }
0x2e: {  	v28 =	vsel vm11, $0xFE2, v28;
	v29 =	vsel vm11, $0x1065, v29;
	v30 =	vsel vm11, $0x10E8, v30  }
0x2f: {  	v31 =	vsel vm11, $0x116B, v31;
	v32 =	vsel vm11, $0x11EE, v32;
	v33 =	vsel vm11, $0x1271, v33  }
0x30: {  	v34 =	vsel vm11, $0x12F4, v34;
	v35 =	vsel vm11, $0x1377, v35;
	v36 =	vsel vm11, $0x13FA, v36  }
0x31: {  	v37 =	vsel vm11, $0x147D, v37;
	v38 =	vsel vm11, $0x1500, v38;
	v39 =	vsel vm11, $0x1583, v39  }
0x32: {  	v40 =	vsel vm11, $0x1606, v40;
	v41 =	vsel vm11, $0x1689, v41;
	v42 =	vsel vm11, $0x170C, v42  }
0x33: {  	v8 =	vsel vm10, $0xD29, v7;
	v7 =	vadd.s32 $0x106, v3;
	v19 =	vsel vm10, $0xDAC, v19  }
0x34: {  	v20 =	vsel vm10, $0xE2F, v20;
	v21 =	vsel vm10, $0xEB2, v21;
	v22 =	vsel vm10, $0xF35, v22  }
0x35: {  	v23 =	vsel vm10, $0xFB8, v23;
	v24 =	vsel vm10, $0x103B, v24;
	v25 =	vsel vm10, $0x10BE, v25  }
0x36: {  	v26 =	vsel vm10, $0x1141, v26;
	v27 =	vsel vm10, $0x11C4, v27;
	v28 =	vsel vm10, $0x1247, v28  }
0x37: {  	v29 =	vsel vm10, $0x12CA, v29;
	v30 =	vsel vm10, $0x134D, v30;
	v31 =	vsel vm10, $0x13D0, v31  }
0x38: {  	v32 =	vsel vm10, $0x1453, v32;
	v33 =	vsel vm10, $0x14D6, v33;
	v34 =	vsel vm10, $0x1559, v34  }
0x39: {  	v35 =	vsel vm10, $0x15DC, v35;
	v36 =	vsel vm10, $0x165F, v36;
	v37 =	vsel vm10, $0x16E2, v37  }
0x3a: {  	v38 =	vsel vm10, $0x1765, v38;
	v39 =	vsel vm10, $0x17E8, v39;
	v40 =	vsel vm10, $0x186B, v40  }
0x3b: {  	v41 =	vsel vm10, $0x18EE, v41;
	v42 =	vsel vm10, $0x1971, v42;
	v9 =	vsel vm9, $0xF8E, v8  }
0x3c: {  	v8 =	vor.u32 $0x1020, v2;
	v19 =	vsel vm9, $0x1011, v19;
	v20 =	vsel vm9, $0x1094, v20  }
0x3d: {  	v21 =	vsel vm9, $0x1117, v21;
	v22 =	vsel vm9, $0x119A, v22;
	v23 =	vsel vm9, $0x121D, v23  }
0x3e: {  	v24 =	vsel vm9, $0x12A0, v24;
	v25 =	vsel vm9, $0x1323, v25;
	v26 =	vsel vm9, $0x13A6, v26  }
0x3f: {  	v27 =	vsel vm9, $0x1429, v27;
	v28 =	vsel vm9, $0x14AC, v28;
	v29 =	vsel vm9, $0x152F, v29  }
0x40: {  	v30 =	vsel vm9, $0x15B2, v30;
	v31 =	vsel vm9, $0x1635, v31;
	v32 =	vsel vm9, $0x16B8, v32  }
0x41: {  	v33 =	vsel vm9, $0x173B, v33;
	v34 =	vsel vm9, $0x17BE, v34;
	v35 =	vsel vm9, $0x1841, v35  }
0x42: {  	v36 =	vsel vm9, $0x18C4, v36;
	v37 =	vsel vm9, $0x1947, v37;
	v38 =	vsel vm9, $0x19CA, v38  }
0x43: {  	v39 =	vsel vm9, $0x1A4D, v39;
	v40 =	vsel vm9, $0x1AD0, v40;
	v41 =	vsel vm9, $0x1B53, v41  }
0x44: {  	v42 =	vsel vm9, $0x1BD6, v42;
	v10 =	vsel vm8, $0x11F3, v9;
	v9 =	vadd.s32 $0x189, v3  }
0x45: {  	v19 =	vsel vm8, $0x1276, v19;
	v20 =	vsel vm8, $0x12F9, v20;
	v21 =	vsel vm8, $0x137C, v21  }
0x46: {  	v22 =	vsel vm8, $0x13FF, v22;
	v23 =	vsel vm8, $0x1482, v23;
	v24 =	vsel vm8, $0x1505, v24  }
0x47: {  	v25 =	vsel vm8, $0x1588, v25;
	v26 =	vsel vm8, $0x160B, v26;
	v27 =	vsel vm8, $0x168E, v27  }
0x48: {  	v28 =	vsel vm8, $0x1711, v28;
	v29 =	vsel vm8, $0x1794, v29;
	v30 =	vsel vm8, $0x1817, v30  }
0x49: {  	v31 =	vsel vm8, $0x189A, v31;
	v32 =	vsel vm8, $0x191D, v32;
	v33 =	vsel vm8, $0x19A0, v33  }
0x4a: {  	v34 =	vsel vm8, $0x1A23, v34;
	v35 =	vsel vm8, $0x1AA6, v35;
	v36 =	vsel vm8, $0x1B29, v36  }
0x4b: {  	v37 =	vsel vm8, $0x1BAC, v37;
	v38 =	vsel vm8, $0x1C2F, v38;
	v39 =	vsel vm8, $0x1CB2, v39  }
0x4c: {  	v40 =	vsel vm8, $0x1D35, v40;
	v41 =	vsel vm8, $0x1DB8, v41;
	v42 =	vsel vm8, $0x1E3B, v42  }
0x4d: {  	v11 =	vsel vm7, $0x1458, v10;
	v10 =	vor.u32 $0x1030, v2;
	v19 =	vsel vm7, $0x14DB, v19  }
0x4e: {  	v20 =	vsel vm7, $0x155E, v20;
	v21 =	vsel vm7, $0x15E1, v21;
	v22 =	vsel vm7, $0x1664, v22  }
0x4f: {  	v23 =	vsel vm7, $0x16E7, v23;
	v24 =	vsel vm7, $0x176A, v24;
	v25 =	vsel vm7, $0x17ED, v25  }
0x50: {  	v26 =	vsel vm7, $0x1870, v26;
	v27 =	vsel vm7, $0x18F3, v27;
	v28 =	vsel vm7, $0x1976, v28  }
0x51: {  	v29 =	vsel vm7, $0x19F9, v29;
	v30 =	vsel vm7, $0x1A7C, v30;
	v31 =	vsel vm7, $0x1AFF, v31  }
0x52: {  	v32 =	vsel vm7, $0x1B82, v32;
	v33 =	vsel vm7, $0x1C05, v33;
	v34 =	vsel vm7, $0x1C88, v34  }
0x53: {  	v35 =	vsel vm7, $0x1D0B, v35;
	v36 =	vsel vm7, $0x1D8E, v36;
	v37 =	vsel vm7, $0x1E11, v37  }
0x54: {  	v38 =	vsel vm7, $0x1E94, v38;
	v39 =	vsel vm7, $0x1F17, v39;
	v40 =	vsel vm7, $0x1F9A, v40  }
0x55: {  	v41 =	vsel vm7, $0x201D, v41;
	v42 =	vsel vm7, $0x20A0, v42;
	v12 =	vsel vm6, $0x16BD, v11  }
0x56: {  	v11 =	vadd.s32 $0x20C, v3;
	v19 =	vsel vm6, $0x1740, v19;
	v20 =	vsel vm6, $0x17C3, v20  }
0x57: {  	v21 =	vsel vm6, $0x1846, v21;
	v22 =	vsel vm6, $0x18C9, v22;
	v23 =	vsel vm6, $0x194C, v23  }
0x58: {  	v24 =	vsel vm6, $0x19CF, v24;
	v25 =	vsel vm6, $0x1A52, v25;
	v26 =	vsel vm6, $0x1AD5, v26  }
0x59: {  	v27 =	vsel vm6, $0x1B58, v27;
	v28 =	vsel vm6, $0x1BDB, v28;
	v29 =	vsel vm6, $0x1C5E, v29  }
0x5a: {  	v30 =	vsel vm6, $0x1CE1, v30;
	v31 =	vsel vm6, $0x1D64, v31;
	v32 =	vsel vm6, $0x1DE7, v32  }
0x5b: {  	v33 =	vsel vm6, $0x1E6A, v33;
	v34 =	vsel vm6, $0x1EED, v34;
	v35 =	vsel vm6, $0x1F70, v35  }
0x5c: {  	v36 =	vsel vm6, $0x1FF3, v36;
	v37 =	vsel vm6, $0x2076, v37;
	v38 =	vsel vm6, $0x20F9, v38  }
0x5d: {  	v39 =	vsel vm6, $0x217C, v39;
	v40 =	vsel vm6, $0x21FF, v40;
	v41 =	vsel vm6, $0x2282, v41  }
0x5e: {  	v42 =	vsel vm6, $0x2305, v42;
	v13 =	vsel vm5, $0x1922, v12;
	v12 =	vor.u32 $0x1040, v2  }
0x5f: {  	v19 =	vsel vm5, $0x19A5, v19;
	v20 =	vsel vm5, $0x1A28, v20;
	v21 =	vsel vm5, $0x1AAB, v21  }
0x60: {  	v22 =	vsel vm5, $0x1B2E, v22;
	v23 =	vsel vm5, $0x1BB1, v23;
	v24 =	vsel vm5, $0x1C34, v24  }
0x61: {  	v25 =	vsel vm5, $0x1CB7, v25;
	v26 =	vsel vm5, $0x1D3A, v26;
	v27 =	vsel vm5, $0x1DBD, v27  }
0x62: {  	v28 =	vsel vm5, $0x1E40, v28;
	v29 =	vsel vm5, $0x1EC3, v29;
	v30 =	vsel vm5, $0x1F46, v30  }
0x63: {  	v31 =	vsel vm5, $0x1FC9, v31;
	v32 =	vsel vm5, $0x204C, v32;
	v33 =	vsel vm5, $0x20CF, v33  }
0x64: {  	v34 =	vsel vm5, $0x2152, v34;
	v35 =	vsel vm5, $0x21D5, v35;
	v36 =	vsel vm5, $0x2258, v36  }
0x65: {  	v37 =	vsel vm5, $0x22DB, v37;
	v38 =	vsel vm5, $0x235E, v38;
	v39 =	vsel vm5, $0x23E1, v39  }
0x66: {  	v40 =	vsel vm5, $0x2464, v40;
	v41 =	vsel vm5, $0x24E7, v41;
	v42 =	vsel vm5, $0x256A, v42  }
0x67: {  	v14 =	vsel vm4, $0x1B87, v13;
	v13 =	vadd.s32 $0x28F, v3;
	v19 =	vsel vm4, $0x1C0A, v19  }
0x68: {  	v20 =	vsel vm4, $0x1C8D, v20;
	v21 =	vsel vm4, $0x1D10, v21;
	v22 =	vsel vm4, $0x1D93, v22  }
0x69: {  	v23 =	vsel vm4, $0x1E16, v23;
	v24 =	vsel vm4, $0x1E99, v24;
	v25 =	vsel vm4, $0x1F1C, v25  }
0x6a: {  	v26 =	vsel vm4, $0x1F9F, v26;
	v27 =	vsel vm4, $0x2022, v27;
	v28 =	vsel vm4, $0x20A5, v28  }
0x6b: {  	v29 =	vsel vm4, $0x2128, v29;
	v30 =	vsel vm4, $0x21AB, v30;
	v31 =	vsel vm4, $0x222E, v31  }
0x6c: {  	v32 =	vsel vm4, $0x22B1, v32;
	v33 =	vsel vm4, $0x2334, v33;
	v34 =	vsel vm4, $0x23B7, v34  }
0x6d: {  	v35 =	vsel vm4, $0x243A, v35;
	v36 =	vsel vm4, $0x24BD, v36;
	v37 =	vsel vm4, $0x2540, v37  }
0x6e: {  	v38 =	vsel vm4, $0x25C3, v38;
	v39 =	vsel vm4, $0x2646, v39;
	v40 =	vsel vm4, $0x26C9, v40  }
0x6f: {  	v41 =	vsel vm4, $0x3C, v41;
	v42 =	vsel vm4, $0xBF, v42;
	v15 =	vsel vm3, $0x1DEC, v14  }
0x70: {  	v14 =	vor.u32 $0x1050, v2;
	v19 =	vsel vm3, $0x1E6F, v19;
	v20 =	vsel vm3, $0x1EF2, v20  }
0x71: {  	v21 =	vsel vm3, $0x1F75, v21;
	v22 =	vsel vm3, $0x1FF8, v22;
	v23 =	vsel vm3, $0x207B, v23  }
0x72: {  	v24 =	vsel vm3, $0x20FE, v24;
	v25 =	vsel vm3, $0x2181, v25;
	v26 =	vsel vm3, $0x2204, v26  }
0x73: {  	v27 =	vsel vm3, $0x2287, v27;
	v28 =	vsel vm3, $0x230A, v28;
	v29 =	vsel vm3, $0x238D, v29  }
0x74: {  	v30 =	vsel vm3, $0x2410, v30;
	v31 =	vsel vm3, $0x2493, v31;
	v32 =	vsel vm3, $0x2516, v32  }
0x75: {  	s1 =	rddreg [dreg:$0x0];
	v33 =	vsel vm3, $0x2599, v33;
	v34 =	vsel vm3, $0x261C, v34;
	v35 =	vsel vm3, $0x269F, v35  }
0x76: {  	s3 =	rddreg [dreg:$0x3];
	v36 =	vsel vm3, $0x12, v36;
	v37 =	vsel vm3, $0x95, v37;
	v38 =	vsel vm3, $0x118, v38  }
0x77: {  	s5 =	rddreg [dreg:$0x4];
	s2 =	srdreg.scid;
	s6 =	simm.s32 $0x0;
	v39 =	vsel vm3, $0x19B, v39;
	v40 =	vsel vm3, $0x21E, v40;
	v41 =	vsel vm3, $0x2A1, v41  }
0x78: {  	s31 =	simm.s32 $0x3;
	s2 =	sand.u32 $0x1, s2;
	s4 =	sshll.u32 s12, $0x1;
	v42 =	vsel vm3, $0x324, v42;
	v16 =	vsel vm2, $0x2051, v15;
	v15 =	vadd.s32 $0x312, v3  }
0x79: {  	[smem:$0x7FF] =	sst s6;
	s7 =	sadd.s32 $0x21200, s1;
	s10 =	smul.u32 $0x21000, s12;
	v19 =	vsel vm2, $0x20D4, v19;
	v20 =	vsel vm2, $0x2157, v20;
	v21 =	vsel vm2, $0x21DA, v21  }
0x7a: {  	s11 =	sadd.s32 $0x48400, s1;
	s26 =	sshll.u32 s12, $0xF;
	s4 =	sor.u32 s2, s4;
	v22 =	vsel vm2, $0x225D, v22;
	v23 =	vsel vm2, $0x22E0, v23;
	v24 =	vsel vm2, $0x2363, v24  }
0x7b: {  	_ =	strace $0x8000004A;
	s8 =	ssub.s32 $0x2, s2;
	s2 =	sshll.u32 s2, $0x13;
	v25 =	vsel vm2, $0x23E6, v25;
	v26 =	vsel vm2, $0x2469, v26;
	v27 =	vsel vm2, $0x24EC, v27  }
0x7c: {  	s17 =	sor.u32 $0x2000, s26;
	s18 =	sor.u32 $0x4000, s26;
	s22 =	sadd.s32 s26, s3;
	v28 =	vsel vm2, $0x256F, v28;
	v29 =	vsel vm2, $0x25F2, v29;
	v30 =	vsel vm2, $0x2675, v30  }
0x7d: {  	s4 =	smul.u32 $0x500, s4;
	s9 =	sshrl.u32 s8, $0x1;
	s25 =	sshrl.u32 s10, $0x2;
	v31 =	vsel vm2, $0x26F8, v31;
	v32 =	vsel vm2, $0x6B, v32;
	v33 =	vsel vm2, $0xEE, v33  }
0x7e: {  	s14 =	sor.u32 s26, s2;
	s20 =	sor.u32 s2, s17;
	s19 =	sadd.s32 $0x2A00, s0;
	v34 =	vsel vm2, $0x171, v34;
	v35 =	vsel vm2, $0x1F4, v35;
	v36 =	vsel vm2, $0x277, v36  }
0x7f: {  	[dreg:$0x10] =	wrdreg s22;
	s23 =	sadd.s32 s17, s3;
	s10 =	sadd.s32 s25, s3;
	v37 =	vsel vm2, $0x2FA, v37;
	v38 =	vsel vm2, $0x37D, v38;
	v39 =	vsel vm2, $0x400, v39  }
0x80: {  	[dreg:$0x11] =	wrdreg s23;
	s4 =	sadd.s32 s4, s1;
	s1 =	ssub.s32 s8, s9;
	v40 =	vsel vm2, $0x483, v40;
	v41 =	vsel vm2, $0x506, v41;
	v42 =	vsel vm2, $0x589, v42  }
0x81: {  	s12 =	sadd.s32 $0x2000, s10;
	s13 =	sadd.s32 $0x4000, s10;
	s15 =	sadd.s32 $0x6000, s10;
	v17 =	vsel vm1, $0x22B6, v16;
	v16 =	vor.u32 $0x1060, v2;
	v19 =	vsel vm1, $0x2339, v19  }
0x82: {  	s16 =	sadd.s32 $0x8000, s10;
	s8 =	sshrl.u32 s14, $0x3;
	[dreg:$0x8] =	wrdreg s12;
	v20 =	vsel vm1, $0x23BC, v20;
	v21 =	vsel vm1, $0x243F, v21;
	v22 =	vsel vm1, $0x24C2, v22  }
0x83: {  	s14 =	sor.u32 $0x6000, s26;
	s9 =	simm.s32 $0xA200;
	[dreg:$0x9] =	wrdreg s13;
	v23 =	vsel vm1, $0x2545, v23;
	v24 =	vsel vm1, $0x25C8, v24;
	v25 =	vsel vm1, $0x264B, v25  }
0x84: {  	s24 =	sadd.s32 $0x17200, s4;
	s4 =	sadd.s32 $0xD200, s4;
	[dreg:$0xa] =	wrdreg s15;
	v26 =	vsel vm1, $0x26CE, v26;
	v27 =	vsel vm1, $0x41, v27;
	v28 =	vsel vm1, $0xC4, v28  }
0x85: {  	[dreg:$0xb] =	wrdreg s16;
	s8 =	sadd.s32 s11, s8;
	s13 =	sor.u32 s2, s18;
	v29 =	vsel vm1, $0x147, v29;
	v30 =	vsel vm1, $0x1CA, v30;
	v31 =	vsel vm1, $0x24D, v31  }
0x86: {  	s12 =	sshrl.u32 s20, $0x3;
	s2 =	sor.u32 s2, s14;
	s20 =	sadd.s32 s0, s5;
	v32 =	vsel vm1, $0x2D0, v32;
	v33 =	vsel vm1, $0x353, v33;
	v34 =	vsel vm1, $0x3D6, v34  }
0x87: {  	s25 =	sadd.s32 s14, s3;
	s26 =	smax.u32 s1, $0x1;
	s0 =	simm.s32 $0xFE80;
	v35 =	vsel vm1, $0x459, v35;
	v36 =	vsel vm1, $0x4DC, v36;
	v37 =	vsel vm1, $0x55F, v37  }
0x88: {  	s1 =	simm.s32 $0x5000;
	s14 =	simm.s32 $0x1;
	[dreg:$0x6] =	wrdreg s24;
	v38 =	vsel vm1, $0x5E2, v38;
	v39 =	vsel vm1, $0x665, v39;
	v40 =	vsel vm1, $0x6E8, v40  }
0x89: {  	s15 =	simm.s32 $0x2;
	s16 =	simm.s32 $0x0;
	[dreg:$0x7] =	wrdreg s4;
	v41 =	vsel vm1, $0x76B, v41;
	v42 =	vsel vm1, $0x7EE, v42;
	v17 =	vsel vm0, $0x251B, v17  }
0x8a: {  	[dreg:$0xc] =	wrdreg s8;
	s13 =	sshrl.u32 s13, $0x3;
	s12 =	sadd.s32 s11, s12;
	v19 =	vsel vm0, $0x259E, v19;
	v20 =	vsel vm0, $0x2621, v20;
	v21 =	vsel vm0, $0x26A4, v21  }
0x8b: {  	s2 =	sshrl.u32 s2, $0x3;
	s24 =	sadd.s32 s18, s3;
	[dreg:$0x13] =	wrdreg s25;
	v22 =	vsel vm0, $0x17, v22;
	v23 =	vsel vm0, $0x9A, v23;
	v24 =	vsel vm0, $0x11D, v24  }
0x8c: {  	[dreg:$0x14] =	wrdreg s26;
	s26 =	sadd.s32 $0x880, s20;
	s28 =	sadd.s32 $0x1100, s20;
	v25 =	vsel vm0, $0x1A0, v25;
	v26 =	vsel vm0, $0x223, v26;
	v27 =	vsel vm0, $0x2A6, v27  }
.Ltmp0:
0x8d: {  	s29 =	sadd.s32 $0x1980, s20;
	s30 =	sadd.s32 $0x2200, s20;
	v28 =	vsel vm0, $0x329, v28;
	v29 =	vsel vm0, $0x3AC, v29;
	v30 =	vsel vm0, $0x42F, v30;
	(pc) =	sbr.rel .LBB2_1-.Ltmp0, $4  }
0x8e: {  	s4 =	simm.s32 $0xF600;
	s8 =	simm.s32 $0x80;
	[dreg:$0xd] =	wrdreg s12;
	v31 =	vsel vm0, $0x4B2, v31;
	v32 =	vsel vm0, $0x535, v32;
	v33 =	vsel vm0, $0x5B8, v33  }
0x8f: {  	s21 =	sadd.s32 s11, s13;
	s2 =	sadd.s32 s11, s2;
	[dreg:$0x12] =	wrdreg s24;
	v34 =	vsel vm0, $0x63B, v34;
	v35 =	vsel vm0, $0x6BE, v35;
	v36 =	vsel vm0, $0x741, v36  }
0x90: {  	s11 =	simm.s32 $0xCC00;
	s12 =	simm.s32 $0x40;
	[dreg:$0xe] =	wrdreg s21;
	v37 =	vsel vm0, $0x7C4, v37;
	v38 =	vsel vm0, $0x847, v38;
	v39 =	vsel vm0, $0x8CA, v39  }
0x91: {  	s13 =	simm.s32 $0x11E80;
	[dreg:$0xf] =	wrdreg s2;
	s2 =	simm.s32 $0x7800;
	v40 =	vsel vm0, $0x94D, v40;
	v41 =	vsel vm0, $0x9D0, v41;
	v42 =	vsel vm0, $0xA53, v42  }
.LBB2_12:
0x92: {  	[tilespmem:s13], [sflag:$0x2] =	stream.indirect.gather [hbm4b:s7+s12], $0x80, s18, s12, $0xb8;
	[tilespmem:$0x1ED80] =	vst v63  }
.LBB2_13:
0x93: {  	_ =	swait.ge [sflag:s14], $0x2000  }
0x94: {  	[sflag:s14] =	ssyncset.done $0x0  }
0x95: {  	[sflag:s14] =	ssyncadd.s32 $0xFFFFE000  }
0x96: {  	_ =	swait.ge [sflag:s15], $0x2000  }
0x97: {  	[sflag:s15] =	ssyncset.done $0x0  }
0x98: {  	[sflag:s15] =	ssyncadd.s32 $0xFFFFE000  }
0x99: {  	[bflag:$0x0] =	sbarrier.arrive $0xFFFF  }
0x9a: {  	s17 =	rddreg [dreg:$0x10]  }
0x9b: {  	[tilespmem:s0], [sflag:$0x3] =	stream.linear.gather [spmem:s17], $0x2000, $0x38;
	[tilespmem:$0x1ED80] =	vst v63  }
0x9c: {  	_ =	swait.ge [sflag:s31], $0x2000  }
0x9d: {  	[sflag:s31] =	ssyncset.done $0x0  }
0x9e: {  	s24 =	rddreg [dreg:$0xc];
	[sflag:s31] =	ssyncadd.s32 $0xFFFFE000  }
0x9f: {  	[hbm4b:s24+s6] =	stream.linear.scatter [tilespmem:s0], [sflag:$0x3], $0x2000, $0x38;
	[tilespmem:$0x1ED80] =	vst v63  }
0xa0: {  	_ =	swait.ge [sflag:s31], $0x2000  }
0xa1: {  	[sflag:s31] =	ssyncset.done $0x0  }
0xa2: {  	s25 =	rddreg [dreg:$0x11];
	[sflag:s31] =	ssyncadd.s32 $0xFFFFE000  }
0xa3: {  	[tilespmem:s0], [sflag:$0x3] =	stream.linear.gather [spmem:s25], $0x2000, $0x38;
	[tilespmem:$0x1ED80] =	vst v63  }
0xa4: {  	_ =	swait.ge [sflag:s31], $0x2000  }
0xa5: {  	[sflag:s31] =	ssyncset.done $0x0  }
0xa6: {  	s18 =	rddreg [dreg:$0xd];
	[sflag:s31] =	ssyncadd.s32 $0xFFFFE000  }
0xa7: {  	[hbm4b:s18+s6] =	stream.linear.scatter [tilespmem:s0], [sflag:$0x3], $0x2000, $0x38;
	[tilespmem:$0x1ED80] =	vst v63  }
0xa8: {  	_ =	swait.ge [sflag:s31], $0x2000  }
0xa9: {  	[sflag:s31] =	ssyncset.done $0x0  }
0xaa: {  	s21 =	rddreg [dreg:$0x12];
	[sflag:s31] =	ssyncadd.s32 $0xFFFFE000  }
0xab: {  	[tilespmem:s0], [sflag:$0x3] =	stream.linear.gather [spmem:s21], $0x2000, $0x38;
	[tilespmem:$0x1ED80] =	vst v63  }
0xac: {  	_ =	swait.ge [sflag:s31], $0x2000  }
0xad: {  	[sflag:s31] =	ssyncset.done $0x0  }
0xae: {  	s22 =	rddreg [dreg:$0xe];
	[sflag:s31] =	ssyncadd.s32 $0xFFFFE000  }
0xaf: {  	[hbm4b:s22+s6] =	stream.linear.scatter [tilespmem:s0], [sflag:$0x3], $0x2000, $0x38;
	[tilespmem:$0x1ED80] =	vst v63  }
0xb0: {  	_ =	swait.ge [sflag:s31], $0x2000  }
0xb1: {  	[sflag:s31] =	ssyncset.done $0x0  }
0xb2: {  	s23 =	rddreg [dreg:$0x13];
	[sflag:s31] =	ssyncadd.s32 $0xFFFFE000  }
0xb3: {  	[tilespmem:s0], [sflag:$0x3] =	stream.linear.gather [spmem:s23], $0x2000, $0x38;
	[tilespmem:$0x1ED80] =	vst v63  }
0xb4: {  	_ =	swait.ge [sflag:s31], $0x2000  }
0xb5: {  	[sflag:s31] =	ssyncset.done $0x0  }
0xb6: {  	s24 =	rddreg [dreg:$0xf];
	[sflag:s31] =	ssyncadd.s32 $0xFFFFE000  }
0xb7: {  	[hbm4b:s24+s6] =	stream.linear.scatter [tilespmem:s0], [sflag:$0x3], $0x2000, $0x38;
	[tilespmem:$0x1ED80] =	vst v63  }
0xb8: {  	_ =	swait.ge [sflag:s31], $0x2000  }
0xb9: {  	s16 =	sadd.s32 $0x1, s16;
	s25 =	rddreg [dreg:$0x14]  }
0xba: {  	p0 =	sne.s32 s16, s25  }
.Ltmp1:
0xbb: {  	_ = 	snop;
	(pc) =	sbr.rel @!p0 .LBB2_14-.Ltmp1, $3  }
0xbc: {  	_ =	sdelay $0x1  }
0xbd: {  	[sflag:s31] =	ssyncset.done $0x0  }
0xbe: {  	[sflag:s31] =	ssyncadd.s32 $0xFFFFE000  }
.LBB2_1:
0xbf: {  	s17 =	rddreg [dreg:$0x6]  }
0xc0: {  	[tilespmem:s6], [sflag:$0x3] =	stream.linear.gather [hbm4b:s17+s6], $0x2800, $0x38;
	[tilespmem:$0x1ED80] =	vst v63  }
0xc1: {  	_ =	swait.ge [sflag:s31], $0x2800  }
0xc2: {  	[sflag:s31] =	ssyncset.done $0x0  }
0xc3: {  	s18 =	simm.s32 $0x2800;
	s25 =	rddreg [dreg:$0x7];
	[sflag:s31] =	ssyncadd.s32 $0xFFFFD800  }
0xc4: {  	[tilespmem:s18], [sflag:$0x3] =	stream.linear.gather [hbm4b:s25+s6], $0x2800, $0x38;
	[tilespmem:$0x1ED80] =	vst v63  }
0xc5: {  	_ =	swait.ge [sflag:s31], $0x2800  }
0xc6: {  	[sflag:s31] =	ssyncset.done $0x0  }
0xc7: {  	[sflag:s31] =	ssyncadd.s32 $0xFFFFD800  }
0xc8: {  	s18 =	rddreg [dreg:$0x1]  }
0xc9: {  	[tilespmem:s0], [sflag:$0x3] =	stream.linear.gather [hbm4b:s18+s6], $0x2000, $0x38;
	[tilespmem:$0x1ED80] =	vst v63  }
0xca: {  	_ =	swait.ge [sflag:s31], $0x2000  }
0xcb: {  	[sflag:s31] =	ssyncset.done $0x0  }
0xcc: {  	[sflag:s31] =	ssyncadd.s32 $0xFFFFE000  }
0xcd: {  	[spmem:s10] =	stream.linear.scatter [tilespmem:s0], [sflag:$0x3], $0x2000, $0x38;
	[tilespmem:$0x1ED80] =	vst v63  }
0xce: {  	_ =	swait.ge [sflag:s31], $0x2000  }
0xcf: {  	[sflag:s31] =	ssyncset.done $0x0  }
0xd0: {  	s21 =	rddreg [dreg:$0x8];
	[sflag:s31] =	ssyncadd.s32 $0xFFFFE000  }
0xd1: {  	[spmem:s21] =	stream.linear.scatter [tilespmem:s0], [sflag:$0x3], $0x2000, $0x38;
	[tilespmem:$0x1ED80] =	vst v63  }
0xd2: {  	_ =	swait.ge [sflag:s31], $0x2000  }
0xd3: {  	[sflag:s31] =	ssyncset.done $0x0  }
0xd4: {  	s22 =	rddreg [dreg:$0x9];
	[sflag:s31] =	ssyncadd.s32 $0xFFFFE000  }
0xd5: {  	[spmem:s22] =	stream.linear.scatter [tilespmem:s0], [sflag:$0x3], $0x2000, $0x38;
	[tilespmem:$0x1ED80] =	vst v63  }
0xd6: {  	_ =	swait.ge [sflag:s31], $0x2000  }
0xd7: {  	[sflag:s31] =	ssyncset.done $0x0  }
0xd8: {  	s23 =	rddreg [dreg:$0xa];
	[sflag:s31] =	ssyncadd.s32 $0xFFFFE000  }
0xd9: {  	[spmem:s23] =	stream.linear.scatter [tilespmem:s0], [sflag:$0x3], $0x2000, $0x38;
	[tilespmem:$0x1ED80] =	vst v63  }
0xda: {  	_ =	swait.ge [sflag:s31], $0x2000  }
0xdb: {  	[sflag:s31] =	ssyncset.done $0x0  }
0xdc: {  	s24 =	rddreg [dreg:$0xb];
	[sflag:s31] =	ssyncadd.s32 $0xFFFFE000  }
0xdd: {  	[spmem:s24] =	stream.linear.scatter [tilespmem:s0], [sflag:$0x3], $0x400, $0x38;
	[tilespmem:$0x1ED80] =	vst v63  }
0xde: {  	_ =	swait.ge [sflag:s31], $0x400  }
0xdf: {  	[sflag:s31] =	ssyncset.done $0x0  }
0xe0: {  	s25 =	sand.u32 $0x3FF0, s6;
	[sflag:s31] =	ssyncadd.s32 $0xFFFFFC00  }
0xe1: {  	v43 =	vimm.s32 $0x0;
	s17 =	simm.s32 $0x10;
	s18 =	simm.s32 $0x5000;
	v44 =	vld [tilespmem:s25+$0x2800];
	[tilespmem:s1+$0x0] =	vst v1  }
.LBB2_2:
0xe2: {  	_ =	sdelay $0x1  }
0xe3: {  	p0 =	sne.s32 s17, $0x27F0  }
.Ltmp2:
0xe4: {  	_ = 	snop;
	(pc) =	sbr.rel @p0 .LBB2_2-.Ltmp2, $4  }
0xe5: {  	v45 =	vadd.s32 $0xFFFFF000, v44  }
0xe6: {  	v45 =	vshrl.u32 v45, $0x1F  }
0xe7: {  	s21 =	sand.u32 $0x3FF0, s17;
	s18 =	sadd.s32 $0x10, s18;
	v43 =	vadd.s32 v43, v45  }
0xe8: {  	s17 =	sadd.s32 $0x10, s17;
	v44 =	vld [tilespmem:s21+$0x2800];
	[tilespmem:s18+$0x0] =	vst v43  }
0xe9: {  	_ =	sdelay $0x3  }
0xea: {  	v44 =	vadd.s32 $0xFFFFF000, v44  }
0xeb: {  	v44 =	vshrl.u32 v44, $0x1F  }
0xec: {  	[tilespmem:$0x13E80] =	vst v1;
	v44 =	vadd.s32 v43, v44  }
0xed: {  	[tilespmem:$0x13E90] =	vst v44  }
0xee: {  	v60 =	vld [tilespmem:$0x13E8F];
	_ =	sdelay $0x4  }
0xef: {  	v43 =	vadd.s32 v44, v60  }
0xf0: {  	[tilespmem:$0x13E90] =	vst v43  }
0xf1: {  	v45 =	vld [tilespmem:$0x13E8E];
	_ =	sdelay $0x4  }
0xf2: {  	v43 =	vadd.s32 v43, v45  }
0xf3: {  	[tilespmem:$0x13E90] =	vst v43  }
0xf4: {  	v61 =	vld [tilespmem:$0x13E8C];
	_ =	sdelay $0x4  }
0xf5: {  	v43 =	vadd.s32 v43, v61  }
0xf6: {  	[tilespmem:$0x13E90] =	vst v43  }
0xf7: {  	v62 =	vld [tilespmem:$0x13E88];
	_ =	sdelay $0x4  }
0xf8: {  	v43 =	vadd.s32 v43, v62  }
0xf9: {  	s17 =	simm.s32 $0x2800;
	[tilespmem:$0x13E90] =	vst v43  }
0xfa: {  	s21 =	simm.s32 $0x5000;
	v63 =	vld [tilespmem:s17+$0x0]  }
0xfb: {  	v46 =	vld [tilespmem:s21+$0x0]  }
0xfc: {  	s17 =	simm.s32 $0x0  }
0xfd: {  	v47 =	vld [tilespmem:s17+$0x0]  }
0xfe: {  	v44 =	vsub.s32 v0, v44;
	s18 =	sand.u32 $0x70, s17  }
0xff: {  	v44 =	vadd.s32 v43, v44;
	s18 =	sor.u32 s19, s18;
	v48 =	vadd.s32 $0xFFFFF000, v63  }
0x100: {  	v49 =	vor.u32 s18, v2;
	v46 =	vadd.s32 v46, v44;
	vm0 =	vlt.s32 v48, $0x0  }
0x101: {  	v45 =	vshll.u32 v63, $0xE;
	v46 =	vsel vm0, v46, v49  }
0x102: {  	s18 =	simm.s32 $0x7800;
	v45 =	vadd.s32 v47, v45;
	[tilespmem:s21+$0x0] =	vst v46  }
0x103: {  	s22 =	simm.s32 $0x2810;
	[tilespmem:s18+$0x0] =	vst v45  }
0x104: {  	s21 =	simm.s32 $0x5010;
	v45 =	vld [tilespmem:s22+$0x0]  }
0x105: {  	s23 =	simm.s32 $0x10;
	s24 =	simm.s32 $0x20;
	v46 =	vld [tilespmem:s21+$0x0]  }
.LBB2_4:
0x106: {  	p0 =	sne.s32 s24, $0x27F0;
	s17 =	sadd.s32 $0x10, s17  }
0x107: {  	v47 =	vld [tilespmem:s17+$0x0]  }
0x108: {  	s25 =	sand.u32 $0x70, s23;
	s23 =	smov.u32 s24  }
0x109: {  	s25 =	sor.u32 s19, s25;
	v48 =	vadd.s32 $0xFFFFF000, v45  }
0x10a: {  	v49 =	vor.u32 s25, v2;
	v46 =	vadd.s32 v46, v44;
	vm0 =	vlt.s32 v48, $0x0  }
.Ltmp3:
0x10b: {  	v45 =	vshll.u32 v45, $0xE;
	v46 =	vsel vm0, v46, v49;
	(pc) =	sbr.rel @p0 .LBB2_4-.Ltmp3, $4  }
0x10c: {  	s18 =	sadd.s32 $0x10, s18;
	[tilespmem:s21+$0x0] =	vst v46;
	v45 =	vadd.s32 v47, v45  }
0x10d: {  	s22 =	sadd.s32 $0x10, s22;
	[tilespmem:s18+$0x0] =	vst v45  }
0x10e: {  	s21 =	sadd.s32 $0x10, s21;
	v45 =	vld [tilespmem:s22+$0x0]  }
0x10f: {  	s24 =	sadd.s32 $0x10, s24;
	v46 =	vld [tilespmem:s21+$0x0]  }
0x110: {  	s17 =	sadd.s32 $0x10, s17  }
0x111: {  	v47 =	vld [tilespmem:s17+$0x0]  }
0x112: {  	s25 =	sand.u32 $0x70, s23  }
0x113: {  	s17 =	sor.u32 s19, s25;
	v48 =	vadd.s32 $0xFFFFF000, v45  }
0x114: {  	v49 =	vor.u32 s17, v2;
	v44 =	vadd.s32 v46, v44;
	vm0 =	vlt.s32 v48, $0x0  }
0x115: {  	v62 =	vshll.u32 v45, $0xE;
	v44 =	vsel vm0, v44, v49  }
0x116: {  	[tilespmem:s21+$0x0] =	vst v44;
	v63 =	vadd.s32 v47, v62;
	s21 =	sadd.s32 $0x10, s18  }
0x117: {  	[tilespmem:s21+$0x0] =	vst v63  }
0x118: {  	[spmem:s20] =	stream.linear.scatter [tilespmem:s1], [sflag:$0x3], $0x2800, $0x38;
	[tilespmem:$0x1ED80] =	vst v63  }
0x119: {  	_ =	swait.ge [sflag:s31], $0x2800  }
0x11a: {  	[sflag:s31] =	ssyncset.done $0x0  }
0x11b: {  	[sflag:s31] =	ssyncadd.s32 $0xFFFFD800  }
0x11c: {  	[tilespmem:s1], [sflag:$0x3] =	stream.linear.gather [spmem:s20], $0x2800, $0x38;
	[tilespmem:$0x1ED80] =	vst v63  }
0x11d: {  	_ =	swait.ge [sflag:s31], $0x2800  }
0x11e: {  	[sflag:s31] =	ssyncset.done $0x0  }
0x11f: {  	[sflag:s31] =	ssyncadd.s32 $0xFFFFD800  }
0x120: {  	[spmem:s20] =	stream.linear.scatter [tilespmem:s2], [sflag:$0x3], $0x2800, $0x38;
	[tilespmem:$0x1ED80] =	vst v63  }
0x121: {  	_ =	swait.ge [sflag:s31], $0x2800  }
0x122: {  	[sflag:s31] =	ssyncset.done $0x0  }
0x123: {  	[sflag:s31] =	ssyncadd.s32 $0xFFFFD800  }
0x124: {  	[tilespmem:s2], [sflag:$0x3] =	stream.linear.gather [spmem:s20], $0x2800, $0x38;
	[tilespmem:$0x1ED80] =	vst v63  }
0x125: {  	_ =	swait.ge [sflag:s31], $0x2800  }
0x126: {  	[sflag:s31] =	ssyncset.done $0x0  }
0x127: {  	[sflag:s31] =	ssyncadd.s32 $0xFFFFD800  }
0x128: {  	s22 =	simm.s32 $0x0;
	s23 =	rddreg [dreg:$0x2]  }
0x129: {  	[tilespmem:s4], [sflag:$0x3] =	stream.linear.gather [hbm4b:s23+s22], $0x880, $0x38;
	[tilespmem:$0x1ED80] =	vst v63  }
0x12a: {  	_ =	swait.ge [sflag:s31], $0x880  }
0x12b: {  	[sflag:s31] =	ssyncset.done $0x0  }
0x12c: {  	[sflag:s31] =	ssyncadd.s32 $0xFFFFF780  }
0x12d: {  	[spmem:s20] =	stream.linear.scatter [tilespmem:s4], [sflag:$0x3], $0x880, $0x38;
	[tilespmem:$0x1ED80] =	vst v63  }
0x12e: {  	_ =	swait.ge [sflag:s31], $0x880  }
0x12f: {  	[sflag:s31] =	ssyncset.done $0x0  }
0x130: {  	[sflag:s31] =	ssyncadd.s32 $0xFFFFF780  }
0x131: {  	[spmem:s26] =	stream.linear.scatter [tilespmem:s4], [sflag:$0x3], $0x880, $0x38;
	[tilespmem:$0x1ED80] =	vst v63  }
0x132: {  	_ =	swait.ge [sflag:s31], $0x880  }
0x133: {  	[sflag:s31] =	ssyncset.done $0x0  }
0x134: {  	[sflag:s31] =	ssyncadd.s32 $0xFFFFF780  }
0x135: {  	[spmem:s28] =	stream.linear.scatter [tilespmem:s4], [sflag:$0x3], $0x880, $0x38;
	[tilespmem:$0x1ED80] =	vst v63  }
0x136: {  	_ =	swait.ge [sflag:s31], $0x880  }
0x137: {  	[sflag:s31] =	ssyncset.done $0x0  }
0x138: {  	[sflag:s31] =	ssyncadd.s32 $0xFFFFF780  }
0x139: {  	[spmem:s29] =	stream.linear.scatter [tilespmem:s4], [sflag:$0x3], $0x880, $0x38;
	[tilespmem:$0x1ED80] =	vst v63  }
0x13a: {  	_ =	swait.ge [sflag:s31], $0x880  }
0x13b: {  	[sflag:s31] =	ssyncset.done $0x0  }
0x13c: {  	[sflag:s31] =	ssyncadd.s32 $0xFFFFF780  }
0x13d: {  	[spmem:s30] =	stream.linear.scatter [tilespmem:s4], [sflag:$0x3], $0x880, $0x38;
	[tilespmem:$0x1ED80] =	vst v63  }
0x13e: {  	_ =	swait.ge [sflag:s31], $0x880  }
0x13f: {  	[sflag:s31] =	ssyncset.done $0x0  }
0x140: {  	s24 =	simm.s32 $0x7800;
	s25 =	simm.s32 $0x5000;
	[sflag:s31] =	ssyncadd.s32 $0xFFFFF780  }
0x141: {  	[spmem:s5] =	stream.indirect.scatter.add.s32 [tilespmem:s24], [sflag:$0x3], $0x1, s25, s8, $0xb8;
	[tilespmem:$0x1ED80] =	vst v63  }
0x142: {  	s17 =	simm.s32 $0x200;
	_ =	swait.ge [sflag:s31], $0x80  }
.LBB2_6:
0x143: {  	s18 =	sshra.s32 s17, $0x2  }
0x144: {  	[sflag:s31] =	ssyncset.done $0x0;
	p0 =	sne.s32 s17, $0x9E00;
	s21 =	sadd.s32 $0x7800, s18  }
.Ltmp4:
0x145: {  	s18 =	sadd.s32 $0x5000, s18;
	[sflag:s31] =	ssyncadd.s32 $0xFFFFFF80;
	(pc) =	sbr.rel @p0 .LBB2_6-.Ltmp4, $3  }
0x146: {  	[spmem:s5] =	stream.indirect.scatter.add.s32 [tilespmem:s21], [sflag:$0x3], $0x1, s18, s8, $0xb8;
	[tilespmem:$0x1ED80] =	vst v63  }
0x147: {  	s17 =	sadd.s32 $0x200, s17;
	_ =	sdelay $0x1  }
0x148: {  	_ =	swait.ge [sflag:s31], $0x80  }
0x149: {  	[sflag:s31] =	ssyncset.done $0x0  }
0x14a: {  	[sflag:s31] =	ssyncadd.s32 $0xFFFFFF80  }
0x14b: {  	[bflag:$0x0] =	sbarrier.arrive $0xFFFF  }
0x14c: {  	[tilespmem:s2], [sflag:$0x3] =	stream.linear.gather [spmem:s20], $0x2A00, $0x38;
	[tilespmem:$0x1ED80] =	vst v63  }
0x14d: {  	_ =	swait.ge [sflag:s31], $0x2A00  }
0x14e: {  	[sflag:s31] =	ssyncset.done $0x0  }
0x14f: {  	s17 =	simm.s32 $0x0;
	[sflag:s31] =	ssyncadd.s32 $0xFFFFD600  }
0x150: {  	v44 =	vld [tilespmem:s17+$0x7800]  }
0x151: {  	s18 =	simm.s32 $0x40  }
.LBB2_8:
0x152: {  	_ = 	snop  }
0x153: {  	p0 =	sne.s32 s18, $0xA7C0  }
.Ltmp5:
0x154: {  	_ = 	snop;
	(pc) =	sbr.rel @p0 .LBB2_8-.Ltmp5, $4  }
0x155: {  	v46 =	vshrl.u32 v44, $0xE  }
0x156: {  	s21 =	sshra.s32 s18, $0x2;
	v45 =	vand.u32 $0x3FFF, v44;
	v46 =	vmin.u32 v46, $0x107F  }
0x157: {  	v44 =	vld [tilespmem:s21+$0x7800];
	v45 =	vmin.u32 v45, $0x270F;
	[tilespmem:s17+$0xCC00] =	vst v46  }
0x158: {  	s18 =	sadd.s32 $0x40, s18;
	[tilespmem:s17+$0xA200] =	vst v45;
	s17 =	smov.u32 s21  }
0x159: {  	(v2sf) =	vpush v43, $0xF;
	_ =	sdelay $0xb  }
0x15a: {  	v62 =	vshrl.u32 v44, $0xE  }
0x15b: {  	v63 =	vand.u32 $0x3FFF, v44;
	v43 =	vmin.u32 v62, $0x107F  }
0x15c: {  	v44 =	vmin.u32 v63, $0x270F;
	[tilespmem:s17+$0xCC00] =	vst v43  }
0x15d: {  	[tilespmem:s17+$0xA200] =	vst v44;
	s25 =	spop (v2sf)  }
0x15e: {  	[tilespmem:s25+$0xA200] =	vst v3  }
0x15f: {  	[tilespmem:s25+$0xCC00] =	vst v4  }
0x160: {  	[tilespmem:s25+$0xA210] =	vst v5  }
0x161: {  	[tilespmem:s25+$0xCC10] =	vst v6  }
0x162: {  	[tilespmem:s25+$0xA220] =	vst v7  }
0x163: {  	[tilespmem:s25+$0xCC20] =	vst v8  }
0x164: {  	[tilespmem:s25+$0xA230] =	vst v9  }
0x165: {  	[tilespmem:s25+$0xCC30] =	vst v10  }
0x166: {  	[tilespmem:s25+$0xA240] =	vst v11  }
0x167: {  	[tilespmem:s25+$0xCC40] =	vst v12  }
0x168: {  	[tilespmem:s25+$0xA250] =	vst v13  }
0x169: {  	[tilespmem:s25+$0xCC50] =	vst v14  }
0x16a: {  	[tilespmem:s25+$0xA260] =	vst v15  }
0x16b: {  	[tilespmem:s25+$0xCC60] =	vst v16  }
0x16c: {  	[tilespmem:s25+$0xA270] =	vst v17  }
0x16d: {  	[tilespmem:s25+$0xCC70] =	vst v18  }
0x16e: {  	[tilespmem:s25+$0xA280] =	vst v19  }
0x16f: {  	[tilespmem:s25+$0xCC80] =	vst v4  }
0x170: {  	[tilespmem:s25+$0xA290] =	vst v20  }
0x171: {  	[tilespmem:s25+$0xCC90] =	vst v6  }
0x172: {  	[tilespmem:s25+$0xA2A0] =	vst v21  }
0x173: {  	[tilespmem:s25+$0xCCA0] =	vst v8  }
0x174: {  	[tilespmem:s25+$0xA2B0] =	vst v22  }
0x175: {  	[tilespmem:s25+$0xCCB0] =	vst v10  }
0x176: {  	[tilespmem:s25+$0xA2C0] =	vst v23  }
0x177: {  	[tilespmem:s25+$0xCCC0] =	vst v12  }
0x178: {  	[tilespmem:s25+$0xA2D0] =	vst v24  }
0x179: {  	[tilespmem:s25+$0xCCD0] =	vst v14  }
0x17a: {  	[tilespmem:s25+$0xA2E0] =	vst v25  }
0x17b: {  	[tilespmem:s25+$0xCCE0] =	vst v16  }
0x17c: {  	[tilespmem:s25+$0xA2F0] =	vst v26  }
0x17d: {  	[tilespmem:s25+$0xCCF0] =	vst v18  }
0x17e: {  	[tilespmem:s25+$0xA300] =	vst v27  }
0x17f: {  	[tilespmem:s25+$0xCD00] =	vst v4  }
0x180: {  	[tilespmem:s25+$0xA310] =	vst v28  }
0x181: {  	[tilespmem:s25+$0xCD10] =	vst v6  }
0x182: {  	[tilespmem:s25+$0xA320] =	vst v29  }
0x183: {  	[tilespmem:s25+$0xCD20] =	vst v8  }
0x184: {  	[tilespmem:s25+$0xA330] =	vst v30  }
0x185: {  	[tilespmem:s25+$0xCD30] =	vst v10  }
0x186: {  	[tilespmem:s25+$0xA340] =	vst v31  }
0x187: {  	[tilespmem:s25+$0xCD40] =	vst v12  }
0x188: {  	[tilespmem:s25+$0xA350] =	vst v32  }
0x189: {  	[tilespmem:s25+$0xCD50] =	vst v14  }
0x18a: {  	[tilespmem:s25+$0xA360] =	vst v33  }
0x18b: {  	[tilespmem:s25+$0xCD60] =	vst v16  }
0x18c: {  	[tilespmem:s25+$0xA370] =	vst v34  }
0x18d: {  	[tilespmem:s25+$0xCD70] =	vst v18  }
0x18e: {  	[tilespmem:s25+$0xA380] =	vst v35  }
0x18f: {  	[tilespmem:s25+$0xCD80] =	vst v4  }
0x190: {  	[tilespmem:s25+$0xA390] =	vst v36  }
0x191: {  	[tilespmem:s25+$0xCD90] =	vst v6  }
0x192: {  	[tilespmem:s25+$0xA3A0] =	vst v37  }
0x193: {  	[tilespmem:s25+$0xCDA0] =	vst v8  }
0x194: {  	[tilespmem:s25+$0xA3B0] =	vst v38  }
0x195: {  	[tilespmem:s25+$0xCDB0] =	vst v10  }
0x196: {  	[tilespmem:s25+$0xA3C0] =	vst v39  }
0x197: {  	[tilespmem:s25+$0xCDC0] =	vst v12  }
0x198: {  	[tilespmem:s25+$0xA3D0] =	vst v40  }
0x199: {  	[tilespmem:s25+$0xCDD0] =	vst v14  }
0x19a: {  	[tilespmem:s25+$0xA3E0] =	vst v41  }
0x19b: {  	[tilespmem:s25+$0xCDE0] =	vst v16  }
0x19c: {  	[tilespmem:s25+$0xA3F0] =	vst v42  }
0x19d: {  	[tilespmem:s25+$0xCDF0] =	vst v18  }
0x19e: {  	[spmem:s20] =	stream.linear.scatter [tilespmem:s9], [sflag:$0x3], $0x2A00, $0x38;
	[tilespmem:$0x1ED80] =	vst v63  }
0x19f: {  	_ =	swait.ge [sflag:s31], $0x2A00  }
0x1a0: {  	[sflag:s31] =	ssyncset.done $0x0  }
0x1a1: {  	[sflag:s31] =	ssyncadd.s32 $0xFFFFD600  }
0x1a2: {  	[tilespmem:s9], [sflag:$0x3] =	stream.linear.gather [spmem:s20], $0x2A00, $0x38;
	[tilespmem:$0x1ED80] =	vst v63  }
0x1a3: {  	_ =	swait.ge [sflag:s31], $0x2A00  }
0x1a4: {  	[sflag:s31] =	ssyncset.done $0x0  }
0x1a5: {  	[sflag:s31] =	ssyncadd.s32 $0xFFFFD600  }
0x1a6: {  	[spmem:s20] =	stream.linear.scatter [tilespmem:s11], [sflag:$0x3], $0x2A00, $0x38;
	[tilespmem:$0x1ED80] =	vst v63  }
0x1a7: {  	_ =	swait.ge [sflag:s31], $0x2A00  }
0x1a8: {  	[sflag:s31] =	ssyncset.done $0x0  }
0x1a9: {  	s17 =	sadd.s32 $0x7F, s25;
	[sflag:s31] =	ssyncadd.s32 $0xFFFFD600  }
0x1aa: {  	[tilespmem:s11], [sflag:$0x3] =	stream.linear.gather [spmem:s20], $0x2A00, $0x38;
	[tilespmem:$0x1ED80] =	vst v63  }
0x1ab: {  	s17 =	sshrl.u32 s17, $0x7;
	_ =	swait.ge [sflag:s31], $0x2A00  }
0x1ac: {  	p0 =	seq.s32 s17, $0x0;
	[sflag:s31] =	ssyncset.done $0x0  }
.Ltmp6:
0x1ad: {  	[sflag:s31] =	ssyncadd.s32 $0xFFFFD600;
	(pc) =	sbr.rel @p0 .LBB2_13-.Ltmp6, $4  }
0x1ae: {  	[bflag:$0x0] =	sbarrier.arrive $0xFFFF  }
0x1af: {  	[tilespmem:s0], [sflag:$0x1] =	stream.indirect.gather [hbm4b:s7+s12], $0x80, s9, s12, $0xb8;
	[tilespmem:$0x1ED80] =	vst v63  }
0x1b0: {  	s18 =	simm.s32 $0xA240  }
0x1b1: {  	[tilespmem:s13], [sflag:$0x2] =	stream.indirect.gather [hbm4b:s7+s12], $0x80, s18, s12, $0xb8;
	[tilespmem:$0x1ED80] =	vst v63  }
0x1b2: {  	_ =	swait.ge [sflag:s14], $0x2000  }
0x1b3: {  	[sflag:s14] =	ssyncset.done $0x0  }
0x1b4: {  	s18 =	simm.s32 $0xCC00;
	[sflag:s14] =	ssyncadd.s32 $0xFFFFE000  }
0x1b5: {  	[spmem:s3] =	stream.indirect.scatter.add.f32 [tilespmem:s0], [sflag:$0x3], $0x80, s18, s12, $0xb8;
	[tilespmem:$0x1ED80] =	vst v63  }
0x1b6: {  	_ =	swait.ge [sflag:s31], $0x2000  }
0x1b7: {  	[sflag:s31] =	ssyncset.done $0x0  }
0x1b8: {  	s24 =	simm.s32 $0xA280;
	[sflag:s31] =	ssyncadd.s32 $0xFFFFE000  }
0x1b9: {  	[tilespmem:s0], [sflag:$0x1] =	stream.indirect.gather [hbm4b:s7+s12], $0x80, s24, s12, $0xb8;
	[tilespmem:$0x1ED80] =	vst v63  }
0x1ba: {  	_ =	swait.ge [sflag:s15], $0x2000  }
0x1bb: {  	p0 =	sne.s32 s17, $0x1;
	[sflag:s15] =	ssyncset.done $0x0  }
.Ltmp7:
0x1bc: {  	s25 =	simm.s32 $0xCC40;
	[sflag:s15] =	ssyncadd.s32 $0xFFFFE000;
	(pc) =	sbr.rel @!p0 .LBB2_12-.Ltmp7, $4  }
0x1bd: {  	[spmem:s3] =	stream.indirect.scatter.add.f32 [tilespmem:s13], [sflag:$0x3], $0x80, s25, s12, $0xb8;
	[tilespmem:$0x1ED80] =	vst v63  }
0x1be: {  	_ =	swait.ge [sflag:s31], $0x2000  }
0x1bf: {  	s17 =	sadd.s32 $0xFFFFFFFF, s17;
	s21 =	simm.s32 $0xA340;
	[sflag:s31] =	ssyncset.done $0x0  }
0x1c0: {  	s22 =	simm.s32 $0xCCC0;
	s18 =	simm.s32 $0xA2C0;
	[sflag:s31] =	ssyncadd.s32 $0xFFFFE000  }
.LBB2_11:
0x1c1: {  	[tilespmem:s13], [sflag:$0x2] =	stream.indirect.gather [hbm4b:s7+s12], $0x80, s18, s12, $0xb8;
	[tilespmem:$0x1ED80] =	vst v63  }
0x1c2: {  	p0 =	sne.s32 s17, $0x1;
	s17 =	sadd.s32 $0xFFFFFFFF, s17;
	_ =	swait.ge [sflag:s14], $0x2000  }
0x1c3: {  	s18 =	smov.u32 s21;
	[sflag:s14] =	ssyncset.done $0x0  }
0x1c4: {  	s23 =	sadd.s32 $0xFFFFFFC0, s22;
	[sflag:s14] =	ssyncadd.s32 $0xFFFFE000  }
0x1c5: {  	[spmem:s3] =	stream.indirect.scatter.add.f32 [tilespmem:s0], [sflag:$0x3], $0x80, s23, s12, $0xb8;
	[tilespmem:$0x1ED80] =	vst v63  }
0x1c6: {  	_ =	swait.ge [sflag:s31], $0x2000  }
0x1c7: {  	[sflag:s31] =	ssyncset.done $0x0  }
0x1c8: {  	s23 =	sadd.s32 $0xFFFFFFC0, s21;
	[sflag:s31] =	ssyncadd.s32 $0xFFFFE000  }
0x1c9: {  	[tilespmem:s0], [sflag:$0x1] =	stream.indirect.gather [hbm4b:s7+s12], $0x80, s23, s12, $0xb8;
	[tilespmem:$0x1ED80] =	vst v63  }
0x1ca: {  	_ =	swait.ge [sflag:s15], $0x2000  }
0x1cb: {  	[sflag:s15] =	ssyncset.done $0x0  }
.Ltmp8:
0x1cc: {  	[sflag:s15] =	ssyncadd.s32 $0xFFFFE000;
	(pc) =	sbr.rel @p0 .LBB2_11-.Ltmp8, $4  }
0x1cd: {  	[spmem:s3] =	stream.indirect.scatter.add.f32 [tilespmem:s13], [sflag:$0x3], $0x80, s22, s12, $0xb8;
	[tilespmem:$0x1ED80] =	vst v63  }
0x1ce: {  	_ =	swait.ge [sflag:s31], $0x2000  }
0x1cf: {  	[sflag:s31] =	ssyncset.done $0x0  }
0x1d0: {  	s21 =	sadd.s32 $0x80, s21;
	s22 =	sadd.s32 $0x80, s22;
	[sflag:s31] =	ssyncadd.s32 $0xFFFFE000  }
.Ltmp9:
0x1d1: {  	_ = 	snop;
	(pc) =	sbr.rel .LBB2_12-.Ltmp9, $1  }
0x1d2: {  	_ =	sdelay $0x3  }
.LBB2_14:
0x1d3: {  	_ =	sfence.sel $0x180000  }
0x1d4: {  	[bflag:$0x0] =	sbarrier.arrive $0xFFFF  }
0x1d5: {  	_ =	strace $0x9000004A  }
0x1d6: {  	s0 =	stileid.u32;
	[bflag:$0x2] =	sbarrier.arrive $0xFFFF  }
0x1d7: {  	p0 =	sne.s32 s0, $0x0;
	s0 =	rddreg [dreg:$0x5]  }
0x1d8: {  	s0 =	sadd.s32 @!p0 $0x100000, s0  }
0x1d9: {  	[sflag:s0] =	ssyncadd.tile.s32 @!p0 $0x1;
	_ =	shalt  }
.Lfunc_end2:
_tile_overlayer_lowered:
.L_overlay_start_2:
0x1da: {  	(tag) =	ssettag $0x2  }
0x1db: {  	s0 =	rddreg [dreg:$0x0];
	s2 =	stileid.u32  }
0x1dc: {  	s1 =	rddreg [dreg:$0x1];
	p0 =	sne.s32 s2, $0x0  }
0x1dd: {  	s3 =	rddreg [dreg:$0x2];
	[bflag:$0x3] =	sbarrier.arrive $0xFFFF;
	s2 =	simm.s32 @!p0 $0x1C03  }
0x1de: {  	[timem:s3], [sflag:s2] =	dma.local @!p0 [hbm:s0], s1  }
0x1df: {  	s0 =	simm.s32 @!p0 $0x3  }
0x1e0: {  	_ =	swait.ge @!p0 [sflag:s0], s1  }
0x1e1: {  	s1 =	ssub.s32 @!p0 $0x0, s1;
	[sflag:s0] =	ssyncset.done @!p0 $0x0  }
0x1e2: {  	[sflag:s0] =	ssyncadd.s32 @!p0 s1  }
0x1e3: {  	[bflag:$0x3] =	sbarrier.arrive $0xFFFF  }
0x1e4: {  	_ =	shalt  }

// kernel: kernel.7.cloned.1.call-start
scs
__scs_entry_jumppad:
0x0: {  	(pc) =	sbr.rel $0x88, $3  }
0x1: {  	(tag) =	ssettag $0x0;
	lr =	simm.s32 $0x1  }
0x2: {  	[smem:$0x3F90] =	sst lr;
	_ =	strace $0xD0000000  }
0x3: {  	_ = 	snop  }
0x4: {  	_ = 	snop  }
0x5: {  	_ = 	snop  }
0x6: {  	_ = 	snop  }
0x7: {  	_ = 	snop  }
__scs_overlays_trampoline_lowered:
0x8: {  	[smem:$0x3F9F] =	sst s0  }
0x9: {  	[smem:$0x3FA0] =	sst s1  }
0xa: {  	[smem:$0x3FA1] =	sst s2  }
0xb: {  	[smem:$0x3FA2] =	sst s3  }
0xc: {  	[smem:$0x3FA3] =	sst s4  }
0xd: {  	[smem:$0x3FA4] =	sst s5  }
0xe: {  	[smem:$0x3FA5] =	sst s6  }
0xf: {  	[smem:$0x3FA6] =	sst s7  }
0x10: {  	[smem:$0x3FA7] =	sst s8  }
0x11: {  	[smem:$0x3FA8] =	sst s9;
	s0 =	simm.s32 @!p0 $0x0  }
0x12: {  	s1 =	sld [smem:$0x3F8E];
	s0 =	simm.s32 @p0 $0x1  }
0x13: {  	[smem:$0x3FA9] =	sst s0;
	s0 =	simm.s32 @!p1 $0x0  }
0x14: {  	s2 =	sld [smem:$0x3F8D];
	s0 =	simm.s32 @p1 $0x1  }
0x15: {  	[smem:$0x3FAA] =	sst s0;
	s0 =	simm.s32 @!p2 $0x0  }
0x16: {  	s3 =	sld [smem:$0x3FDB];
	s0 =	simm.s32 @p2 $0x1  }
0x17: {  	s4 =	simm.s32 $0x1BF5;
	[smem:$0x3FAC] =	sst s0  }
0x18: {  	s0 =	sld [smem:$0x3F8F];
	_ =	swait.ge [sflag:s4], $0x0  }
0x19: {  	s7 =	sld [smem:$0x3F90]  }
0x1a: {  	s8 =	sadd.s32 $0xFFFFE003, lr  }
0x1b: {  	s9 =	sadd.s32 $0xFFFFFEF7, lr;
	s5 =	simm.s32 $0xFFFFFFFF;
	p2 =	slt.u32 s8, $0xFFFFF086  }
0x1c: {  	p1 =	slt.u32 s9, $0xF7A;
	s5 =	simm.s32 @!p2 $0x0  }
0x1d: {  	s5 =	simm.s32 @p1 $0x1;
	p0 =	seq.s32 s7, s2  }
0x1e: {  	s7 =	smul.u32 @!p0 $0xF7A, s2;
	p2 =	seq.s32 @!p0 s5, $0x0  }
0x1f: {  	s9 =	smul.u32 $0xF7A, s1;
	s8 =	simm.s32 @!p0 $0x1BF5;
	p2 =	por !p2, p0  }
0x20: {  	[sflag:s8] =	ssyncset.s32 @!p0 $0xFFFFF086;
	s6 =	sadd.s32 @!p0 s3, s7;
	s7 =	simm.s32 @!p0 $0x108  }
0x21: {  	s3 =	sadd.s32 s3, s9;
	s6 =	sadd.s32 @!p0 $0x88, s6;
	s7 =	simm.s32 @p2 $0x1082  }
0x22: {  	[simem:s7], [sflag:s8] =	dma.local @!p0 [hbm:s6], $0xF7A  }
0x23: {  	s9 =	sor.u32 $0xD0000000, s2;
	s6 =	simm.s32 $0x108;
	_ =	swait.ge @!p0 [sflag:s8], $0x0  }
0x24: {  	s3 =	sadd.s32 $0x88, s3;
	s6 =	simm.s32 @!p1 $0x1082;
	[sflag:s4] =	ssyncset.s32 $0xFFFFF086  }
0x25: {  	[simem:s6], [sflag:s4] =	dma.local [hbm:s3], $0xF7A  }
0x26: {  	[smem:$0x3F90] =	sst s1;
	(tag) =	ssettag s2;
	_ =	strace s9  }
0x27: {  	s1 =	sld [smem:$0x3FA0]  }
0x28: {  	s2 =	sld [smem:$0x3FA1]  }
0x29: {  	s4 =	sld [smem:$0x3FA3]  }
0x2a: {  	p0 =	seq.s32 s5, $0x0;
	s5 =	sld [smem:$0x3FA4]  }
0x2b: {  	s6 =	sld [smem:$0x3FA5]  }
0x2c: {  	s7 =	sld [smem:$0x3FA6]  }
0x2d: {  	s3 =	simm.s32 $0x108;
	s8 =	sld [smem:$0x3FA7]  }
0x2e: {  	s3 =	simm.s32 @!p0 $0x1082;
	s9 =	sld [smem:$0x3FA8]  }
0x2f: {  	lr =	sadd.s32 s0, s3;
	s0 =	sld [smem:$0x3F9F]  }
0x30: {  	s3 =	sld [smem:$0x3FA2]  }
0x31: {  	[smem:$0x3FAB] =	sst s10  }
0x32: {  	s10 =	sld [smem:$0x3FA9];
	_ =	sdelay $0x3  }
0x33: {  	p0 =	seq.s32 s10, $0x1;
	s10 =	sld [smem:$0x3FAB];
	_ =	sdelay $0x3  }
0x34: {  	[smem:$0x3FAB] =	sst s10  }
0x35: {  	s10 =	sld [smem:$0x3FAA];
	_ =	sdelay $0x3  }
0x36: {  	p1 =	seq.s32 s10, $0x1;
	s10 =	sld [smem:$0x3FAB];
	_ =	sdelay $0x3  }
0x37: {  	[smem:$0x3FAB] =	sst s10  }
0x38: {  	s10 =	sld [smem:$0x3FAC]  }
0x39: {  	_ = 	snop;
	(pc) =	sbr.ind lr, $3  }
0x3a: {  	_ = 	snop  }
0x3b: {  	_ = 	snop  }
0x3c: {  	p2 =	seq.s32 s10, $0x1;
	s10 =	sld [smem:$0x3FAB]  }
0x3d: {  	_ =	shalt  }
0x3e: {  	_ =	shalt  }
0x3f: {  	_ =	shalt  }
0x40: {  	_ =	shalt  }
0x41: {  	_ =	shalt  }
0x42: {  	_ =	shalt  }
0x43: {  	_ =	shalt  }
0x44: {  	_ =	shalt  }
0x45: {  	_ =	shalt  }
0x46: {  	_ =	shalt  }
0x47: {  	_ =	shalt  }
0x48: {  	_ =	shalt  }
0x49: {  	_ =	shalt  }
0x4a: {  	_ =	shalt  }
0x4b: {  	_ =	shalt  }
0x4c: {  	_ =	shalt  }
0x4d: {  	_ =	shalt  }
0x4e: {  	_ =	shalt  }
0x4f: {  	_ =	shalt  }
0x50: {  	_ =	shalt  }
0x51: {  	_ =	shalt  }
0x52: {  	_ =	shalt  }
0x53: {  	_ =	shalt  }
0x54: {  	_ =	shalt  }
0x55: {  	_ =	shalt  }
0x56: {  	_ =	shalt  }
0x57: {  	_ =	shalt  }
0x58: {  	_ =	shalt  }
0x59: {  	_ =	shalt  }
0x5a: {  	_ =	shalt  }
0x5b: {  	_ =	shalt  }
0x5c: {  	_ =	shalt  }
0x5d: {  	_ =	shalt  }
0x5e: {  	_ =	shalt  }
0x5f: {  	_ =	shalt  }
0x60: {  	_ =	shalt  }
0x61: {  	_ =	shalt  }
0x62: {  	_ =	shalt  }
0x63: {  	_ =	shalt  }
0x64: {  	_ =	shalt  }
0x65: {  	_ =	shalt  }
0x66: {  	_ =	shalt  }
0x67: {  	_ =	shalt  }
0x68: {  	_ =	shalt  }
0x69: {  	_ =	shalt  }
0x6a: {  	_ =	shalt  }
0x6b: {  	_ =	shalt  }
0x6c: {  	_ =	shalt  }
0x6d: {  	_ =	shalt  }
0x6e: {  	_ =	shalt  }
0x6f: {  	_ =	shalt  }
0x70: {  	_ =	shalt  }
0x71: {  	_ =	shalt  }
0x72: {  	_ =	shalt  }
0x73: {  	_ =	shalt  }
0x74: {  	_ =	shalt  }
0x75: {  	_ =	shalt  }
0x76: {  	_ =	shalt  }
0x77: {  	_ =	shalt  }
0x78: {  	_ =	shalt  }
0x79: {  	_ =	shalt  }
0x7a: {  	_ =	shalt  }
0x7b: {  	_ =	shalt  }
0x7c: {  	_ =	shalt  }
0x7d: {  	_ =	shalt  }
0x7e: {  	_ =	shalt  }
0x7f: {  	_ =	shalt  }
0x80: {  	_ =	shalt  }
0x81: {  	_ =	shalt  }
0x82: {  	_ =	shalt  }
0x83: {  	_ =	shalt  }
0x84: {  	_ =	shalt  }
0x85: {  	_ =	shalt  }
0x86: {  	_ =	shalt  }
0x87: {  	_ =	shalt  }
.Lfunc_end0:
.L_simem_size_0:
called_computation_lowered:
.L_overlay_start_0:
0x88: {  	s2 =	sld [smem:$0x3FD9]  }
0x89: {  	s3 =	sld [smem:$0x3FFE];
	_ =	sdelay $0x1  }
0x8a: {  	s1 =	srdreg.scid  }
0x8b: {  	s0 =	sand.u32 $0x1, s1  }
0x8c: {  	s14 =	sshll.u32 s0, $0xA;
	s2 =	sadd.s32 s3, s2  }
0x8d: {  	s2 =	sadd.s32 s2, s14  }
0x8e: {  	[smem:$0x3FB7] =	sst s2  }
0x8f: {  	_ = 	snop  }
0x90: {  	s2 =	sld [smem:$0x3FD0];
	_ =	sdelay $0x2  }
0x91: {  	s15 =	simm.s32 $0xA;
	s4 =	simm.s32 $0x10  }
0x92: {  	[smem:s4], [sflag:s15] =	dma.local [hbm:s2], $0x1  }
0x93: {  	_ =	swait.eq [sflag:s15], $0x1  }
0x94: {  	s16 =	sld [smem:$0x10];
	[sflag:s15] =	ssyncset.done $0x0  }
0x95: {  	s17 =	sld [smem:$0x11];
	[sflag:s15] =	ssyncadd.s32 $0xFFFFFFFF  }
0x96: {  	s18 =	sld [smem:$0x12];
	(tm) =	ssettm $0x1  }
0x97: {  	s5 =	sld [smem:$0x3FFB];
	_ =	sdelay $0x3  }
0x98: {  	_ =	strace s5  }
0x99: {  	s5 =	sld [smem:$0x3FFC];
	_ =	sdelay $0x3  }
0x9a: {  	_ =	strace s5  }
0x9b: {  	s5 =	sld [smem:$0x3FFD];
	_ =	sdelay $0x3  }
0x9c: {  	_ =	strace s5  }
0x9d: {  	_ =	strace $0x8FFFFFFF  }
0x9e: {  	s19 =	sld [smem:$0x3FDB];
	_ =	sdelay $0x1  }
0x9f: {  	s6 =	simm.s32 $_scs_section_size  }
0xa0: {  	s7 =	simm.s32 $_size__tile_overlayer_lowered;
	s8 =	simm.s32 $_tile_overlayer_lowered  }
0xa1: {  	s22 =	simm.s32 $0x1BFF;
	s21 =	sshll.u32 s8, $0x1;
	s5 =	sadd.s32 s6, s19  }
0xa2: {  	s9 =	simm.s32 $0x0;
	s20 =	sshll.u32 s7, $0x1;
	s7 =	sadd.s32 s21, s5  }
0xa3: {  	[timem:s9], [sflag:s22] =	dma.local [hbm:s7], s20  }
0xa4: {  	_ =	swait.ge [sflag:s22], s20  }
0xa5: {  	s6 =	ssub.s32 $0x0, s20;
	[sflag:s22] =	ssyncset.done $0x0  }
0xa6: {  	[sflag:s22] =	ssyncadd.s32 s6;
	_ =	sdelay $0x1  }
0xa7: {  	s23 =	simm.s32 $0x1B8B  }
0xa8: {  	_ =	swait.ge [sflag:s23], $0x1  }
0xa9: {  	[sflag:s23] =	ssyncset.done $0x0  }
0xaa: {  	s25 =	simm.s32 $0x1B8E;
	s24 =	sld [smem:$0x3FFE];
	[sflag:s23] =	ssyncadd.s32 $0xFFFFFFFF  }
0xab: {  	s26 =	simm.s32 $execute0_lowered;
	[smem:$0x3FD2] =	sst s25  }
0xac: {  	s7 =	sshll.u32 s26, $0x1;
	_ =	strace $0x80000046;
	[dreg:$0x1] =	wrdreg $0xFFFFFFFF  }
0xad: {  	s28 =	simm.s32 $_size_execute0_lowered;
	s5 =	sadd.s32 s5, s7;
	[dreg:$0x0] =	wrdreg $0x0  }
0xae: {  	s7 =	sshll.u32 s28, $0x1;
	[dreg:$0x2] =	wrdreg s5  }
0xaf: {  	[dreg:$0x3] =	wrdreg s7  }
0xb0: {  	[dreg:$0x4] =	wrdreg $0xC0  }
0xb1: {  	_ =	task [dreg:s9], $0x5FFFF  }
0xb2: {  	[dreg:$0x1] =	wrdreg $0xFFFFFFFF  }
0xb3: {  	[dreg:$0x0] =	wrdreg $0x60  }
0xb4: {  	[dreg:$0x2] =	wrdreg s24  }
0xb5: {  	[dreg:$0x3] =	wrdreg s18  }
0xb6: {  	[dreg:$0x4] =	wrdreg s16  }
0xb7: {  	[dreg:$0x5] =	wrdreg s17  }
0xb8: {  	[dreg:$0x6] =	wrdreg $0x2B000  }
0xb9: {  	[dreg:$0x7] =	wrdreg $0x9  }
0xba: {  	_ =	task.clear_ibuf [dreg:s9], $0x8FFFF;
	_ =	strace $0x90000046  }
0xbb: {  	s29 =	simm.s32 $0x9;
	_ =	strace $0x80000048  }
0xbc: {  	_ =	swait.ge [sflag:s29], $0x1  }
0xbd: {  	[sflag:s29] =	ssyncadd.s32 $0xFFFFFFFF  }
0xbe: {  	_ =	strace $0x90000048  }
0xbf: {  	_ =	sfence  }
0xc0: {  	s30 =	sld [smem:$0x0];
	_ =	sdelay $0x2  }
0xc1: {  	s31 =	sshll.u32 s1, $0xD;
	s1 =	sshrl.u32 s1, $0x2  }
0xc2: {  	s3 =	sand.u32 $0x4000, s31;
	s1 =	sadd.s32 s1, s30  }
0xc3: {  	s0 =	sor.u32 s3, s0;
	s1 =	sshll.u32 s1, $0x11  }
0xc4: {  	s0 =	sor.u32 s1, s0  }
0xc5: {  	s0 =	sadd.s32 $0x8F2B, s0  }
0xc6: {  	[sflag:s0] =	ssyncadd.remote.s32 $0x1  }
0xc7: {  	_ =	sfence.sel $0xFFFF  }
0xc8: {  	[dreg:$0x0] =	wrdreg $0xFFFFFFFF;
	(pc) =	sbr.abs _section_cstart, $3  }
0xc9: {  	[dreg:$0x1] =	wrdreg $0xFFFFFFFF  }
0xca: {  	_ =	task.clear_ibuf [dreg:s9], $0x2FFFF;
	_ =	strace $0x9FFFFFFF  }
0xcb: {  	(tm) =	ssettm $0x7FFFFFFF  }
tec
execute0_lowered:
.L_overlay_start_1:
0x0: {  	(tag) =	ssettag $0x1  }
0x1: {  	s6 =	rddreg [dreg:$0x0]  }
0x2: {  	s1 =	rddreg [dreg:$0x1]  }
0x3: {  	s2 =	rddreg [dreg:$0x2]  }
0x4: {  	s8 =	rddreg [dreg:$0x3];
	s3 =	srdreg.scid  }
0x5: {  	s0 =	stileid.u32;
	s4 =	rddreg [dreg:$0x4];
	s5 =	simm.s32 $0x0  }
0x6: {  	s14 =	simm.s32 $0x100;
	s15 =	simm.s32 $0x0;
	s7 =	sand.u32 $0x1, s3  }
0x7: {  	s9 =	sshll.u32 s0, $0x1;
	s3 =	rddreg [dreg:$0x5];
	s11 =	smul.u32 $0x500, s0  }
0x8: {  	[smem:$0x7FF] =	sst s5;
	s13 =	smul.u32 $0xA00, s0;
	s9 =	sor.u32 s7, s9  }
0x9: {  	_ =	strace $0x80000047;
	s10 =	ssub.s32 $0x2, s7;
	s7 =	sshll.u32 s7, $0x7  }
0xa: {  	s9 =	smul.u32 $0x500, s9;
	s12 =	sshrl.u32 s10, $0x1;
	s7 =	sor.u32 s7, s11  }
0xb: {  	s31 =	sshrl.u32 s13, $0x2;
	s13 =	simm.s32 $0x80;
	s30 =	ssub.s32 s10, s12  }
0xc: {  	s11 =	sshrl.u32 s7, $0x3;
	s7 =	sadd.s32 s31, s4;
	s10 =	simm.s32 $0x1  }
0xd: {  	s12 =	simm.s32 $0x2880;
	s6 =	sadd.s32 s9, s6;
	s8 =	sadd.s32 s8, s11  }
0xe: {  	s9 =	smax.u32 s30, $0x1;
	s11 =	simm.s32 $0x2800;
	s6 =	sadd.s32 $0x3200, s6  }
.LBB2_1:
0xf: {  	[tilespmem:s5], [sflag:$0x1] =	stream.linear.gather [hbm4b:s6+s5], $0x2800, $0x38;
	[tilespmem:$0x2D80] =	vst v63  }
0x10: {  	_ =	swait.ge [sflag:s10], $0x2800  }
0x11: {  	[sflag:s10] =	ssyncset.done $0x0  }
0x12: {  	[sflag:s10] =	ssyncadd.s32 $0xFFFFD800  }
0x13: {  	[tilespmem:s11], [sflag:$0x1] =	stream.linear.gather [hbm4b:s1+s5], $0x80, $0x38;
	[tilespmem:$0x2D80] =	vst v63  }
0x14: {  	_ =	swait.ge [sflag:s10], $0x80  }
0x15: {  	[sflag:s10] =	ssyncset.done $0x0  }
0x16: {  	[sflag:s10] =	ssyncadd.s32 $0xFFFFFF80  }
0x17: {  	[tilespmem:s12], [sflag:$0x1] =	stream.linear.gather [hbm4b:s2+s5], $0x280, $0x38;
	[tilespmem:$0x2D80] =	vst v63  }
0x18: {  	_ =	swait.ge [sflag:s10], $0x280  }
0x19: {  	[sflag:s10] =	ssyncset.done $0x0  }
0x1a: {  	[sflag:s10] =	ssyncadd.s32 $0xFFFFFD80  }
0x1b: {  	[spmem:s7] =	stream.linear.scatter [tilespmem:s12], [sflag:$0x1], $0x280, $0x38;
	[tilespmem:$0x2D80] =	vst v63  }
0x1c: {  	_ =	swait.ge [sflag:s10], $0x280  }
0x1d: {  	[sflag:s10] =	ssyncset.done $0x0  }
0x1e: {  	[sflag:s10] =	ssyncadd.s32 $0xFFFFFD80  }
0x1f: {  	s16 =	simm.s32 $0x0;
	[bflag:$0x0] =	sbarrier.arrive $0xFFFF  }
0x20: {  	[spmem:s4] =	stream.indirect.scatter.add.f32 [tilespmem:s11], [sflag:$0x1], $0x1, s16, s13, $0xb8;
	[tilespmem:$0x2D80] =	vst v63  }
0x21: {  	_ =	swait.ge [sflag:s10], $0x80  }
0x22: {  	s16 =	simm.s32 $0x200;
	[sflag:s10] =	ssyncset.done $0x0  }
.LBB2_2:
0x23: {  	s17 =	sshra.s32 s16, $0x2;
	[sflag:s10] =	ssyncadd.s32 $0xFFFFFF80;
	p0 =	sne.s32 s16, $0x9E00  }
0x24: {  	[spmem:s4] =	stream.indirect.scatter.add.f32 [tilespmem:s11], [sflag:$0x1], $0x1, s17, s13, $0xb8;
	[tilespmem:$0x2D80] =	vst v63  }
.Ltmp0:
0x25: {  	_ = 	snop;
	(pc) =	sbr.rel @p0 .LBB2_2-.Ltmp0, $4  }
0x26: {  	_ = 	snop  }
0x27: {  	s16 =	sadd.s32 $0x200, s16  }
0x28: {  	_ =	swait.ge [sflag:s10], $0x80  }
0x29: {  	[sflag:s10] =	ssyncset.done $0x0  }
0x2a: {  	[sflag:s10] =	ssyncadd.s32 $0xFFFFFF80  }
0x2b: {  	[bflag:$0x0] =	sbarrier.arrive $0xFFFF  }
0x2c: {  	[tilespmem:s12], [sflag:$0x1] =	stream.linear.gather [spmem:s7], $0x280, $0x38;
	[tilespmem:$0x2D80] =	vst v63  }
0x2d: {  	s15 =	sadd.s32 $0x1, s15;
	_ =	swait.ge [sflag:s10], $0x280  }
0x2e: {  	p0 =	sne.s32 s15, s9;
	[sflag:s10] =	ssyncset.done $0x0  }
.Ltmp1:
0x2f: {  	[sflag:s10] =	ssyncadd.s32 $0xFFFFFD80;
	(pc) =	sbr.rel @p0 .LBB2_1-.Ltmp1, $4  }
0x30: {  	[hbm4b:s8+s13] =	stream.strided.scatter [tilespmem:s12], [sflag:$0x1], $0x280, s14, s13, $0x38;
	[tilespmem:$0x2D80] =	vst v63  }
0x31: {  	_ =	swait.ge [sflag:s10], $0x280  }
0x32: {  	[sflag:s10] =	ssyncset.done $0x0  }
0x33: {  	[sflag:s10] =	ssyncadd.s32 $0xFFFFFD80  }
0x34: {  	_ =	sfence.sel $0x180000  }
0x35: {  	[bflag:$0x0] =	sbarrier.arrive $0xFFFF  }
0x36: {  	p0 =	sne.s32 s0, $0x0;
	_ =	strace $0x90000047  }
0x37: {  	s0 =	sadd.s32 @!p0 $0x100000, s3;
	[bflag:$0x2] =	sbarrier.arrive $0xFFFF  }
0x38: {  	[sflag:s0] =	ssyncadd.tile.s32 @!p0 $0x1;
	_ =	shalt  }
.Lfunc_end2:
_tile_overlayer_lowered:
.L_overlay_start_2:
0x39: {  	(tag) =	ssettag $0x2  }
0x3a: {  	s0 =	rddreg [dreg:$0x0];
	s2 =	stileid.u32  }
0x3b: {  	s1 =	rddreg [dreg:$0x1];
	p0 =	sne.s32 s2, $0x0  }
0x3c: {  	s3 =	rddreg [dreg:$0x2];
	[bflag:$0x3] =	sbarrier.arrive $0xFFFF;
	s2 =	simm.s32 @!p0 $0x1C01  }
0x3d: {  	[timem:s3], [sflag:s2] =	dma.local @!p0 [hbm:s0], s1  }
0x3e: {  	s0 =	simm.s32 @!p0 $0x1  }
0x3f: {  	_ =	swait.ge @!p0 [sflag:s0], s1  }
0x40: {  	s1 =	ssub.s32 @!p0 $0x0, s1;
	[sflag:s0] =	ssyncset.done @!p0 $0x0  }
0x41: {  	[sflag:s0] =	ssyncadd.s32 @!p0 s1  }
0x42: {  	[bflag:$0x3] =	sbarrier.arrive $0xFFFF  }
0x43: {  	_ =	shalt  }

</sc_bundles>
